<compile_context>
chip_gen: v7x
topology: tpu7x:2x2x1
jax: 0.10.2.dev20260603
libtpu: 0.0.44.dev20260713+nightly
codegen_flags: <defaults>
</compile_context>

<pallas_src>
import functools

import jax
import jax.numpy as jnp
from jax import lax
from jax.experimental import pallas as pl
from jax.experimental.pallas import tpu as pltpu
from jax.experimental.pallas import tpu_sc as plsc

EMB = 32
NCLS = 100
B = 4096
L = 200
F1 = 128
F2 = L - F1
NC, NS = 2, 16
NW = NC * NS
BPW = B // NW

_mesh = plsc.VectorSubcoreMesh(core_axis_name="c", subcore_axis_name="s")


@functools.partial(
    pl.kernel,
    mesh=_mesh,
    out_type=jax.ShapeDtypeStruct((B, EMB), jnp.float32),
    compiler_params=pltpu.CompilerParams(use_tc_tiling_on_sc=False),
    scratch_types=[
        pltpu.VMEM((BPW, F1), jnp.int32),
        pltpu.VMEM((BPW, F2), jnp.int32),
        pltpu.VMEM((F1, EMB), jnp.float32),
        pltpu.VMEM((F2, EMB), jnp.float32),
        pltpu.VMEM((F1, EMB), jnp.float32),
        pltpu.VMEM((F2, EMB), jnp.float32),
        pltpu.VMEM((BPW, EMB), jnp.float32),
        pltpu.SemaphoreType.DMA,
        pltpu.SemaphoreType.DMA,
        pltpu.SemaphoreType.DMA,
        pltpu.SemaphoreType.DMA,
    ],
)
def _pool_kernel(x_hbm, table_hbm, avg_hbm, idx_a, idx_b, b0a, b0b, b1a, b1b,
                 out_v, sa0, sa1, sb0, sb1):
    wid = lax.axis_index("s") * NC + lax.axis_index("c")
    row0 = wid * BPW
    pltpu.sync_copy(x_hbm.at[pl.ds(row0, BPW), pl.ds(0, F1)], idx_a)
    pltpu.sync_copy(x_hbm.at[pl.ds(row0, BPW), pl.ds(F1, F2)], idx_b)

    bufs = ((b0a, b0b), (b1a, b1b))
    semsa = (sa0, sa1)
    semsb = (sb0, sb1)
    inv_l = 1.0 / L

    for p in range(2):
        pltpu.async_copy(table_hbm.at[idx_a.at[p]], bufs[p][0], semsa[p])
        pltpu.async_copy(table_hbm.at[idx_b.at[p]], bufs[p][1], semsb[p])

    def body(g, carry):
        for p in range(2):
            b = 2 * g + p
            ba, bb = bufs[p]
            lo = [jnp.zeros((16,), jnp.float32) for _ in range(4)]
            hi = [jnp.zeros((16,), jnp.float32) for _ in range(4)]
            pltpu.make_async_copy(table_hbm.at[idx_a.at[0]], ba,
                                  semsa[p]).wait()
            for j in range(F1):
                c = j % 4
                lo[c] = lo[c] + ba[j, pl.ds(0, 16)]
                hi[c] = hi[c] + ba[j, pl.ds(16, 16)]
            pltpu.make_async_copy(table_hbm.at[idx_b.at[0]], bb,
                                  semsb[p]).wait()
            for j in range(F2):
                c = j % 4
                lo[c] = lo[c] + bb[j, pl.ds(0, 16)]
                hi[c] = hi[c] + bb[j, pl.ds(16, 16)]
            out_v[b, pl.ds(0, 16)] = ((lo[0] + lo[1]) + (lo[2] + lo[3])) * inv_l
            out_v[b, pl.ds(16, 16)] = ((hi[0] + hi[1]) + (hi[2] + hi[3])) * inv_l

            @pl.when(b + 2 < BPW)
            def _():
                pltpu.async_copy(table_hbm.at[idx_a.at[b + 2]], ba, semsa[p])
                pltpu.async_copy(table_hbm.at[idx_b.at[b + 2]], bb, semsb[p])
        return carry

    lax.fori_loop(0, BPW // 2, body, 0)
    pltpu.sync_copy(out_v, avg_hbm.at[pl.ds(wid * BPW, BPW)])


def _linear_body(avg_ref, wt_ref, bias_ref, out_ref):
    out_ref[...] = (
        jnp.dot(avg_ref[...], wt_ref[...], preferred_element_type=jnp.float32)
        + bias_ref[...]
    )


def kernel(x, table, W_out, b_out):
    avg = _pool_kernel(x.astype(jnp.int32), table)
    out = pl.pallas_call(
        _linear_body,
        out_shape=jax.ShapeDtypeStruct((B, NCLS), jnp.float32),
    )(avg, W_out.T, b_out.reshape(1, NCLS))
    return out

# --- scband reference (transcript-rebuilt; emitter-appended) ---
"""Pipeline reference for scband-word-averaging-linear-30262339567704 (READ-ONLY COPY).

The authoritative reference and input builder live on the scoring server;
editing this copy changes nothing except your own understanding.
"""

import jax, jax.numpy as jnp
import numpy as np

VOCAB = 1000000
EMB = 32
NCLS = 100
B = 4096
L = 200

def setup_inputs(seed: int = 0) -> dict:
    key = jax.random.key(seed)
    k1, k2, k3 = jax.random.split(key, 3)
    x = jax.random.randint(k1, (B, L), 0, VOCAB + 1)
    bound = float(np.sqrt(6.0 / (VOCAB + 1 + EMB)))
    table = jax.random.uniform(k2, (VOCAB + 1, EMB), minval=-bound, maxval=bound, dtype=jnp.float32)
    table = table.at[0].set(0.0)  # padding_idx=0
    W_out = jax.random.normal(k3, (NCLS, EMB), dtype=jnp.float32) * (1.0 / np.sqrt(EMB))
    b_out = jnp.zeros((NCLS,), dtype=jnp.float32)
    return {"x": x, "table": table, "W_out": W_out, "b_out": b_out}

def reference(x, table, W_out, b_out):
    emb = jnp.take(table, x, axis=0)          # [B, L, EMB] gather
    avg = emb.mean(axis=1)                     # [B, EMB]
    out = avg @ W_out.T + b_out                # [B, NCLS]
    return out

if __name__ == "__main__":
    import jax
    _d = setup_inputs()
    print(jax.jit(kernel)(*tuple(_d.values())))

</pallas_src>

<mosaic_0001>
#map = affine_map<(d0, d1) -> (0, 0)>
module attributes {stable_mosaic.version = 14 : i64} {
  func.func @_pool_kernel(%arg0: i32, %arg1: i32, %arg2: memref<4096x200xi32, #tpu.memory_space<hbm>>, %arg3: memref<1000001x32xf32, #tpu.memory_space<hbm>>, %arg4: memref<4096x32xf32, #tpu.memory_space<hbm>>, %arg5: memref<128x128xi32, #tpu.memory_space<vmem>>, %arg6: memref<128x72xi32, #tpu.memory_space<vmem>>, %arg7: memref<128x32xf32, #tpu.memory_space<vmem>>, %arg8: memref<72x32xf32, #tpu.memory_space<vmem>>, %arg9: memref<128x32xf32, #tpu.memory_space<vmem>>, %arg10: memref<72x32xf32, #tpu.memory_space<vmem>>, %arg11: memref<128x32xf32, #tpu.memory_space<vmem>>, %arg12: memref<!tpu.dma_semaphore, #tpu.memory_space<semaphore_mem>>, %arg13: memref<!tpu.dma_semaphore, #tpu.memory_space<semaphore_mem>>, %arg14: memref<!tpu.dma_semaphore, #tpu.memory_space<semaphore_mem>>, %arg15: memref<!tpu.dma_semaphore, #tpu.memory_space<semaphore_mem>>) attributes {dimension_semantics = [#tpu.dimension_semantics<core_parallel>, #tpu.dimension_semantics<subcore_parallel>], iteration_bounds = array<i64: 2, 16>, scalar_prefetch = 0 : i64, scratch_operands = 11 : i64, tpu.core_type = #tpu.core_type<sc_vector_subcore>, window_params = [{transform_indices = #map}, {transform_indices = #map}, {transform_indices = #map}]} {
    %mul3A = arith.constant 2 : i32
    %mul3A_0 = arith.muli %arg1, %mul3A : i32
    %add3A = arith.addi %mul3A_0, %arg0 : i32
    %mul3A_1 = arith.constant 128 : i32
    %mul3A_2 = arith.muli %add3A, %mul3A_1 : i32
    "tpu.region"() ({
      %run_scoped3A = tpu.sem_alloc : memref<!tpu.dma_semaphore, #tpu.memory_space<semaphore_mem>>
      %dma_start3A_37 = arith.constant 0 : i32
      %dma_start3A_38 = tpu.memref_slice %arg2[%mul3A_2, %dma_start3A_37] : memref<4096x200xi32, #tpu.memory_space<hbm>> -> memref<128x128xi32, #tpu.memory_space<hbm>>
      %dma_start3A_39 = arith.constant 0 : i32
      %dma_start3A_40 = tpu.memref_slice %arg2[%mul3A_2, %dma_start3A_39] : memref<4096x200xi32, #tpu.memory_space<hbm>> -> memref<128x128xi32, #tpu.memory_space<hbm>>
      tpu.enqueue_dma source(%dma_start3A_40 : memref<128x128xi32, #tpu.memory_space<hbm>>) target(%arg5 : memref<128x128xi32, #tpu.memory_space<vmem>>) target_semaphore(%run_scoped3A : memref<!tpu.dma_semaphore, #tpu.memory_space<semaphore_mem>>)
      %dma_wait3A = arith.constant 0 : i32
      %dma_wait3A_41 = tpu.memref_slice %arg2[%mul3A_2, %dma_wait3A] : memref<4096x200xi32, #tpu.memory_space<hbm>> -> memref<128x128xi32, #tpu.memory_space<hbm>>
      %dma_wait3A_42 = arith.constant 0 : i32
      %dma_wait3A_43 = tpu.memref_slice %arg2[%mul3A_2, %dma_wait3A_42] : memref<4096x200xi32, #tpu.memory_space<hbm>> -> memref<128x128xi32, #tpu.memory_space<hbm>>
      tpu.wait_dma2 semaphore(%run_scoped3A : memref<!tpu.dma_semaphore, #tpu.memory_space<semaphore_mem>>) src(%dma_wait3A_43 : memref<128x128xi32, #tpu.memory_space<hbm>>) dst(%arg5 : memref<128x128xi32, #tpu.memory_space<vmem>>)
      tpu.yield
    }) : () -> ()
    "tpu.region"() ({
      %run_scoped3A = tpu.sem_alloc : memref<!tpu.dma_semaphore, #tpu.memory_space<semaphore_mem>>
      %dma_start3A_37 = arith.constant 128 : i32
      %dma_start3A_38 = tpu.memref_slice %arg2[%mul3A_2, %dma_start3A_37] : memref<4096x200xi32, #tpu.memory_space<hbm>> -> memref<128x72xi32, #tpu.memory_space<hbm>>
      %dma_start3A_39 = arith.constant 128 : i32
      %dma_start3A_40 = tpu.memref_slice %arg2[%mul3A_2, %dma_start3A_39] : memref<4096x200xi32, #tpu.memory_space<hbm>> -> memref<128x72xi32, #tpu.memory_space<hbm>>
      tpu.enqueue_dma source(%dma_start3A_40 : memref<128x72xi32, #tpu.memory_space<hbm>>) target(%arg6 : memref<128x72xi32, #tpu.memory_space<vmem>>) target_semaphore(%run_scoped3A : memref<!tpu.dma_semaphore, #tpu.memory_space<semaphore_mem>>)
      %dma_wait3A = arith.constant 128 : i32
      %dma_wait3A_41 = tpu.memref_slice %arg2[%mul3A_2, %dma_wait3A] : memref<4096x200xi32, #tpu.memory_space<hbm>> -> memref<128x72xi32, #tpu.memory_space<hbm>>
      %dma_wait3A_42 = arith.constant 128 : i32
      %dma_wait3A_43 = tpu.memref_slice %arg2[%mul3A_2, %dma_wait3A_42] : memref<4096x200xi32, #tpu.memory_space<hbm>> -> memref<128x72xi32, #tpu.memory_space<hbm>>
      tpu.wait_dma2 semaphore(%run_scoped3A : memref<!tpu.dma_semaphore, #tpu.memory_space<semaphore_mem>>) src(%dma_wait3A_43 : memref<128x72xi32, #tpu.memory_space<hbm>>) dst(%arg6 : memref<128x72xi32, #tpu.memory_space<vmem>>)
      tpu.yield
    }) : () -> ()
    %dma_start3A = arith.constant 0 : i32
    %dma_start3A_3 = arith.constant 0 : i32
    %dma_start3A_4 = tpu.memref_slice %arg5[%dma_start3A, %dma_start3A_3] : memref<128x128xi32, #tpu.memory_space<vmem>> -> memref<1x128xi32, #tpu.memory_space<vmem>>
    %dma_start3A_5 = tpu.memref_squeeze %dma_start3A_4 : memref<1x128xi32, #tpu.memory_space<vmem>> -> memref<128xi32, #tpu.memory_space<vmem>>
    %dma_start3A_6 = arith.constant 0 : i32
    %dma_start3A_7 = arith.constant 0 : i32
    %dma_start3A_8 = tpu.memref_slice %arg3[%dma_start3A_6, %dma_start3A_7] : memref<1000001x32xf32, #tpu.memory_space<hbm>> -> memref<1000001x32xf32, #tpu.memory_space<hbm>>
    tpu.enqueue_indirect_dma source(%dma_start3A_8 : memref<1000001x32xf32, #tpu.memory_space<hbm>>) target(%arg7 : memref<128x32xf32, #tpu.memory_space<vmem>>) offsets(%dma_start3A_5 : memref<128xi32, #tpu.memory_space<vmem>>) semaphore(%arg12 : memref<!tpu.dma_semaphore, #tpu.memory_space<semaphore_mem>>)
    %dma_start3A_9 = arith.constant 0 : i32
    %dma_start3A_10 = arith.constant 0 : i32
    %dma_start3A_11 = tpu.memref_slice %arg6[%dma_start3A_9, %dma_start3A_10] : memref<128x72xi32, #tpu.memory_space<vmem>> -> memref<1x72xi32, #tpu.memory_space<vmem>>
    %dma_start3A_12 = tpu.memref_squeeze %dma_start3A_11 : memref<1x72xi32, #tpu.memory_space<vmem>> -> memref<72xi32, #tpu.memory_space<vmem>>
    %dma_start3A_13 = arith.constant 0 : i32
    %dma_start3A_14 = arith.constant 0 : i32
    %dma_start3A_15 = tpu.memref_slice %arg3[%dma_start3A_13, %dma_start3A_14] : memref<1000001x32xf32, #tpu.memory_space<hbm>> -> memref<1000001x32xf32, #tpu.memory_space<hbm>>
    tpu.enqueue_indirect_dma source(%dma_start3A_15 : memref<1000001x32xf32, #tpu.memory_space<hbm>>) target(%arg8 : memref<72x32xf32, #tpu.memory_space<vmem>>) offsets(%dma_start3A_12 : memref<72xi32, #tpu.memory_space<vmem>>) semaphore(%arg14 : memref<!tpu.dma_semaphore, #tpu.memory_space<semaphore_mem>>)
    %dma_start3A_16 = arith.constant 1 : i32
    %dma_start3A_17 = arith.constant 0 : i32
    %dma_start3A_18 = tpu.memref_slice %arg5[%dma_start3A_16, %dma_start3A_17] : memref<128x128xi32, #tpu.memory_space<vmem>> -> memref<1x128xi32, #tpu.memory_space<vmem>>
    %dma_start3A_19 = tpu.memref_squeeze %dma_start3A_18 : memref<1x128xi32, #tpu.memory_space<vmem>> -> memref<128xi32, #tpu.memory_space<vmem>>
    %dma_start3A_20 = arith.constant 0 : i32
    %dma_start3A_21 = arith.constant 0 : i32
    %dma_start3A_22 = tpu.memref_slice %arg3[%dma_start3A_20, %dma_start3A_21] : memref<1000001x32xf32, #tpu.memory_space<hbm>> -> memref<1000001x32xf32, #tpu.memory_space<hbm>>
    tpu.enqueue_indirect_dma source(%dma_start3A_22 : memref<1000001x32xf32, #tpu.memory_space<hbm>>) target(%arg9 : memref<128x32xf32, #tpu.memory_space<vmem>>) offsets(%dma_start3A_19 : memref<128xi32, #tpu.memory_space<vmem>>) semaphore(%arg13 : memref<!tpu.dma_semaphore, #tpu.memory_space<semaphore_mem>>)
    %dma_start3A_23 = arith.constant 1 : i32
    %dma_start3A_24 = arith.constant 0 : i32
    %dma_start3A_25 = tpu.memref_slice %arg6[%dma_start3A_23, %dma_start3A_24] : memref<128x72xi32, #tpu.memory_space<vmem>> -> memref<1x72xi32, #tpu.memory_space<vmem>>
    %dma_start3A_26 = tpu.memref_squeeze %dma_start3A_25 : memref<1x72xi32, #tpu.memory_space<vmem>> -> memref<72xi32, #tpu.memory_space<vmem>>
    %dma_start3A_27 = arith.constant 0 : i32
    %dma_start3A_28 = arith.constant 0 : i32
    %dma_start3A_29 = tpu.memref_slice %arg3[%dma_start3A_27, %dma_start3A_28] : memref<1000001x32xf32, #tpu.memory_space<hbm>> -> memref<1000001x32xf32, #tpu.memory_space<hbm>>
    tpu.enqueue_indirect_dma source(%dma_start3A_29 : memref<1000001x32xf32, #tpu.memory_space<hbm>>) target(%arg10 : memref<72x32xf32, #tpu.memory_space<vmem>>) offsets(%dma_start3A_26 : memref<72xi32, #tpu.memory_space<vmem>>) semaphore(%arg15 : memref<!tpu.dma_semaphore, #tpu.memory_space<semaphore_mem>>)
    %scan3A = arith.constant 0 : i32
    %scan3A_30 = arith.constant 0 : i32
    %scan3A_31 = arith.constant 64 : i32
    %scan3A_32 = arith.addi %scan3A_30, %scan3A_31 : i32
    %scan3A_33 = arith.constant 1 : i32
    scf.for %scan3A_37 = %scan3A_30 to %scan3A_32 step %scan3A_33  : i32 {
      %mul3A_38 = arith.constant 2 : i32
      %mul3A_39 = arith.muli %mul3A_38, %scan3A_37 : i32
      %add3A_40 = arith.constant 0 : i32
      %add3A_41 = arith.addi %mul3A_39, %add3A_40 : i32
      %broadcast_in_dim3A = arith.constant 0.000000e+00 : f32
      %broadcast_in_dim3A_42 = vector.broadcast %broadcast_in_dim3A : f32 to vector<16xf32>
      %broadcast_in_dim3A_43 = arith.constant 0.000000e+00 : f32
      %broadcast_in_dim3A_44 = vector.broadcast %broadcast_in_dim3A_43 : f32 to vector<16xf32>
      %broadcast_in_dim3A_45 = arith.constant 0.000000e+00 : f32
      %broadcast_in_dim3A_46 = vector.broadcast %broadcast_in_dim3A_45 : f32 to vector<16xf32>
      %broadcast_in_dim3A_47 = arith.constant 0.000000e+00 : f32
      %broadcast_in_dim3A_48 = vector.broadcast %broadcast_in_dim3A_47 : f32 to vector<16xf32>
      %broadcast_in_dim3A_49 = arith.constant 0.000000e+00 : f32
      %broadcast_in_dim3A_50 = vector.broadcast %broadcast_in_dim3A_49 : f32 to vector<16xf32>
      %broadcast_in_dim3A_51 = arith.constant 0.000000e+00 : f32
      %broadcast_in_dim3A_52 = vector.broadcast %broadcast_in_dim3A_51 : f32 to vector<16xf32>
      %broadcast_in_dim3A_53 = arith.constant 0.000000e+00 : f32
      %broadcast_in_dim3A_54 = vector.broadcast %broadcast_in_dim3A_53 : f32 to vector<16xf32>
      %broadcast_in_dim3A_55 = arith.constant 0.000000e+00 : f32
      %broadcast_in_dim3A_56 = vector.broadcast %broadcast_in_dim3A_55 : f32 to vector<16xf32>
      %dma_wait3A = arith.constant 0 : i32
      %dma_wait3A_57 = arith.constant 0 : i32
      %dma_wait3A_58 = tpu.memref_slice %arg5[%dma_wait3A, %dma_wait3A_57] : memref<128x128xi32, #tpu.memory_space<vmem>> -> memref<1x128xi32, #tpu.memory_space<vmem>>
      %dma_wait3A_59 = tpu.memref_squeeze %dma_wait3A_58 : memref<1x128xi32, #tpu.memory_space<vmem>> -> memref<128xi32, #tpu.memory_space<vmem>>
      %dma_wait3A_60 = arith.constant 0 : i32
      %dma_wait3A_61 = arith.constant 0 : i32
      %dma_wait3A_62 = tpu.memref_slice %arg3[%dma_wait3A_60, %dma_wait3A_61] : memref<1000001x32xf32, #tpu.memory_space<hbm>> -> memref<1000001x32xf32, #tpu.memory_space<hbm>>
      tpu.wait_indirect_dma semaphore(%arg12 : memref<!tpu.dma_semaphore, #tpu.memory_space<semaphore_mem>>) src(%dma_wait3A_62 : memref<1000001x32xf32, #tpu.memory_space<hbm>>) dst(%arg7 : memref<128x32xf32, #tpu.memory_space<vmem>>)
      %get3A = arith.constant 0 : i32
      %get3A_63 = arith.index_cast %get3A : i32 to index
      %get3A_64 = arith.constant 0 : index
      %get3A_65 = tpu.vector_load %arg7[%get3A_63, %get3A_64] {strides = array<i32>} : memref<128x32xf32, #tpu.memory_space<vmem>>, vector<1x16xf32>,
      %get3A_66 = vector.shape_cast %get3A_65 : vector<1x16xf32> to vector<16xf32>
      %add3A_67 = arith.addf %broadcast_in_dim3A_42, %get3A_66 : vector<16xf32>
      %get3A_68 = arith.constant 0 : i32
      %get3A_69 = arith.index_cast %get3A_68 : i32 to index
      %get3A_70 = arith.constant 16 : index
      %get3A_71 = tpu.vector_load %arg7[%get3A_69, %get3A_70] {strides = array<i32>} : memref<128x32xf32, #tpu.memory_space<vmem>>, vector<1x16xf32>,
      %get3A_72 = vector.shape_cast %get3A_71 : vector<1x16xf32> to vector<16xf32>
      %add3A_73 = arith.addf %broadcast_in_dim3A_50, %get3A_72 : vector<16xf32>
      %get3A_74 = arith.constant 1 : i32
      %get3A_75 = arith.index_cast %get3A_74 : i32 to index
      %get3A_76 = arith.constant 0 : index
      %get3A_77 = tpu.vector_load %arg7[%get3A_75, %get3A_76] {strides = array<i32>} : memref<128x32xf32, #tpu.memory_space<vmem>>, vector<1x16xf32>,
      %get3A_78 = vector.shape_cast %get3A_77 : vector<1x16xf32> to vector<16xf32>
      %add3A_79 = arith.addf %broadcast_in_dim3A_44, %get3A_78 : vector<16xf32>
      %get3A_80 = arith.constant 1 : i32
      %get3A_81 = arith.index_cast %get3A_80 : i32 to index
      %get3A_82 = arith.constant 16 : index
      %get3A_83 = tpu.vector_load %arg7[%get3A_81, %get3A_82] {strides = array<i32>} : memref<128x32xf32, #tpu.memory_space<vmem>>, vector<1x16xf32>,
      %get3A_84 = vector.shape_cast %get3A_83 : vector<1x16xf32> to vector<16xf32>
      %add3A_85 = arith.addf %broadcast_in_dim3A_52, %get3A_84 : vector<16xf32>
      %get3A_86 = arith.constant 2 : i32
      %get3A_87 = arith.index_cast %get3A_86 : i32 to index
      %get3A_88 = arith.constant 0 : index
      %get3A_89 = tpu.vector_load %arg7[%get3A_87, %get3A_88] {strides = array<i32>} : memref<128x32xf32, #tpu.memory_space<vmem>>, vector<1x16xf32>,
      %get3A_90 = vector.shape_cast %get3A_89 : vector<1x16xf32> to vector<16xf32>
      %add3A_91 = arith.addf %broadcast_in_dim3A_46, %get3A_90 : vector<16xf32>
      %get3A_92 = arith.constant 2 : i32
      %get3A_93 = arith.index_cast %get3A_92 : i32 to index
      %get3A_94 = arith.constant 16 : index
      %get3A_95 = tpu.vector_load %arg7[%get3A_93, %get3A_94] {strides = array<i32>} : memref<128x32xf32, #tpu.memory_space<vmem>>, vector<1x16xf32>,
      %get3A_96 = vector.shape_cast %get3A_95 : vector<1x16xf32> to vector<16xf32>
      %add3A_97 = arith.addf %broadcast_in_dim3A_54, %get3A_96 : vector<16xf32>
      %get3A_98 = arith.constant 3 : i32
      %get3A_99 = arith.index_cast %get3A_98 : i32 to index
      %get3A_100 = arith.constant 0 : index
      %get3A_101 = tpu.vector_load %arg7[%get3A_99, %get3A_100] {strides = array<i32>} : memref<128x32xf32, #tpu.memory_space<vmem>>, vector<1x16xf32>,
      %get3A_102 = vector.shape_cast %get3A_101 : vector<1x16xf32> to vector<16xf32>
      %add3A_103 = arith.addf %broadcast_in_dim3A_48, %get3A_102 : vector<16xf32>
      %get3A_104 = arith.constant 3 : i32
      %get3A_105 = arith.index_cast %get3A_104 : i32 to index
      %get3A_106 = arith.constant 16 : index
      %get3A_107 = tpu.vector_load %arg7[%get3A_105, %get3A_106] {strides = array<i32>} : memref<128x32xf32, #tpu.memory_space<vmem>>, vector<1x16xf32>,
      %get3A_108 = vector.shape_cast %get3A_107 : vector<1x16xf32> to vector<16xf32>
      %add3A_109 = arith.addf %broadcast_in_dim3A_56, %get3A_108 : vector<16xf32>
      %get3A_110 = arith.constant 4 : i32
      %get3A_111 = arith.index_cast %get3A_110 : i32 to index
      %get3A_112 = arith.constant 0 : index
      %get3A_113 = tpu.vector_load %arg7[%get3A_111, %get3A_112] {strides = array<i32>} : memref<128x32xf32, #tpu.memory_space<vmem>>, vector<1x16xf32>,
      %get3A_114 = vector.shape_cast %get3A_113 : vector<1x16xf32> to vector<16xf32>
      %add3A_115 = arith.addf %add3A_67, %get3A_114 : vector<16xf32>
      %get3A_116 = arith.constant 4 : i32
      %get3A_117 = arith.index_cast %get3A_116 : i32 to index
      %get3A_118 = arith.constant 16 : index
      %get3A_119 = tpu.vector_load %arg7[%get3A_117, %get3A_118] {strides = array<i32>} : memref<128x32xf32, #tpu.memory_space<vmem>>, vector<1x16xf32>,
      %get3A_120 = vector.shape_cast %get3A_119 : vector<1x16xf32> to vector<16xf32>
      %add3A_121 = arith.addf %add3A_73, %get3A_120 : vector<16xf32>
      %get3A_122 = arith.constant 5 : i32
      %get3A_123 = arith.index_cast %get3A_122 : i32 to index
      %get3A_124 = arith.constant 0 : index
      %get3A_125 = tpu.vector_load %arg7[%get3A_123, %get3A_124] {strides = array<i32>} : memref<128x32xf32, #tpu.memory_space<vmem>>, vector<1x16xf32>,
      %get3A_126 = vector.shape_cast %get3A_125 : vector<1x16xf32> to vector<16xf32>
      %add3A_127 = arith.addf %add3A_79, %get3A_126 : vector<16xf32>
      %get3A_128 = arith.constant 5 : i32
      %get3A_129 = arith.index_cast %get3A_128 : i32 to index
      %get3A_130 = arith.constant 16 : index
      %get3A_131 = tpu.vector_load %arg7[%get3A_129, %get3A_130] {strides = array<i32>} : memref<128x32xf32, #tpu.memory_space<vmem>>, vector<1x16xf32>,
      %get3A_132 = vector.shape_cast %get3A_131 : vector<1x16xf32> to vector<16xf32>
      %add3A_133 = arith.addf %add3A_85, %get3A_132 : vector<16xf32>
      %get3A_134 = arith.constant 6 : i32
      %get3A_135 = arith.index_cast %get3A_134 : i32 to index
      %get3A_136 = arith.constant 0 : index
      %get3A_137 = tpu.vector_load %arg7[%get3A_135, %get3A_136] {strides = array<i32>} : memref<128x32xf32, #tpu.memory_space<vmem>>, vector<1x16xf32>,
      %get3A_138 = vector.shape_cast %get3A_137 : vector<1x16xf32> to vector<16xf32>
      %add3A_139 = arith.addf %add3A_91, %get3A_138 : vector<16xf32>
      %get3A_140 = arith.constant 6 : i32
      %get3A_141 = arith.index_cast %get3A_140 : i32 to index
      %get3A_142 = arith.constant 16 : index
      %get3A_143 = tpu.vector_load %arg7[%get3A_141, %get3A_142] {strides = array<i32>} : memref<128x32xf32, #tpu.memory_space<vmem>>, vector<1x16xf32>,
      %get3A_144 = vector.shape_cast %get3A_143 : vector<1x16xf32> to vector<16xf32>
      %add3A_145 = arith.addf %add3A_97, %get3A_144 : vector<16xf32>
      %get3A_146 = arith.constant 7 : i32
      %get3A_147 = arith.index_cast %get3A_146 : i32 to index
      %get3A_148 = arith.constant 0 : index
      %get3A_149 = tpu.vector_load %arg7[%get3A_147, %get3A_148] {strides = array<i32>} : memref<128x32xf32, #tpu.memory_space<vmem>>, vector<1x16xf32>,
      %get3A_150 = vector.shape_cast %get3A_149 : vector<1x16xf32> to vector<16xf32>
      %add3A_151 = arith.addf %add3A_103, %get3A_150 : vector<16xf32>
      %get3A_152 = arith.constant 7 : i32
      %get3A_153 = arith.index_cast %get3A_152 : i32 to index
      %get3A_154 = arith.constant 16 : index
      %get3A_155 = tpu.vector_load %arg7[%get3A_153, %get3A_154] {strides = array<i32>} : memref<128x32xf32, #tpu.memory_space<vmem>>, vector<1x16xf32>,
      %get3A_156 = vector.shape_cast %get3A_155 : vector<1x16xf32> to vector<16xf32>
      %add3A_157 = arith.addf %add3A_109, %get3A_156 : vector<16xf32>
      %get3A_158 = arith.constant 8 : i32
      %get3A_159 = arith.index_cast %get3A_158 : i32 to index
      %get3A_160 = arith.constant 0 : index
      %get3A_161 = tpu.vector_load %arg7[%get3A_159, %get3A_160] {strides = array<i32>} : memref<128x32xf32, #tpu.memory_space<vmem>>, vector<1x16xf32>,
      %get3A_162 = vector.shape_cast %get3A_161 : vector<1x16xf32> to vector<16xf32>
      %add3A_163 = arith.addf %add3A_115, %get3A_162 : vector<16xf32>
      %get3A_164 = arith.constant 8 : i32
      %get3A_165 = arith.index_cast %get3A_164 : i32 to index
      %get3A_166 = arith.constant 16 : index
      %get3A_167 = tpu.vector_load %arg7[%get3A_165, %get3A_166] {strides = array<i32>} : memref<128x32xf32, #tpu.memory_space<vmem>>, vector<1x16xf32>,
      %get3A_168 = vector.shape_cast %get3A_167 : vector<1x16xf32> to vector<16xf32>
      %add3A_169 = arith.addf %add3A_121, %get3A_168 : vector<16xf32>
      %get3A_170 = arith.constant 9 : i32
      %get3A_171 = arith.index_cast %get3A_170 : i32 to index
      %get3A_172 = arith.constant 0 : index
      %get3A_173 = tpu.vector_load %arg7[%get3A_171, %get3A_172] {strides = array<i32>} : memref<128x32xf32, #tpu.memory_space<vmem>>, vector<1x16xf32>,
      %get3A_174 = vector.shape_cast %get3A_173 : vector<1x16xf32> to vector<16xf32>
      %add3A_175 = arith.addf %add3A_127, %get3A_174 : vector<16xf32>
      %get3A_176 = arith.constant 9 : i32
      %get3A_177 = arith.index_cast %get3A_176 : i32 to index
      %get3A_178 = arith.constant 16 : index
      %get3A_179 = tpu.vector_load %arg7[%get3A_177, %get3A_178] {strides = array<i32>} : memref<128x32xf32, #tpu.memory_space<vmem>>, vector<1x16xf32>,
      %get3A_180 = vector.shape_cast %get3A_179 : vector<1x16xf32> to vector<16xf32>
      %add3A_181 = arith.addf %add3A_133, %get3A_180 : vector<16xf32>
      %get3A_182 = arith.constant 10 : i32
      %get3A_183 = arith.index_cast %get3A_182 : i32 to index
      %get3A_184 = arith.constant 0 : index
      %get3A_185 = tpu.vector_load %arg7[%get3A_183, %get3A_184] {strides = array<i32>} : memref<128x32xf32, #tpu.memory_space<vmem>>, vector<1x16xf32>,
      %get3A_186 = vector.shape_cast %get3A_185 : vector<1x16xf32> to vector<16xf32>
      %add3A_187 = arith.addf %add3A_139, %get3A_186 : vector<16xf32>
      %get3A_188 = arith.constant 10 : i32
      %get3A_189 = arith.index_cast %get3A_188 : i32 to index
      %get3A_190 = arith.constant 16 : index
      %get3A_191 = tpu.vector_load %arg7[%get3A_189, %get3A_190] {strides = array<i32>} : memref<128x32xf32, #tpu.memory_space<vmem>>, vector<1x16xf32>,
      %get3A_192 = vector.shape_cast %get3A_191 : vector<1x16xf32> to vector<16xf32>
      %add3A_193 = arith.addf %add3A_145, %get3A_192 : vector<16xf32>
      %get3A_194 = arith.constant 11 : i32
      %get3A_195 = arith.index_cast %get3A_194 : i32 to index
      %get3A_196 = arith.constant 0 : index
      %get3A_197 = tpu.vector_load %arg7[%get3A_195, %get3A_196] {strides = array<i32>} : memref<128x32xf32, #tpu.memory_space<vmem>>, vector<1x16xf32>,
      %get3A_198 = vector.shape_cast %get3A_197 : vector<1x16xf32> to vector<16xf32>
      %add3A_199 = arith.addf %add3A_151, %get3A_198 : vector<16xf32>
      %get3A_200 = arith.constant 11 : i32
      %get3A_201 = arith.index_cast %get3A_200 : i32 to index
      %get3A_202 = arith.constant 16 : index
      %get3A_203 = tpu.vector_load %arg7[%get3A_201, %get3A_202] {strides = array<i32>} : memref<128x32xf32, #tpu.memory_space<vmem>>, vector<1x16xf32>,
      %get3A_204 = vector.shape_cast %get3A_203 : vector<1x16xf32> to vector<16xf32>
      %add3A_205 = arith.addf %add3A_157, %get3A_204 : vector<16xf32>
      %get3A_206 = arith.constant 12 : i32
      %get3A_207 = arith.index_cast %get3A_206 : i32 to index
      %get3A_208 = arith.constant 0 : index
      %get3A_209 = tpu.vector_load %arg7[%get3A_207, %get3A_208] {strides = array<i32>} : memref<128x32xf32, #tpu.memory_space<vmem>>, vector<1x16xf32>,
      %get3A_210 = vector.shape_cast %get3A_209 : vector<1x16xf32> to vector<16xf32>
      %add3A_211 = arith.addf %add3A_163, %get3A_210 : vector<16xf32>
      %get3A_212 = arith.constant 12 : i32
      %get3A_213 = arith.index_cast %get3A_212 : i32 to index
      %get3A_214 = arith.constant 16 : index
      %get3A_215 = tpu.vector_load %arg7[%get3A_213, %get3A_214] {strides = array<i32>} : memref<128x32xf32, #tpu.memory_space<vmem>>, vector<1x16xf32>,
      %get3A_216 = vector.shape_cast %get3A_215 : vector<1x16xf32> to vector<16xf32>
      %add3A_217 = arith.addf %add3A_169, %get3A_216 : vector<16xf32>
      %get3A_218 = arith.constant 13 : i32
      %get3A_219 = arith.index_cast %get3A_218 : i32 to index
      %get3A_220 = arith.constant 0 : index
      %get3A_221 = tpu.vector_load %arg7[%get3A_219, %get3A_220] {strides = array<i32>} : memref<128x32xf32, #tpu.memory_space<vmem>>, vector<1x16xf32>,
      %get3A_222 = vector.shape_cast %get3A_221 : vector<1x16xf32> to vector<16xf32>
      %add3A_223 = arith.addf %add3A_175, %get3A_222 : vector<16xf32>
      %get3A_224 = arith.constant 13 : i32
      %get3A_225 = arith.index_cast %get3A_224 : i32 to index
      %get3A_226 = arith.constant 16 : index
      %get3A_227 = tpu.vector_load %arg7[%get3A_225, %get3A_226] {strides = array<i32>} : memref<128x32xf32, #tpu.memory_space<vmem>>, vector<1x16xf32>,
      %get3A_228 = vector.shape_cast %get3A_227 : vector<1x16xf32> to vector<16xf32>
      %add3A_229 = arith.addf %add3A_181, %get3A_228 : vector<16xf32>
      %get3A_230 = arith.constant 14 : i32
      %get3A_231 = arith.index_cast %get3A_230 : i32 to index
      %get3A_232 = arith.constant 0 : index
      %get3A_233 = tpu.vector_load %arg7[%get3A_231, %get3A_232] {strides = array<i32>} : memref<128x32xf32, #tpu.memory_space<vmem>>, vector<1x16xf32>,
      %get3A_234 = vector.shape_cast %get3A_233 : vector<1x16xf32> to vector<16xf32>
      %add3A_235 = arith.addf %add3A_187, %get3A_234 : vector<16xf32>
      %get3A_236 = arith.constant 14 : i32
      %get3A_237 = arith.index_cast %get3A_236 : i32 to index
      %get3A_238 = arith.constant 16 : index
      %get3A_239 = tpu.vector_load %arg7[%get3A_237, %get3A_238] {strides = array<i32>} : memref<128x32xf32, #tpu.memory_space<vmem>>, vector<1x16xf32>,
      %get3A_240 = vector.shape_cast %get3A_239 : vector<1x16xf32> to vector<16xf32>
      %add3A_241 = arith.addf %add3A_193, %get3A_240 : vector<16xf32>
      %get3A_242 = arith.constant 15 : i32
      %get3A_243 = arith.index_cast %get3A_242 : i32 to index
      %get3A_244 = arith.constant 0 : index
      %get3A_245 = tpu.vector_load %arg7[%get3A_243, %get3A_244] {strides = array<i32>} : memref<128x32xf32, #tpu.memory_space<vmem>>, vector<1x16xf32>,
      %get3A_246 = vector.shape_cast %get3A_245 : vector<1x16xf32> to vector<16xf32>
      %add3A_247 = arith.addf %add3A_199, %get3A_246 : vector<16xf32>
      %get3A_248 = arith.constant 15 : i32
      %get3A_249 = arith.index_cast %get3A_248 : i32 to index
      %get3A_250 = arith.constant 16 : index
      %get3A_251 = tpu.vector_load %arg7[%get3A_249, %get3A_250] {strides = array<i32>} : memref<128x32xf32, #tpu.memory_space<vmem>>, vector<1x16xf32>,
      %get3A_252 = vector.shape_cast %get3A_251 : vector<1x16xf32> to vector<16xf32>
      %add3A_253 = arith.addf %add3A_205, %get3A_252 : vector<16xf32>
      %get3A_254 = arith.constant 16 : i32
      %get3A_255 = arith.index_cast %get3A_254 : i32 to index
      %get3A_256 = arith.constant 0 : index
      %get3A_257 = tpu.vector_load %arg7[%get3A_255, %get3A_256] {strides = array<i32>} : memref<128x32xf32, #tpu.memory_space<vmem>>, vector<1x16xf32>,
      %get3A_258 = vector.shape_cast %get3A_257 : vector<1x16xf32> to vector<16xf32>
      %add3A_259 = arith.addf %add3A_211, %get3A_258 : vector<16xf32>
      %get3A_260 = arith.constant 16 : i32
      %get3A_261 = arith.index_cast %get3A_260 : i32 to index
      %get3A_262 = arith.constant 16 : index
      %get3A_263 = tpu.vector_load %arg7[%get3A_261, %get3A_262] {strides = array<i32>} : memref<128x32xf32, #tpu.memory_space<vmem>>, vector<1x16xf32>,
      %get3A_264 = vector.shape_cast %get3A_263 : vector<1x16xf32> to vector<16xf32>
      %add3A_265 = arith.addf %add3A_217, %get3A_264 : vector<16xf32>
      %get3A_266 = arith.constant 17 : i32
      %get3A_267 = arith.index_cast %get3A_266 : i32 to index
      %get3A_268 = arith.constant 0 : index
      %get3A_269 = tpu.vector_load %arg7[%get3A_267, %get3A_268] {strides = array<i32>} : memref<128x32xf32, #tpu.memory_space<vmem>>, vector<1x16xf32>,
      %get3A_270 = vector.shape_cast %get3A_269 : vector<1x16xf32> to vector<16xf32>
      %add3A_271 = arith.addf %add3A_223, %get3A_270 : vector<16xf32>
      %get3A_272 = arith.constant 17 : i32
      %get3A_273 = arith.index_cast %get3A_272 : i32 to index
      %get3A_274 = arith.constant 16 : index
      %get3A_275 = tpu.vector_load %arg7[%get3A_273, %get3A_274] {strides = array<i32>} : memref<128x32xf32, #tpu.memory_space<vmem>>, vector<1x16xf32>,
      %get3A_276 = vector.shape_cast %get3A_275 : vector<1x16xf32> to vector<16xf32>
      %add3A_277 = arith.addf %add3A_229, %get3A_276 : vector<16xf32>
      %get3A_278 = arith.constant 18 : i32
      %get3A_279 = arith.index_cast %get3A_278 : i32 to index
      %get3A_280 = arith.constant 0 : index
      %get3A_281 = tpu.vector_load %arg7[%get3A_279, %get3A_280] {strides = array<i32>} : memref<128x32xf32, #tpu.memory_space<vmem>>, vector<1x16xf32>,
      %get3A_282 = vector.shape_cast %get3A_281 : vector<1x16xf32> to vector<16xf32>
      %add3A_283 = arith.addf %add3A_235, %get3A_282 : vector<16xf32>
      %get3A_284 = arith.constant 18 : i32
      %get3A_285 = arith.index_cast %get3A_284 : i32 to index
      %get3A_286 = arith.constant 16 : index
      %get3A_287 = tpu.vector_load %arg7[%get3A_285, %get3A_286] {strides = array<i32>} : memref<128x32xf32, #tpu.memory_space<vmem>>, vector<1x16xf32>,
      %get3A_288 = vector.shape_cast %get3A_287 : vector<1x16xf32> to vector<16xf32>
      %add3A_289 = arith.addf %add3A_241, %get3A_288 : vector<16xf32>
      %get3A_290 = arith.constant 19 : i32
      %get3A_291 = arith.index_cast %get3A_290 : i32 to index
      %get3A_292 = arith.constant 0 : index
      %get3A_293 = tpu.vector_load %arg7[%get3A_291, %get3A_292] {strides = array<i32>} : memref<128x32xf32, #tpu.memory_space<vmem>>, vector<1x16xf32>,
      %get3A_294 = vector.shape_cast %get3A_293 : vector<1x16xf32> to vector<16xf32>
      %add3A_295 = arith.addf %add3A_247, %get3A_294 : vector<16xf32>
      %get3A_296 = arith.constant 19 : i32
      %get3A_297 = arith.index_cast %get3A_296 : i32 to index
      %get3A_298 = arith.constant 16 : index
      %get3A_299 = tpu.vector_load %arg7[%get3A_297, %get3A_298] {strides = array<i32>} : memref<128x32xf32, #tpu.memory_space<vmem>>, vector<1x16xf32>,
      %get3A_300 = vector.shape_cast %get3A_299 : vector<1x16xf32> to vector<16xf32>
      %add3A_301 = arith.addf %add3A_253, %get3A_300 : vector<16xf32>
      %get3A_302 = arith.constant 20 : i32
      %get3A_303 = arith.index_cast %get3A_302 : i32 to index
      %get3A_304 = arith.constant 0 : index
      %get3A_305 = tpu.vector_load %arg7[%get3A_303, %get3A_304] {strides = array<i32>} : memref<128x32xf32, #tpu.memory_space<vmem>>, vector<1x16xf32>,
      %get3A_306 = vector.shape_cast %get3A_305 : vector<1x16xf32> to vector<16xf32>
      %add3A_307 = arith.addf %add3A_259, %get3A_306 : vector<16xf32>
      %get3A_308 = arith.constant 20 : i32
      %get3A_309 = arith.index_cast %get3A_308 : i32 to index
      %get3A_310 = arith.constant 16 : index
      %get3A_311 = tpu.vector_load %arg7[%get3A_309, %get3A_310] {strides = array<i32>} : memref<128x32xf32, #tpu.memory_space<vmem>>, vector<1x16xf32>,
      %get3A_312 = vector.shape_cast %get3A_311 : vector<1x16xf32> to vector<16xf32>
      %add3A_313 = arith.addf %add3A_265, %get3A_312 : vector<16xf32>
      %get3A_314 = arith.constant 21 : i32
      %get3A_315 = arith.index_cast %get3A_314 : i32 to index
      %get3A_316 = arith.constant 0 : index
      %get3A_317 = tpu.vector_load %arg7[%get3A_315, %get3A_316] {strides = array<i32>} : memref<128x32xf32, #tpu.memory_space<vmem>>, vector<1x16xf32>,
      %get3A_318 = vector.shape_cast %get3A_317 : vector<1x16xf32> to vector<16xf32>
      %add3A_319 = arith.addf %add3A_271, %get3A_318 : vector<16xf32>
      %get3A_320 = arith.constant 21 : i32
      %get3A_321 = arith.index_cast %get3A_320 : i32 to index
      %get3A_322 = arith.constant 16 : index
      %get3A_323 = tpu.vector_load %arg7[%get3A_321, %get3A_322] {strides = array<i32>} : memref<128x32xf32, #tpu.memory_space<vmem>>, vector<1x16xf32>,
      %get3A_324 = vector.shape_cast %get3A_323 : vector<1x16xf32> to vector<16xf32>
      %add3A_325 = arith.addf %add3A_277, %get3A_324 : vector<16xf32>
      %get3A_326 = arith.constant 22 : i32
      %get3A_327 = arith.index_cast %get3A_326 : i32 to index
      %get3A_328 = arith.constant 0 : index
      %get3A_329 = tpu.vector_load %arg7[%get3A_327, %get3A_328] {strides = array<i32>} : memref<128x32xf32, #tpu.memory_space<vmem>>, vector<1x16xf32>,
      %get3A_330 = vector.shape_cast %get3A_329 : vector<1x16xf32> to vector<16xf32>
      %add3A_331 = arith.addf %add3A_283, %get3A_330 : vector<16xf32>
      %get3A_332 = arith.constant 22 : i32
      %get3A_333 = arith.index_cast %get3A_332 : i32 to index
      %get3A_334 = arith.constant 16 : index
      %get3A_335 = tpu.vector_load %arg7[%get3A_333, %get3A_334] {strides = array<i32>} : memref<128x32xf32, #tpu.memory_space<vmem>>, vector<1x16xf32>,
      %get3A_336 = vector.shape_cast %get3A_335 : vector<1x16xf32> to vector<16xf32>
      %add3A_337 = arith.addf %add3A_289, %get3A_336 : vector<16xf32>
      %get3A_338 = arith.constant 23 : i32
      %get3A_339 = arith.index_cast %get3A_338 : i32 to index
      %get3A_340 = arith.constant 0 : index
      %get3A_341 = tpu.vector_load %arg7[%get3A_339, %get3A_340] {strides = array<i32>} : memref<128x32xf32, #tpu.memory_space<vmem>>, vector<1x16xf32>,
      %get3A_342 = vector.shape_cast %get3A_341 : vector<1x16xf32> to vector<16xf32>
      %add3A_343 = arith.addf %add3A_295, %get3A_342 : vector<16xf32>
      %get3A_344 = arith.constant 23 : i32
      %get3A_345 = arith.index_cast %get3A_344 : i32 to index
      %get3A_346 = arith.constant 16 : index
      %get3A_347 = tpu.vector_load %arg7[%get3A_345, %get3A_346] {strides = array<i32>} : memref<128x32xf32, #tpu.memory_space<vmem>>, vector<1x16xf32>,
      %get3A_348 = vector.shape_cast %get3A_347 : vector<1x16xf32> to vector<16xf32>
      %add3A_349 = arith.addf %add3A_301, %get3A_348 : vector<16xf32>
      %get3A_350 = arith.constant 24 : i32
      %get3A_351 = arith.index_cast %get3A_350 : i32 to index
      %get3A_352 = arith.constant 0 : index
      %get3A_353 = tpu.vector_load %arg7[%get3A_351, %get3A_352] {strides = array<i32>} : memref<128x32xf32, #tpu.memory_space<vmem>>, vector<1x16xf32>,
      %get3A_354 = vector.shape_cast %get3A_353 : vector<1x16xf32> to vector<16xf32>
      %add3A_355 = arith.addf %add3A_307, %get3A_354 : vector<16xf32>
      %get3A_356 = arith.constant 24 : i32
      %get3A_357 = arith.index_cast %get3A_356 : i32 to index
      %get3A_358 = arith.constant 16 : index
      %get3A_359 = tpu.vector_load %arg7[%get3A_357, %get3A_358] {strides = array<i32>} : memref<128x32xf32, #tpu.memory_space<vmem>>, vector<1x16xf32>,
      %get3A_360 = vector.shape_cast %get3A_359 : vector<1x16xf32> to vector<16xf32>
      %add3A_361 = arith.addf %add3A_313, %get3A_360 : vector<16xf32>
      %get3A_362 = arith.constant 25 : i32
      %get3A_363 = arith.index_cast %get3A_362 : i32 to index
      %get3A_364 = arith.constant 0 : index
      %get3A_365 = tpu.vector_load %arg7[%get3A_363, %get3A_364] {strides = array<i32>} : memref<128x32xf32, #tpu.memory_space<vmem>>, vector<1x16xf32>,
      %get3A_366 = vector.shape_cast %get3A_365 : vector<1x16xf32> to vector<16xf32>
      %add3A_367 = arith.addf %add3A_319, %get3A_366 : vector<16xf32>
      %get3A_368 = arith.constant 25 : i32
      %get3A_369 = arith.index_cast %get3A_368 : i32 to index
      %get3A_370 = arith.constant 16 : index
      %get3A_371 = tpu.vector_load %arg7[%get3A_369, %get3A_370] {strides = array<i32>} : memref<128x32xf32, #tpu.memory_space<vmem>>, vector<1x16xf32>,
      %get3A_372 = vector.shape_cast %get3A_371 : vector<1x16xf32> to vector<16xf32>
      %add3A_373 = arith.addf %add3A_325, %get3A_372 : vector<16xf32>
      %get3A_374 = arith.constant 26 : i32
      %get3A_375 = arith.index_cast %get3A_374 : i32 to index
      %get3A_376 = arith.constant 0 : index
      %get3A_377 = tpu.vector_load %arg7[%get3A_375, %get3A_376] {strides = array<i32>} : memref<128x32xf32, #tpu.memory_space<vmem>>, vector<1x16xf32>,
      %get3A_378 = vector.shape_cast %get3A_377 : vector<1x16xf32> to vector<16xf32>
      %add3A_379 = arith.addf %add3A_331, %get3A_378 : vector<16xf32>
      %get3A_380 = arith.constant 26 : i32
      %get3A_381 = arith.index_cast %get3A_380 : i32 to index
      %get3A_382 = arith.constant 16 : index
      %get3A_383 = tpu.vector_load %arg7[%get3A_381, %get3A_382] {strides = array<i32>} : memref<128x32xf32, #tpu.memory_space<vmem>>, vector<1x16xf32>,
      %get3A_384 = vector.shape_cast %get3A_383 : vector<1x16xf32> to vector<16xf32>
      %add3A_385 = arith.addf %add3A_337, %get3A_384 : vector<16xf32>
      %get3A_386 = arith.constant 27 : i32
      %get3A_387 = arith.index_cast %get3A_386 : i32 to index
      %get3A_388 = arith.constant 0 : index
      %get3A_389 = tpu.vector_load %arg7[%get3A_387, %get3A_388] {strides = array<i32>} : memref<128x32xf32, #tpu.memory_space<vmem>>, vector<1x16xf32>,
      %get3A_390 = vector.shape_cast %get3A_389 : vector<1x16xf32> to vector<16xf32>
      %add3A_391 = arith.addf %add3A_343, %get3A_390 : vector<16xf32>
      %get3A_392 = arith.constant 27 : i32
      %get3A_393 = arith.index_cast %get3A_392 : i32 to index
      %get3A_394 = arith.constant 16 : index
      %get3A_395 = tpu.vector_load %arg7[%get3A_393, %get3A_394] {strides = array<i32>} : memref<128x32xf32, #tpu.memory_space<vmem>>, vector<1x16xf32>,
      %get3A_396 = vector.shape_cast %get3A_395 : vector<1x16xf32> to vector<16xf32>
      %add3A_397 = arith.addf %add3A_349, %get3A_396 : vector<16xf32>
      %get3A_398 = arith.constant 28 : i32
      %get3A_399 = arith.index_cast %get3A_398 : i32 to index
      %get3A_400 = arith.constant 0 : index
      %get3A_401 = tpu.vector_load %arg7[%get3A_399, %get3A_400] {strides = array<i32>} : memref<128x32xf32, #tpu.memory_space<vmem>>, vector<1x16xf32>,
      %get3A_402 = vector.shape_cast %get3A_401 : vector<1x16xf32> to vector<16xf32>
      %add3A_403 = arith.addf %add3A_355, %get3A_402 : vector<16xf32>
      %get3A_404 = arith.constant 28 : i32
      %get3A_405 = arith.index_cast %get3A_404 : i32 to index
      %get3A_406 = arith.constant 16 : index
      %get3A_407 = tpu.vector_load %arg7[%get3A_405, %get3A_406] {strides = array<i32>} : memref<128x32xf32, #tpu.memory_space<vmem>>, vector<1x16xf32>,
      %get3A_408 = vector.shape_cast %get3A_407 : vector<1x16xf32> to vector<16xf32>
      %add3A_409 = arith.addf %add3A_361, %get3A_408 : vector<16xf32>
      %get3A_410 = arith.constant 29 : i32
      %get3A_411 = arith.index_cast %get3A_410 : i32 to index
      %get3A_412 = arith.constant 0 : index
      %get3A_413 = tpu.vector_load %arg7[%get3A_411, %get3A_412] {strides = array<i32>} : memref<128x32xf32, #tpu.memory_space<vmem>>, vector<1x16xf32>,
      %get3A_414 = vector.shape_cast %get3A_413 : vector<1x16xf32> to vector<16xf32>
      %add3A_415 = arith.addf %add3A_367, %get3A_414 : vector<16xf32>
      %get3A_416 = arith.constant 29 : i32
      %get3A_417 = arith.index_cast %get3A_416 : i32 to index
      %get3A_418 = arith.constant 16 : index
      %get3A_419 = tpu.vector_load %arg7[%get3A_417, %get3A_418] {strides = array<i32>} : memref<128x32xf32, #tpu.memory_space<vmem>>, vector<1x16xf32>,
      %get3A_420 = vector.shape_cast %get3A_419 : vector<1x16xf32> to vector<16xf32>
      %add3A_421 = arith.addf %add3A_373, %get3A_420 : vector<16xf32>
      %get3A_422 = arith.constant 30 : i32
      %get3A_423 = arith.index_cast %get3A_422 : i32 to index
      %get3A_424 = arith.constant 0 : index
      %get3A_425 = tpu.vector_load %arg7[%get3A_423, %get3A_424] {strides = array<i32>} : memref<128x32xf32, #tpu.memory_space<vmem>>, vector<1x16xf32>,
      %get3A_426 = vector.shape_cast %get3A_425 : vector<1x16xf32> to vector<16xf32>
      %add3A_427 = arith.addf %add3A_379, %get3A_426 : vector<16xf32>
      %get3A_428 = arith.constant 30 : i32
      %get3A_429 = arith.index_cast %get3A_428 : i32 to index
      %get3A_430 = arith.constant 16 : index
      %get3A_431 = tpu.vector_load %arg7[%get3A_429, %get3A_430] {strides = array<i32>} : memref<128x32xf32, #tpu.memory_space<vmem>>, vector<1x16xf32>,
      %get3A_432 = vector.shape_cast %get3A_431 : vector<1x16xf32> to vector<16xf32>
      %add3A_433 = arith.addf %add3A_385, %get3A_432 : vector<16xf32>
      %get3A_434 = arith.constant 31 : i32
      %get3A_435 = arith.index_cast %get3A_434 : i32 to index
      %get3A_436 = arith.constant 0 : index
      %get3A_437 = tpu.vector_load %arg7[%get3A_435, %get3A_436] {strides = array<i32>} : memref<128x32xf32, #tpu.memory_space<vmem>>, vector<1x16xf32>,
      %get3A_438 = vector.shape_cast %get3A_437 : vector<1x16xf32> to vector<16xf32>
      %add3A_439 = arith.addf %add3A_391, %get3A_438 : vector<16xf32>
      %get3A_440 = arith.constant 31 : i32
      %get3A_441 = arith.index_cast %get3A_440 : i32 to index
      %get3A_442 = arith.constant 16 : index
      %get3A_443 = tpu.vector_load %arg7[%get3A_441, %get3A_442] {strides = array<i32>} : memref<128x32xf32, #tpu.memory_space<vmem>>, vector<1x16xf32>,
      %get3A_444 = vector.shape_cast %get3A_443 : vector<1x16xf32> to vector<16xf32>
      %add3A_445 = arith.addf %add3A_397, %get3A_444 : vector<16xf32>
      %get3A_446 = arith.constant 32 : i32
      %get3A_447 = arith.index_cast %get3A_446 : i32 to index
      %get3A_448 = arith.constant 0 : index
      %get3A_449 = tpu.vector_load %arg7[%get3A_447, %get3A_448] {strides = array<i32>} : memref<128x32xf32, #tpu.memory_space<vmem>>, vector<1x16xf32>,
      %get3A_450 = vector.shape_cast %get3A_449 : vector<1x16xf32> to vector<16xf32>
      %add3A_451 = arith.addf %add3A_403, %get3A_450 : vector<16xf32>
      %get3A_452 = arith.constant 32 : i32
      %get3A_453 = arith.index_cast %get3A_452 : i32 to index
      %get3A_454 = arith.constant 16 : index
      %get3A_455 = tpu.vector_load %arg7[%get3A_453, %get3A_454] {strides = array<i32>} : memref<128x32xf32, #tpu.memory_space<vmem>>, vector<1x16xf32>,
      %get3A_456 = vector.shape_cast %get3A_455 : vector<1x16xf32> to vector<16xf32>
      %add3A_457 = arith.addf %add3A_409, %get3A_456 : vector<16xf32>
      %get3A_458 = arith.constant 33 : i32
      %get3A_459 = arith.index_cast %get3A_458 : i32 to index
      %get3A_460 = arith.constant 0 : index
      %get3A_461 = tpu.vector_load %arg7[%get3A_459, %get3A_460] {strides = array<i32>} : memref<128x32xf32, #tpu.memory_space<vmem>>, vector<1x16xf32>,
      %get3A_462 = vector.shape_cast %get3A_461 : vector<1x16xf32> to vector<16xf32>
      %add3A_463 = arith.addf %add3A_415, %get3A_462 : vector<16xf32>
      %get3A_464 = arith.constant 33 : i32
      %get3A_465 = arith.index_cast %get3A_464 : i32 to index
      %get3A_466 = arith.constant 16 : index
      %get3A_467 = tpu.vector_load %arg7[%get3A_465, %get3A_466] {strides = array<i32>} : memref<128x32xf32, #tpu.memory_space<vmem>>, vector<1x16xf32>,
      %get3A_468 = vector.shape_cast %get3A_467 : vector<1x16xf32> to vector<16xf32>
      %add3A_469 = arith.addf %add3A_421, %get3A_468 : vector<16xf32>
      %get3A_470 = arith.constant 34 : i32
      %get3A_471 = arith.index_cast %get3A_470 : i32 to index
      %get3A_472 = arith.constant 0 : index
      %get3A_473 = tpu.vector_load %arg7[%get3A_471, %get3A_472] {strides = array<i32>} : memref<128x32xf32, #tpu.memory_space<vmem>>, vector<1x16xf32>,
      %get3A_474 = vector.shape_cast %get3A_473 : vector<1x16xf32> to vector<16xf32>
      %add3A_475 = arith.addf %add3A_427, %get3A_474 : vector<16xf32>
      %get3A_476 = arith.constant 34 : i32
      %get3A_477 = arith.index_cast %get3A_476 : i32 to index
      %get3A_478 = arith.constant 16 : index
      %get3A_479 = tpu.vector_load %arg7[%get3A_477, %get3A_478] {strides = array<i32>} : memref<128x32xf32, #tpu.memory_space<vmem>>, vector<1x16xf32>,
      %get3A_480 = vector.shape_cast %get3A_479 : vector<1x16xf32> to vector<16xf32>
      %add3A_481 = arith.addf %add3A_433, %get3A_480 : vector<16xf32>
      %get3A_482 = arith.constant 35 : i32
      %get3A_483 = arith.index_cast %get3A_482 : i32 to index
      %get3A_484 = arith.constant 0 : index
      %get3A_485 = tpu.vector_load %arg7[%get3A_483, %get3A_484] {strides = array<i32>} : memref<128x32xf32, #tpu.memory_space<vmem>>, vector<1x16xf32>,
      %get3A_486 = vector.shape_cast %get3A_485 : vector<1x16xf32> to vector<16xf32>
      %add3A_487 = arith.addf %add3A_439, %get3A_486 : vector<16xf32>
      %get3A_488 = arith.constant 35 : i32
      %get3A_489 = arith.index_cast %get3A_488 : i32 to index
      %get3A_490 = arith.constant 16 : index
      %get3A_491 = tpu.vector_load %arg7[%get3A_489, %get3A_490] {strides = array<i32>} : memref<128x32xf32, #tpu.memory_space<vmem>>, vector<1x16xf32>,
      %get3A_492 = vector.shape_cast %get3A_491 : vector<1x16xf32> to vector<16xf32>
      %add3A_493 = arith.addf %add3A_445, %get3A_492 : vector<16xf32>
      %get3A_494 = arith.constant 36 : i32
      %get3A_495 = arith.index_cast %get3A_494 : i32 to index
      %get3A_496 = arith.constant 0 : index
      %get3A_497 = tpu.vector_load %arg7[%get3A_495, %get3A_496] {strides = array<i32>} : memref<128x32xf32, #tpu.memory_space<vmem>>, vector<1x16xf32>,
      %get3A_498 = vector.shape_cast %get3A_497 : vector<1x16xf32> to vector<16xf32>
      %add3A_499 = arith.addf %add3A_451, %get3A_498 : vector<16xf32>
      %get3A_500 = arith.constant 36 : i32
      %get3A_501 = arith.index_cast %get3A_500 : i32 to index
      %get3A_502 = arith.constant 16 : index
      %get3A_503 = tpu.vector_load %arg7[%get3A_501, %get3A_502] {strides = array<i32>} : memref<128x32xf32, #tpu.memory_space<vmem>>, vector<1x16xf32>,
      %get3A_504 = vector.shape_cast %get3A_503 : vector<1x16xf32> to vector<16xf32>
      %add3A_505 = arith.addf %add3A_457, %get3A_504 : vector<16xf32>
      %get3A_506 = arith.constant 37 : i32
      %get3A_507 = arith.index_cast %get3A_506 : i32 to index
      %get3A_508 = arith.constant 0 : index
      %get3A_509 = tpu.vector_load %arg7[%get3A_507, %get3A_508] {strides = array<i32>} : memref<128x32xf32, #tpu.memory_space<vmem>>, vector<1x16xf32>,
      %get3A_510 = vector.shape_cast %get3A_509 : vector<1x16xf32> to vector<16xf32>
      %add3A_511 = arith.addf %add3A_463, %get3A_510 : vector<16xf32>
      %get3A_512 = arith.constant 37 : i32
      %get3A_513 = arith.index_cast %get3A_512 : i32 to index
      %get3A_514 = arith.constant 16 : index
      %get3A_515 = tpu.vector_load %arg7[%get3A_513, %get3A_514] {strides = array<i32>} : memref<128x32xf32, #tpu.memory_space<vmem>>, vector<1x16xf32>,
      %get3A_516 = vector.shape_cast %get3A_515 : vector<1x16xf32> to vector<16xf32>
      %add3A_517 = arith.addf %add3A_469, %get3A_516 : vector<16xf32>
      %get3A_518 = arith.constant 38 : i32
      %get3A_519 = arith.index_cast %get3A_518 : i32 to index
      %get3A_520 = arith.constant 0 : index
      %get3A_521 = tpu.vector_load %arg7[%get3A_519, %get3A_520] {strides = array<i32>} : memref<128x32xf32, #tpu.memory_space<vmem>>, vector<1x16xf32>,
      %get3A_522 = vector.shape_cast %get3A_521 : vector<1x16xf32> to vector<16xf32>
      %add3A_523 = arith.addf %add3A_475, %get3A_522 : vector<16xf32>
      %get3A_524 = arith.constant 38 : i32
      %get3A_525 = arith.index_cast %get3A_524 : i32 to index
      %get3A_526 = arith.constant 16 : index
      %get3A_527 = tpu.vector_load %arg7[%get3A_525, %get3A_526] {strides = array<i32>} : memref<128x32xf32, #tpu.memory_space<vmem>>, vector<1x16xf32>,
      %get3A_528 = vector.shape_cast %get3A_527 : vector<1x16xf32> to vector<16xf32>
      %add3A_529 = arith.addf %add3A_481, %get3A_528 : vector<16xf32>
      %get3A_530 = arith.constant 39 : i32
      %get3A_531 = arith.index_cast %get3A_530 : i32 to index
      %get3A_532 = arith.constant 0 : index
      %get3A_533 = tpu.vector_load %arg7[%get3A_531, %get3A_532] {strides = array<i32>} : memref<128x32xf32, #tpu.memory_space<vmem>>, vector<1x16xf32>,
      %get3A_534 = vector.shape_cast %get3A_533 : vector<1x16xf32> to vector<16xf32>
      %add3A_535 = arith.addf %add3A_487, %get3A_534 : vector<16xf32>
      %get3A_536 = arith.constant 39 : i32
      %get3A_537 = arith.index_cast %get3A_536 : i32 to index
      %get3A_538 = arith.constant 16 : index
      %get3A_539 = tpu.vector_load %arg7[%get3A_537, %get3A_538] {strides = array<i32>} : memref<128x32xf32, #tpu.memory_space<vmem>>, vector<1x16xf32>,
      %get3A_540 = vector.shape_cast %get3A_539 : vector<1x16xf32> to vector<16xf32>
      %add3A_541 = arith.addf %add3A_493, %get3A_540 : vector<16xf32>
      %get3A_542 = arith.constant 40 : i32
      %get3A_543 = arith.index_cast %get3A_542 : i32 to index
      %get3A_544 = arith.constant 0 : index
      %get3A_545 = tpu.vector_load %arg7[%get3A_543, %get3A_544] {strides = array<i32>} : memref<128x32xf32, #tpu.memory_space<vmem>>, vector<1x16xf32>,
      %get3A_546 = vector.shape_cast %get3A_545 : vector<1x16xf32> to vector<16xf32>
      %add3A_547 = arith.addf %add3A_499, %get3A_546 : vector<16xf32>
      %get3A_548 = arith.constant 40 : i32
      %get3A_549 = arith.index_cast %get3A_548 : i32 to index
      %get3A_550 = arith.constant 16 : index
      %get3A_551 = tpu.vector_load %arg7[%get3A_549, %get3A_550] {strides = array<i32>} : memref<128x32xf32, #tpu.memory_space<vmem>>, vector<1x16xf32>,
      %get3A_552 = vector.shape_cast %get3A_551 : vector<1x16xf32> to vector<16xf32>
      %add3A_553 = arith.addf %add3A_505, %get3A_552 : vector<16xf32>
      %get3A_554 = arith.constant 41 : i32
      %get3A_555 = arith.index_cast %get3A_554 : i32 to index
      %get3A_556 = arith.constant 0 : index
      %get3A_557 = tpu.vector_load %arg7[%get3A_555, %get3A_556] {strides = array<i32>} : memref<128x32xf32, #tpu.memory_space<vmem>>, vector<1x16xf32>,
      %get3A_558 = vector.shape_cast %get3A_557 : vector<1x16xf32> to vector<16xf32>
      %add3A_559 = arith.addf %add3A_511, %get3A_558 : vector<16xf32>
      %get3A_560 = arith.constant 41 : i32
      %get3A_561 = arith.index_cast %get3A_560 : i32 to index
      %get3A_562 = arith.constant 16 : index
      %get3A_563 = tpu.vector_load %arg7[%get3A_561, %get3A_562] {strides = array<i32>} : memref<128x32xf32, #tpu.memory_space<vmem>>, vector<1x16xf32>,
      %get3A_564 = vector.shape_cast %get3A_563 : vector<1x16xf32> to vector<16xf32>
      %add3A_565 = arith.addf %add3A_517, %get3A_564 : vector<16xf32>
      %get3A_566 = arith.constant 42 : i32
      %get3A_567 = arith.index_cast %get3A_566 : i32 to index
      %get3A_568 = arith.constant 0 : index
      %get3A_569 = tpu.vector_load %arg7[%get3A_567, %get3A_568] {strides = array<i32>} : memref<128x32xf32, #tpu.memory_space<vmem>>, vector<1x16xf32>,
      %get3A_570 = vector.shape_cast %get3A_569 : vector<1x16xf32> to vector<16xf32>
      %add3A_571 = arith.addf %add3A_523, %get3A_570 : vector<16xf32>
      %get3A_572 = arith.constant 42 : i32
      %get3A_573 = arith.index_cast %get3A_572 : i32 to index
      %get3A_574 = arith.constant 16 : index
      %get3A_575 = tpu.vector_load %arg7[%get3A_573, %get3A_574] {strides = array<i32>} : memref<128x32xf32, #tpu.memory_space<vmem>>, vector<1x16xf32>,
      %get3A_576 = vector.shape_cast %get3A_575 : vector<1x16xf32> to vector<16xf32>
      %add3A_577 = arith.addf %add3A_529, %get3A_576 : vector<16xf32>
      %get3A_578 = arith.constant 43 : i32
      %get3A_579 = arith.index_cast %get3A_578 : i32 to index
      %get3A_580 = arith.constant 0 : index
      %get3A_581 = tpu.vector_load %arg7[%get3A_579, %get3A_580] {strides = array<i32>} : memref<128x32xf32, #tpu.memory_space<vmem>>, vector<1x16xf32>,
      %get3A_582 = vector.shape_cast %get3A_581 : vector<1x16xf32> to vector<16xf32>
      %add3A_583 = arith.addf %add3A_535, %get3A_582 : vector<16xf32>
      %get3A_584 = arith.constant 43 : i32
      %get3A_585 = arith.index_cast %get3A_584 : i32 to index
      %get3A_586 = arith.constant 16 : index
      %get3A_587 = tpu.vector_load %arg7[%get3A_585, %get3A_586] {strides = array<i32>} : memref<128x32xf32, #tpu.memory_space<vmem>>, vector<1x16xf32>,
      %get3A_588 = vector.shape_cast %get3A_587 : vector<1x16xf32> to vector<16xf32>
      %add3A_589 = arith.addf %add3A_541, %get3A_588 : vector<16xf32>
      %get3A_590 = arith.constant 44 : i32
      %get3A_591 = arith.index_cast %get3A_590 : i32 to index
      %get3A_592 = arith.constant 0 : index
      %get3A_593 = tpu.vector_load %arg7[%get3A_591, %get3A_592] {strides = array<i32>} : memref<128x32xf32, #tpu.memory_space<vmem>>, vector<1x16xf32>,
      %get3A_594 = vector.shape_cast %get3A_593 : vector<1x16xf32> to vector<16xf32>
      %add3A_595 = arith.addf %add3A_547, %get3A_594 : vector<16xf32>
      %get3A_596 = arith.constant 44 : i32
      %get3A_597 = arith.index_cast %get3A_596 : i32 to index
      %get3A_598 = arith.constant 16 : index
      %get3A_599 = tpu.vector_load %arg7[%get3A_597, %get3A_598] {strides = array<i32>} : memref<128x32xf32, #tpu.memory_space<vmem>>, vector<1x16xf32>,
      %get3A_600 = vector.shape_cast %get3A_599 : vector<1x16xf32> to vector<16xf32>
      %add3A_601 = arith.addf %add3A_553, %get3A_600 : vector<16xf32>
      %get3A_602 = arith.constant 45 : i32
      %get3A_603 = arith.index_cast %get3A_602 : i32 to index
      %get3A_604 = arith.constant 0 : index
      %get3A_605 = tpu.vector_load %arg7[%get3A_603, %get3A_604] {strides = array<i32>} : memref<128x32xf32, #tpu.memory_space<vmem>>, vector<1x16xf32>,
      %get3A_606 = vector.shape_cast %get3A_605 : vector<1x16xf32> to vector<16xf32>
      %add3A_607 = arith.addf %add3A_559, %get3A_606 : vector<16xf32>
      %get3A_608 = arith.constant 45 : i32
      %get3A_609 = arith.index_cast %get3A_608 : i32 to index
      %get3A_610 = arith.constant 16 : index
      %get3A_611 = tpu.vector_load %arg7[%get3A_609, %get3A_610] {strides = array<i32>} : memref<128x32xf32, #tpu.memory_space<vmem>>, vector<1x16xf32>,
      %get3A_612 = vector.shape_cast %get3A_611 : vector<1x16xf32> to vector<16xf32>
      %add3A_613 = arith.addf %add3A_565, %get3A_612 : vector<16xf32>
      %get3A_614 = arith.constant 46 : i32
      %get3A_615 = arith.index_cast %get3A_614 : i32 to index
      %get3A_616 = arith.constant 0 : index
      %get3A_617 = tpu.vector_load %arg7[%get3A_615, %get3A_616] {strides = array<i32>} : memref<128x32xf32, #tpu.memory_space<vmem>>, vector<1x16xf32>,
      %get3A_618 = vector.shape_cast %get3A_617 : vector<1x16xf32> to vector<16xf32>
      %add3A_619 = arith.addf %add3A_571, %get3A_618 : vector<16xf32>
      %get3A_620 = arith.constant 46 : i32
      %get3A_621 = arith.index_cast %get3A_620 : i32 to index
      %get3A_622 = arith.constant 16 : index
      %get3A_623 = tpu.vector_load %arg7[%get3A_621, %get3A_622] {strides = array<i32>} : memref<128x32xf32, #tpu.memory_space<vmem>>, vector<1x16xf32>,
      %get3A_624 = vector.shape_cast %get3A_623 : vector<1x16xf32> to vector<16xf32>
      %add3A_625 = arith.addf %add3A_577, %get3A_624 : vector<16xf32>
      %get3A_626 = arith.constant 47 : i32
      %get3A_627 = arith.index_cast %get3A_626 : i32 to index
      %get3A_628 = arith.constant 0 : index
      %get3A_629 = tpu.vector_load %arg7[%get3A_627, %get3A_628] {strides = array<i32>} : memref<128x32xf32, #tpu.memory_space<vmem>>, vector<1x16xf32>,
      %get3A_630 = vector.shape_cast %get3A_629 : vector<1x16xf32> to vector<16xf32>
      %add3A_631 = arith.addf %add3A_583, %get3A_630 : vector<16xf32>
      %get3A_632 = arith.constant 47 : i32
      %get3A_633 = arith.index_cast %get3A_632 : i32 to index
      %get3A_634 = arith.constant 16 : index
      %get3A_635 = tpu.vector_load %arg7[%get3A_633, %get3A_634] {strides = array<i32>} : memref<128x32xf32, #tpu.memory_space<vmem>>, vector<1x16xf32>,
      %get3A_636 = vector.shape_cast %get3A_635 : vector<1x16xf32> to vector<16xf32>
      %add3A_637 = arith.addf %add3A_589, %get3A_636 : vector<16xf32>
      %get3A_638 = arith.constant 48 : i32
      %get3A_639 = arith.index_cast %get3A_638 : i32 to index
      %get3A_640 = arith.constant 0 : index
      %get3A_641 = tpu.vector_load %arg7[%get3A_639, %get3A_640] {strides = array<i32>} : memref<128x32xf32, #tpu.memory_space<vmem>>, vector<1x16xf32>,
      %get3A_642 = vector.shape_cast %get3A_641 : vector<1x16xf32> to vector<16xf32>
      %add3A_643 = arith.addf %add3A_595, %get3A_642 : vector<16xf32>
      %get3A_644 = arith.constant 48 : i32
      %get3A_645 = arith.index_cast %get3A_644 : i32 to index
      %get3A_646 = arith.constant 16 : index
      %get3A_647 = tpu.vector_load %arg7[%get3A_645, %get3A_646] {strides = array<i32>} : memref<128x32xf32, #tpu.memory_space<vmem>>, vector<1x16xf32>,
      %get3A_648 = vector.shape_cast %get3A_647 : vector<1x16xf32> to vector<16xf32>
      %add3A_649 = arith.addf %add3A_601, %get3A_648 : vector<16xf32>
      %get3A_650 = arith.constant 49 : i32
      %get3A_651 = arith.index_cast %get3A_650 : i32 to index
      %get3A_652 = arith.constant 0 : index
      %get3A_653 = tpu.vector_load %arg7[%get3A_651, %get3A_652] {strides = array<i32>} : memref<128x32xf32, #tpu.memory_space<vmem>>, vector<1x16xf32>,
      %get3A_654 = vector.shape_cast %get3A_653 : vector<1x16xf32> to vector<16xf32>
      %add3A_655 = arith.addf %add3A_607, %get3A_654 : vector<16xf32>
      %get3A_656 = arith.constant 49 : i32
      %get3A_657 = arith.index_cast %get3A_656 : i32 to index
      %get3A_658 = arith.constant 16 : index
      %get3A_659 = tpu.vector_load %arg7[%get3A_657, %get3A_658] {strides = array<i32>} : memref<128x32xf32, #tpu.memory_space<vmem>>, vector<1x16xf32>,
      %get3A_660 = vector.shape_cast %get3A_659 : vector<1x16xf32> to vector<16xf32>
      %add3A_661 = arith.addf %add3A_613, %get3A_660 : vector<16xf32>
      %get3A_662 = arith.constant 50 : i32
      %get3A_663 = arith.index_cast %get3A_662 : i32 to index
      %get3A_664 = arith.constant 0 : index
      %get3A_665 = tpu.vector_load %arg7[%get3A_663, %get3A_664] {strides = array<i32>} : memref<128x32xf32, #tpu.memory_space<vmem>>, vector<1x16xf32>,
      %get3A_666 = vector.shape_cast %get3A_665 : vector<1x16xf32> to vector<16xf32>
      %add3A_667 = arith.addf %add3A_619, %get3A_666 : vector<16xf32>
      %get3A_668 = arith.constant 50 : i32
      %get3A_669 = arith.index_cast %get3A_668 : i32 to index
      %get3A_670 = arith.constant 16 : index
      %get3A_671 = tpu.vector_load %arg7[%get3A_669, %get3A_670] {strides = array<i32>} : memref<128x32xf32, #tpu.memory_space<vmem>>, vector<1x16xf32>,
      %get3A_672 = vector.shape_cast %get3A_671 : vector<1x16xf32> to vector<16xf32>
      %add3A_673 = arith.addf %add3A_625, %get3A_672 : vector<16xf32>
      %get3A_674 = arith.constant 51 : i32
      %get3A_675 = arith.index_cast %get3A_674 : i32 to index
      %get3A_676 = arith.constant 0 : index
      %get3A_677 = tpu.vector_load %arg7[%get3A_675, %get3A_676] {strides = array<i32>} : memref<128x32xf32, #tpu.memory_space<vmem>>, vector<1x16xf32>,
      %get3A_678 = vector.shape_cast %get3A_677 : vector<1x16xf32> to vector<16xf32>
      %add3A_679 = arith.addf %add3A_631, %get3A_678 : vector<16xf32>
      %get3A_680 = arith.constant 51 : i32
      %get3A_681 = arith.index_cast %get3A_680 : i32 to index
      %get3A_682 = arith.constant 16 : index
      %get3A_683 = tpu.vector_load %arg7[%get3A_681, %get3A_682] {strides = array<i32>} : memref<128x32xf32, #tpu.memory_space<vmem>>, vector<1x16xf32>,
      %get3A_684 = vector.shape_cast %get3A_683 : vector<1x16xf32> to vector<16xf32>
      %add3A_685 = arith.addf %add3A_637, %get3A_684 : vector<16xf32>
      %get3A_686 = arith.constant 52 : i32
      %get3A_687 = arith.index_cast %get3A_686 : i32 to index
      %get3A_688 = arith.constant 0 : index
      %get3A_689 = tpu.vector_load %arg7[%get3A_687, %get3A_688] {strides = array<i32>} : memref<128x32xf32, #tpu.memory_space<vmem>>, vector<1x16xf32>,
      %get3A_690 = vector.shape_cast %get3A_689 : vector<1x16xf32> to vector<16xf32>
      %add3A_691 = arith.addf %add3A_643, %get3A_690 : vector<16xf32>
      %get3A_692 = arith.constant 52 : i32
      %get3A_693 = arith.index_cast %get3A_692 : i32 to index
      %get3A_694 = arith.constant 16 : index
      %get3A_695 = tpu.vector_load %arg7[%get3A_693, %get3A_694] {strides = array<i32>} : memref<128x32xf32, #tpu.memory_space<vmem>>, vector<1x16xf32>,
      %get3A_696 = vector.shape_cast %get3A_695 : vector<1x16xf32> to vector<16xf32>
      %add3A_697 = arith.addf %add3A_649, %get3A_696 : vector<16xf32>
      %get3A_698 = arith.constant 53 : i32
      %get3A_699 = arith.index_cast %get3A_698 : i32 to index
      %get3A_700 = arith.constant 0 : index
      %get3A_701 = tpu.vector_load %arg7[%get3A_699, %get3A_700] {strides = array<i32>} : memref<128x32xf32, #tpu.memory_space<vmem>>, vector<1x16xf32>,
      %get3A_702 = vector.shape_cast %get3A_701 : vector<1x16xf32> to vector<16xf32>
      %add3A_703 = arith.addf %add3A_655, %get3A_702 : vector<16xf32>
      %get3A_704 = arith.constant 53 : i32
      %get3A_705 = arith.index_cast %get3A_704 : i32 to index
      %get3A_706 = arith.constant 16 : index
      %get3A_707 = tpu.vector_load %arg7[%get3A_705, %get3A_706] {strides = array<i32>} : memref<128x32xf32, #tpu.memory_space<vmem>>, vector<1x16xf32>,
      %get3A_708 = vector.shape_cast %get3A_707 : vector<1x16xf32> to vector<16xf32>
      %add3A_709 = arith.addf %add3A_661, %get3A_708 : vector<16xf32>
      %get3A_710 = arith.constant 54 : i32
      %get3A_711 = arith.index_cast %get3A_710 : i32 to index
      %get3A_712 = arith.constant 0 : index
      %get3A_713 = tpu.vector_load %arg7[%get3A_711, %get3A_712] {strides = array<i32>} : memref<128x32xf32, #tpu.memory_space<vmem>>, vector<1x16xf32>,
      %get3A_714 = vector.shape_cast %get3A_713 : vector<1x16xf32> to vector<16xf32>
      %add3A_715 = arith.addf %add3A_667, %get3A_714 : vector<16xf32>
      %get3A_716 = arith.constant 54 : i32
      %get3A_717 = arith.index_cast %get3A_716 : i32 to index
      %get3A_718 = arith.constant 16 : index
      %get3A_719 = tpu.vector_load %arg7[%get3A_717, %get3A_718] {strides = array<i32>} : memref<128x32xf32, #tpu.memory_space<vmem>>, vector<1x16xf32>,
      %get3A_720 = vector.shape_cast %get3A_719 : vector<1x16xf32> to vector<16xf32>
      %add3A_721 = arith.addf %add3A_673, %get3A_720 : vector<16xf32>
      %get3A_722 = arith.constant 55 : i32
      %get3A_723 = arith.index_cast %get3A_722 : i32 to index
      %get3A_724 = arith.constant 0 : index
      %get3A_725 = tpu.vector_load %arg7[%get3A_723, %get3A_724] {strides = array<i32>} : memref<128x32xf32, #tpu.memory_space<vmem>>, vector<1x16xf32>,
      %get3A_726 = vector.shape_cast %get3A_725 : vector<1x16xf32> to vector<16xf32>
      %add3A_727 = arith.addf %add3A_679, %get3A_726 : vector<16xf32>
      %get3A_728 = arith.constant 55 : i32
      %get3A_729 = arith.index_cast %get3A_728 : i32 to index
      %get3A_730 = arith.constant 16 : index
      %get3A_731 = tpu.vector_load %arg7[%get3A_729, %get3A_730] {strides = array<i32>} : memref<128x32xf32, #tpu.memory_space<vmem>>, vector<1x16xf32>,
      %get3A_732 = vector.shape_cast %get3A_731 : vector<1x16xf32> to vector<16xf32>
      %add3A_733 = arith.addf %add3A_685, %get3A_732 : vector<16xf32>
      %get3A_734 = arith.constant 56 : i32
      %get3A_735 = arith.index_cast %get3A_734 : i32 to index
      %get3A_736 = arith.constant 0 : index
      %get3A_737 = tpu.vector_load %arg7[%get3A_735, %get3A_736] {strides = array<i32>} : memref<128x32xf32, #tpu.memory_space<vmem>>, vector<1x16xf32>,
      %get3A_738 = vector.shape_cast %get3A_737 : vector<1x16xf32> to vector<16xf32>
      %add3A_739 = arith.addf %add3A_691, %get3A_738 : vector<16xf32>
      %get3A_740 = arith.constant 56 : i32
      %get3A_741 = arith.index_cast %get3A_740 : i32 to index
      %get3A_742 = arith.constant 16 : index
      %get3A_743 = tpu.vector_load %arg7[%get3A_741, %get3A_742] {strides = array<i32>} : memref<128x32xf32, #tpu.memory_space<vmem>>, vector<1x16xf32>,
      %get3A_744 = vector.shape_cast %get3A_743 : vector<1x16xf32> to vector<16xf32>
      %add3A_745 = arith.addf %add3A_697, %get3A_744 : vector<16xf32>
      %get3A_746 = arith.constant 57 : i32
      %get3A_747 = arith.index_cast %get3A_746 : i32 to index
      %get3A_748 = arith.constant 0 : index
      %get3A_749 = tpu.vector_load %arg7[%get3A_747, %get3A_748] {strides = array<i32>} : memref<128x32xf32, #tpu.memory_space<vmem>>, vector<1x16xf32>,
      %get3A_750 = vector.shape_cast %get3A_749 : vector<1x16xf32> to vector<16xf32>
      %add3A_751 = arith.addf %add3A_703, %get3A_750 : vector<16xf32>
      %get3A_752 = arith.constant 57 : i32
      %get3A_753 = arith.index_cast %get3A_752 : i32 to index
      %get3A_754 = arith.constant 16 : index
      %get3A_755 = tpu.vector_load %arg7[%get3A_753, %get3A_754] {strides = array<i32>} : memref<128x32xf32, #tpu.memory_space<vmem>>, vector<1x16xf32>,
      %get3A_756 = vector.shape_cast %get3A_755 : vector<1x16xf32> to vector<16xf32>
      %add3A_757 = arith.addf %add3A_709, %get3A_756 : vector<16xf32>
      %get3A_758 = arith.constant 58 : i32
      %get3A_759 = arith.index_cast %get3A_758 : i32 to index
      %get3A_760 = arith.constant 0 : index
      %get3A_761 = tpu.vector_load %arg7[%get3A_759, %get3A_760] {strides = array<i32>} : memref<128x32xf32, #tpu.memory_space<vmem>>, vector<1x16xf32>,
      %get3A_762 = vector.shape_cast %get3A_761 : vector<1x16xf32> to vector<16xf32>
      %add3A_763 = arith.addf %add3A_715, %get3A_762 : vector<16xf32>
      %get3A_764 = arith.constant 58 : i32
      %get3A_765 = arith.index_cast %get3A_764 : i32 to index
      %get3A_766 = arith.constant 16 : index
      %get3A_767 = tpu.vector_load %arg7[%get3A_765, %get3A_766] {strides = array<i32>} : memref<128x32xf32, #tpu.memory_space<vmem>>, vector<1x16xf32>,
      %get3A_768 = vector.shape_cast %get3A_767 : vector<1x16xf32> to vector<16xf32>
      %add3A_769 = arith.addf %add3A_721, %get3A_768 : vector<16xf32>
      %get3A_770 = arith.constant 59 : i32
      %get3A_771 = arith.index_cast %get3A_770 : i32 to index
      %get3A_772 = arith.constant 0 : index
      %get3A_773 = tpu.vector_load %arg7[%get3A_771, %get3A_772] {strides = array<i32>} : memref<128x32xf32, #tpu.memory_space<vmem>>, vector<1x16xf32>,
      %get3A_774 = vector.shape_cast %get3A_773 : vector<1x16xf32> to vector<16xf32>
      %add3A_775 = arith.addf %add3A_727, %get3A_774 : vector<16xf32>
      %get3A_776 = arith.constant 59 : i32
      %get3A_777 = arith.index_cast %get3A_776 : i32 to index
      %get3A_778 = arith.constant 16 : index
      %get3A_779 = tpu.vector_load %arg7[%get3A_777, %get3A_778] {strides = array<i32>} : memref<128x32xf32, #tpu.memory_space<vmem>>, vector<1x16xf32>,
      %get3A_780 = vector.shape_cast %get3A_779 : vector<1x16xf32> to vector<16xf32>
      %add3A_781 = arith.addf %add3A_733, %get3A_780 : vector<16xf32>
      %get3A_782 = arith.constant 60 : i32
      %get3A_783 = arith.index_cast %get3A_782 : i32 to index
      %get3A_784 = arith.constant 0 : index
      %get3A_785 = tpu.vector_load %arg7[%get3A_783, %get3A_784] {strides = array<i32>} : memref<128x32xf32, #tpu.memory_space<vmem>>, vector<1x16xf32>,
      %get3A_786 = vector.shape_cast %get3A_785 : vector<1x16xf32> to vector<16xf32>
      %add3A_787 = arith.addf %add3A_739, %get3A_786 : vector<16xf32>
      %get3A_788 = arith.constant 60 : i32
      %get3A_789 = arith.index_cast %get3A_788 : i32 to index
      %get3A_790 = arith.constant 16 : index
      %get3A_791 = tpu.vector_load %arg7[%get3A_789, %get3A_790] {strides = array<i32>} : memref<128x32xf32, #tpu.memory_space<vmem>>, vector<1x16xf32>,
      %get3A_792 = vector.shape_cast %get3A_791 : vector<1x16xf32> to vector<16xf32>
      %add3A_793 = arith.addf %add3A_745, %get3A_792 : vector<16xf32>
      %get3A_794 = arith.constant 61 : i32
      %get3A_795 = arith.index_cast %get3A_794 : i32 to index
      %get3A_796 = arith.constant 0 : index
      %get3A_797 = tpu.vector_load %arg7[%get3A_795, %get3A_796] {strides = array<i32>} : memref<128x32xf32, #tpu.memory_space<vmem>>, vector<1x16xf32>,
      %get3A_798 = vector.shape_cast %get3A_797 : vector<1x16xf32> to vector<16xf32>
      %add3A_799 = arith.addf %add3A_751, %get3A_798 : vector<16xf32>
      %get3A_800 = arith.constant 61 : i32
      %get3A_801 = arith.index_cast %get3A_800 : i32 to index
      %get3A_802 = arith.constant 16 : index
      %get3A_803 = tpu.vector_load %arg7[%get3A_801, %get3A_802] {strides = array<i32>} : memref<128x32xf32, #tpu.memory_space<vmem>>, vector<1x16xf32>,
      %get3A_804 = vector.shape_cast %get3A_803 : vector<1x16xf32> to vector<16xf32>
      %add3A_805 = arith.addf %add3A_757, %get3A_804 : vector<16xf32>
      %get3A_806 = arith.constant 62 : i32
      %get3A_807 = arith.index_cast %get3A_806 : i32 to index
      %get3A_808 = arith.constant 0 : index
      %get3A_809 = tpu.vector_load %arg7[%get3A_807, %get3A_808] {strides = array<i32>} : memref<128x32xf32, #tpu.memory_space<vmem>>, vector<1x16xf32>,
      %get3A_810 = vector.shape_cast %get3A_809 : vector<1x16xf32> to vector<16xf32>
      %add3A_811 = arith.addf %add3A_763, %get3A_810 : vector<16xf32>
      %get3A_812 = arith.constant 62 : i32
      %get3A_813 = arith.index_cast %get3A_812 : i32 to index
      %get3A_814 = arith.constant 16 : index
      %get3A_815 = tpu.vector_load %arg7[%get3A_813, %get3A_814] {strides = array<i32>} : memref<128x32xf32, #tpu.memory_space<vmem>>, vector<1x16xf32>,
      %get3A_816 = vector.shape_cast %get3A_815 : vector<1x16xf32> to vector<16xf32>
      %add3A_817 = arith.addf %add3A_769, %get3A_816 : vector<16xf32>
      %get3A_818 = arith.constant 63 : i32
      %get3A_819 = arith.index_cast %get3A_818 : i32 to index
      %get3A_820 = arith.constant 0 : index
      %get3A_821 = tpu.vector_load %arg7[%get3A_819, %get3A_820] {strides = array<i32>} : memref<128x32xf32, #tpu.memory_space<vmem>>, vector<1x16xf32>,
      %get3A_822 = vector.shape_cast %get3A_821 : vector<1x16xf32> to vector<16xf32>
      %add3A_823 = arith.addf %add3A_775, %get3A_822 : vector<16xf32>
      %get3A_824 = arith.constant 63 : i32
      %get3A_825 = arith.index_cast %get3A_824 : i32 to index
      %get3A_826 = arith.constant 16 : index
      %get3A_827 = tpu.vector_load %arg7[%get3A_825, %get3A_826] {strides = array<i32>} : memref<128x32xf32, #tpu.memory_space<vmem>>, vector<1x16xf32>,
      %get3A_828 = vector.shape_cast %get3A_827 : vector<1x16xf32> to vector<16xf32>
      %add3A_829 = arith.addf %add3A_781, %get3A_828 : vector<16xf32>
      %get3A_830 = arith.constant 64 : i32
      %get3A_831 = arith.index_cast %get3A_830 : i32 to index
      %get3A_832 = arith.constant 0 : index
      %get3A_833 = tpu.vector_load %arg7[%get3A_831, %get3A_832] {strides = array<i32>} : memref<128x32xf32, #tpu.memory_space<vmem>>, vector<1x16xf32>,
      %get3A_834 = vector.shape_cast %get3A_833 : vector<1x16xf32> to vector<16xf32>
      %add3A_835 = arith.addf %add3A_787, %get3A_834 : vector<16xf32>
      %get3A_836 = arith.constant 64 : i32
      %get3A_837 = arith.index_cast %get3A_836 : i32 to index
      %get3A_838 = arith.constant 16 : index
      %get3A_839 = tpu.vector_load %arg7[%get3A_837, %get3A_838] {strides = array<i32>} : memref<128x32xf32, #tpu.memory_space<vmem>>, vector<1x16xf32>,
      %get3A_840 = vector.shape_cast %get3A_839 : vector<1x16xf32> to vector<16xf32>
      %add3A_841 = arith.addf %add3A_793, %get3A_840 : vector<16xf32>
      %get3A_842 = arith.constant 65 : i32
      %get3A_843 = arith.index_cast %get3A_842 : i32 to index
      %get3A_844 = arith.constant 0 : index
      %get3A_845 = tpu.vector_load %arg7[%get3A_843, %get3A_844] {strides = array<i32>} : memref<128x32xf32, #tpu.memory_space<vmem>>, vector<1x16xf32>,
      %get3A_846 = vector.shape_cast %get3A_845 : vector<1x16xf32> to vector<16xf32>
      %add3A_847 = arith.addf %add3A_799, %get3A_846 : vector<16xf32>
      %get3A_848 = arith.constant 65 : i32
      %get3A_849 = arith.index_cast %get3A_848 : i32 to index
      %get3A_850 = arith.constant 16 : index
      %get3A_851 = tpu.vector_load %arg7[%get3A_849, %get3A_850] {strides = array<i32>} : memref<128x32xf32, #tpu.memory_space<vmem>>, vector<1x16xf32>,
      %get3A_852 = vector.shape_cast %get3A_851 : vector<1x16xf32> to vector<16xf32>
      %add3A_853 = arith.addf %add3A_805, %get3A_852 : vector<16xf32>
      %get3A_854 = arith.constant 66 : i32
      %get3A_855 = arith.index_cast %get3A_854 : i32 to index
      %get3A_856 = arith.constant 0 : index
      %get3A_857 = tpu.vector_load %arg7[%get3A_855, %get3A_856] {strides = array<i32>} : memref<128x32xf32, #tpu.memory_space<vmem>>, vector<1x16xf32>,
      %get3A_858 = vector.shape_cast %get3A_857 : vector<1x16xf32> to vector<16xf32>
      %add3A_859 = arith.addf %add3A_811, %get3A_858 : vector<16xf32>
      %get3A_860 = arith.constant 66 : i32
      %get3A_861 = arith.index_cast %get3A_860 : i32 to index
      %get3A_862 = arith.constant 16 : index
      %get3A_863 = tpu.vector_load %arg7[%get3A_861, %get3A_862] {strides = array<i32>} : memref<128x32xf32, #tpu.memory_space<vmem>>, vector<1x16xf32>,
      %get3A_864 = vector.shape_cast %get3A_863 : vector<1x16xf32> to vector<16xf32>
      %add3A_865 = arith.addf %add3A_817, %get3A_864 : vector<16xf32>
      %get3A_866 = arith.constant 67 : i32
      %get3A_867 = arith.index_cast %get3A_866 : i32 to index
      %get3A_868 = arith.constant 0 : index
      %get3A_869 = tpu.vector_load %arg7[%get3A_867, %get3A_868] {strides = array<i32>} : memref<128x32xf32, #tpu.memory_space<vmem>>, vector<1x16xf32>,
      %get3A_870 = vector.shape_cast %get3A_869 : vector<1x16xf32> to vector<16xf32>
      %add3A_871 = arith.addf %add3A_823, %get3A_870 : vector<16xf32>
      %get3A_872 = arith.constant 67 : i32
      %get3A_873 = arith.index_cast %get3A_872 : i32 to index
      %get3A_874 = arith.constant 16 : index
      %get3A_875 = tpu.vector_load %arg7[%get3A_873, %get3A_874] {strides = array<i32>} : memref<128x32xf32, #tpu.memory_space<vmem>>, vector<1x16xf32>,
      %get3A_876 = vector.shape_cast %get3A_875 : vector<1x16xf32> to vector<16xf32>
      %add3A_877 = arith.addf %add3A_829, %get3A_876 : vector<16xf32>
      %get3A_878 = arith.constant 68 : i32
      %get3A_879 = arith.index_cast %get3A_878 : i32 to index
      %get3A_880 = arith.constant 0 : index
      %get3A_881 = tpu.vector_load %arg7[%get3A_879, %get3A_880] {strides = array<i32>} : memref<128x32xf32, #tpu.memory_space<vmem>>, vector<1x16xf32>,
      %get3A_882 = vector.shape_cast %get3A_881 : vector<1x16xf32> to vector<16xf32>
      %add3A_883 = arith.addf %add3A_835, %get3A_882 : vector<16xf32>
      %get3A_884 = arith.constant 68 : i32
      %get3A_885 = arith.index_cast %get3A_884 : i32 to index
      %get3A_886 = arith.constant 16 : index
      %get3A_887 = tpu.vector_load %arg7[%get3A_885, %get3A_886] {strides = array<i32>} : memref<128x32xf32, #tpu.memory_space<vmem>>, vector<1x16xf32>,
      %get3A_888 = vector.shape_cast %get3A_887 : vector<1x16xf32> to vector<16xf32>
      %add3A_889 = arith.addf %add3A_841, %get3A_888 : vector<16xf32>
      %get3A_890 = arith.constant 69 : i32
      %get3A_891 = arith.index_cast %get3A_890 : i32 to index
      %get3A_892 = arith.constant 0 : index
      %get3A_893 = tpu.vector_load %arg7[%get3A_891, %get3A_892] {strides = array<i32>} : memref<128x32xf32, #tpu.memory_space<vmem>>, vector<1x16xf32>,
      %get3A_894 = vector.shape_cast %get3A_893 : vector<1x16xf32> to vector<16xf32>
      %add3A_895 = arith.addf %add3A_847, %get3A_894 : vector<16xf32>
      %get3A_896 = arith.constant 69 : i32
      %get3A_897 = arith.index_cast %get3A_896 : i32 to index
      %get3A_898 = arith.constant 16 : index
      %get3A_899 = tpu.vector_load %arg7[%get3A_897, %get3A_898] {strides = array<i32>} : memref<128x32xf32, #tpu.memory_space<vmem>>, vector<1x16xf32>,
      %get3A_900 = vector.shape_cast %get3A_899 : vector<1x16xf32> to vector<16xf32>
      %add3A_901 = arith.addf %add3A_853, %get3A_900 : vector<16xf32>
      %get3A_902 = arith.constant 70 : i32
      %get3A_903 = arith.index_cast %get3A_902 : i32 to index
      %get3A_904 = arith.constant 0 : index
      %get3A_905 = tpu.vector_load %arg7[%get3A_903, %get3A_904] {strides = array<i32>} : memref<128x32xf32, #tpu.memory_space<vmem>>, vector<1x16xf32>,
      %get3A_906 = vector.shape_cast %get3A_905 : vector<1x16xf32> to vector<16xf32>
      %add3A_907 = arith.addf %add3A_859, %get3A_906 : vector<16xf32>
      %get3A_908 = arith.constant 70 : i32
      %get3A_909 = arith.index_cast %get3A_908 : i32 to index
      %get3A_910 = arith.constant 16 : index
      %get3A_911 = tpu.vector_load %arg7[%get3A_909, %get3A_910] {strides = array<i32>} : memref<128x32xf32, #tpu.memory_space<vmem>>, vector<1x16xf32>,
      %get3A_912 = vector.shape_cast %get3A_911 : vector<1x16xf32> to vector<16xf32>
      %add3A_913 = arith.addf %add3A_865, %get3A_912 : vector<16xf32>
      %get3A_914 = arith.constant 71 : i32
      %get3A_915 = arith.index_cast %get3A_914 : i32 to index
      %get3A_916 = arith.constant 0 : index
      %get3A_917 = tpu.vector_load %arg7[%get3A_915, %get3A_916] {strides = array<i32>} : memref<128x32xf32, #tpu.memory_space<vmem>>, vector<1x16xf32>,
      %get3A_918 = vector.shape_cast %get3A_917 : vector<1x16xf32> to vector<16xf32>
      %add3A_919 = arith.addf %add3A_871, %get3A_918 : vector<16xf32>
      %get3A_920 = arith.constant 71 : i32
      %get3A_921 = arith.index_cast %get3A_920 : i32 to index
      %get3A_922 = arith.constant 16 : index
      %get3A_923 = tpu.vector_load %arg7[%get3A_921, %get3A_922] {strides = array<i32>} : memref<128x32xf32, #tpu.memory_space<vmem>>, vector<1x16xf32>,
      %get3A_924 = vector.shape_cast %get3A_923 : vector<1x16xf32> to vector<16xf32>
      %add3A_925 = arith.addf %add3A_877, %get3A_924 : vector<16xf32>
      %get3A_926 = arith.constant 72 : i32
      %get3A_927 = arith.index_cast %get3A_926 : i32 to index
      %get3A_928 = arith.constant 0 : index
      %get3A_929 = tpu.vector_load %arg7[%get3A_927, %get3A_928] {strides = array<i32>} : memref<128x32xf32, #tpu.memory_space<vmem>>, vector<1x16xf32>,
      %get3A_930 = vector.shape_cast %get3A_929 : vector<1x16xf32> to vector<16xf32>
      %add3A_931 = arith.addf %add3A_883, %get3A_930 : vector<16xf32>
      %get3A_932 = arith.constant 72 : i32
      %get3A_933 = arith.index_cast %get3A_932 : i32 to index
      %get3A_934 = arith.constant 16 : index
      %get3A_935 = tpu.vector_load %arg7[%get3A_933, %get3A_934] {strides = array<i32>} : memref<128x32xf32, #tpu.memory_space<vmem>>, vector<1x16xf32>,
      %get3A_936 = vector.shape_cast %get3A_935 : vector<1x16xf32> to vector<16xf32>
      %add3A_937 = arith.addf %add3A_889, %get3A_936 : vector<16xf32>
      %get3A_938 = arith.constant 73 : i32
      %get3A_939 = arith.index_cast %get3A_938 : i32 to index
      %get3A_940 = arith.constant 0 : index
      %get3A_941 = tpu.vector_load %arg7[%get3A_939, %get3A_940] {strides = array<i32>} : memref<128x32xf32, #tpu.memory_space<vmem>>, vector<1x16xf32>,
      %get3A_942 = vector.shape_cast %get3A_941 : vector<1x16xf32> to vector<16xf32>
      %add3A_943 = arith.addf %add3A_895, %get3A_942 : vector<16xf32>
      %get3A_944 = arith.constant 73 : i32
      %get3A_945 = arith.index_cast %get3A_944 : i32 to index
      %get3A_946 = arith.constant 16 : index
      %get3A_947 = tpu.vector_load %arg7[%get3A_945, %get3A_946] {strides = array<i32>} : memref<128x32xf32, #tpu.memory_space<vmem>>, vector<1x16xf32>,
      %get3A_948 = vector.shape_cast %get3A_947 : vector<1x16xf32> to vector<16xf32>
      %add3A_949 = arith.addf %add3A_901, %get3A_948 : vector<16xf32>
      %get3A_950 = arith.constant 74 : i32
      %get3A_951 = arith.index_cast %get3A_950 : i32 to index
      %get3A_952 = arith.constant 0 : index
      %get3A_953 = tpu.vector_load %arg7[%get3A_951, %get3A_952] {strides = array<i32>} : memref<128x32xf32, #tpu.memory_space<vmem>>, vector<1x16xf32>,
      %get3A_954 = vector.shape_cast %get3A_953 : vector<1x16xf32> to vector<16xf32>
      %add3A_955 = arith.addf %add3A_907, %get3A_954 : vector<16xf32>
      %get3A_956 = arith.constant 74 : i32
      %get3A_957 = arith.index_cast %get3A_956 : i32 to index
      %get3A_958 = arith.constant 16 : index
      %get3A_959 = tpu.vector_load %arg7[%get3A_957, %get3A_958] {strides = array<i32>} : memref<128x32xf32, #tpu.memory_space<vmem>>, vector<1x16xf32>,
      %get3A_960 = vector.shape_cast %get3A_959 : vector<1x16xf32> to vector<16xf32>
      %add3A_961 = arith.addf %add3A_913, %get3A_960 : vector<16xf32>
      %get3A_962 = arith.constant 75 : i32
      %get3A_963 = arith.index_cast %get3A_962 : i32 to index
      %get3A_964 = arith.constant 0 : index
      %get3A_965 = tpu.vector_load %arg7[%get3A_963, %get3A_964] {strides = array<i32>} : memref<128x32xf32, #tpu.memory_space<vmem>>, vector<1x16xf32>,
      %get3A_966 = vector.shape_cast %get3A_965 : vector<1x16xf32> to vector<16xf32>
      %add3A_967 = arith.addf %add3A_919, %get3A_966 : vector<16xf32>
      %get3A_968 = arith.constant 75 : i32
      %get3A_969 = arith.index_cast %get3A_968 : i32 to index
      %get3A_970 = arith.constant 16 : index
      %get3A_971 = tpu.vector_load %arg7[%get3A_969, %get3A_970] {strides = array<i32>} : memref<128x32xf32, #tpu.memory_space<vmem>>, vector<1x16xf32>,
      %get3A_972 = vector.shape_cast %get3A_971 : vector<1x16xf32> to vector<16xf32>
      %add3A_973 = arith.addf %add3A_925, %get3A_972 : vector<16xf32>
      %get3A_974 = arith.constant 76 : i32
      %get3A_975 = arith.index_cast %get3A_974 : i32 to index
      %get3A_976 = arith.constant 0 : index
      %get3A_977 = tpu.vector_load %arg7[%get3A_975, %get3A_976] {strides = array<i32>} : memref<128x32xf32, #tpu.memory_space<vmem>>, vector<1x16xf32>,
      %get3A_978 = vector.shape_cast %get3A_977 : vector<1x16xf32> to vector<16xf32>
      %add3A_979 = arith.addf %add3A_931, %get3A_978 : vector<16xf32>
      %get3A_980 = arith.constant 76 : i32
      %get3A_981 = arith.index_cast %get3A_980 : i32 to index
      %get3A_982 = arith.constant 16 : index
      %get3A_983 = tpu.vector_load %arg7[%get3A_981, %get3A_982] {strides = array<i32>} : memref<128x32xf32, #tpu.memory_space<vmem>>, vector<1x16xf32>,
      %get3A_984 = vector.shape_cast %get3A_983 : vector<1x16xf32> to vector<16xf32>
      %add3A_985 = arith.addf %add3A_937, %get3A_984 : vector<16xf32>
      %get3A_986 = arith.constant 77 : i32
      %get3A_987 = arith.index_cast %get3A_986 : i32 to index
      %get3A_988 = arith.constant 0 : index
      %get3A_989 = tpu.vector_load %arg7[%get3A_987, %get3A_988] {strides = array<i32>} : memref<128x32xf32, #tpu.memory_space<vmem>>, vector<1x16xf32>,
      %get3A_990 = vector.shape_cast %get3A_989 : vector<1x16xf32> to vector<16xf32>
      %add3A_991 = arith.addf %add3A_943, %get3A_990 : vector<16xf32>
      %get3A_992 = arith.constant 77 : i32
      %get3A_993 = arith.index_cast %get3A_992 : i32 to index
      %get3A_994 = arith.constant 16 : index
      %get3A_995 = tpu.vector_load %arg7[%get3A_993, %get3A_994] {strides = array<i32>} : memref<128x32xf32, #tpu.memory_space<vmem>>, vector<1x16xf32>,
      %get3A_996 = vector.shape_cast %get3A_995 : vector<1x16xf32> to vector<16xf32>
      %add3A_997 = arith.addf %add3A_949, %get3A_996 : vector<16xf32>
      %get3A_998 = arith.constant 78 : i32
      %get3A_999 = arith.index_cast %get3A_998 : i32 to index
      %get3A_1000 = arith.constant 0 : index
      %get3A_1001 = tpu.vector_load %arg7[%get3A_999, %get3A_1000] {strides = array<i32>} : memref<128x32xf32, #tpu.memory_space<vmem>>, vector<1x16xf32>,
      %get3A_1002 = vector.shape_cast %get3A_1001 : vector<1x16xf32> to vector<16xf32>
      %add3A_1003 = arith.addf %add3A_955, %get3A_1002 : vector<16xf32>
      %get3A_1004 = arith.constant 78 : i32
      %get3A_1005 = arith.index_cast %get3A_1004 : i32 to index
      %get3A_1006 = arith.constant 16 : index
      %get3A_1007 = tpu.vector_load %arg7[%get3A_1005, %get3A_1006] {strides = array<i32>} : memref<128x32xf32, #tpu.memory_space<vmem>>, vector<1x16xf32>,
      %get3A_1008 = vector.shape_cast %get3A_1007 : vector<1x16xf32> to vector<16xf32>
      %add3A_1009 = arith.addf %add3A_961, %get3A_1008 : vector<16xf32>
      %get3A_1010 = arith.constant 79 : i32
      %get3A_1011 = arith.index_cast %get3A_1010 : i32 to index
      %get3A_1012 = arith.constant 0 : index
      %get3A_1013 = tpu.vector_load %arg7[%get3A_1011, %get3A_1012] {strides = array<i32>} : memref<128x32xf32, #tpu.memory_space<vmem>>, vector<1x16xf32>,
      %get3A_1014 = vector.shape_cast %get3A_1013 : vector<1x16xf32> to vector<16xf32>
      %add3A_1015 = arith.addf %add3A_967, %get3A_1014 : vector<16xf32>
      %get3A_1016 = arith.constant 79 : i32
      %get3A_1017 = arith.index_cast %get3A_1016 : i32 to index
      %get3A_1018 = arith.constant 16 : index
      %get3A_1019 = tpu.vector_load %arg7[%get3A_1017, %get3A_1018] {strides = array<i32>} : memref<128x32xf32, #tpu.memory_space<vmem>>, vector<1x16xf32>,
      %get3A_1020 = vector.shape_cast %get3A_1019 : vector<1x16xf32> to vector<16xf32>
      %add3A_1021 = arith.addf %add3A_973, %get3A_1020 : vector<16xf32>
      %get3A_1022 = arith.constant 80 : i32
      %get3A_1023 = arith.index_cast %get3A_1022 : i32 to index
      %get3A_1024 = arith.constant 0 : index
      %get3A_1025 = tpu.vector_load %arg7[%get3A_1023, %get3A_1024] {strides = array<i32>} : memref<128x32xf32, #tpu.memory_space<vmem>>, vector<1x16xf32>,
      %get3A_1026 = vector.shape_cast %get3A_1025 : vector<1x16xf32> to vector<16xf32>
      %add3A_1027 = arith.addf %add3A_979, %get3A_1026 : vector<16xf32>
      %get3A_1028 = arith.constant 80 : i32
      %get3A_1029 = arith.index_cast %get3A_1028 : i32 to index
      %get3A_1030 = arith.constant 16 : index
      %get3A_1031 = tpu.vector_load %arg7[%get3A_1029, %get3A_1030] {strides = array<i32>} : memref<128x32xf32, #tpu.memory_space<vmem>>, vector<1x16xf32>,
      %get3A_1032 = vector.shape_cast %get3A_1031 : vector<1x16xf32> to vector<16xf32>
      %add3A_1033 = arith.addf %add3A_985, %get3A_1032 : vector<16xf32>
      %get3A_1034 = arith.constant 81 : i32
      %get3A_1035 = arith.index_cast %get3A_1034 : i32 to index
      %get3A_1036 = arith.constant 0 : index
      %get3A_1037 = tpu.vector_load %arg7[%get3A_1035, %get3A_1036] {strides = array<i32>} : memref<128x32xf32, #tpu.memory_space<vmem>>, vector<1x16xf32>,
      %get3A_1038 = vector.shape_cast %get3A_1037 : vector<1x16xf32> to vector<16xf32>
      %add3A_1039 = arith.addf %add3A_991, %get3A_1038 : vector<16xf32>
      %get3A_1040 = arith.constant 81 : i32
      %get3A_1041 = arith.index_cast %get3A_1040 : i32 to index
      %get3A_1042 = arith.constant 16 : index
      %get3A_1043 = tpu.vector_load %arg7[%get3A_1041, %get3A_1042] {strides = array<i32>} : memref<128x32xf32, #tpu.memory_space<vmem>>, vector<1x16xf32>,
      %get3A_1044 = vector.shape_cast %get3A_1043 : vector<1x16xf32> to vector<16xf32>
      %add3A_1045 = arith.addf %add3A_997, %get3A_1044 : vector<16xf32>
      %get3A_1046 = arith.constant 82 : i32
      %get3A_1047 = arith.index_cast %get3A_1046 : i32 to index
      %get3A_1048 = arith.constant 0 : index
      %get3A_1049 = tpu.vector_load %arg7[%get3A_1047, %get3A_1048] {strides = array<i32>} : memref<128x32xf32, #tpu.memory_space<vmem>>, vector<1x16xf32>,
      %get3A_1050 = vector.shape_cast %get3A_1049 : vector<1x16xf32> to vector<16xf32>
      %add3A_1051 = arith.addf %add3A_1003, %get3A_1050 : vector<16xf32>
      %get3A_1052 = arith.constant 82 : i32
      %get3A_1053 = arith.index_cast %get3A_1052 : i32 to index
      %get3A_1054 = arith.constant 16 : index
      %get3A_1055 = tpu.vector_load %arg7[%get3A_1053, %get3A_1054] {strides = array<i32>} : memref<128x32xf32, #tpu.memory_space<vmem>>, vector<1x16xf32>,
      %get3A_1056 = vector.shape_cast %get3A_1055 : vector<1x16xf32> to vector<16xf32>
      %add3A_1057 = arith.addf %add3A_1009, %get3A_1056 : vector<16xf32>
      %get3A_1058 = arith.constant 83 : i32
      %get3A_1059 = arith.index_cast %get3A_1058 : i32 to index
      %get3A_1060 = arith.constant 0 : index
      %get3A_1061 = tpu.vector_load %arg7[%get3A_1059, %get3A_1060] {strides = array<i32>} : memref<128x32xf32, #tpu.memory_space<vmem>>, vector<1x16xf32>,
      %get3A_1062 = vector.shape_cast %get3A_1061 : vector<1x16xf32> to vector<16xf32>
      %add3A_1063 = arith.addf %add3A_1015, %get3A_1062 : vector<16xf32>
      %get3A_1064 = arith.constant 83 : i32
      %get3A_1065 = arith.index_cast %get3A_1064 : i32 to index
      %get3A_1066 = arith.constant 16 : index
      %get3A_1067 = tpu.vector_load %arg7[%get3A_1065, %get3A_1066] {strides = array<i32>} : memref<128x32xf32, #tpu.memory_space<vmem>>, vector<1x16xf32>,
      %get3A_1068 = vector.shape_cast %get3A_1067 : vector<1x16xf32> to vector<16xf32>
      %add3A_1069 = arith.addf %add3A_1021, %get3A_1068 : vector<16xf32>
      %get3A_1070 = arith.constant 84 : i32
      %get3A_1071 = arith.index_cast %get3A_1070 : i32 to index
      %get3A_1072 = arith.constant 0 : index
      %get3A_1073 = tpu.vector_load %arg7[%get3A_1071, %get3A_1072] {strides = array<i32>} : memref<128x32xf32, #tpu.memory_space<vmem>>, vector<1x16xf32>,
      %get3A_1074 = vector.shape_cast %get3A_1073 : vector<1x16xf32> to vector<16xf32>
      %add3A_1075 = arith.addf %add3A_1027, %get3A_1074 : vector<16xf32>
      %get3A_1076 = arith.constant 84 : i32
      %get3A_1077 = arith.index_cast %get3A_1076 : i32 to index
      %get3A_1078 = arith.constant 16 : index
      %get3A_1079 = tpu.vector_load %arg7[%get3A_1077, %get3A_1078] {strides = array<i32>} : memref<128x32xf32, #tpu.memory_space<vmem>>, vector<1x16xf32>,
      %get3A_1080 = vector.shape_cast %get3A_1079 : vector<1x16xf32> to vector<16xf32>
      %add3A_1081 = arith.addf %add3A_1033, %get3A_1080 : vector<16xf32>
      %get3A_1082 = arith.constant 85 : i32
      %get3A_1083 = arith.index_cast %get3A_1082 : i32 to index
      %get3A_1084 = arith.constant 0 : index
      %get3A_1085 = tpu.vector_load %arg7[%get3A_1083, %get3A_1084] {strides = array<i32>} : memref<128x32xf32, #tpu.memory_space<vmem>>, vector<1x16xf32>,
      %get3A_1086 = vector.shape_cast %get3A_1085 : vector<1x16xf32> to vector<16xf32>
      %add3A_1087 = arith.addf %add3A_1039, %get3A_1086 : vector<16xf32>
      %get3A_1088 = arith.constant 85 : i32
      %get3A_1089 = arith.index_cast %get3A_1088 : i32 to index
      %get3A_1090 = arith.constant 16 : index
      %get3A_1091 = tpu.vector_load %arg7[%get3A_1089, %get3A_1090] {strides = array<i32>} : memref<128x32xf32, #tpu.memory_space<vmem>>, vector<1x16xf32>,
      %get3A_1092 = vector.shape_cast %get3A_1091 : vector<1x16xf32> to vector<16xf32>
      %add3A_1093 = arith.addf %add3A_1045, %get3A_1092 : vector<16xf32>
      %get3A_1094 = arith.constant 86 : i32
      %get3A_1095 = arith.index_cast %get3A_1094 : i32 to index
      %get3A_1096 = arith.constant 0 : index
      %get3A_1097 = tpu.vector_load %arg7[%get3A_1095, %get3A_1096] {strides = array<i32>} : memref<128x32xf32, #tpu.memory_space<vmem>>, vector<1x16xf32>,
      %get3A_1098 = vector.shape_cast %get3A_1097 : vector<1x16xf32> to vector<16xf32>
      %add3A_1099 = arith.addf %add3A_1051, %get3A_1098 : vector<16xf32>
      %get3A_1100 = arith.constant 86 : i32
      %get3A_1101 = arith.index_cast %get3A_1100 : i32 to index
      %get3A_1102 = arith.constant 16 : index
      %get3A_1103 = tpu.vector_load %arg7[%get3A_1101, %get3A_1102] {strides = array<i32>} : memref<128x32xf32, #tpu.memory_space<vmem>>, vector<1x16xf32>,
      %get3A_1104 = vector.shape_cast %get3A_1103 : vector<1x16xf32> to vector<16xf32>
      %add3A_1105 = arith.addf %add3A_1057, %get3A_1104 : vector<16xf32>
      %get3A_1106 = arith.constant 87 : i32
      %get3A_1107 = arith.index_cast %get3A_1106 : i32 to index
      %get3A_1108 = arith.constant 0 : index
      %get3A_1109 = tpu.vector_load %arg7[%get3A_1107, %get3A_1108] {strides = array<i32>} : memref<128x32xf32, #tpu.memory_space<vmem>>, vector<1x16xf32>,
      %get3A_1110 = vector.shape_cast %get3A_1109 : vector<1x16xf32> to vector<16xf32>
      %add3A_1111 = arith.addf %add3A_1063, %get3A_1110 : vector<16xf32>
      %get3A_1112 = arith.constant 87 : i32
      %get3A_1113 = arith.index_cast %get3A_1112 : i32 to index
      %get3A_1114 = arith.constant 16 : index
      %get3A_1115 = tpu.vector_load %arg7[%get3A_1113, %get3A_1114] {strides = array<i32>} : memref<128x32xf32, #tpu.memory_space<vmem>>, vector<1x16xf32>,
      %get3A_1116 = vector.shape_cast %get3A_1115 : vector<1x16xf32> to vector<16xf32>
      %add3A_1117 = arith.addf %add3A_1069, %get3A_1116 : vector<16xf32>
      %get3A_1118 = arith.constant 88 : i32
      %get3A_1119 = arith.index_cast %get3A_1118 : i32 to index
      %get3A_1120 = arith.constant 0 : index
      %get3A_1121 = tpu.vector_load %arg7[%get3A_1119, %get3A_1120] {strides = array<i32>} : memref<128x32xf32, #tpu.memory_space<vmem>>, vector<1x16xf32>,
      %get3A_1122 = vector.shape_cast %get3A_1121 : vector<1x16xf32> to vector<16xf32>
      %add3A_1123 = arith.addf %add3A_1075, %get3A_1122 : vector<16xf32>
      %get3A_1124 = arith.constant 88 : i32
      %get3A_1125 = arith.index_cast %get3A_1124 : i32 to index
      %get3A_1126 = arith.constant 16 : index
      %get3A_1127 = tpu.vector_load %arg7[%get3A_1125, %get3A_1126] {strides = array<i32>} : memref<128x32xf32, #tpu.memory_space<vmem>>, vector<1x16xf32>,
      %get3A_1128 = vector.shape_cast %get3A_1127 : vector<1x16xf32> to vector<16xf32>
      %add3A_1129 = arith.addf %add3A_1081, %get3A_1128 : vector<16xf32>
      %get3A_1130 = arith.constant 89 : i32
      %get3A_1131 = arith.index_cast %get3A_1130 : i32 to index
      %get3A_1132 = arith.constant 0 : index
      %get3A_1133 = tpu.vector_load %arg7[%get3A_1131, %get3A_1132] {strides = array<i32>} : memref<128x32xf32, #tpu.memory_space<vmem>>, vector<1x16xf32>,
      %get3A_1134 = vector.shape_cast %get3A_1133 : vector<1x16xf32> to vector<16xf32>
      %add3A_1135 = arith.addf %add3A_1087, %get3A_1134 : vector<16xf32>
      %get3A_1136 = arith.constant 89 : i32
      %get3A_1137 = arith.index_cast %get3A_1136 : i32 to index
      %get3A_1138 = arith.constant 16 : index
      %get3A_1139 = tpu.vector_load %arg7[%get3A_1137, %get3A_1138] {strides = array<i32>} : memref<128x32xf32, #tpu.memory_space<vmem>>, vector<1x16xf32>,
      %get3A_1140 = vector.shape_cast %get3A_1139 : vector<1x16xf32> to vector<16xf32>
      %add3A_1141 = arith.addf %add3A_1093, %get3A_1140 : vector<16xf32>
      %get3A_1142 = arith.constant 90 : i32
      %get3A_1143 = arith.index_cast %get3A_1142 : i32 to index
      %get3A_1144 = arith.constant 0 : index
      %get3A_1145 = tpu.vector_load %arg7[%get3A_1143, %get3A_1144] {strides = array<i32>} : memref<128x32xf32, #tpu.memory_space<vmem>>, vector<1x16xf32>,
      %get3A_1146 = vector.shape_cast %get3A_1145 : vector<1x16xf32> to vector<16xf32>
      %add3A_1147 = arith.addf %add3A_1099, %get3A_1146 : vector<16xf32>
      %get3A_1148 = arith.constant 90 : i32
      %get3A_1149 = arith.index_cast %get3A_1148 : i32 to index
      %get3A_1150 = arith.constant 16 : index
      %get3A_1151 = tpu.vector_load %arg7[%get3A_1149, %get3A_1150] {strides = array<i32>} : memref<128x32xf32, #tpu.memory_space<vmem>>, vector<1x16xf32>,
      %get3A_1152 = vector.shape_cast %get3A_1151 : vector<1x16xf32> to vector<16xf32>
      %add3A_1153 = arith.addf %add3A_1105, %get3A_1152 : vector<16xf32>
      %get3A_1154 = arith.constant 91 : i32
      %get3A_1155 = arith.index_cast %get3A_1154 : i32 to index
      %get3A_1156 = arith.constant 0 : index
      %get3A_1157 = tpu.vector_load %arg7[%get3A_1155, %get3A_1156] {strides = array<i32>} : memref<128x32xf32, #tpu.memory_space<vmem>>, vector<1x16xf32>,
      %get3A_1158 = vector.shape_cast %get3A_1157 : vector<1x16xf32> to vector<16xf32>
      %add3A_1159 = arith.addf %add3A_1111, %get3A_1158 : vector<16xf32>
      %get3A_1160 = arith.constant 91 : i32
      %get3A_1161 = arith.index_cast %get3A_1160 : i32 to index
      %get3A_1162 = arith.constant 16 : index
      %get3A_1163 = tpu.vector_load %arg7[%get3A_1161, %get3A_1162] {strides = array<i32>} : memref<128x32xf32, #tpu.memory_space<vmem>>, vector<1x16xf32>,
      %get3A_1164 = vector.shape_cast %get3A_1163 : vector<1x16xf32> to vector<16xf32>
      %add3A_1165 = arith.addf %add3A_1117, %get3A_1164 : vector<16xf32>
      %get3A_1166 = arith.constant 92 : i32
      %get3A_1167 = arith.index_cast %get3A_1166 : i32 to index
      %get3A_1168 = arith.constant 0 : index
      %get3A_1169 = tpu.vector_load %arg7[%get3A_1167, %get3A_1168] {strides = array<i32>} : memref<128x32xf32, #tpu.memory_space<vmem>>, vector<1x16xf32>,
      %get3A_1170 = vector.shape_cast %get3A_1169 : vector<1x16xf32> to vector<16xf32>
      %add3A_1171 = arith.addf %add3A_1123, %get3A_1170 : vector<16xf32>
      %get3A_1172 = arith.constant 92 : i32
      %get3A_1173 = arith.index_cast %get3A_1172 : i32 to index
      %get3A_1174 = arith.constant 16 : index
      %get3A_1175 = tpu.vector_load %arg7[%get3A_1173, %get3A_1174] {strides = array<i32>} : memref<128x32xf32, #tpu.memory_space<vmem>>, vector<1x16xf32>,
      %get3A_1176 = vector.shape_cast %get3A_1175 : vector<1x16xf32> to vector<16xf32>
      %add3A_1177 = arith.addf %add3A_1129, %get3A_1176 : vector<16xf32>
      %get3A_1178 = arith.constant 93 : i32
      %get3A_1179 = arith.index_cast %get3A_1178 : i32 to index
      %get3A_1180 = arith.constant 0 : index
      %get3A_1181 = tpu.vector_load %arg7[%get3A_1179, %get3A_1180] {strides = array<i32>} : memref<128x32xf32, #tpu.memory_space<vmem>>, vector<1x16xf32>,
      %get3A_1182 = vector.shape_cast %get3A_1181 : vector<1x16xf32> to vector<16xf32>
      %add3A_1183 = arith.addf %add3A_1135, %get3A_1182 : vector<16xf32>
      %get3A_1184 = arith.constant 93 : i32
      %get3A_1185 = arith.index_cast %get3A_1184 : i32 to index
      %get3A_1186 = arith.constant 16 : index
      %get3A_1187 = tpu.vector_load %arg7[%get3A_1185, %get3A_1186] {strides = array<i32>} : memref<128x32xf32, #tpu.memory_space<vmem>>, vector<1x16xf32>,
      %get3A_1188 = vector.shape_cast %get3A_1187 : vector<1x16xf32> to vector<16xf32>
      %add3A_1189 = arith.addf %add3A_1141, %get3A_1188 : vector<16xf32>
      %get3A_1190 = arith.constant 94 : i32
      %get3A_1191 = arith.index_cast %get3A_1190 : i32 to index
      %get3A_1192 = arith.constant 0 : index
      %get3A_1193 = tpu.vector_load %arg7[%get3A_1191, %get3A_1192] {strides = array<i32>} : memref<128x32xf32, #tpu.memory_space<vmem>>, vector<1x16xf32>,
      %get3A_1194 = vector.shape_cast %get3A_1193 : vector<1x16xf32> to vector<16xf32>
      %add3A_1195 = arith.addf %add3A_1147, %get3A_1194 : vector<16xf32>
      %get3A_1196 = arith.constant 94 : i32
      %get3A_1197 = arith.index_cast %get3A_1196 : i32 to index
      %get3A_1198 = arith.constant 16 : index
      %get3A_1199 = tpu.vector_load %arg7[%get3A_1197, %get3A_1198] {strides = array<i32>} : memref<128x32xf32, #tpu.memory_space<vmem>>, vector<1x16xf32>,
      %get3A_1200 = vector.shape_cast %get3A_1199 : vector<1x16xf32> to vector<16xf32>
      %add3A_1201 = arith.addf %add3A_1153, %get3A_1200 : vector<16xf32>
      %get3A_1202 = arith.constant 95 : i32
      %get3A_1203 = arith.index_cast %get3A_1202 : i32 to index
      %get3A_1204 = arith.constant 0 : index
      %get3A_1205 = tpu.vector_load %arg7[%get3A_1203, %get3A_1204] {strides = array<i32>} : memref<128x32xf32, #tpu.memory_space<vmem>>, vector<1x16xf32>,
      %get3A_1206 = vector.shape_cast %get3A_1205 : vector<1x16xf32> to vector<16xf32>
      %add3A_1207 = arith.addf %add3A_1159, %get3A_1206 : vector<16xf32>
      %get3A_1208 = arith.constant 95 : i32
      %get3A_1209 = arith.index_cast %get3A_1208 : i32 to index
      %get3A_1210 = arith.constant 16 : index
      %get3A_1211 = tpu.vector_load %arg7[%get3A_1209, %get3A_1210] {strides = array<i32>} : memref<128x32xf32, #tpu.memory_space<vmem>>, vector<1x16xf32>,
      %get3A_1212 = vector.shape_cast %get3A_1211 : vector<1x16xf32> to vector<16xf32>
      %add3A_1213 = arith.addf %add3A_1165, %get3A_1212 : vector<16xf32>
      %get3A_1214 = arith.constant 96 : i32
      %get3A_1215 = arith.index_cast %get3A_1214 : i32 to index
      %get3A_1216 = arith.constant 0 : index
      %get3A_1217 = tpu.vector_load %arg7[%get3A_1215, %get3A_1216] {strides = array<i32>} : memref<128x32xf32, #tpu.memory_space<vmem>>, vector<1x16xf32>,
      %get3A_1218 = vector.shape_cast %get3A_1217 : vector<1x16xf32> to vector<16xf32>
      %add3A_1219 = arith.addf %add3A_1171, %get3A_1218 : vector<16xf32>
      %get3A_1220 = arith.constant 96 : i32
      %get3A_1221 = arith.index_cast %get3A_1220 : i32 to index
      %get3A_1222 = arith.constant 16 : index
      %get3A_1223 = tpu.vector_load %arg7[%get3A_1221, %get3A_1222] {strides = array<i32>} : memref<128x32xf32, #tpu.memory_space<vmem>>, vector<1x16xf32>,
      %get3A_1224 = vector.shape_cast %get3A_1223 : vector<1x16xf32> to vector<16xf32>
      %add3A_1225 = arith.addf %add3A_1177, %get3A_1224 : vector<16xf32>
      %get3A_1226 = arith.constant 97 : i32
      %get3A_1227 = arith.index_cast %get3A_1226 : i32 to index
      %get3A_1228 = arith.constant 0 : index
      %get3A_1229 = tpu.vector_load %arg7[%get3A_1227, %get3A_1228] {strides = array<i32>} : memref<128x32xf32, #tpu.memory_space<vmem>>, vector<1x16xf32>,
      %get3A_1230 = vector.shape_cast %get3A_1229 : vector<1x16xf32> to vector<16xf32>
      %add3A_1231 = arith.addf %add3A_1183, %get3A_1230 : vector<16xf32>
      %get3A_1232 = arith.constant 97 : i32
      %get3A_1233 = arith.index_cast %get3A_1232 : i32 to index
      %get3A_1234 = arith.constant 16 : index
      %get3A_1235 = tpu.vector_load %arg7[%get3A_1233, %get3A_1234] {strides = array<i32>} : memref<128x32xf32, #tpu.memory_space<vmem>>, vector<1x16xf32>,
      %get3A_1236 = vector.shape_cast %get3A_1235 : vector<1x16xf32> to vector<16xf32>
      %add3A_1237 = arith.addf %add3A_1189, %get3A_1236 : vector<16xf32>
      %get3A_1238 = arith.constant 98 : i32
      %get3A_1239 = arith.index_cast %get3A_1238 : i32 to index
      %get3A_1240 = arith.constant 0 : index
      %get3A_1241 = tpu.vector_load %arg7[%get3A_1239, %get3A_1240] {strides = array<i32>} : memref<128x32xf32, #tpu.memory_space<vmem>>, vector<1x16xf32>,
      %get3A_1242 = vector.shape_cast %get3A_1241 : vector<1x16xf32> to vector<16xf32>
      %add3A_1243 = arith.addf %add3A_1195, %get3A_1242 : vector<16xf32>
      %get3A_1244 = arith.constant 98 : i32
      %get3A_1245 = arith.index_cast %get3A_1244 : i32 to index
      %get3A_1246 = arith.constant 16 : index
      %get3A_1247 = tpu.vector_load %arg7[%get3A_1245, %get3A_1246] {strides = array<i32>} : memref<128x32xf32, #tpu.memory_space<vmem>>, vector<1x16xf32>,
      %get3A_1248 = vector.shape_cast %get3A_1247 : vector<1x16xf32> to vector<16xf32>
      %add3A_1249 = arith.addf %add3A_1201, %get3A_1248 : vector<16xf32>
      %get3A_1250 = arith.constant 99 : i32
      %get3A_1251 = arith.index_cast %get3A_1250 : i32 to index
      %get3A_1252 = arith.constant 0 : index
      %get3A_1253 = tpu.vector_load %arg7[%get3A_1251, %get3A_1252] {strides = array<i32>} : memref<128x32xf32, #tpu.memory_space<vmem>>, vector<1x16xf32>,
      %get3A_1254 = vector.shape_cast %get3A_1253 : vector<1x16xf32> to vector<16xf32>
      %add3A_1255 = arith.addf %add3A_1207, %get3A_1254 : vector<16xf32>
      %get3A_1256 = arith.constant 99 : i32
      %get3A_1257 = arith.index_cast %get3A_1256 : i32 to index
      %get3A_1258 = arith.constant 16 : index
      %get3A_1259 = tpu.vector_load %arg7[%get3A_1257, %get3A_1258] {strides = array<i32>} : memref<128x32xf32, #tpu.memory_space<vmem>>, vector<1x16xf32>,
      %get3A_1260 = vector.shape_cast %get3A_1259 : vector<1x16xf32> to vector<16xf32>
      %add3A_1261 = arith.addf %add3A_1213, %get3A_1260 : vector<16xf32>
      %get3A_1262 = arith.constant 100 : i32
      %get3A_1263 = arith.index_cast %get3A_1262 : i32 to index
      %get3A_1264 = arith.constant 0 : index
      %get3A_1265 = tpu.vector_load %arg7[%get3A_1263, %get3A_1264] {strides = array<i32>} : memref<128x32xf32, #tpu.memory_space<vmem>>, vector<1x16xf32>,
      %get3A_1266 = vector.shape_cast %get3A_1265 : vector<1x16xf32> to vector<16xf32>
      %add3A_1267 = arith.addf %add3A_1219, %get3A_1266 : vector<16xf32>
      %get3A_1268 = arith.constant 100 : i32
      %get3A_1269 = arith.index_cast %get3A_1268 : i32 to index
      %get3A_1270 = arith.constant 16 : index
      %get3A_1271 = tpu.vector_load %arg7[%get3A_1269, %get3A_1270] {strides = array<i32>} : memref<128x32xf32, #tpu.memory_space<vmem>>, vector<1x16xf32>,
      %get3A_1272 = vector.shape_cast %get3A_1271 : vector<1x16xf32> to vector<16xf32>
      %add3A_1273 = arith.addf %add3A_1225, %get3A_1272 : vector<16xf32>
      %get3A_1274 = arith.constant 101 : i32
      %get3A_1275 = arith.index_cast %get3A_1274 : i32 to index
      %get3A_1276 = arith.constant 0 : index
      %get3A_1277 = tpu.vector_load %arg7[%get3A_1275, %get3A_1276] {strides = array<i32>} : memref<128x32xf32, #tpu.memory_space<vmem>>, vector<1x16xf32>,
      %get3A_1278 = vector.shape_cast %get3A_1277 : vector<1x16xf32> to vector<16xf32>
      %add3A_1279 = arith.addf %add3A_1231, %get3A_1278 : vector<16xf32>
      %get3A_1280 = arith.constant 101 : i32
      %get3A_1281 = arith.index_cast %get3A_1280 : i32 to index
      %get3A_1282 = arith.constant 16 : index
      %get3A_1283 = tpu.vector_load %arg7[%get3A_1281, %get3A_1282] {strides = array<i32>} : memref<128x32xf32, #tpu.memory_space<vmem>>, vector<1x16xf32>,
      %get3A_1284 = vector.shape_cast %get3A_1283 : vector<1x16xf32> to vector<16xf32>
      %add3A_1285 = arith.addf %add3A_1237, %get3A_1284 : vector<16xf32>
      %get3A_1286 = arith.constant 102 : i32
      %get3A_1287 = arith.index_cast %get3A_1286 : i32 to index
      %get3A_1288 = arith.constant 0 : index
      %get3A_1289 = tpu.vector_load %arg7[%get3A_1287, %get3A_1288] {strides = array<i32>} : memref<128x32xf32, #tpu.memory_space<vmem>>, vector<1x16xf32>,
      %get3A_1290 = vector.shape_cast %get3A_1289 : vector<1x16xf32> to vector<16xf32>
      %add3A_1291 = arith.addf %add3A_1243, %get3A_1290 : vector<16xf32>
      %get3A_1292 = arith.constant 102 : i32
      %get3A_1293 = arith.index_cast %get3A_1292 : i32 to index
      %get3A_1294 = arith.constant 16 : index
      %get3A_1295 = tpu.vector_load %arg7[%get3A_1293, %get3A_1294] {strides = array<i32>} : memref<128x32xf32, #tpu.memory_space<vmem>>, vector<1x16xf32>,
      %get3A_1296 = vector.shape_cast %get3A_1295 : vector<1x16xf32> to vector<16xf32>
      %add3A_1297 = arith.addf %add3A_1249, %get3A_1296 : vector<16xf32>
      %get3A_1298 = arith.constant 103 : i32
      %get3A_1299 = arith.index_cast %get3A_1298 : i32 to index
      %get3A_1300 = arith.constant 0 : index
      %get3A_1301 = tpu.vector_load %arg7[%get3A_1299, %get3A_1300] {strides = array<i32>} : memref<128x32xf32, #tpu.memory_space<vmem>>, vector<1x16xf32>,
      %get3A_1302 = vector.shape_cast %get3A_1301 : vector<1x16xf32> to vector<16xf32>
      %add3A_1303 = arith.addf %add3A_1255, %get3A_1302 : vector<16xf32>
      %get3A_1304 = arith.constant 103 : i32
      %get3A_1305 = arith.index_cast %get3A_1304 : i32 to index
      %get3A_1306 = arith.constant 16 : index
      %get3A_1307 = tpu.vector_load %arg7[%get3A_1305, %get3A_1306] {strides = array<i32>} : memref<128x32xf32, #tpu.memory_space<vmem>>, vector<1x16xf32>,
      %get3A_1308 = vector.shape_cast %get3A_1307 : vector<1x16xf32> to vector<16xf32>
      %add3A_1309 = arith.addf %add3A_1261, %get3A_1308 : vector<16xf32>
      %get3A_1310 = arith.constant 104 : i32
      %get3A_1311 = arith.index_cast %get3A_1310 : i32 to index
      %get3A_1312 = arith.constant 0 : index
      %get3A_1313 = tpu.vector_load %arg7[%get3A_1311, %get3A_1312] {strides = array<i32>} : memref<128x32xf32, #tpu.memory_space<vmem>>, vector<1x16xf32>,
      %get3A_1314 = vector.shape_cast %get3A_1313 : vector<1x16xf32> to vector<16xf32>
      %add3A_1315 = arith.addf %add3A_1267, %get3A_1314 : vector<16xf32>
      %get3A_1316 = arith.constant 104 : i32
      %get3A_1317 = arith.index_cast %get3A_1316 : i32 to index
      %get3A_1318 = arith.constant 16 : index
      %get3A_1319 = tpu.vector_load %arg7[%get3A_1317, %get3A_1318] {strides = array<i32>} : memref<128x32xf32, #tpu.memory_space<vmem>>, vector<1x16xf32>,
      %get3A_1320 = vector.shape_cast %get3A_1319 : vector<1x16xf32> to vector<16xf32>
      %add3A_1321 = arith.addf %add3A_1273, %get3A_1320 : vector<16xf32>
      %get3A_1322 = arith.constant 105 : i32
      %get3A_1323 = arith.index_cast %get3A_1322 : i32 to index
      %get3A_1324 = arith.constant 0 : index
      %get3A_1325 = tpu.vector_load %arg7[%get3A_1323, %get3A_1324] {strides = array<i32>} : memref<128x32xf32, #tpu.memory_space<vmem>>, vector<1x16xf32>,
      %get3A_1326 = vector.shape_cast %get3A_1325 : vector<1x16xf32> to vector<16xf32>
      %add3A_1327 = arith.addf %add3A_1279, %get3A_1326 : vector<16xf32>
      %get3A_1328 = arith.constant 105 : i32
      %get3A_1329 = arith.index_cast %get3A_1328 : i32 to index
      %get3A_1330 = arith.constant 16 : index
      %get3A_1331 = tpu.vector_load %arg7[%get3A_1329, %get3A_1330] {strides = array<i32>} : memref<128x32xf32, #tpu.memory_space<vmem>>, vector<1x16xf32>,
      %get3A_1332 = vector.shape_cast %get3A_1331 : vector<1x16xf32> to vector<16xf32>
      %add3A_1333 = arith.addf %add3A_1285, %get3A_1332 : vector<16xf32>
      %get3A_1334 = arith.constant 106 : i32
      %get3A_1335 = arith.index_cast %get3A_1334 : i32 to index
      %get3A_1336 = arith.constant 0 : index
      %get3A_1337 = tpu.vector_load %arg7[%get3A_1335, %get3A_1336] {strides = array<i32>} : memref<128x32xf32, #tpu.memory_space<vmem>>, vector<1x16xf32>,
      %get3A_1338 = vector.shape_cast %get3A_1337 : vector<1x16xf32> to vector<16xf32>
      %add3A_1339 = arith.addf %add3A_1291, %get3A_1338 : vector<16xf32>
      %get3A_1340 = arith.constant 106 : i32
      %get3A_1341 = arith.index_cast %get3A_1340 : i32 to index
      %get3A_1342 = arith.constant 16 : index
      %get3A_1343 = tpu.vector_load %arg7[%get3A_1341, %get3A_1342] {strides = array<i32>} : memref<128x32xf32, #tpu.memory_space<vmem>>, vector<1x16xf32>,
      %get3A_1344 = vector.shape_cast %get3A_1343 : vector<1x16xf32> to vector<16xf32>
      %add3A_1345 = arith.addf %add3A_1297, %get3A_1344 : vector<16xf32>
      %get3A_1346 = arith.constant 107 : i32
      %get3A_1347 = arith.index_cast %get3A_1346 : i32 to index
      %get3A_1348 = arith.constant 0 : index
      %get3A_1349 = tpu.vector_load %arg7[%get3A_1347, %get3A_1348] {strides = array<i32>} : memref<128x32xf32, #tpu.memory_space<vmem>>, vector<1x16xf32>,
      %get3A_1350 = vector.shape_cast %get3A_1349 : vector<1x16xf32> to vector<16xf32>
      %add3A_1351 = arith.addf %add3A_1303, %get3A_1350 : vector<16xf32>
      %get3A_1352 = arith.constant 107 : i32
      %get3A_1353 = arith.index_cast %get3A_1352 : i32 to index
      %get3A_1354 = arith.constant 16 : index
      %get3A_1355 = tpu.vector_load %arg7[%get3A_1353, %get3A_1354] {strides = array<i32>} : memref<128x32xf32, #tpu.memory_space<vmem>>, vector<1x16xf32>,
      %get3A_1356 = vector.shape_cast %get3A_1355 : vector<1x16xf32> to vector<16xf32>
      %add3A_1357 = arith.addf %add3A_1309, %get3A_1356 : vector<16xf32>
      %get3A_1358 = arith.constant 108 : i32
      %get3A_1359 = arith.index_cast %get3A_1358 : i32 to index
      %get3A_1360 = arith.constant 0 : index
      %get3A_1361 = tpu.vector_load %arg7[%get3A_1359, %get3A_1360] {strides = array<i32>} : memref<128x32xf32, #tpu.memory_space<vmem>>, vector<1x16xf32>,
      %get3A_1362 = vector.shape_cast %get3A_1361 : vector<1x16xf32> to vector<16xf32>
      %add3A_1363 = arith.addf %add3A_1315, %get3A_1362 : vector<16xf32>
      %get3A_1364 = arith.constant 108 : i32
      %get3A_1365 = arith.index_cast %get3A_1364 : i32 to index
      %get3A_1366 = arith.constant 16 : index
      %get3A_1367 = tpu.vector_load %arg7[%get3A_1365, %get3A_1366] {strides = array<i32>} : memref<128x32xf32, #tpu.memory_space<vmem>>, vector<1x16xf32>,
      %get3A_1368 = vector.shape_cast %get3A_1367 : vector<1x16xf32> to vector<16xf32>
      %add3A_1369 = arith.addf %add3A_1321, %get3A_1368 : vector<16xf32>
      %get3A_1370 = arith.constant 109 : i32
      %get3A_1371 = arith.index_cast %get3A_1370 : i32 to index
      %get3A_1372 = arith.constant 0 : index
      %get3A_1373 = tpu.vector_load %arg7[%get3A_1371, %get3A_1372] {strides = array<i32>} : memref<128x32xf32, #tpu.memory_space<vmem>>, vector<1x16xf32>,
      %get3A_1374 = vector.shape_cast %get3A_1373 : vector<1x16xf32> to vector<16xf32>
      %add3A_1375 = arith.addf %add3A_1327, %get3A_1374 : vector<16xf32>
      %get3A_1376 = arith.constant 109 : i32
      %get3A_1377 = arith.index_cast %get3A_1376 : i32 to index
      %get3A_1378 = arith.constant 16 : index
      %get3A_1379 = tpu.vector_load %arg7[%get3A_1377, %get3A_1378] {strides = array<i32>} : memref<128x32xf32, #tpu.memory_space<vmem>>, vector<1x16xf32>,
      %get3A_1380 = vector.shape_cast %get3A_1379 : vector<1x16xf32> to vector<16xf32>
      %add3A_1381 = arith.addf %add3A_1333, %get3A_1380 : vector<16xf32>
      %get3A_1382 = arith.constant 110 : i32
      %get3A_1383 = arith.index_cast %get3A_1382 : i32 to index
      %get3A_1384 = arith.constant 0 : index
      %get3A_1385 = tpu.vector_load %arg7[%get3A_1383, %get3A_1384] {strides = array<i32>} : memref<128x32xf32, #tpu.memory_space<vmem>>, vector<1x16xf32>,
      %get3A_1386 = vector.shape_cast %get3A_1385 : vector<1x16xf32> to vector<16xf32>
      %add3A_1387 = arith.addf %add3A_1339, %get3A_1386 : vector<16xf32>
      %get3A_1388 = arith.constant 110 : i32
      %get3A_1389 = arith.index_cast %get3A_1388 : i32 to index
      %get3A_1390 = arith.constant 16 : index
      %get3A_1391 = tpu.vector_load %arg7[%get3A_1389, %get3A_1390] {strides = array<i32>} : memref<128x32xf32, #tpu.memory_space<vmem>>, vector<1x16xf32>,
      %get3A_1392 = vector.shape_cast %get3A_1391 : vector<1x16xf32> to vector<16xf32>
      %add3A_1393 = arith.addf %add3A_1345, %get3A_1392 : vector<16xf32>
      %get3A_1394 = arith.constant 111 : i32
      %get3A_1395 = arith.index_cast %get3A_1394 : i32 to index
      %get3A_1396 = arith.constant 0 : index
      %get3A_1397 = tpu.vector_load %arg7[%get3A_1395, %get3A_1396] {strides = array<i32>} : memref<128x32xf32, #tpu.memory_space<vmem>>, vector<1x16xf32>,
      %get3A_1398 = vector.shape_cast %get3A_1397 : vector<1x16xf32> to vector<16xf32>
      %add3A_1399 = arith.addf %add3A_1351, %get3A_1398 : vector<16xf32>
      %get3A_1400 = arith.constant 111 : i32
      %get3A_1401 = arith.index_cast %get3A_1400 : i32 to index
      %get3A_1402 = arith.constant 16 : index
      %get3A_1403 = tpu.vector_load %arg7[%get3A_1401, %get3A_1402] {strides = array<i32>} : memref<128x32xf32, #tpu.memory_space<vmem>>, vector<1x16xf32>,
      %get3A_1404 = vector.shape_cast %get3A_1403 : vector<1x16xf32> to vector<16xf32>
      %add3A_1405 = arith.addf %add3A_1357, %get3A_1404 : vector<16xf32>
      %get3A_1406 = arith.constant 112 : i32
      %get3A_1407 = arith.index_cast %get3A_1406 : i32 to index
      %get3A_1408 = arith.constant 0 : index
      %get3A_1409 = tpu.vector_load %arg7[%get3A_1407, %get3A_1408] {strides = array<i32>} : memref<128x32xf32, #tpu.memory_space<vmem>>, vector<1x16xf32>,
      %get3A_1410 = vector.shape_cast %get3A_1409 : vector<1x16xf32> to vector<16xf32>
      %add3A_1411 = arith.addf %add3A_1363, %get3A_1410 : vector<16xf32>
      %get3A_1412 = arith.constant 112 : i32
      %get3A_1413 = arith.index_cast %get3A_1412 : i32 to index
      %get3A_1414 = arith.constant 16 : index
      %get3A_1415 = tpu.vector_load %arg7[%get3A_1413, %get3A_1414] {strides = array<i32>} : memref<128x32xf32, #tpu.memory_space<vmem>>, vector<1x16xf32>,
      %get3A_1416 = vector.shape_cast %get3A_1415 : vector<1x16xf32> to vector<16xf32>
      %add3A_1417 = arith.addf %add3A_1369, %get3A_1416 : vector<16xf32>
      %get3A_1418 = arith.constant 113 : i32
      %get3A_1419 = arith.index_cast %get3A_1418 : i32 to index
      %get3A_1420 = arith.constant 0 : index
      %get3A_1421 = tpu.vector_load %arg7[%get3A_1419, %get3A_1420] {strides = array<i32>} : memref<128x32xf32, #tpu.memory_space<vmem>>, vector<1x16xf32>,
      %get3A_1422 = vector.shape_cast %get3A_1421 : vector<1x16xf32> to vector<16xf32>
      %add3A_1423 = arith.addf %add3A_1375, %get3A_1422 : vector<16xf32>
      %get3A_1424 = arith.constant 113 : i32
      %get3A_1425 = arith.index_cast %get3A_1424 : i32 to index
      %get3A_1426 = arith.constant 16 : index
      %get3A_1427 = tpu.vector_load %arg7[%get3A_1425, %get3A_1426] {strides = array<i32>} : memref<128x32xf32, #tpu.memory_space<vmem>>, vector<1x16xf32>,
      %get3A_1428 = vector.shape_cast %get3A_1427 : vector<1x16xf32> to vector<16xf32>
      %add3A_1429 = arith.addf %add3A_1381, %get3A_1428 : vector<16xf32>
      %get3A_1430 = arith.constant 114 : i32
      %get3A_1431 = arith.index_cast %get3A_1430 : i32 to index
      %get3A_1432 = arith.constant 0 : index
      %get3A_1433 = tpu.vector_load %arg7[%get3A_1431, %get3A_1432] {strides = array<i32>} : memref<128x32xf32, #tpu.memory_space<vmem>>, vector<1x16xf32>,
      %get3A_1434 = vector.shape_cast %get3A_1433 : vector<1x16xf32> to vector<16xf32>
      %add3A_1435 = arith.addf %add3A_1387, %get3A_1434 : vector<16xf32>
      %get3A_1436 = arith.constant 114 : i32
      %get3A_1437 = arith.index_cast %get3A_1436 : i32 to index
      %get3A_1438 = arith.constant 16 : index
      %get3A_1439 = tpu.vector_load %arg7[%get3A_1437, %get3A_1438] {strides = array<i32>} : memref<128x32xf32, #tpu.memory_space<vmem>>, vector<1x16xf32>,
      %get3A_1440 = vector.shape_cast %get3A_1439 : vector<1x16xf32> to vector<16xf32>
      %add3A_1441 = arith.addf %add3A_1393, %get3A_1440 : vector<16xf32>
      %get3A_1442 = arith.constant 115 : i32
      %get3A_1443 = arith.index_cast %get3A_1442 : i32 to index
      %get3A_1444 = arith.constant 0 : index
      %get3A_1445 = tpu.vector_load %arg7[%get3A_1443, %get3A_1444] {strides = array<i32>} : memref<128x32xf32, #tpu.memory_space<vmem>>, vector<1x16xf32>,
      %get3A_1446 = vector.shape_cast %get3A_1445 : vector<1x16xf32> to vector<16xf32>
      %add3A_1447 = arith.addf %add3A_1399, %get3A_1446 : vector<16xf32>
      %get3A_1448 = arith.constant 115 : i32
      %get3A_1449 = arith.index_cast %get3A_1448 : i32 to index
      %get3A_1450 = arith.constant 16 : index
      %get3A_1451 = tpu.vector_load %arg7[%get3A_1449, %get3A_1450] {strides = array<i32>} : memref<128x32xf32, #tpu.memory_space<vmem>>, vector<1x16xf32>,
      %get3A_1452 = vector.shape_cast %get3A_1451 : vector<1x16xf32> to vector<16xf32>
      %add3A_1453 = arith.addf %add3A_1405, %get3A_1452 : vector<16xf32>
      %get3A_1454 = arith.constant 116 : i32
      %get3A_1455 = arith.index_cast %get3A_1454 : i32 to index
      %get3A_1456 = arith.constant 0 : index
      %get3A_1457 = tpu.vector_load %arg7[%get3A_1455, %get3A_1456] {strides = array<i32>} : memref<128x32xf32, #tpu.memory_space<vmem>>, vector<1x16xf32>,
      %get3A_1458 = vector.shape_cast %get3A_1457 : vector<1x16xf32> to vector<16xf32>
      %add3A_1459 = arith.addf %add3A_1411, %get3A_1458 : vector<16xf32>
      %get3A_1460 = arith.constant 116 : i32
      %get3A_1461 = arith.index_cast %get3A_1460 : i32 to index
      %get3A_1462 = arith.constant 16 : index
      %get3A_1463 = tpu.vector_load %arg7[%get3A_1461, %get3A_1462] {strides = array<i32>} : memref<128x32xf32, #tpu.memory_space<vmem>>, vector<1x16xf32>,
      %get3A_1464 = vector.shape_cast %get3A_1463 : vector<1x16xf32> to vector<16xf32>
      %add3A_1465 = arith.addf %add3A_1417, %get3A_1464 : vector<16xf32>
      %get3A_1466 = arith.constant 117 : i32
      %get3A_1467 = arith.index_cast %get3A_1466 : i32 to index
      %get3A_1468 = arith.constant 0 : index
      %get3A_1469 = tpu.vector_load %arg7[%get3A_1467, %get3A_1468] {strides = array<i32>} : memref<128x32xf32, #tpu.memory_space<vmem>>, vector<1x16xf32>,
      %get3A_1470 = vector.shape_cast %get3A_1469 : vector<1x16xf32> to vector<16xf32>
      %add3A_1471 = arith.addf %add3A_1423, %get3A_1470 : vector<16xf32>
      %get3A_1472 = arith.constant 117 : i32
      %get3A_1473 = arith.index_cast %get3A_1472 : i32 to index
      %get3A_1474 = arith.constant 16 : index
      %get3A_1475 = tpu.vector_load %arg7[%get3A_1473, %get3A_1474] {strides = array<i32>} : memref<128x32xf32, #tpu.memory_space<vmem>>, vector<1x16xf32>,
      %get3A_1476 = vector.shape_cast %get3A_1475 : vector<1x16xf32> to vector<16xf32>
      %add3A_1477 = arith.addf %add3A_1429, %get3A_1476 : vector<16xf32>
      %get3A_1478 = arith.constant 118 : i32
      %get3A_1479 = arith.index_cast %get3A_1478 : i32 to index
      %get3A_1480 = arith.constant 0 : index
      %get3A_1481 = tpu.vector_load %arg7[%get3A_1479, %get3A_1480] {strides = array<i32>} : memref<128x32xf32, #tpu.memory_space<vmem>>, vector<1x16xf32>,
      %get3A_1482 = vector.shape_cast %get3A_1481 : vector<1x16xf32> to vector<16xf32>
      %add3A_1483 = arith.addf %add3A_1435, %get3A_1482 : vector<16xf32>
      %get3A_1484 = arith.constant 118 : i32
      %get3A_1485 = arith.index_cast %get3A_1484 : i32 to index
      %get3A_1486 = arith.constant 16 : index
      %get3A_1487 = tpu.vector_load %arg7[%get3A_1485, %get3A_1486] {strides = array<i32>} : memref<128x32xf32, #tpu.memory_space<vmem>>, vector<1x16xf32>,
      %get3A_1488 = vector.shape_cast %get3A_1487 : vector<1x16xf32> to vector<16xf32>
      %add3A_1489 = arith.addf %add3A_1441, %get3A_1488 : vector<16xf32>
      %get3A_1490 = arith.constant 119 : i32
      %get3A_1491 = arith.index_cast %get3A_1490 : i32 to index
      %get3A_1492 = arith.constant 0 : index
      %get3A_1493 = tpu.vector_load %arg7[%get3A_1491, %get3A_1492] {strides = array<i32>} : memref<128x32xf32, #tpu.memory_space<vmem>>, vector<1x16xf32>,
      %get3A_1494 = vector.shape_cast %get3A_1493 : vector<1x16xf32> to vector<16xf32>
      %add3A_1495 = arith.addf %add3A_1447, %get3A_1494 : vector<16xf32>
      %get3A_1496 = arith.constant 119 : i32
      %get3A_1497 = arith.index_cast %get3A_1496 : i32 to index
      %get3A_1498 = arith.constant 16 : index
      %get3A_1499 = tpu.vector_load %arg7[%get3A_1497, %get3A_1498] {strides = array<i32>} : memref<128x32xf32, #tpu.memory_space<vmem>>, vector<1x16xf32>,
      %get3A_1500 = vector.shape_cast %get3A_1499 : vector<1x16xf32> to vector<16xf32>
      %add3A_1501 = arith.addf %add3A_1453, %get3A_1500 : vector<16xf32>
      %get3A_1502 = arith.constant 120 : i32
      %get3A_1503 = arith.index_cast %get3A_1502 : i32 to index
      %get3A_1504 = arith.constant 0 : index
      %get3A_1505 = tpu.vector_load %arg7[%get3A_1503, %get3A_1504] {strides = array<i32>} : memref<128x32xf32, #tpu.memory_space<vmem>>, vector<1x16xf32>,
      %get3A_1506 = vector.shape_cast %get3A_1505 : vector<1x16xf32> to vector<16xf32>
      %add3A_1507 = arith.addf %add3A_1459, %get3A_1506 : vector<16xf32>
      %get3A_1508 = arith.constant 120 : i32
      %get3A_1509 = arith.index_cast %get3A_1508 : i32 to index
      %get3A_1510 = arith.constant 16 : index
      %get3A_1511 = tpu.vector_load %arg7[%get3A_1509, %get3A_1510] {strides = array<i32>} : memref<128x32xf32, #tpu.memory_space<vmem>>, vector<1x16xf32>,
      %get3A_1512 = vector.shape_cast %get3A_1511 : vector<1x16xf32> to vector<16xf32>
      %add3A_1513 = arith.addf %add3A_1465, %get3A_1512 : vector<16xf32>
      %get3A_1514 = arith.constant 121 : i32
      %get3A_1515 = arith.index_cast %get3A_1514 : i32 to index
      %get3A_1516 = arith.constant 0 : index
      %get3A_1517 = tpu.vector_load %arg7[%get3A_1515, %get3A_1516] {strides = array<i32>} : memref<128x32xf32, #tpu.memory_space<vmem>>, vector<1x16xf32>,
      %get3A_1518 = vector.shape_cast %get3A_1517 : vector<1x16xf32> to vector<16xf32>
      %add3A_1519 = arith.addf %add3A_1471, %get3A_1518 : vector<16xf32>
      %get3A_1520 = arith.constant 121 : i32
      %get3A_1521 = arith.index_cast %get3A_1520 : i32 to index
      %get3A_1522 = arith.constant 16 : index
      %get3A_1523 = tpu.vector_load %arg7[%get3A_1521, %get3A_1522] {strides = array<i32>} : memref<128x32xf32, #tpu.memory_space<vmem>>, vector<1x16xf32>,
      %get3A_1524 = vector.shape_cast %get3A_1523 : vector<1x16xf32> to vector<16xf32>
      %add3A_1525 = arith.addf %add3A_1477, %get3A_1524 : vector<16xf32>
      %get3A_1526 = arith.constant 122 : i32
      %get3A_1527 = arith.index_cast %get3A_1526 : i32 to index
      %get3A_1528 = arith.constant 0 : index
      %get3A_1529 = tpu.vector_load %arg7[%get3A_1527, %get3A_1528] {strides = array<i32>} : memref<128x32xf32, #tpu.memory_space<vmem>>, vector<1x16xf32>,
      %get3A_1530 = vector.shape_cast %get3A_1529 : vector<1x16xf32> to vector<16xf32>
      %add3A_1531 = arith.addf %add3A_1483, %get3A_1530 : vector<16xf32>
      %get3A_1532 = arith.constant 122 : i32
      %get3A_1533 = arith.index_cast %get3A_1532 : i32 to index
      %get3A_1534 = arith.constant 16 : index
      %get3A_1535 = tpu.vector_load %arg7[%get3A_1533, %get3A_1534] {strides = array<i32>} : memref<128x32xf32, #tpu.memory_space<vmem>>, vector<1x16xf32>,
      %get3A_1536 = vector.shape_cast %get3A_1535 : vector<1x16xf32> to vector<16xf32>
      %add3A_1537 = arith.addf %add3A_1489, %get3A_1536 : vector<16xf32>
      %get3A_1538 = arith.constant 123 : i32
      %get3A_1539 = arith.index_cast %get3A_1538 : i32 to index
      %get3A_1540 = arith.constant 0 : index
      %get3A_1541 = tpu.vector_load %arg7[%get3A_1539, %get3A_1540] {strides = array<i32>} : memref<128x32xf32, #tpu.memory_space<vmem>>, vector<1x16xf32>,
      %get3A_1542 = vector.shape_cast %get3A_1541 : vector<1x16xf32> to vector<16xf32>
      %add3A_1543 = arith.addf %add3A_1495, %get3A_1542 : vector<16xf32>
      %get3A_1544 = arith.constant 123 : i32
      %get3A_1545 = arith.index_cast %get3A_1544 : i32 to index
      %get3A_1546 = arith.constant 16 : index
      %get3A_1547 = tpu.vector_load %arg7[%get3A_1545, %get3A_1546] {strides = array<i32>} : memref<128x32xf32, #tpu.memory_space<vmem>>, vector<1x16xf32>,
      %get3A_1548 = vector.shape_cast %get3A_1547 : vector<1x16xf32> to vector<16xf32>
      %add3A_1549 = arith.addf %add3A_1501, %get3A_1548 : vector<16xf32>
      %get3A_1550 = arith.constant 124 : i32
      %get3A_1551 = arith.index_cast %get3A_1550 : i32 to index
      %get3A_1552 = arith.constant 0 : index
      %get3A_1553 = tpu.vector_load %arg7[%get3A_1551, %get3A_1552] {strides = array<i32>} : memref<128x32xf32, #tpu.memory_space<vmem>>, vector<1x16xf32>,
      %get3A_1554 = vector.shape_cast %get3A_1553 : vector<1x16xf32> to vector<16xf32>
      %add3A_1555 = arith.addf %add3A_1507, %get3A_1554 : vector<16xf32>
      %get3A_1556 = arith.constant 124 : i32
      %get3A_1557 = arith.index_cast %get3A_1556 : i32 to index
      %get3A_1558 = arith.constant 16 : index
      %get3A_1559 = tpu.vector_load %arg7[%get3A_1557, %get3A_1558] {strides = array<i32>} : memref<128x32xf32, #tpu.memory_space<vmem>>, vector<1x16xf32>,
      %get3A_1560 = vector.shape_cast %get3A_1559 : vector<1x16xf32> to vector<16xf32>
      %add3A_1561 = arith.addf %add3A_1513, %get3A_1560 : vector<16xf32>
      %get3A_1562 = arith.constant 125 : i32
      %get3A_1563 = arith.index_cast %get3A_1562 : i32 to index
      %get3A_1564 = arith.constant 0 : index
      %get3A_1565 = tpu.vector_load %arg7[%get3A_1563, %get3A_1564] {strides = array<i32>} : memref<128x32xf32, #tpu.memory_space<vmem>>, vector<1x16xf32>,
      %get3A_1566 = vector.shape_cast %get3A_1565 : vector<1x16xf32> to vector<16xf32>
      %add3A_1567 = arith.addf %add3A_1519, %get3A_1566 : vector<16xf32>
      %get3A_1568 = arith.constant 125 : i32
      %get3A_1569 = arith.index_cast %get3A_1568 : i32 to index
      %get3A_1570 = arith.constant 16 : index
      %get3A_1571 = tpu.vector_load %arg7[%get3A_1569, %get3A_1570] {strides = array<i32>} : memref<128x32xf32, #tpu.memory_space<vmem>>, vector<1x16xf32>,
      %get3A_1572 = vector.shape_cast %get3A_1571 : vector<1x16xf32> to vector<16xf32>
      %add3A_1573 = arith.addf %add3A_1525, %get3A_1572 : vector<16xf32>
      %get3A_1574 = arith.constant 126 : i32
      %get3A_1575 = arith.index_cast %get3A_1574 : i32 to index
      %get3A_1576 = arith.constant 0 : index
      %get3A_1577 = tpu.vector_load %arg7[%get3A_1575, %get3A_1576] {strides = array<i32>} : memref<128x32xf32, #tpu.memory_space<vmem>>, vector<1x16xf32>,
      %get3A_1578 = vector.shape_cast %get3A_1577 : vector<1x16xf32> to vector<16xf32>
      %add3A_1579 = arith.addf %add3A_1531, %get3A_1578 : vector<16xf32>
      %get3A_1580 = arith.constant 126 : i32
      %get3A_1581 = arith.index_cast %get3A_1580 : i32 to index
      %get3A_1582 = arith.constant 16 : index
      %get3A_1583 = tpu.vector_load %arg7[%get3A_1581, %get3A_1582] {strides = array<i32>} : memref<128x32xf32, #tpu.memory_space<vmem>>, vector<1x16xf32>,
      %get3A_1584 = vector.shape_cast %get3A_1583 : vector<1x16xf32> to vector<16xf32>
      %add3A_1585 = arith.addf %add3A_1537, %get3A_1584 : vector<16xf32>
      %get3A_1586 = arith.constant 127 : i32
      %get3A_1587 = arith.index_cast %get3A_1586 : i32 to index
      %get3A_1588 = arith.constant 0 : index
      %get3A_1589 = tpu.vector_load %arg7[%get3A_1587, %get3A_1588] {strides = array<i32>} : memref<128x32xf32, #tpu.memory_space<vmem>>, vector<1x16xf32>,
      %get3A_1590 = vector.shape_cast %get3A_1589 : vector<1x16xf32> to vector<16xf32>
      %add3A_1591 = arith.addf %add3A_1543, %get3A_1590 : vector<16xf32>
      %get3A_1592 = arith.constant 127 : i32
      %get3A_1593 = arith.index_cast %get3A_1592 : i32 to index
      %get3A_1594 = arith.constant 16 : index
      %get3A_1595 = tpu.vector_load %arg7[%get3A_1593, %get3A_1594] {strides = array<i32>} : memref<128x32xf32, #tpu.memory_space<vmem>>, vector<1x16xf32>,
      %get3A_1596 = vector.shape_cast %get3A_1595 : vector<1x16xf32> to vector<16xf32>
      %add3A_1597 = arith.addf %add3A_1549, %get3A_1596 : vector<16xf32>
      %dma_wait3A_1598 = arith.constant 0 : i32
      %dma_wait3A_1599 = arith.constant 0 : i32
      %dma_wait3A_1600 = tpu.memref_slice %arg6[%dma_wait3A_1598, %dma_wait3A_1599] : memref<128x72xi32, #tpu.memory_space<vmem>> -> memref<1x72xi32, #tpu.memory_space<vmem>>
      %dma_wait3A_1601 = tpu.memref_squeeze %dma_wait3A_1600 : memref<1x72xi32, #tpu.memory_space<vmem>> -> memref<72xi32, #tpu.memory_space<vmem>>
      %dma_wait3A_1602 = arith.constant 0 : i32
      %dma_wait3A_1603 = arith.constant 0 : i32
      %dma_wait3A_1604 = tpu.memref_slice %arg3[%dma_wait3A_1602, %dma_wait3A_1603] : memref<1000001x32xf32, #tpu.memory_space<hbm>> -> memref<1000001x32xf32, #tpu.memory_space<hbm>>
      tpu.wait_indirect_dma semaphore(%arg14 : memref<!tpu.dma_semaphore, #tpu.memory_space<semaphore_mem>>) src(%dma_wait3A_1604 : memref<1000001x32xf32, #tpu.memory_space<hbm>>) dst(%arg8 : memref<72x32xf32, #tpu.memory_space<vmem>>)
      %get3A_1605 = arith.constant 0 : i32
      %get3A_1606 = arith.index_cast %get3A_1605 : i32 to index
      %get3A_1607 = arith.constant 0 : index
      %get3A_1608 = tpu.vector_load %arg8[%get3A_1606, %get3A_1607] {strides = array<i32>} : memref<72x32xf32, #tpu.memory_space<vmem>>, vector<1x16xf32>,
      %get3A_1609 = vector.shape_cast %get3A_1608 : vector<1x16xf32> to vector<16xf32>
      %add3A_1610 = arith.addf %add3A_1555, %get3A_1609 : vector<16xf32>
      %get3A_1611 = arith.constant 0 : i32
      %get3A_1612 = arith.index_cast %get3A_1611 : i32 to index
      %get3A_1613 = arith.constant 16 : index
      %get3A_1614 = tpu.vector_load %arg8[%get3A_1612, %get3A_1613] {strides = array<i32>} : memref<72x32xf32, #tpu.memory_space<vmem>>, vector<1x16xf32>,
      %get3A_1615 = vector.shape_cast %get3A_1614 : vector<1x16xf32> to vector<16xf32>
      %add3A_1616 = arith.addf %add3A_1561, %get3A_1615 : vector<16xf32>
      %get3A_1617 = arith.constant 1 : i32
      %get3A_1618 = arith.index_cast %get3A_1617 : i32 to index
      %get3A_1619 = arith.constant 0 : index
      %get3A_1620 = tpu.vector_load %arg8[%get3A_1618, %get3A_1619] {strides = array<i32>} : memref<72x32xf32, #tpu.memory_space<vmem>>, vector<1x16xf32>,
      %get3A_1621 = vector.shape_cast %get3A_1620 : vector<1x16xf32> to vector<16xf32>
      %add3A_1622 = arith.addf %add3A_1567, %get3A_1621 : vector<16xf32>
      %get3A_1623 = arith.constant 1 : i32
      %get3A_1624 = arith.index_cast %get3A_1623 : i32 to index
      %get3A_1625 = arith.constant 16 : index
      %get3A_1626 = tpu.vector_load %arg8[%get3A_1624, %get3A_1625] {strides = array<i32>} : memref<72x32xf32, #tpu.memory_space<vmem>>, vector<1x16xf32>,
      %get3A_1627 = vector.shape_cast %get3A_1626 : vector<1x16xf32> to vector<16xf32>
      %add3A_1628 = arith.addf %add3A_1573, %get3A_1627 : vector<16xf32>
      %get3A_1629 = arith.constant 2 : i32
      %get3A_1630 = arith.index_cast %get3A_1629 : i32 to index
      %get3A_1631 = arith.constant 0 : index
      %get3A_1632 = tpu.vector_load %arg8[%get3A_1630, %get3A_1631] {strides = array<i32>} : memref<72x32xf32, #tpu.memory_space<vmem>>, vector<1x16xf32>,
      %get3A_1633 = vector.shape_cast %get3A_1632 : vector<1x16xf32> to vector<16xf32>
      %add3A_1634 = arith.addf %add3A_1579, %get3A_1633 : vector<16xf32>
      %get3A_1635 = arith.constant 2 : i32
      %get3A_1636 = arith.index_cast %get3A_1635 : i32 to index
      %get3A_1637 = arith.constant 16 : index
      %get3A_1638 = tpu.vector_load %arg8[%get3A_1636, %get3A_1637] {strides = array<i32>} : memref<72x32xf32, #tpu.memory_space<vmem>>, vector<1x16xf32>,
      %get3A_1639 = vector.shape_cast %get3A_1638 : vector<1x16xf32> to vector<16xf32>
      %add3A_1640 = arith.addf %add3A_1585, %get3A_1639 : vector<16xf32>
      %get3A_1641 = arith.constant 3 : i32
      %get3A_1642 = arith.index_cast %get3A_1641 : i32 to index
      %get3A_1643 = arith.constant 0 : index
      %get3A_1644 = tpu.vector_load %arg8[%get3A_1642, %get3A_1643] {strides = array<i32>} : memref<72x32xf32, #tpu.memory_space<vmem>>, vector<1x16xf32>,
      %get3A_1645 = vector.shape_cast %get3A_1644 : vector<1x16xf32> to vector<16xf32>
      %add3A_1646 = arith.addf %add3A_1591, %get3A_1645 : vector<16xf32>
      %get3A_1647 = arith.constant 3 : i32
      %get3A_1648 = arith.index_cast %get3A_1647 : i32 to index
      %get3A_1649 = arith.constant 16 : index
      %get3A_1650 = tpu.vector_load %arg8[%get3A_1648, %get3A_1649] {strides = array<i32>} : memref<72x32xf32, #tpu.memory_space<vmem>>, vector<1x16xf32>,
      %get3A_1651 = vector.shape_cast %get3A_1650 : vector<1x16xf32> to vector<16xf32>
      %add3A_1652 = arith.addf %add3A_1597, %get3A_1651 : vector<16xf32>
      %get3A_1653 = arith.constant 4 : i32
      %get3A_1654 = arith.index_cast %get3A_1653 : i32 to index
      %get3A_1655 = arith.constant 0 : index
      %get3A_1656 = tpu.vector_load %arg8[%get3A_1654, %get3A_1655] {strides = array<i32>} : memref<72x32xf32, #tpu.memory_space<vmem>>, vector<1x16xf32>,
      %get3A_1657 = vector.shape_cast %get3A_1656 : vector<1x16xf32> to vector<16xf32>
      %add3A_1658 = arith.addf %add3A_1610, %get3A_1657 : vector<16xf32>
      %get3A_1659 = arith.constant 4 : i32
      %get3A_1660 = arith.index_cast %get3A_1659 : i32 to index
      %get3A_1661 = arith.constant 16 : index
      %get3A_1662 = tpu.vector_load %arg8[%get3A_1660, %get3A_1661] {strides = array<i32>} : memref<72x32xf32, #tpu.memory_space<vmem>>, vector<1x16xf32>,
      %get3A_1663 = vector.shape_cast %get3A_1662 : vector<1x16xf32> to vector<16xf32>
      %add3A_1664 = arith.addf %add3A_1616, %get3A_1663 : vector<16xf32>
      %get3A_1665 = arith.constant 5 : i32
      %get3A_1666 = arith.index_cast %get3A_1665 : i32 to index
      %get3A_1667 = arith.constant 0 : index
      %get3A_1668 = tpu.vector_load %arg8[%get3A_1666, %get3A_1667] {strides = array<i32>} : memref<72x32xf32, #tpu.memory_space<vmem>>, vector<1x16xf32>,
      %get3A_1669 = vector.shape_cast %get3A_1668 : vector<1x16xf32> to vector<16xf32>
      %add3A_1670 = arith.addf %add3A_1622, %get3A_1669 : vector<16xf32>
      %get3A_1671 = arith.constant 5 : i32
      %get3A_1672 = arith.index_cast %get3A_1671 : i32 to index
      %get3A_1673 = arith.constant 16 : index
      %get3A_1674 = tpu.vector_load %arg8[%get3A_1672, %get3A_1673] {strides = array<i32>} : memref<72x32xf32, #tpu.memory_space<vmem>>, vector<1x16xf32>,
      %get3A_1675 = vector.shape_cast %get3A_1674 : vector<1x16xf32> to vector<16xf32>
      %add3A_1676 = arith.addf %add3A_1628, %get3A_1675 : vector<16xf32>
      %get3A_1677 = arith.constant 6 : i32
      %get3A_1678 = arith.index_cast %get3A_1677 : i32 to index
      %get3A_1679 = arith.constant 0 : index
      %get3A_1680 = tpu.vector_load %arg8[%get3A_1678, %get3A_1679] {strides = array<i32>} : memref<72x32xf32, #tpu.memory_space<vmem>>, vector<1x16xf32>,
      %get3A_1681 = vector.shape_cast %get3A_1680 : vector<1x16xf32> to vector<16xf32>
      %add3A_1682 = arith.addf %add3A_1634, %get3A_1681 : vector<16xf32>
      %get3A_1683 = arith.constant 6 : i32
      %get3A_1684 = arith.index_cast %get3A_1683 : i32 to index
      %get3A_1685 = arith.constant 16 : index
      %get3A_1686 = tpu.vector_load %arg8[%get3A_1684, %get3A_1685] {strides = array<i32>} : memref<72x32xf32, #tpu.memory_space<vmem>>, vector<1x16xf32>,
      %get3A_1687 = vector.shape_cast %get3A_1686 : vector<1x16xf32> to vector<16xf32>
      %add3A_1688 = arith.addf %add3A_1640, %get3A_1687 : vector<16xf32>
      %get3A_1689 = arith.constant 7 : i32
      %get3A_1690 = arith.index_cast %get3A_1689 : i32 to index
      %get3A_1691 = arith.constant 0 : index
      %get3A_1692 = tpu.vector_load %arg8[%get3A_1690, %get3A_1691] {strides = array<i32>} : memref<72x32xf32, #tpu.memory_space<vmem>>, vector<1x16xf32>,
      %get3A_1693 = vector.shape_cast %get3A_1692 : vector<1x16xf32> to vector<16xf32>
      %add3A_1694 = arith.addf %add3A_1646, %get3A_1693 : vector<16xf32>
      %get3A_1695 = arith.constant 7 : i32
      %get3A_1696 = arith.index_cast %get3A_1695 : i32 to index
      %get3A_1697 = arith.constant 16 : index
      %get3A_1698 = tpu.vector_load %arg8[%get3A_1696, %get3A_1697] {strides = array<i32>} : memref<72x32xf32, #tpu.memory_space<vmem>>, vector<1x16xf32>,
      %get3A_1699 = vector.shape_cast %get3A_1698 : vector<1x16xf32> to vector<16xf32>
      %add3A_1700 = arith.addf %add3A_1652, %get3A_1699 : vector<16xf32>
      %get3A_1701 = arith.constant 8 : i32
      %get3A_1702 = arith.index_cast %get3A_1701 : i32 to index
      %get3A_1703 = arith.constant 0 : index
      %get3A_1704 = tpu.vector_load %arg8[%get3A_1702, %get3A_1703] {strides = array<i32>} : memref<72x32xf32, #tpu.memory_space<vmem>>, vector<1x16xf32>,
      %get3A_1705 = vector.shape_cast %get3A_1704 : vector<1x16xf32> to vector<16xf32>
      %add3A_1706 = arith.addf %add3A_1658, %get3A_1705 : vector<16xf32>
      %get3A_1707 = arith.constant 8 : i32
      %get3A_1708 = arith.index_cast %get3A_1707 : i32 to index
      %get3A_1709 = arith.constant 16 : index
      %get3A_1710 = tpu.vector_load %arg8[%get3A_1708, %get3A_1709] {strides = array<i32>} : memref<72x32xf32, #tpu.memory_space<vmem>>, vector<1x16xf32>,
      %get3A_1711 = vector.shape_cast %get3A_1710 : vector<1x16xf32> to vector<16xf32>
      %add3A_1712 = arith.addf %add3A_1664, %get3A_1711 : vector<16xf32>
      %get3A_1713 = arith.constant 9 : i32
      %get3A_1714 = arith.index_cast %get3A_1713 : i32 to index
      %get3A_1715 = arith.constant 0 : index
      %get3A_1716 = tpu.vector_load %arg8[%get3A_1714, %get3A_1715] {strides = array<i32>} : memref<72x32xf32, #tpu.memory_space<vmem>>, vector<1x16xf32>,
      %get3A_1717 = vector.shape_cast %get3A_1716 : vector<1x16xf32> to vector<16xf32>
      %add3A_1718 = arith.addf %add3A_1670, %get3A_1717 : vector<16xf32>
      %get3A_1719 = arith.constant 9 : i32
      %get3A_1720 = arith.index_cast %get3A_1719 : i32 to index
      %get3A_1721 = arith.constant 16 : index
      %get3A_1722 = tpu.vector_load %arg8[%get3A_1720, %get3A_1721] {strides = array<i32>} : memref<72x32xf32, #tpu.memory_space<vmem>>, vector<1x16xf32>,
      %get3A_1723 = vector.shape_cast %get3A_1722 : vector<1x16xf32> to vector<16xf32>
      %add3A_1724 = arith.addf %add3A_1676, %get3A_1723 : vector<16xf32>
      %get3A_1725 = arith.constant 10 : i32
      %get3A_1726 = arith.index_cast %get3A_1725 : i32 to index
      %get3A_1727 = arith.constant 0 : index
      %get3A_1728 = tpu.vector_load %arg8[%get3A_1726, %get3A_1727] {strides = array<i32>} : memref<72x32xf32, #tpu.memory_space<vmem>>, vector<1x16xf32>,
      %get3A_1729 = vector.shape_cast %get3A_1728 : vector<1x16xf32> to vector<16xf32>
      %add3A_1730 = arith.addf %add3A_1682, %get3A_1729 : vector<16xf32>
      %get3A_1731 = arith.constant 10 : i32
      %get3A_1732 = arith.index_cast %get3A_1731 : i32 to index
      %get3A_1733 = arith.constant 16 : index
      %get3A_1734 = tpu.vector_load %arg8[%get3A_1732, %get3A_1733] {strides = array<i32>} : memref<72x32xf32, #tpu.memory_space<vmem>>, vector<1x16xf32>,
      %get3A_1735 = vector.shape_cast %get3A_1734 : vector<1x16xf32> to vector<16xf32>
      %add3A_1736 = arith.addf %add3A_1688, %get3A_1735 : vector<16xf32>
      %get3A_1737 = arith.constant 11 : i32
      %get3A_1738 = arith.index_cast %get3A_1737 : i32 to index
      %get3A_1739 = arith.constant 0 : index
      %get3A_1740 = tpu.vector_load %arg8[%get3A_1738, %get3A_1739] {strides = array<i32>} : memref<72x32xf32, #tpu.memory_space<vmem>>, vector<1x16xf32>,
      %get3A_1741 = vector.shape_cast %get3A_1740 : vector<1x16xf32> to vector<16xf32>
      %add3A_1742 = arith.addf %add3A_1694, %get3A_1741 : vector<16xf32>
      %get3A_1743 = arith.constant 11 : i32
      %get3A_1744 = arith.index_cast %get3A_1743 : i32 to index
      %get3A_1745 = arith.constant 16 : index
      %get3A_1746 = tpu.vector_load %arg8[%get3A_1744, %get3A_1745] {strides = array<i32>} : memref<72x32xf32, #tpu.memory_space<vmem>>, vector<1x16xf32>,
      %get3A_1747 = vector.shape_cast %get3A_1746 : vector<1x16xf32> to vector<16xf32>
      %add3A_1748 = arith.addf %add3A_1700, %get3A_1747 : vector<16xf32>
      %get3A_1749 = arith.constant 12 : i32
      %get3A_1750 = arith.index_cast %get3A_1749 : i32 to index
      %get3A_1751 = arith.constant 0 : index
      %get3A_1752 = tpu.vector_load %arg8[%get3A_1750, %get3A_1751] {strides = array<i32>} : memref<72x32xf32, #tpu.memory_space<vmem>>, vector<1x16xf32>,
      %get3A_1753 = vector.shape_cast %get3A_1752 : vector<1x16xf32> to vector<16xf32>
      %add3A_1754 = arith.addf %add3A_1706, %get3A_1753 : vector<16xf32>
      %get3A_1755 = arith.constant 12 : i32
      %get3A_1756 = arith.index_cast %get3A_1755 : i32 to index
      %get3A_1757 = arith.constant 16 : index
      %get3A_1758 = tpu.vector_load %arg8[%get3A_1756, %get3A_1757] {strides = array<i32>} : memref<72x32xf32, #tpu.memory_space<vmem>>, vector<1x16xf32>,
      %get3A_1759 = vector.shape_cast %get3A_1758 : vector<1x16xf32> to vector<16xf32>
      %add3A_1760 = arith.addf %add3A_1712, %get3A_1759 : vector<16xf32>
      %get3A_1761 = arith.constant 13 : i32
      %get3A_1762 = arith.index_cast %get3A_1761 : i32 to index
      %get3A_1763 = arith.constant 0 : index
      %get3A_1764 = tpu.vector_load %arg8[%get3A_1762, %get3A_1763] {strides = array<i32>} : memref<72x32xf32, #tpu.memory_space<vmem>>, vector<1x16xf32>,
      %get3A_1765 = vector.shape_cast %get3A_1764 : vector<1x16xf32> to vector<16xf32>
      %add3A_1766 = arith.addf %add3A_1718, %get3A_1765 : vector<16xf32>
      %get3A_1767 = arith.constant 13 : i32
      %get3A_1768 = arith.index_cast %get3A_1767 : i32 to index
      %get3A_1769 = arith.constant 16 : index
      %get3A_1770 = tpu.vector_load %arg8[%get3A_1768, %get3A_1769] {strides = array<i32>} : memref<72x32xf32, #tpu.memory_space<vmem>>, vector<1x16xf32>,
      %get3A_1771 = vector.shape_cast %get3A_1770 : vector<1x16xf32> to vector<16xf32>
      %add3A_1772 = arith.addf %add3A_1724, %get3A_1771 : vector<16xf32>
      %get3A_1773 = arith.constant 14 : i32
      %get3A_1774 = arith.index_cast %get3A_1773 : i32 to index
      %get3A_1775 = arith.constant 0 : index
      %get3A_1776 = tpu.vector_load %arg8[%get3A_1774, %get3A_1775] {strides = array<i32>} : memref<72x32xf32, #tpu.memory_space<vmem>>, vector<1x16xf32>,
      %get3A_1777 = vector.shape_cast %get3A_1776 : vector<1x16xf32> to vector<16xf32>
      %add3A_1778 = arith.addf %add3A_1730, %get3A_1777 : vector<16xf32>
      %get3A_1779 = arith.constant 14 : i32
      %get3A_1780 = arith.index_cast %get3A_1779 : i32 to index
      %get3A_1781 = arith.constant 16 : index
      %get3A_1782 = tpu.vector_load %arg8[%get3A_1780, %get3A_1781] {strides = array<i32>} : memref<72x32xf32, #tpu.memory_space<vmem>>, vector<1x16xf32>,
      %get3A_1783 = vector.shape_cast %get3A_1782 : vector<1x16xf32> to vector<16xf32>
      %add3A_1784 = arith.addf %add3A_1736, %get3A_1783 : vector<16xf32>
      %get3A_1785 = arith.constant 15 : i32
      %get3A_1786 = arith.index_cast %get3A_1785 : i32 to index
      %get3A_1787 = arith.constant 0 : index
      %get3A_1788 = tpu.vector_load %arg8[%get3A_1786, %get3A_1787] {strides = array<i32>} : memref<72x32xf32, #tpu.memory_space<vmem>>, vector<1x16xf32>,
      %get3A_1789 = vector.shape_cast %get3A_1788 : vector<1x16xf32> to vector<16xf32>
      %add3A_1790 = arith.addf %add3A_1742, %get3A_1789 : vector<16xf32>
      %get3A_1791 = arith.constant 15 : i32
      %get3A_1792 = arith.index_cast %get3A_1791 : i32 to index
      %get3A_1793 = arith.constant 16 : index
      %get3A_1794 = tpu.vector_load %arg8[%get3A_1792, %get3A_1793] {strides = array<i32>} : memref<72x32xf32, #tpu.memory_space<vmem>>, vector<1x16xf32>,
      %get3A_1795 = vector.shape_cast %get3A_1794 : vector<1x16xf32> to vector<16xf32>
      %add3A_1796 = arith.addf %add3A_1748, %get3A_1795 : vector<16xf32>
      %get3A_1797 = arith.constant 16 : i32
      %get3A_1798 = arith.index_cast %get3A_1797 : i32 to index
      %get3A_1799 = arith.constant 0 : index
      %get3A_1800 = tpu.vector_load %arg8[%get3A_1798, %get3A_1799] {strides = array<i32>} : memref<72x32xf32, #tpu.memory_space<vmem>>, vector<1x16xf32>,
      %get3A_1801 = vector.shape_cast %get3A_1800 : vector<1x16xf32> to vector<16xf32>
      %add3A_1802 = arith.addf %add3A_1754, %get3A_1801 : vector<16xf32>
      %get3A_1803 = arith.constant 16 : i32
      %get3A_1804 = arith.index_cast %get3A_1803 : i32 to index
      %get3A_1805 = arith.constant 16 : index
      %get3A_1806 = tpu.vector_load %arg8[%get3A_1804, %get3A_1805] {strides = array<i32>} : memref<72x32xf32, #tpu.memory_space<vmem>>, vector<1x16xf32>,
      %get3A_1807 = vector.shape_cast %get3A_1806 : vector<1x16xf32> to vector<16xf32>
      %add3A_1808 = arith.addf %add3A_1760, %get3A_1807 : vector<16xf32>
      %get3A_1809 = arith.constant 17 : i32
      %get3A_1810 = arith.index_cast %get3A_1809 : i32 to index
      %get3A_1811 = arith.constant 0 : index
      %get3A_1812 = tpu.vector_load %arg8[%get3A_1810, %get3A_1811] {strides = array<i32>} : memref<72x32xf32, #tpu.memory_space<vmem>>, vector<1x16xf32>,
      %get3A_1813 = vector.shape_cast %get3A_1812 : vector<1x16xf32> to vector<16xf32>
      %add3A_1814 = arith.addf %add3A_1766, %get3A_1813 : vector<16xf32>
      %get3A_1815 = arith.constant 17 : i32
      %get3A_1816 = arith.index_cast %get3A_1815 : i32 to index
      %get3A_1817 = arith.constant 16 : index
      %get3A_1818 = tpu.vector_load %arg8[%get3A_1816, %get3A_1817] {strides = array<i32>} : memref<72x32xf32, #tpu.memory_space<vmem>>, vector<1x16xf32>,
      %get3A_1819 = vector.shape_cast %get3A_1818 : vector<1x16xf32> to vector<16xf32>
      %add3A_1820 = arith.addf %add3A_1772, %get3A_1819 : vector<16xf32>
      %get3A_1821 = arith.constant 18 : i32
      %get3A_1822 = arith.index_cast %get3A_1821 : i32 to index
      %get3A_1823 = arith.constant 0 : index
      %get3A_1824 = tpu.vector_load %arg8[%get3A_1822, %get3A_1823] {strides = array<i32>} : memref<72x32xf32, #tpu.memory_space<vmem>>, vector<1x16xf32>,
      %get3A_1825 = vector.shape_cast %get3A_1824 : vector<1x16xf32> to vector<16xf32>
      %add3A_1826 = arith.addf %add3A_1778, %get3A_1825 : vector<16xf32>
      %get3A_1827 = arith.constant 18 : i32
      %get3A_1828 = arith.index_cast %get3A_1827 : i32 to index
      %get3A_1829 = arith.constant 16 : index
      %get3A_1830 = tpu.vector_load %arg8[%get3A_1828, %get3A_1829] {strides = array<i32>} : memref<72x32xf32, #tpu.memory_space<vmem>>, vector<1x16xf32>,
      %get3A_1831 = vector.shape_cast %get3A_1830 : vector<1x16xf32> to vector<16xf32>
      %add3A_1832 = arith.addf %add3A_1784, %get3A_1831 : vector<16xf32>
      %get3A_1833 = arith.constant 19 : i32
      %get3A_1834 = arith.index_cast %get3A_1833 : i32 to index
      %get3A_1835 = arith.constant 0 : index
      %get3A_1836 = tpu.vector_load %arg8[%get3A_1834, %get3A_1835] {strides = array<i32>} : memref<72x32xf32, #tpu.memory_space<vmem>>, vector<1x16xf32>,
      %get3A_1837 = vector.shape_cast %get3A_1836 : vector<1x16xf32> to vector<16xf32>
      %add3A_1838 = arith.addf %add3A_1790, %get3A_1837 : vector<16xf32>
      %get3A_1839 = arith.constant 19 : i32
      %get3A_1840 = arith.index_cast %get3A_1839 : i32 to index
      %get3A_1841 = arith.constant 16 : index
      %get3A_1842 = tpu.vector_load %arg8[%get3A_1840, %get3A_1841] {strides = array<i32>} : memref<72x32xf32, #tpu.memory_space<vmem>>, vector<1x16xf32>,
      %get3A_1843 = vector.shape_cast %get3A_1842 : vector<1x16xf32> to vector<16xf32>
      %add3A_1844 = arith.addf %add3A_1796, %get3A_1843 : vector<16xf32>
      %get3A_1845 = arith.constant 20 : i32
      %get3A_1846 = arith.index_cast %get3A_1845 : i32 to index
      %get3A_1847 = arith.constant 0 : index
      %get3A_1848 = tpu.vector_load %arg8[%get3A_1846, %get3A_1847] {strides = array<i32>} : memref<72x32xf32, #tpu.memory_space<vmem>>, vector<1x16xf32>,
      %get3A_1849 = vector.shape_cast %get3A_1848 : vector<1x16xf32> to vector<16xf32>
      %add3A_1850 = arith.addf %add3A_1802, %get3A_1849 : vector<16xf32>
      %get3A_1851 = arith.constant 20 : i32
      %get3A_1852 = arith.index_cast %get3A_1851 : i32 to index
      %get3A_1853 = arith.constant 16 : index
      %get3A_1854 = tpu.vector_load %arg8[%get3A_1852, %get3A_1853] {strides = array<i32>} : memref<72x32xf32, #tpu.memory_space<vmem>>, vector<1x16xf32>,
      %get3A_1855 = vector.shape_cast %get3A_1854 : vector<1x16xf32> to vector<16xf32>
      %add3A_1856 = arith.addf %add3A_1808, %get3A_1855 : vector<16xf32>
      %get3A_1857 = arith.constant 21 : i32
      %get3A_1858 = arith.index_cast %get3A_1857 : i32 to index
      %get3A_1859 = arith.constant 0 : index
      %get3A_1860 = tpu.vector_load %arg8[%get3A_1858, %get3A_1859] {strides = array<i32>} : memref<72x32xf32, #tpu.memory_space<vmem>>, vector<1x16xf32>,
      %get3A_1861 = vector.shape_cast %get3A_1860 : vector<1x16xf32> to vector<16xf32>
      %add3A_1862 = arith.addf %add3A_1814, %get3A_1861 : vector<16xf32>
      %get3A_1863 = arith.constant 21 : i32
      %get3A_1864 = arith.index_cast %get3A_1863 : i32 to index
      %get3A_1865 = arith.constant 16 : index
      %get3A_1866 = tpu.vector_load %arg8[%get3A_1864, %get3A_1865] {strides = array<i32>} : memref<72x32xf32, #tpu.memory_space<vmem>>, vector<1x16xf32>,
      %get3A_1867 = vector.shape_cast %get3A_1866 : vector<1x16xf32> to vector<16xf32>
      %add3A_1868 = arith.addf %add3A_1820, %get3A_1867 : vector<16xf32>
      %get3A_1869 = arith.constant 22 : i32
      %get3A_1870 = arith.index_cast %get3A_1869 : i32 to index
      %get3A_1871 = arith.constant 0 : index
      %get3A_1872 = tpu.vector_load %arg8[%get3A_1870, %get3A_1871] {strides = array<i32>} : memref<72x32xf32, #tpu.memory_space<vmem>>, vector<1x16xf32>,
      %get3A_1873 = vector.shape_cast %get3A_1872 : vector<1x16xf32> to vector<16xf32>
      %add3A_1874 = arith.addf %add3A_1826, %get3A_1873 : vector<16xf32>
      %get3A_1875 = arith.constant 22 : i32
      %get3A_1876 = arith.index_cast %get3A_1875 : i32 to index
      %get3A_1877 = arith.constant 16 : index
      %get3A_1878 = tpu.vector_load %arg8[%get3A_1876, %get3A_1877] {strides = array<i32>} : memref<72x32xf32, #tpu.memory_space<vmem>>, vector<1x16xf32>,
      %get3A_1879 = vector.shape_cast %get3A_1878 : vector<1x16xf32> to vector<16xf32>
      %add3A_1880 = arith.addf %add3A_1832, %get3A_1879 : vector<16xf32>
      %get3A_1881 = arith.constant 23 : i32
      %get3A_1882 = arith.index_cast %get3A_1881 : i32 to index
      %get3A_1883 = arith.constant 0 : index
      %get3A_1884 = tpu.vector_load %arg8[%get3A_1882, %get3A_1883] {strides = array<i32>} : memref<72x32xf32, #tpu.memory_space<vmem>>, vector<1x16xf32>,
      %get3A_1885 = vector.shape_cast %get3A_1884 : vector<1x16xf32> to vector<16xf32>
      %add3A_1886 = arith.addf %add3A_1838, %get3A_1885 : vector<16xf32>
      %get3A_1887 = arith.constant 23 : i32
      %get3A_1888 = arith.index_cast %get3A_1887 : i32 to index
      %get3A_1889 = arith.constant 16 : index
      %get3A_1890 = tpu.vector_load %arg8[%get3A_1888, %get3A_1889] {strides = array<i32>} : memref<72x32xf32, #tpu.memory_space<vmem>>, vector<1x16xf32>,
      %get3A_1891 = vector.shape_cast %get3A_1890 : vector<1x16xf32> to vector<16xf32>
      %add3A_1892 = arith.addf %add3A_1844, %get3A_1891 : vector<16xf32>
      %get3A_1893 = arith.constant 24 : i32
      %get3A_1894 = arith.index_cast %get3A_1893 : i32 to index
      %get3A_1895 = arith.constant 0 : index
      %get3A_1896 = tpu.vector_load %arg8[%get3A_1894, %get3A_1895] {strides = array<i32>} : memref<72x32xf32, #tpu.memory_space<vmem>>, vector<1x16xf32>,
      %get3A_1897 = vector.shape_cast %get3A_1896 : vector<1x16xf32> to vector<16xf32>
      %add3A_1898 = arith.addf %add3A_1850, %get3A_1897 : vector<16xf32>
      %get3A_1899 = arith.constant 24 : i32
      %get3A_1900 = arith.index_cast %get3A_1899 : i32 to index
      %get3A_1901 = arith.constant 16 : index
      %get3A_1902 = tpu.vector_load %arg8[%get3A_1900, %get3A_1901] {strides = array<i32>} : memref<72x32xf32, #tpu.memory_space<vmem>>, vector<1x16xf32>,
      %get3A_1903 = vector.shape_cast %get3A_1902 : vector<1x16xf32> to vector<16xf32>
      %add3A_1904 = arith.addf %add3A_1856, %get3A_1903 : vector<16xf32>
      %get3A_1905 = arith.constant 25 : i32
      %get3A_1906 = arith.index_cast %get3A_1905 : i32 to index
      %get3A_1907 = arith.constant 0 : index
      %get3A_1908 = tpu.vector_load %arg8[%get3A_1906, %get3A_1907] {strides = array<i32>} : memref<72x32xf32, #tpu.memory_space<vmem>>, vector<1x16xf32>,
      %get3A_1909 = vector.shape_cast %get3A_1908 : vector<1x16xf32> to vector<16xf32>
      %add3A_1910 = arith.addf %add3A_1862, %get3A_1909 : vector<16xf32>
      %get3A_1911 = arith.constant 25 : i32
      %get3A_1912 = arith.index_cast %get3A_1911 : i32 to index
      %get3A_1913 = arith.constant 16 : index
      %get3A_1914 = tpu.vector_load %arg8[%get3A_1912, %get3A_1913] {strides = array<i32>} : memref<72x32xf32, #tpu.memory_space<vmem>>, vector<1x16xf32>,
      %get3A_1915 = vector.shape_cast %get3A_1914 : vector<1x16xf32> to vector<16xf32>
      %add3A_1916 = arith.addf %add3A_1868, %get3A_1915 : vector<16xf32>
      %get3A_1917 = arith.constant 26 : i32
      %get3A_1918 = arith.index_cast %get3A_1917 : i32 to index
      %get3A_1919 = arith.constant 0 : index
      %get3A_1920 = tpu.vector_load %arg8[%get3A_1918, %get3A_1919] {strides = array<i32>} : memref<72x32xf32, #tpu.memory_space<vmem>>, vector<1x16xf32>,
      %get3A_1921 = vector.shape_cast %get3A_1920 : vector<1x16xf32> to vector<16xf32>
      %add3A_1922 = arith.addf %add3A_1874, %get3A_1921 : vector<16xf32>
      %get3A_1923 = arith.constant 26 : i32
      %get3A_1924 = arith.index_cast %get3A_1923 : i32 to index
      %get3A_1925 = arith.constant 16 : index
      %get3A_1926 = tpu.vector_load %arg8[%get3A_1924, %get3A_1925] {strides = array<i32>} : memref<72x32xf32, #tpu.memory_space<vmem>>, vector<1x16xf32>,
      %get3A_1927 = vector.shape_cast %get3A_1926 : vector<1x16xf32> to vector<16xf32>
      %add3A_1928 = arith.addf %add3A_1880, %get3A_1927 : vector<16xf32>
      %get3A_1929 = arith.constant 27 : i32
      %get3A_1930 = arith.index_cast %get3A_1929 : i32 to index
      %get3A_1931 = arith.constant 0 : index
      %get3A_1932 = tpu.vector_load %arg8[%get3A_1930, %get3A_1931] {strides = array<i32>} : memref<72x32xf32, #tpu.memory_space<vmem>>, vector<1x16xf32>,
      %get3A_1933 = vector.shape_cast %get3A_1932 : vector<1x16xf32> to vector<16xf32>
      %add3A_1934 = arith.addf %add3A_1886, %get3A_1933 : vector<16xf32>
      %get3A_1935 = arith.constant 27 : i32
      %get3A_1936 = arith.index_cast %get3A_1935 : i32 to index
      %get3A_1937 = arith.constant 16 : index
      %get3A_1938 = tpu.vector_load %arg8[%get3A_1936, %get3A_1937] {strides = array<i32>} : memref<72x32xf32, #tpu.memory_space<vmem>>, vector<1x16xf32>,
      %get3A_1939 = vector.shape_cast %get3A_1938 : vector<1x16xf32> to vector<16xf32>
      %add3A_1940 = arith.addf %add3A_1892, %get3A_1939 : vector<16xf32>
      %get3A_1941 = arith.constant 28 : i32
      %get3A_1942 = arith.index_cast %get3A_1941 : i32 to index
      %get3A_1943 = arith.constant 0 : index
      %get3A_1944 = tpu.vector_load %arg8[%get3A_1942, %get3A_1943] {strides = array<i32>} : memref<72x32xf32, #tpu.memory_space<vmem>>, vector<1x16xf32>,
      %get3A_1945 = vector.shape_cast %get3A_1944 : vector<1x16xf32> to vector<16xf32>
      %add3A_1946 = arith.addf %add3A_1898, %get3A_1945 : vector<16xf32>
      %get3A_1947 = arith.constant 28 : i32
      %get3A_1948 = arith.index_cast %get3A_1947 : i32 to index
      %get3A_1949 = arith.constant 16 : index
      %get3A_1950 = tpu.vector_load %arg8[%get3A_1948, %get3A_1949] {strides = array<i32>} : memref<72x32xf32, #tpu.memory_space<vmem>>, vector<1x16xf32>,
      %get3A_1951 = vector.shape_cast %get3A_1950 : vector<1x16xf32> to vector<16xf32>
      %add3A_1952 = arith.addf %add3A_1904, %get3A_1951 : vector<16xf32>
      %get3A_1953 = arith.constant 29 : i32
      %get3A_1954 = arith.index_cast %get3A_1953 : i32 to index
      %get3A_1955 = arith.constant 0 : index
      %get3A_1956 = tpu.vector_load %arg8[%get3A_1954, %get3A_1955] {strides = array<i32>} : memref<72x32xf32, #tpu.memory_space<vmem>>, vector<1x16xf32>,
      %get3A_1957 = vector.shape_cast %get3A_1956 : vector<1x16xf32> to vector<16xf32>
      %add3A_1958 = arith.addf %add3A_1910, %get3A_1957 : vector<16xf32>
      %get3A_1959 = arith.constant 29 : i32
      %get3A_1960 = arith.index_cast %get3A_1959 : i32 to index
      %get3A_1961 = arith.constant 16 : index
      %get3A_1962 = tpu.vector_load %arg8[%get3A_1960, %get3A_1961] {strides = array<i32>} : memref<72x32xf32, #tpu.memory_space<vmem>>, vector<1x16xf32>,
      %get3A_1963 = vector.shape_cast %get3A_1962 : vector<1x16xf32> to vector<16xf32>
      %add3A_1964 = arith.addf %add3A_1916, %get3A_1963 : vector<16xf32>
      %get3A_1965 = arith.constant 30 : i32
      %get3A_1966 = arith.index_cast %get3A_1965 : i32 to index
      %get3A_1967 = arith.constant 0 : index
      %get3A_1968 = tpu.vector_load %arg8[%get3A_1966, %get3A_1967] {strides = array<i32>} : memref<72x32xf32, #tpu.memory_space<vmem>>, vector<1x16xf32>,
      %get3A_1969 = vector.shape_cast %get3A_1968 : vector<1x16xf32> to vector<16xf32>
      %add3A_1970 = arith.addf %add3A_1922, %get3A_1969 : vector<16xf32>
      %get3A_1971 = arith.constant 30 : i32
      %get3A_1972 = arith.index_cast %get3A_1971 : i32 to index
      %get3A_1973 = arith.constant 16 : index
      %get3A_1974 = tpu.vector_load %arg8[%get3A_1972, %get3A_1973] {strides = array<i32>} : memref<72x32xf32, #tpu.memory_space<vmem>>, vector<1x16xf32>,
      %get3A_1975 = vector.shape_cast %get3A_1974 : vector<1x16xf32> to vector<16xf32>
      %add3A_1976 = arith.addf %add3A_1928, %get3A_1975 : vector<16xf32>
      %get3A_1977 = arith.constant 31 : i32
      %get3A_1978 = arith.index_cast %get3A_1977 : i32 to index
      %get3A_1979 = arith.constant 0 : index
      %get3A_1980 = tpu.vector_load %arg8[%get3A_1978, %get3A_1979] {strides = array<i32>} : memref<72x32xf32, #tpu.memory_space<vmem>>, vector<1x16xf32>,
      %get3A_1981 = vector.shape_cast %get3A_1980 : vector<1x16xf32> to vector<16xf32>
      %add3A_1982 = arith.addf %add3A_1934, %get3A_1981 : vector<16xf32>
      %get3A_1983 = arith.constant 31 : i32
      %get3A_1984 = arith.index_cast %get3A_1983 : i32 to index
      %get3A_1985 = arith.constant 16 : index
      %get3A_1986 = tpu.vector_load %arg8[%get3A_1984, %get3A_1985] {strides = array<i32>} : memref<72x32xf32, #tpu.memory_space<vmem>>, vector<1x16xf32>,
      %get3A_1987 = vector.shape_cast %get3A_1986 : vector<1x16xf32> to vector<16xf32>
      %add3A_1988 = arith.addf %add3A_1940, %get3A_1987 : vector<16xf32>
      %get3A_1989 = arith.constant 32 : i32
      %get3A_1990 = arith.index_cast %get3A_1989 : i32 to index
      %get3A_1991 = arith.constant 0 : index
      %get3A_1992 = tpu.vector_load %arg8[%get3A_1990, %get3A_1991] {strides = array<i32>} : memref<72x32xf32, #tpu.memory_space<vmem>>, vector<1x16xf32>,
      %get3A_1993 = vector.shape_cast %get3A_1992 : vector<1x16xf32> to vector<16xf32>
      %add3A_1994 = arith.addf %add3A_1946, %get3A_1993 : vector<16xf32>
      %get3A_1995 = arith.constant 32 : i32
      %get3A_1996 = arith.index_cast %get3A_1995 : i32 to index
      %get3A_1997 = arith.constant 16 : index
      %get3A_1998 = tpu.vector_load %arg8[%get3A_1996, %get3A_1997] {strides = array<i32>} : memref<72x32xf32, #tpu.memory_space<vmem>>, vector<1x16xf32>,
      %get3A_1999 = vector.shape_cast %get3A_1998 : vector<1x16xf32> to vector<16xf32>
      %add3A_2000 = arith.addf %add3A_1952, %get3A_1999 : vector<16xf32>
      %get3A_2001 = arith.constant 33 : i32
      %get3A_2002 = arith.index_cast %get3A_2001 : i32 to index
      %get3A_2003 = arith.constant 0 : index
      %get3A_2004 = tpu.vector_load %arg8[%get3A_2002, %get3A_2003] {strides = array<i32>} : memref<72x32xf32, #tpu.memory_space<vmem>>, vector<1x16xf32>,
      %get3A_2005 = vector.shape_cast %get3A_2004 : vector<1x16xf32> to vector<16xf32>
      %add3A_2006 = arith.addf %add3A_1958, %get3A_2005 : vector<16xf32>
      %get3A_2007 = arith.constant 33 : i32
      %get3A_2008 = arith.index_cast %get3A_2007 : i32 to index
      %get3A_2009 = arith.constant 16 : index
      %get3A_2010 = tpu.vector_load %arg8[%get3A_2008, %get3A_2009] {strides = array<i32>} : memref<72x32xf32, #tpu.memory_space<vmem>>, vector<1x16xf32>,
      %get3A_2011 = vector.shape_cast %get3A_2010 : vector<1x16xf32> to vector<16xf32>
      %add3A_2012 = arith.addf %add3A_1964, %get3A_2011 : vector<16xf32>
      %get3A_2013 = arith.constant 34 : i32
      %get3A_2014 = arith.index_cast %get3A_2013 : i32 to index
      %get3A_2015 = arith.constant 0 : index
      %get3A_2016 = tpu.vector_load %arg8[%get3A_2014, %get3A_2015] {strides = array<i32>} : memref<72x32xf32, #tpu.memory_space<vmem>>, vector<1x16xf32>,
      %get3A_2017 = vector.shape_cast %get3A_2016 : vector<1x16xf32> to vector<16xf32>
      %add3A_2018 = arith.addf %add3A_1970, %get3A_2017 : vector<16xf32>
      %get3A_2019 = arith.constant 34 : i32
      %get3A_2020 = arith.index_cast %get3A_2019 : i32 to index
      %get3A_2021 = arith.constant 16 : index
      %get3A_2022 = tpu.vector_load %arg8[%get3A_2020, %get3A_2021] {strides = array<i32>} : memref<72x32xf32, #tpu.memory_space<vmem>>, vector<1x16xf32>,
      %get3A_2023 = vector.shape_cast %get3A_2022 : vector<1x16xf32> to vector<16xf32>
      %add3A_2024 = arith.addf %add3A_1976, %get3A_2023 : vector<16xf32>
      %get3A_2025 = arith.constant 35 : i32
      %get3A_2026 = arith.index_cast %get3A_2025 : i32 to index
      %get3A_2027 = arith.constant 0 : index
      %get3A_2028 = tpu.vector_load %arg8[%get3A_2026, %get3A_2027] {strides = array<i32>} : memref<72x32xf32, #tpu.memory_space<vmem>>, vector<1x16xf32>,
      %get3A_2029 = vector.shape_cast %get3A_2028 : vector<1x16xf32> to vector<16xf32>
      %add3A_2030 = arith.addf %add3A_1982, %get3A_2029 : vector<16xf32>
      %get3A_2031 = arith.constant 35 : i32
      %get3A_2032 = arith.index_cast %get3A_2031 : i32 to index
      %get3A_2033 = arith.constant 16 : index
      %get3A_2034 = tpu.vector_load %arg8[%get3A_2032, %get3A_2033] {strides = array<i32>} : memref<72x32xf32, #tpu.memory_space<vmem>>, vector<1x16xf32>,
      %get3A_2035 = vector.shape_cast %get3A_2034 : vector<1x16xf32> to vector<16xf32>
      %add3A_2036 = arith.addf %add3A_1988, %get3A_2035 : vector<16xf32>
      %get3A_2037 = arith.constant 36 : i32
      %get3A_2038 = arith.index_cast %get3A_2037 : i32 to index
      %get3A_2039 = arith.constant 0 : index
      %get3A_2040 = tpu.vector_load %arg8[%get3A_2038, %get3A_2039] {strides = array<i32>} : memref<72x32xf32, #tpu.memory_space<vmem>>, vector<1x16xf32>,
      %get3A_2041 = vector.shape_cast %get3A_2040 : vector<1x16xf32> to vector<16xf32>
      %add3A_2042 = arith.addf %add3A_1994, %get3A_2041 : vector<16xf32>
      %get3A_2043 = arith.constant 36 : i32
      %get3A_2044 = arith.index_cast %get3A_2043 : i32 to index
      %get3A_2045 = arith.constant 16 : index
      %get3A_2046 = tpu.vector_load %arg8[%get3A_2044, %get3A_2045] {strides = array<i32>} : memref<72x32xf32, #tpu.memory_space<vmem>>, vector<1x16xf32>,
      %get3A_2047 = vector.shape_cast %get3A_2046 : vector<1x16xf32> to vector<16xf32>
      %add3A_2048 = arith.addf %add3A_2000, %get3A_2047 : vector<16xf32>
      %get3A_2049 = arith.constant 37 : i32
      %get3A_2050 = arith.index_cast %get3A_2049 : i32 to index
      %get3A_2051 = arith.constant 0 : index
      %get3A_2052 = tpu.vector_load %arg8[%get3A_2050, %get3A_2051] {strides = array<i32>} : memref<72x32xf32, #tpu.memory_space<vmem>>, vector<1x16xf32>,
      %get3A_2053 = vector.shape_cast %get3A_2052 : vector<1x16xf32> to vector<16xf32>
      %add3A_2054 = arith.addf %add3A_2006, %get3A_2053 : vector<16xf32>
      %get3A_2055 = arith.constant 37 : i32
      %get3A_2056 = arith.index_cast %get3A_2055 : i32 to index
      %get3A_2057 = arith.constant 16 : index
      %get3A_2058 = tpu.vector_load %arg8[%get3A_2056, %get3A_2057] {strides = array<i32>} : memref<72x32xf32, #tpu.memory_space<vmem>>, vector<1x16xf32>,
      %get3A_2059 = vector.shape_cast %get3A_2058 : vector<1x16xf32> to vector<16xf32>
      %add3A_2060 = arith.addf %add3A_2012, %get3A_2059 : vector<16xf32>
      %get3A_2061 = arith.constant 38 : i32
      %get3A_2062 = arith.index_cast %get3A_2061 : i32 to index
      %get3A_2063 = arith.constant 0 : index
      %get3A_2064 = tpu.vector_load %arg8[%get3A_2062, %get3A_2063] {strides = array<i32>} : memref<72x32xf32, #tpu.memory_space<vmem>>, vector<1x16xf32>,
      %get3A_2065 = vector.shape_cast %get3A_2064 : vector<1x16xf32> to vector<16xf32>
      %add3A_2066 = arith.addf %add3A_2018, %get3A_2065 : vector<16xf32>
      %get3A_2067 = arith.constant 38 : i32
      %get3A_2068 = arith.index_cast %get3A_2067 : i32 to index
      %get3A_2069 = arith.constant 16 : index
      %get3A_2070 = tpu.vector_load %arg8[%get3A_2068, %get3A_2069] {strides = array<i32>} : memref<72x32xf32, #tpu.memory_space<vmem>>, vector<1x16xf32>,
      %get3A_2071 = vector.shape_cast %get3A_2070 : vector<1x16xf32> to vector<16xf32>
      %add3A_2072 = arith.addf %add3A_2024, %get3A_2071 : vector<16xf32>
      %get3A_2073 = arith.constant 39 : i32
      %get3A_2074 = arith.index_cast %get3A_2073 : i32 to index
      %get3A_2075 = arith.constant 0 : index
      %get3A_2076 = tpu.vector_load %arg8[%get3A_2074, %get3A_2075] {strides = array<i32>} : memref<72x32xf32, #tpu.memory_space<vmem>>, vector<1x16xf32>,
      %get3A_2077 = vector.shape_cast %get3A_2076 : vector<1x16xf32> to vector<16xf32>
      %add3A_2078 = arith.addf %add3A_2030, %get3A_2077 : vector<16xf32>
      %get3A_2079 = arith.constant 39 : i32
      %get3A_2080 = arith.index_cast %get3A_2079 : i32 to index
      %get3A_2081 = arith.constant 16 : index
      %get3A_2082 = tpu.vector_load %arg8[%get3A_2080, %get3A_2081] {strides = array<i32>} : memref<72x32xf32, #tpu.memory_space<vmem>>, vector<1x16xf32>,
      %get3A_2083 = vector.shape_cast %get3A_2082 : vector<1x16xf32> to vector<16xf32>
      %add3A_2084 = arith.addf %add3A_2036, %get3A_2083 : vector<16xf32>
      %get3A_2085 = arith.constant 40 : i32
      %get3A_2086 = arith.index_cast %get3A_2085 : i32 to index
      %get3A_2087 = arith.constant 0 : index
      %get3A_2088 = tpu.vector_load %arg8[%get3A_2086, %get3A_2087] {strides = array<i32>} : memref<72x32xf32, #tpu.memory_space<vmem>>, vector<1x16xf32>,
      %get3A_2089 = vector.shape_cast %get3A_2088 : vector<1x16xf32> to vector<16xf32>
      %add3A_2090 = arith.addf %add3A_2042, %get3A_2089 : vector<16xf32>
      %get3A_2091 = arith.constant 40 : i32
      %get3A_2092 = arith.index_cast %get3A_2091 : i32 to index
      %get3A_2093 = arith.constant 16 : index
      %get3A_2094 = tpu.vector_load %arg8[%get3A_2092, %get3A_2093] {strides = array<i32>} : memref<72x32xf32, #tpu.memory_space<vmem>>, vector<1x16xf32>,
      %get3A_2095 = vector.shape_cast %get3A_2094 : vector<1x16xf32> to vector<16xf32>
      %add3A_2096 = arith.addf %add3A_2048, %get3A_2095 : vector<16xf32>
      %get3A_2097 = arith.constant 41 : i32
      %get3A_2098 = arith.index_cast %get3A_2097 : i32 to index
      %get3A_2099 = arith.constant 0 : index
      %get3A_2100 = tpu.vector_load %arg8[%get3A_2098, %get3A_2099] {strides = array<i32>} : memref<72x32xf32, #tpu.memory_space<vmem>>, vector<1x16xf32>,
      %get3A_2101 = vector.shape_cast %get3A_2100 : vector<1x16xf32> to vector<16xf32>
      %add3A_2102 = arith.addf %add3A_2054, %get3A_2101 : vector<16xf32>
      %get3A_2103 = arith.constant 41 : i32
      %get3A_2104 = arith.index_cast %get3A_2103 : i32 to index
      %get3A_2105 = arith.constant 16 : index
      %get3A_2106 = tpu.vector_load %arg8[%get3A_2104, %get3A_2105] {strides = array<i32>} : memref<72x32xf32, #tpu.memory_space<vmem>>, vector<1x16xf32>,
      %get3A_2107 = vector.shape_cast %get3A_2106 : vector<1x16xf32> to vector<16xf32>
      %add3A_2108 = arith.addf %add3A_2060, %get3A_2107 : vector<16xf32>
      %get3A_2109 = arith.constant 42 : i32
      %get3A_2110 = arith.index_cast %get3A_2109 : i32 to index
      %get3A_2111 = arith.constant 0 : index
      %get3A_2112 = tpu.vector_load %arg8[%get3A_2110, %get3A_2111] {strides = array<i32>} : memref<72x32xf32, #tpu.memory_space<vmem>>, vector<1x16xf32>,
      %get3A_2113 = vector.shape_cast %get3A_2112 : vector<1x16xf32> to vector<16xf32>
      %add3A_2114 = arith.addf %add3A_2066, %get3A_2113 : vector<16xf32>
      %get3A_2115 = arith.constant 42 : i32
      %get3A_2116 = arith.index_cast %get3A_2115 : i32 to index
      %get3A_2117 = arith.constant 16 : index
      %get3A_2118 = tpu.vector_load %arg8[%get3A_2116, %get3A_2117] {strides = array<i32>} : memref<72x32xf32, #tpu.memory_space<vmem>>, vector<1x16xf32>,
      %get3A_2119 = vector.shape_cast %get3A_2118 : vector<1x16xf32> to vector<16xf32>
      %add3A_2120 = arith.addf %add3A_2072, %get3A_2119 : vector<16xf32>
      %get3A_2121 = arith.constant 43 : i32
      %get3A_2122 = arith.index_cast %get3A_2121 : i32 to index
      %get3A_2123 = arith.constant 0 : index
      %get3A_2124 = tpu.vector_load %arg8[%get3A_2122, %get3A_2123] {strides = array<i32>} : memref<72x32xf32, #tpu.memory_space<vmem>>, vector<1x16xf32>,
      %get3A_2125 = vector.shape_cast %get3A_2124 : vector<1x16xf32> to vector<16xf32>
      %add3A_2126 = arith.addf %add3A_2078, %get3A_2125 : vector<16xf32>
      %get3A_2127 = arith.constant 43 : i32
      %get3A_2128 = arith.index_cast %get3A_2127 : i32 to index
      %get3A_2129 = arith.constant 16 : index
      %get3A_2130 = tpu.vector_load %arg8[%get3A_2128, %get3A_2129] {strides = array<i32>} : memref<72x32xf32, #tpu.memory_space<vmem>>, vector<1x16xf32>,
      %get3A_2131 = vector.shape_cast %get3A_2130 : vector<1x16xf32> to vector<16xf32>
      %add3A_2132 = arith.addf %add3A_2084, %get3A_2131 : vector<16xf32>
      %get3A_2133 = arith.constant 44 : i32
      %get3A_2134 = arith.index_cast %get3A_2133 : i32 to index
      %get3A_2135 = arith.constant 0 : index
      %get3A_2136 = tpu.vector_load %arg8[%get3A_2134, %get3A_2135] {strides = array<i32>} : memref<72x32xf32, #tpu.memory_space<vmem>>, vector<1x16xf32>,
      %get3A_2137 = vector.shape_cast %get3A_2136 : vector<1x16xf32> to vector<16xf32>
      %add3A_2138 = arith.addf %add3A_2090, %get3A_2137 : vector<16xf32>
      %get3A_2139 = arith.constant 44 : i32
      %get3A_2140 = arith.index_cast %get3A_2139 : i32 to index
      %get3A_2141 = arith.constant 16 : index
      %get3A_2142 = tpu.vector_load %arg8[%get3A_2140, %get3A_2141] {strides = array<i32>} : memref<72x32xf32, #tpu.memory_space<vmem>>, vector<1x16xf32>,
      %get3A_2143 = vector.shape_cast %get3A_2142 : vector<1x16xf32> to vector<16xf32>
      %add3A_2144 = arith.addf %add3A_2096, %get3A_2143 : vector<16xf32>
      %get3A_2145 = arith.constant 45 : i32
      %get3A_2146 = arith.index_cast %get3A_2145 : i32 to index
      %get3A_2147 = arith.constant 0 : index
      %get3A_2148 = tpu.vector_load %arg8[%get3A_2146, %get3A_2147] {strides = array<i32>} : memref<72x32xf32, #tpu.memory_space<vmem>>, vector<1x16xf32>,
      %get3A_2149 = vector.shape_cast %get3A_2148 : vector<1x16xf32> to vector<16xf32>
      %add3A_2150 = arith.addf %add3A_2102, %get3A_2149 : vector<16xf32>
      %get3A_2151 = arith.constant 45 : i32
      %get3A_2152 = arith.index_cast %get3A_2151 : i32 to index
      %get3A_2153 = arith.constant 16 : index
      %get3A_2154 = tpu.vector_load %arg8[%get3A_2152, %get3A_2153] {strides = array<i32>} : memref<72x32xf32, #tpu.memory_space<vmem>>, vector<1x16xf32>,
      %get3A_2155 = vector.shape_cast %get3A_2154 : vector<1x16xf32> to vector<16xf32>
      %add3A_2156 = arith.addf %add3A_2108, %get3A_2155 : vector<16xf32>
      %get3A_2157 = arith.constant 46 : i32
      %get3A_2158 = arith.index_cast %get3A_2157 : i32 to index
      %get3A_2159 = arith.constant 0 : index
      %get3A_2160 = tpu.vector_load %arg8[%get3A_2158, %get3A_2159] {strides = array<i32>} : memref<72x32xf32, #tpu.memory_space<vmem>>, vector<1x16xf32>,
      %get3A_2161 = vector.shape_cast %get3A_2160 : vector<1x16xf32> to vector<16xf32>
      %add3A_2162 = arith.addf %add3A_2114, %get3A_2161 : vector<16xf32>
      %get3A_2163 = arith.constant 46 : i32
      %get3A_2164 = arith.index_cast %get3A_2163 : i32 to index
      %get3A_2165 = arith.constant 16 : index
      %get3A_2166 = tpu.vector_load %arg8[%get3A_2164, %get3A_2165] {strides = array<i32>} : memref<72x32xf32, #tpu.memory_space<vmem>>, vector<1x16xf32>,
      %get3A_2167 = vector.shape_cast %get3A_2166 : vector<1x16xf32> to vector<16xf32>
      %add3A_2168 = arith.addf %add3A_2120, %get3A_2167 : vector<16xf32>
      %get3A_2169 = arith.constant 47 : i32
      %get3A_2170 = arith.index_cast %get3A_2169 : i32 to index
      %get3A_2171 = arith.constant 0 : index
      %get3A_2172 = tpu.vector_load %arg8[%get3A_2170, %get3A_2171] {strides = array<i32>} : memref<72x32xf32, #tpu.memory_space<vmem>>, vector<1x16xf32>,
      %get3A_2173 = vector.shape_cast %get3A_2172 : vector<1x16xf32> to vector<16xf32>
      %add3A_2174 = arith.addf %add3A_2126, %get3A_2173 : vector<16xf32>
      %get3A_2175 = arith.constant 47 : i32
      %get3A_2176 = arith.index_cast %get3A_2175 : i32 to index
      %get3A_2177 = arith.constant 16 : index
      %get3A_2178 = tpu.vector_load %arg8[%get3A_2176, %get3A_2177] {strides = array<i32>} : memref<72x32xf32, #tpu.memory_space<vmem>>, vector<1x16xf32>,
      %get3A_2179 = vector.shape_cast %get3A_2178 : vector<1x16xf32> to vector<16xf32>
      %add3A_2180 = arith.addf %add3A_2132, %get3A_2179 : vector<16xf32>
      %get3A_2181 = arith.constant 48 : i32
      %get3A_2182 = arith.index_cast %get3A_2181 : i32 to index
      %get3A_2183 = arith.constant 0 : index
      %get3A_2184 = tpu.vector_load %arg8[%get3A_2182, %get3A_2183] {strides = array<i32>} : memref<72x32xf32, #tpu.memory_space<vmem>>, vector<1x16xf32>,
      %get3A_2185 = vector.shape_cast %get3A_2184 : vector<1x16xf32> to vector<16xf32>
      %add3A_2186 = arith.addf %add3A_2138, %get3A_2185 : vector<16xf32>
      %get3A_2187 = arith.constant 48 : i32
      %get3A_2188 = arith.index_cast %get3A_2187 : i32 to index
      %get3A_2189 = arith.constant 16 : index
      %get3A_2190 = tpu.vector_load %arg8[%get3A_2188, %get3A_2189] {strides = array<i32>} : memref<72x32xf32, #tpu.memory_space<vmem>>, vector<1x16xf32>,
      %get3A_2191 = vector.shape_cast %get3A_2190 : vector<1x16xf32> to vector<16xf32>
      %add3A_2192 = arith.addf %add3A_2144, %get3A_2191 : vector<16xf32>
      %get3A_2193 = arith.constant 49 : i32
      %get3A_2194 = arith.index_cast %get3A_2193 : i32 to index
      %get3A_2195 = arith.constant 0 : index
      %get3A_2196 = tpu.vector_load %arg8[%get3A_2194, %get3A_2195] {strides = array<i32>} : memref<72x32xf32, #tpu.memory_space<vmem>>, vector<1x16xf32>,
      %get3A_2197 = vector.shape_cast %get3A_2196 : vector<1x16xf32> to vector<16xf32>
      %add3A_2198 = arith.addf %add3A_2150, %get3A_2197 : vector<16xf32>
      %get3A_2199 = arith.constant 49 : i32
      %get3A_2200 = arith.index_cast %get3A_2199 : i32 to index
      %get3A_2201 = arith.constant 16 : index
      %get3A_2202 = tpu.vector_load %arg8[%get3A_2200, %get3A_2201] {strides = array<i32>} : memref<72x32xf32, #tpu.memory_space<vmem>>, vector<1x16xf32>,
      %get3A_2203 = vector.shape_cast %get3A_2202 : vector<1x16xf32> to vector<16xf32>
      %add3A_2204 = arith.addf %add3A_2156, %get3A_2203 : vector<16xf32>
      %get3A_2205 = arith.constant 50 : i32
      %get3A_2206 = arith.index_cast %get3A_2205 : i32 to index
      %get3A_2207 = arith.constant 0 : index
      %get3A_2208 = tpu.vector_load %arg8[%get3A_2206, %get3A_2207] {strides = array<i32>} : memref<72x32xf32, #tpu.memory_space<vmem>>, vector<1x16xf32>,
      %get3A_2209 = vector.shape_cast %get3A_2208 : vector<1x16xf32> to vector<16xf32>
      %add3A_2210 = arith.addf %add3A_2162, %get3A_2209 : vector<16xf32>
      %get3A_2211 = arith.constant 50 : i32
      %get3A_2212 = arith.index_cast %get3A_2211 : i32 to index
      %get3A_2213 = arith.constant 16 : index
      %get3A_2214 = tpu.vector_load %arg8[%get3A_2212, %get3A_2213] {strides = array<i32>} : memref<72x32xf32, #tpu.memory_space<vmem>>, vector<1x16xf32>,
      %get3A_2215 = vector.shape_cast %get3A_2214 : vector<1x16xf32> to vector<16xf32>
      %add3A_2216 = arith.addf %add3A_2168, %get3A_2215 : vector<16xf32>
      %get3A_2217 = arith.constant 51 : i32
      %get3A_2218 = arith.index_cast %get3A_2217 : i32 to index
      %get3A_2219 = arith.constant 0 : index
      %get3A_2220 = tpu.vector_load %arg8[%get3A_2218, %get3A_2219] {strides = array<i32>} : memref<72x32xf32, #tpu.memory_space<vmem>>, vector<1x16xf32>,
      %get3A_2221 = vector.shape_cast %get3A_2220 : vector<1x16xf32> to vector<16xf32>
      %add3A_2222 = arith.addf %add3A_2174, %get3A_2221 : vector<16xf32>
      %get3A_2223 = arith.constant 51 : i32
      %get3A_2224 = arith.index_cast %get3A_2223 : i32 to index
      %get3A_2225 = arith.constant 16 : index
      %get3A_2226 = tpu.vector_load %arg8[%get3A_2224, %get3A_2225] {strides = array<i32>} : memref<72x32xf32, #tpu.memory_space<vmem>>, vector<1x16xf32>,
      %get3A_2227 = vector.shape_cast %get3A_2226 : vector<1x16xf32> to vector<16xf32>
      %add3A_2228 = arith.addf %add3A_2180, %get3A_2227 : vector<16xf32>
      %get3A_2229 = arith.constant 52 : i32
      %get3A_2230 = arith.index_cast %get3A_2229 : i32 to index
      %get3A_2231 = arith.constant 0 : index
      %get3A_2232 = tpu.vector_load %arg8[%get3A_2230, %get3A_2231] {strides = array<i32>} : memref<72x32xf32, #tpu.memory_space<vmem>>, vector<1x16xf32>,
      %get3A_2233 = vector.shape_cast %get3A_2232 : vector<1x16xf32> to vector<16xf32>
      %add3A_2234 = arith.addf %add3A_2186, %get3A_2233 : vector<16xf32>
      %get3A_2235 = arith.constant 52 : i32
      %get3A_2236 = arith.index_cast %get3A_2235 : i32 to index
      %get3A_2237 = arith.constant 16 : index
      %get3A_2238 = tpu.vector_load %arg8[%get3A_2236, %get3A_2237] {strides = array<i32>} : memref<72x32xf32, #tpu.memory_space<vmem>>, vector<1x16xf32>,
      %get3A_2239 = vector.shape_cast %get3A_2238 : vector<1x16xf32> to vector<16xf32>
      %add3A_2240 = arith.addf %add3A_2192, %get3A_2239 : vector<16xf32>
      %get3A_2241 = arith.constant 53 : i32
      %get3A_2242 = arith.index_cast %get3A_2241 : i32 to index
      %get3A_2243 = arith.constant 0 : index
      %get3A_2244 = tpu.vector_load %arg8[%get3A_2242, %get3A_2243] {strides = array<i32>} : memref<72x32xf32, #tpu.memory_space<vmem>>, vector<1x16xf32>,
      %get3A_2245 = vector.shape_cast %get3A_2244 : vector<1x16xf32> to vector<16xf32>
      %add3A_2246 = arith.addf %add3A_2198, %get3A_2245 : vector<16xf32>
      %get3A_2247 = arith.constant 53 : i32
      %get3A_2248 = arith.index_cast %get3A_2247 : i32 to index
      %get3A_2249 = arith.constant 16 : index
      %get3A_2250 = tpu.vector_load %arg8[%get3A_2248, %get3A_2249] {strides = array<i32>} : memref<72x32xf32, #tpu.memory_space<vmem>>, vector<1x16xf32>,
      %get3A_2251 = vector.shape_cast %get3A_2250 : vector<1x16xf32> to vector<16xf32>
      %add3A_2252 = arith.addf %add3A_2204, %get3A_2251 : vector<16xf32>
      %get3A_2253 = arith.constant 54 : i32
      %get3A_2254 = arith.index_cast %get3A_2253 : i32 to index
      %get3A_2255 = arith.constant 0 : index
      %get3A_2256 = tpu.vector_load %arg8[%get3A_2254, %get3A_2255] {strides = array<i32>} : memref<72x32xf32, #tpu.memory_space<vmem>>, vector<1x16xf32>,
      %get3A_2257 = vector.shape_cast %get3A_2256 : vector<1x16xf32> to vector<16xf32>
      %add3A_2258 = arith.addf %add3A_2210, %get3A_2257 : vector<16xf32>
      %get3A_2259 = arith.constant 54 : i32
      %get3A_2260 = arith.index_cast %get3A_2259 : i32 to index
      %get3A_2261 = arith.constant 16 : index
      %get3A_2262 = tpu.vector_load %arg8[%get3A_2260, %get3A_2261] {strides = array<i32>} : memref<72x32xf32, #tpu.memory_space<vmem>>, vector<1x16xf32>,
      %get3A_2263 = vector.shape_cast %get3A_2262 : vector<1x16xf32> to vector<16xf32>
      %add3A_2264 = arith.addf %add3A_2216, %get3A_2263 : vector<16xf32>
      %get3A_2265 = arith.constant 55 : i32
      %get3A_2266 = arith.index_cast %get3A_2265 : i32 to index
      %get3A_2267 = arith.constant 0 : index
      %get3A_2268 = tpu.vector_load %arg8[%get3A_2266, %get3A_2267] {strides = array<i32>} : memref<72x32xf32, #tpu.memory_space<vmem>>, vector<1x16xf32>,
      %get3A_2269 = vector.shape_cast %get3A_2268 : vector<1x16xf32> to vector<16xf32>
      %add3A_2270 = arith.addf %add3A_2222, %get3A_2269 : vector<16xf32>
      %get3A_2271 = arith.constant 55 : i32
      %get3A_2272 = arith.index_cast %get3A_2271 : i32 to index
      %get3A_2273 = arith.constant 16 : index
      %get3A_2274 = tpu.vector_load %arg8[%get3A_2272, %get3A_2273] {strides = array<i32>} : memref<72x32xf32, #tpu.memory_space<vmem>>, vector<1x16xf32>,
      %get3A_2275 = vector.shape_cast %get3A_2274 : vector<1x16xf32> to vector<16xf32>
      %add3A_2276 = arith.addf %add3A_2228, %get3A_2275 : vector<16xf32>
      %get3A_2277 = arith.constant 56 : i32
      %get3A_2278 = arith.index_cast %get3A_2277 : i32 to index
      %get3A_2279 = arith.constant 0 : index
      %get3A_2280 = tpu.vector_load %arg8[%get3A_2278, %get3A_2279] {strides = array<i32>} : memref<72x32xf32, #tpu.memory_space<vmem>>, vector<1x16xf32>,
      %get3A_2281 = vector.shape_cast %get3A_2280 : vector<1x16xf32> to vector<16xf32>
      %add3A_2282 = arith.addf %add3A_2234, %get3A_2281 : vector<16xf32>
      %get3A_2283 = arith.constant 56 : i32
      %get3A_2284 = arith.index_cast %get3A_2283 : i32 to index
      %get3A_2285 = arith.constant 16 : index
      %get3A_2286 = tpu.vector_load %arg8[%get3A_2284, %get3A_2285] {strides = array<i32>} : memref<72x32xf32, #tpu.memory_space<vmem>>, vector<1x16xf32>,
      %get3A_2287 = vector.shape_cast %get3A_2286 : vector<1x16xf32> to vector<16xf32>
      %add3A_2288 = arith.addf %add3A_2240, %get3A_2287 : vector<16xf32>
      %get3A_2289 = arith.constant 57 : i32
      %get3A_2290 = arith.index_cast %get3A_2289 : i32 to index
      %get3A_2291 = arith.constant 0 : index
      %get3A_2292 = tpu.vector_load %arg8[%get3A_2290, %get3A_2291] {strides = array<i32>} : memref<72x32xf32, #tpu.memory_space<vmem>>, vector<1x16xf32>,
      %get3A_2293 = vector.shape_cast %get3A_2292 : vector<1x16xf32> to vector<16xf32>
      %add3A_2294 = arith.addf %add3A_2246, %get3A_2293 : vector<16xf32>
      %get3A_2295 = arith.constant 57 : i32
      %get3A_2296 = arith.index_cast %get3A_2295 : i32 to index
      %get3A_2297 = arith.constant 16 : index
      %get3A_2298 = tpu.vector_load %arg8[%get3A_2296, %get3A_2297] {strides = array<i32>} : memref<72x32xf32, #tpu.memory_space<vmem>>, vector<1x16xf32>,
      %get3A_2299 = vector.shape_cast %get3A_2298 : vector<1x16xf32> to vector<16xf32>
      %add3A_2300 = arith.addf %add3A_2252, %get3A_2299 : vector<16xf32>
      %get3A_2301 = arith.constant 58 : i32
      %get3A_2302 = arith.index_cast %get3A_2301 : i32 to index
      %get3A_2303 = arith.constant 0 : index
      %get3A_2304 = tpu.vector_load %arg8[%get3A_2302, %get3A_2303] {strides = array<i32>} : memref<72x32xf32, #tpu.memory_space<vmem>>, vector<1x16xf32>,
      %get3A_2305 = vector.shape_cast %get3A_2304 : vector<1x16xf32> to vector<16xf32>
      %add3A_2306 = arith.addf %add3A_2258, %get3A_2305 : vector<16xf32>
      %get3A_2307 = arith.constant 58 : i32
      %get3A_2308 = arith.index_cast %get3A_2307 : i32 to index
      %get3A_2309 = arith.constant 16 : index
      %get3A_2310 = tpu.vector_load %arg8[%get3A_2308, %get3A_2309] {strides = array<i32>} : memref<72x32xf32, #tpu.memory_space<vmem>>, vector<1x16xf32>,
      %get3A_2311 = vector.shape_cast %get3A_2310 : vector<1x16xf32> to vector<16xf32>
      %add3A_2312 = arith.addf %add3A_2264, %get3A_2311 : vector<16xf32>
      %get3A_2313 = arith.constant 59 : i32
      %get3A_2314 = arith.index_cast %get3A_2313 : i32 to index
      %get3A_2315 = arith.constant 0 : index
      %get3A_2316 = tpu.vector_load %arg8[%get3A_2314, %get3A_2315] {strides = array<i32>} : memref<72x32xf32, #tpu.memory_space<vmem>>, vector<1x16xf32>,
      %get3A_2317 = vector.shape_cast %get3A_2316 : vector<1x16xf32> to vector<16xf32>
      %add3A_2318 = arith.addf %add3A_2270, %get3A_2317 : vector<16xf32>
      %get3A_2319 = arith.constant 59 : i32
      %get3A_2320 = arith.index_cast %get3A_2319 : i32 to index
      %get3A_2321 = arith.constant 16 : index
      %get3A_2322 = tpu.vector_load %arg8[%get3A_2320, %get3A_2321] {strides = array<i32>} : memref<72x32xf32, #tpu.memory_space<vmem>>, vector<1x16xf32>,
      %get3A_2323 = vector.shape_cast %get3A_2322 : vector<1x16xf32> to vector<16xf32>
      %add3A_2324 = arith.addf %add3A_2276, %get3A_2323 : vector<16xf32>
      %get3A_2325 = arith.constant 60 : i32
      %get3A_2326 = arith.index_cast %get3A_2325 : i32 to index
      %get3A_2327 = arith.constant 0 : index
      %get3A_2328 = tpu.vector_load %arg8[%get3A_2326, %get3A_2327] {strides = array<i32>} : memref<72x32xf32, #tpu.memory_space<vmem>>, vector<1x16xf32>,
      %get3A_2329 = vector.shape_cast %get3A_2328 : vector<1x16xf32> to vector<16xf32>
      %add3A_2330 = arith.addf %add3A_2282, %get3A_2329 : vector<16xf32>
      %get3A_2331 = arith.constant 60 : i32
      %get3A_2332 = arith.index_cast %get3A_2331 : i32 to index
      %get3A_2333 = arith.constant 16 : index
      %get3A_2334 = tpu.vector_load %arg8[%get3A_2332, %get3A_2333] {strides = array<i32>} : memref<72x32xf32, #tpu.memory_space<vmem>>, vector<1x16xf32>,
      %get3A_2335 = vector.shape_cast %get3A_2334 : vector<1x16xf32> to vector<16xf32>
      %add3A_2336 = arith.addf %add3A_2288, %get3A_2335 : vector<16xf32>
      %get3A_2337 = arith.constant 61 : i32
      %get3A_2338 = arith.index_cast %get3A_2337 : i32 to index
      %get3A_2339 = arith.constant 0 : index
      %get3A_2340 = tpu.vector_load %arg8[%get3A_2338, %get3A_2339] {strides = array<i32>} : memref<72x32xf32, #tpu.memory_space<vmem>>, vector<1x16xf32>,
      %get3A_2341 = vector.shape_cast %get3A_2340 : vector<1x16xf32> to vector<16xf32>
      %add3A_2342 = arith.addf %add3A_2294, %get3A_2341 : vector<16xf32>
      %get3A_2343 = arith.constant 61 : i32
      %get3A_2344 = arith.index_cast %get3A_2343 : i32 to index
      %get3A_2345 = arith.constant 16 : index
      %get3A_2346 = tpu.vector_load %arg8[%get3A_2344, %get3A_2345] {strides = array<i32>} : memref<72x32xf32, #tpu.memory_space<vmem>>, vector<1x16xf32>,
      %get3A_2347 = vector.shape_cast %get3A_2346 : vector<1x16xf32> to vector<16xf32>
      %add3A_2348 = arith.addf %add3A_2300, %get3A_2347 : vector<16xf32>
      %get3A_2349 = arith.constant 62 : i32
      %get3A_2350 = arith.index_cast %get3A_2349 : i32 to index
      %get3A_2351 = arith.constant 0 : index
      %get3A_2352 = tpu.vector_load %arg8[%get3A_2350, %get3A_2351] {strides = array<i32>} : memref<72x32xf32, #tpu.memory_space<vmem>>, vector<1x16xf32>,
      %get3A_2353 = vector.shape_cast %get3A_2352 : vector<1x16xf32> to vector<16xf32>
      %add3A_2354 = arith.addf %add3A_2306, %get3A_2353 : vector<16xf32>
      %get3A_2355 = arith.constant 62 : i32
      %get3A_2356 = arith.index_cast %get3A_2355 : i32 to index
      %get3A_2357 = arith.constant 16 : index
      %get3A_2358 = tpu.vector_load %arg8[%get3A_2356, %get3A_2357] {strides = array<i32>} : memref<72x32xf32, #tpu.memory_space<vmem>>, vector<1x16xf32>,
      %get3A_2359 = vector.shape_cast %get3A_2358 : vector<1x16xf32> to vector<16xf32>
      %add3A_2360 = arith.addf %add3A_2312, %get3A_2359 : vector<16xf32>
      %get3A_2361 = arith.constant 63 : i32
      %get3A_2362 = arith.index_cast %get3A_2361 : i32 to index
      %get3A_2363 = arith.constant 0 : index
      %get3A_2364 = tpu.vector_load %arg8[%get3A_2362, %get3A_2363] {strides = array<i32>} : memref<72x32xf32, #tpu.memory_space<vmem>>, vector<1x16xf32>,
      %get3A_2365 = vector.shape_cast %get3A_2364 : vector<1x16xf32> to vector<16xf32>
      %add3A_2366 = arith.addf %add3A_2318, %get3A_2365 : vector<16xf32>
      %get3A_2367 = arith.constant 63 : i32
      %get3A_2368 = arith.index_cast %get3A_2367 : i32 to index
      %get3A_2369 = arith.constant 16 : index
      %get3A_2370 = tpu.vector_load %arg8[%get3A_2368, %get3A_2369] {strides = array<i32>} : memref<72x32xf32, #tpu.memory_space<vmem>>, vector<1x16xf32>,
      %get3A_2371 = vector.shape_cast %get3A_2370 : vector<1x16xf32> to vector<16xf32>
      %add3A_2372 = arith.addf %add3A_2324, %get3A_2371 : vector<16xf32>
      %get3A_2373 = arith.constant 64 : i32
      %get3A_2374 = arith.index_cast %get3A_2373 : i32 to index
      %get3A_2375 = arith.constant 0 : index
      %get3A_2376 = tpu.vector_load %arg8[%get3A_2374, %get3A_2375] {strides = array<i32>} : memref<72x32xf32, #tpu.memory_space<vmem>>, vector<1x16xf32>,
      %get3A_2377 = vector.shape_cast %get3A_2376 : vector<1x16xf32> to vector<16xf32>
      %add3A_2378 = arith.addf %add3A_2330, %get3A_2377 : vector<16xf32>
      %get3A_2379 = arith.constant 64 : i32
      %get3A_2380 = arith.index_cast %get3A_2379 : i32 to index
      %get3A_2381 = arith.constant 16 : index
      %get3A_2382 = tpu.vector_load %arg8[%get3A_2380, %get3A_2381] {strides = array<i32>} : memref<72x32xf32, #tpu.memory_space<vmem>>, vector<1x16xf32>,
      %get3A_2383 = vector.shape_cast %get3A_2382 : vector<1x16xf32> to vector<16xf32>
      %add3A_2384 = arith.addf %add3A_2336, %get3A_2383 : vector<16xf32>
      %get3A_2385 = arith.constant 65 : i32
      %get3A_2386 = arith.index_cast %get3A_2385 : i32 to index
      %get3A_2387 = arith.constant 0 : index
      %get3A_2388 = tpu.vector_load %arg8[%get3A_2386, %get3A_2387] {strides = array<i32>} : memref<72x32xf32, #tpu.memory_space<vmem>>, vector<1x16xf32>,
      %get3A_2389 = vector.shape_cast %get3A_2388 : vector<1x16xf32> to vector<16xf32>
      %add3A_2390 = arith.addf %add3A_2342, %get3A_2389 : vector<16xf32>
      %get3A_2391 = arith.constant 65 : i32
      %get3A_2392 = arith.index_cast %get3A_2391 : i32 to index
      %get3A_2393 = arith.constant 16 : index
      %get3A_2394 = tpu.vector_load %arg8[%get3A_2392, %get3A_2393] {strides = array<i32>} : memref<72x32xf32, #tpu.memory_space<vmem>>, vector<1x16xf32>,
      %get3A_2395 = vector.shape_cast %get3A_2394 : vector<1x16xf32> to vector<16xf32>
      %add3A_2396 = arith.addf %add3A_2348, %get3A_2395 : vector<16xf32>
      %get3A_2397 = arith.constant 66 : i32
      %get3A_2398 = arith.index_cast %get3A_2397 : i32 to index
      %get3A_2399 = arith.constant 0 : index
      %get3A_2400 = tpu.vector_load %arg8[%get3A_2398, %get3A_2399] {strides = array<i32>} : memref<72x32xf32, #tpu.memory_space<vmem>>, vector<1x16xf32>,
      %get3A_2401 = vector.shape_cast %get3A_2400 : vector<1x16xf32> to vector<16xf32>
      %add3A_2402 = arith.addf %add3A_2354, %get3A_2401 : vector<16xf32>
      %get3A_2403 = arith.constant 66 : i32
      %get3A_2404 = arith.index_cast %get3A_2403 : i32 to index
      %get3A_2405 = arith.constant 16 : index
      %get3A_2406 = tpu.vector_load %arg8[%get3A_2404, %get3A_2405] {strides = array<i32>} : memref<72x32xf32, #tpu.memory_space<vmem>>, vector<1x16xf32>,
      %get3A_2407 = vector.shape_cast %get3A_2406 : vector<1x16xf32> to vector<16xf32>
      %add3A_2408 = arith.addf %add3A_2360, %get3A_2407 : vector<16xf32>
      %get3A_2409 = arith.constant 67 : i32
      %get3A_2410 = arith.index_cast %get3A_2409 : i32 to index
      %get3A_2411 = arith.constant 0 : index
      %get3A_2412 = tpu.vector_load %arg8[%get3A_2410, %get3A_2411] {strides = array<i32>} : memref<72x32xf32, #tpu.memory_space<vmem>>, vector<1x16xf32>,
      %get3A_2413 = vector.shape_cast %get3A_2412 : vector<1x16xf32> to vector<16xf32>
      %add3A_2414 = arith.addf %add3A_2366, %get3A_2413 : vector<16xf32>
      %get3A_2415 = arith.constant 67 : i32
      %get3A_2416 = arith.index_cast %get3A_2415 : i32 to index
      %get3A_2417 = arith.constant 16 : index
      %get3A_2418 = tpu.vector_load %arg8[%get3A_2416, %get3A_2417] {strides = array<i32>} : memref<72x32xf32, #tpu.memory_space<vmem>>, vector<1x16xf32>,
      %get3A_2419 = vector.shape_cast %get3A_2418 : vector<1x16xf32> to vector<16xf32>
      %add3A_2420 = arith.addf %add3A_2372, %get3A_2419 : vector<16xf32>
      %get3A_2421 = arith.constant 68 : i32
      %get3A_2422 = arith.index_cast %get3A_2421 : i32 to index
      %get3A_2423 = arith.constant 0 : index
      %get3A_2424 = tpu.vector_load %arg8[%get3A_2422, %get3A_2423] {strides = array<i32>} : memref<72x32xf32, #tpu.memory_space<vmem>>, vector<1x16xf32>,
      %get3A_2425 = vector.shape_cast %get3A_2424 : vector<1x16xf32> to vector<16xf32>
      %add3A_2426 = arith.addf %add3A_2378, %get3A_2425 : vector<16xf32>
      %get3A_2427 = arith.constant 68 : i32
      %get3A_2428 = arith.index_cast %get3A_2427 : i32 to index
      %get3A_2429 = arith.constant 16 : index
      %get3A_2430 = tpu.vector_load %arg8[%get3A_2428, %get3A_2429] {strides = array<i32>} : memref<72x32xf32, #tpu.memory_space<vmem>>, vector<1x16xf32>,
      %get3A_2431 = vector.shape_cast %get3A_2430 : vector<1x16xf32> to vector<16xf32>
      %add3A_2432 = arith.addf %add3A_2384, %get3A_2431 : vector<16xf32>
      %get3A_2433 = arith.constant 69 : i32
      %get3A_2434 = arith.index_cast %get3A_2433 : i32 to index
      %get3A_2435 = arith.constant 0 : index
      %get3A_2436 = tpu.vector_load %arg8[%get3A_2434, %get3A_2435] {strides = array<i32>} : memref<72x32xf32, #tpu.memory_space<vmem>>, vector<1x16xf32>,
      %get3A_2437 = vector.shape_cast %get3A_2436 : vector<1x16xf32> to vector<16xf32>
      %add3A_2438 = arith.addf %add3A_2390, %get3A_2437 : vector<16xf32>
      %get3A_2439 = arith.constant 69 : i32
      %get3A_2440 = arith.index_cast %get3A_2439 : i32 to index
      %get3A_2441 = arith.constant 16 : index
      %get3A_2442 = tpu.vector_load %arg8[%get3A_2440, %get3A_2441] {strides = array<i32>} : memref<72x32xf32, #tpu.memory_space<vmem>>, vector<1x16xf32>,
      %get3A_2443 = vector.shape_cast %get3A_2442 : vector<1x16xf32> to vector<16xf32>
      %add3A_2444 = arith.addf %add3A_2396, %get3A_2443 : vector<16xf32>
      %get3A_2445 = arith.constant 70 : i32
      %get3A_2446 = arith.index_cast %get3A_2445 : i32 to index
      %get3A_2447 = arith.constant 0 : index
      %get3A_2448 = tpu.vector_load %arg8[%get3A_2446, %get3A_2447] {strides = array<i32>} : memref<72x32xf32, #tpu.memory_space<vmem>>, vector<1x16xf32>,
      %get3A_2449 = vector.shape_cast %get3A_2448 : vector<1x16xf32> to vector<16xf32>
      %add3A_2450 = arith.addf %add3A_2402, %get3A_2449 : vector<16xf32>
      %get3A_2451 = arith.constant 70 : i32
      %get3A_2452 = arith.index_cast %get3A_2451 : i32 to index
      %get3A_2453 = arith.constant 16 : index
      %get3A_2454 = tpu.vector_load %arg8[%get3A_2452, %get3A_2453] {strides = array<i32>} : memref<72x32xf32, #tpu.memory_space<vmem>>, vector<1x16xf32>,
      %get3A_2455 = vector.shape_cast %get3A_2454 : vector<1x16xf32> to vector<16xf32>
      %add3A_2456 = arith.addf %add3A_2408, %get3A_2455 : vector<16xf32>
      %get3A_2457 = arith.constant 71 : i32
      %get3A_2458 = arith.index_cast %get3A_2457 : i32 to index
      %get3A_2459 = arith.constant 0 : index
      %get3A_2460 = tpu.vector_load %arg8[%get3A_2458, %get3A_2459] {strides = array<i32>} : memref<72x32xf32, #tpu.memory_space<vmem>>, vector<1x16xf32>,
      %get3A_2461 = vector.shape_cast %get3A_2460 : vector<1x16xf32> to vector<16xf32>
      %add3A_2462 = arith.addf %add3A_2414, %get3A_2461 : vector<16xf32>
      %get3A_2463 = arith.constant 71 : i32
      %get3A_2464 = arith.index_cast %get3A_2463 : i32 to index
      %get3A_2465 = arith.constant 16 : index
      %get3A_2466 = tpu.vector_load %arg8[%get3A_2464, %get3A_2465] {strides = array<i32>} : memref<72x32xf32, #tpu.memory_space<vmem>>, vector<1x16xf32>,
      %get3A_2467 = vector.shape_cast %get3A_2466 : vector<1x16xf32> to vector<16xf32>
      %add3A_2468 = arith.addf %add3A_2420, %get3A_2467 : vector<16xf32>
      %add3A_2469 = arith.addf %add3A_2426, %add3A_2438 : vector<16xf32>
      %add3A_2470 = arith.addf %add3A_2450, %add3A_2462 : vector<16xf32>
      %add3A_2471 = arith.addf %add3A_2469, %add3A_2470 : vector<16xf32>
      %mul3A_2472 = arith.constant 5.000000e-03 : f32
      %mul3A_2473 = vector.broadcast %mul3A_2472 : f32 to vector<16xf32>
      %mul3A_2474 = arith.mulf %add3A_2471, %mul3A_2473 : vector<16xf32>
      %swap3A = arith.index_cast %add3A_41 : i32 to index
      %swap3A_2475 = arith.constant 0 : index
      %swap3A_2476 = tpu.vector_load %arg11[%swap3A, %swap3A_2475] {strides = array<i32>} : memref<128x32xf32, #tpu.memory_space<vmem>>, vector<1x16xf32>,
      %swap3A_2477 = vector.shape_cast %swap3A_2476 : vector<1x16xf32> to vector<16xf32>
      %swap3A_2478 = vector.shape_cast %mul3A_2474 : vector<16xf32> to vector<1x16xf32>
      tpu.vector_store %arg11[%swap3A, %swap3A_2475], %swap3A_2478 {strides = array<i32>} : memref<128x32xf32, #tpu.memory_space<vmem>>, vector<1x16xf32>,
      %add3A_2479 = arith.addf %add3A_2432, %add3A_2444 : vector<16xf32>
      %add3A_2480 = arith.addf %add3A_2456, %add3A_2468 : vector<16xf32>
      %add3A_2481 = arith.addf %add3A_2479, %add3A_2480 : vector<16xf32>
      %mul3A_2482 = arith.constant 5.000000e-03 : f32
      %mul3A_2483 = vector.broadcast %mul3A_2482 : f32 to vector<16xf32>
      %mul3A_2484 = arith.mulf %add3A_2481, %mul3A_2483 : vector<16xf32>
      %swap3A_2485 = arith.index_cast %add3A_41 : i32 to index
      %swap3A_2486 = arith.constant 16 : index
      %swap3A_2487 = tpu.vector_load %arg11[%swap3A_2485, %swap3A_2486] {strides = array<i32>} : memref<128x32xf32, #tpu.memory_space<vmem>>, vector<1x16xf32>,
      %swap3A_2488 = vector.shape_cast %swap3A_2487 : vector<1x16xf32> to vector<16xf32>
      %swap3A_2489 = vector.shape_cast %mul3A_2484 : vector<16xf32> to vector<1x16xf32>
      tpu.vector_store %arg11[%swap3A_2485, %swap3A_2486], %swap3A_2489 {strides = array<i32>} : memref<128x32xf32, #tpu.memory_space<vmem>>, vector<1x16xf32>,
      %add3A_2490 = arith.constant 2 : i32
      %add3A_2491 = arith.addi %add3A_41, %add3A_2490 : i32
      %lt3A = arith.constant 128 : i32
      %lt3A_2492 = arith.cmpi slt, %add3A_2491, %lt3A : i32
      %convert_element_type3A = arith.extui %lt3A_2492 : i1 to i32
      %cond3A = arith.constant 0 : i32
      %cond3A_2493 = arith.cmpi ne, %convert_element_type3A, %cond3A : i32
      scf.if %cond3A_2493 {
        %add3A_4957 = arith.constant 2 : i32
        %add3A_4958 = arith.addi %add3A_41, %add3A_4957 : i32
        %dma_start3A_4959 = arith.constant 0 : i32
        %dma_start3A_4960 = tpu.memref_slice %arg5[%add3A_4958, %dma_start3A_4959] : memref<128x128xi32, #tpu.memory_space<vmem>> -> memref<1x128xi32, #tpu.memory_space<vmem>>
        %dma_start3A_4961 = tpu.memref_squeeze %dma_start3A_4960 : memref<1x128xi32, #tpu.memory_space<vmem>> -> memref<128xi32, #tpu.memory_space<vmem>>
        %dma_start3A_4962 = arith.constant 0 : i32
        %dma_start3A_4963 = arith.constant 0 : i32
        %dma_start3A_4964 = tpu.memref_slice %arg3[%dma_start3A_4962, %dma_start3A_4963] : memref<1000001x32xf32, #tpu.memory_space<hbm>> -> memref<1000001x32xf32, #tpu.memory_space<hbm>>
        tpu.enqueue_indirect_dma source(%dma_start3A_4964 : memref<1000001x32xf32, #tpu.memory_space<hbm>>) target(%arg7 : memref<128x32xf32, #tpu.memory_space<vmem>>) offsets(%dma_start3A_4961 : memref<128xi32, #tpu.memory_space<vmem>>) semaphore(%arg12 : memref<!tpu.dma_semaphore, #tpu.memory_space<semaphore_mem>>)
        %add3A_4965 = arith.constant 2 : i32
        %add3A_4966 = arith.addi %add3A_41, %add3A_4965 : i32
        %dma_start3A_4967 = arith.constant 0 : i32
        %dma_start3A_4968 = tpu.memref_slice %arg6[%add3A_4966, %dma_start3A_4967] : memref<128x72xi32, #tpu.memory_space<vmem>> -> memref<1x72xi32, #tpu.memory_space<vmem>>
        %dma_start3A_4969 = tpu.memref_squeeze %dma_start3A_4968 : memref<1x72xi32, #tpu.memory_space<vmem>> -> memref<72xi32, #tpu.memory_space<vmem>>
        %dma_start3A_4970 = arith.constant 0 : i32
        %dma_start3A_4971 = arith.constant 0 : i32
        %dma_start3A_4972 = tpu.memref_slice %arg3[%dma_start3A_4970, %dma_start3A_4971] : memref<1000001x32xf32, #tpu.memory_space<hbm>> -> memref<1000001x32xf32, #tpu.memory_space<hbm>>
        tpu.enqueue_indirect_dma source(%dma_start3A_4972 : memref<1000001x32xf32, #tpu.memory_space<hbm>>) target(%arg8 : memref<72x32xf32, #tpu.memory_space<vmem>>) offsets(%dma_start3A_4969 : memref<72xi32, #tpu.memory_space<vmem>>) semaphore(%arg14 : memref<!tpu.dma_semaphore, #tpu.memory_space<semaphore_mem>>)
      } else {
      }
      %mul3A_2494 = arith.constant 2 : i32
      %mul3A_2495 = arith.muli %mul3A_2494, %scan3A_37 : i32
      %add3A_2496 = arith.constant 1 : i32
      %add3A_2497 = arith.addi %mul3A_2495, %add3A_2496 : i32
      %broadcast_in_dim3A_2498 = arith.constant 0.000000e+00 : f32
      %broadcast_in_dim3A_2499 = vector.broadcast %broadcast_in_dim3A_2498 : f32 to vector<16xf32>
      %broadcast_in_dim3A_2500 = arith.constant 0.000000e+00 : f32
      %broadcast_in_dim3A_2501 = vector.broadcast %broadcast_in_dim3A_2500 : f32 to vector<16xf32>
      %broadcast_in_dim3A_2502 = arith.constant 0.000000e+00 : f32
      %broadcast_in_dim3A_2503 = vector.broadcast %broadcast_in_dim3A_2502 : f32 to vector<16xf32>
      %broadcast_in_dim3A_2504 = arith.constant 0.000000e+00 : f32
      %broadcast_in_dim3A_2505 = vector.broadcast %broadcast_in_dim3A_2504 : f32 to vector<16xf32>
      %broadcast_in_dim3A_2506 = arith.constant 0.000000e+00 : f32
      %broadcast_in_dim3A_2507 = vector.broadcast %broadcast_in_dim3A_2506 : f32 to vector<16xf32>
      %broadcast_in_dim3A_2508 = arith.constant 0.000000e+00 : f32
      %broadcast_in_dim3A_2509 = vector.broadcast %broadcast_in_dim3A_2508 : f32 to vector<16xf32>
      %broadcast_in_dim3A_2510 = arith.constant 0.000000e+00 : f32
      %broadcast_in_dim3A_2511 = vector.broadcast %broadcast_in_dim3A_2510 : f32 to vector<16xf32>
      %broadcast_in_dim3A_2512 = arith.constant 0.000000e+00 : f32
      %broadcast_in_dim3A_2513 = vector.broadcast %broadcast_in_dim3A_2512 : f32 to vector<16xf32>
      %dma_wait3A_2514 = arith.constant 0 : i32
      %dma_wait3A_2515 = arith.constant 0 : i32
      %dma_wait3A_2516 = tpu.memref_slice %arg5[%dma_wait3A_2514, %dma_wait3A_2515] : memref<128x128xi32, #tpu.memory_space<vmem>> -> memref<1x128xi32, #tpu.memory_space<vmem>>
      %dma_wait3A_2517 = tpu.memref_squeeze %dma_wait3A_2516 : memref<1x128xi32, #tpu.memory_space<vmem>> -> memref<128xi32, #tpu.memory_space<vmem>>
      %dma_wait3A_2518 = arith.constant 0 : i32
      %dma_wait3A_2519 = arith.constant 0 : i32
      %dma_wait3A_2520 = tpu.memref_slice %arg3[%dma_wait3A_2518, %dma_wait3A_2519] : memref<1000001x32xf32, #tpu.memory_space<hbm>> -> memref<1000001x32xf32, #tpu.memory_space<hbm>>
      tpu.wait_indirect_dma semaphore(%arg13 : memref<!tpu.dma_semaphore, #tpu.memory_space<semaphore_mem>>) src(%dma_wait3A_2520 : memref<1000001x32xf32, #tpu.memory_space<hbm>>) dst(%arg9 : memref<128x32xf32, #tpu.memory_space<vmem>>)
      %get3A_2521 = arith.constant 0 : i32
      %get3A_2522 = arith.index_cast %get3A_2521 : i32 to index
      %get3A_2523 = arith.constant 0 : index
      %get3A_2524 = tpu.vector_load %arg9[%get3A_2522, %get3A_2523] {strides = array<i32>} : memref<128x32xf32, #tpu.memory_space<vmem>>, vector<1x16xf32>,
      %get3A_2525 = vector.shape_cast %get3A_2524 : vector<1x16xf32> to vector<16xf32>
      %add3A_2526 = arith.addf %broadcast_in_dim3A_2499, %get3A_2525 : vector<16xf32>
      %get3A_2527 = arith.constant 0 : i32
      %get3A_2528 = arith.index_cast %get3A_2527 : i32 to index
      %get3A_2529 = arith.constant 16 : index
      %get3A_2530 = tpu.vector_load %arg9[%get3A_2528, %get3A_2529] {strides = array<i32>} : memref<128x32xf32, #tpu.memory_space<vmem>>, vector<1x16xf32>,
      %get3A_2531 = vector.shape_cast %get3A_2530 : vector<1x16xf32> to vector<16xf32>
      %add3A_2532 = arith.addf %broadcast_in_dim3A_2507, %get3A_2531 : vector<16xf32>
      %get3A_2533 = arith.constant 1 : i32
      %get3A_2534 = arith.index_cast %get3A_2533 : i32 to index
      %get3A_2535 = arith.constant 0 : index
      %get3A_2536 = tpu.vector_load %arg9[%get3A_2534, %get3A_2535] {strides = array<i32>} : memref<128x32xf32, #tpu.memory_space<vmem>>, vector<1x16xf32>,
      %get3A_2537 = vector.shape_cast %get3A_2536 : vector<1x16xf32> to vector<16xf32>
      %add3A_2538 = arith.addf %broadcast_in_dim3A_2501, %get3A_2537 : vector<16xf32>
      %get3A_2539 = arith.constant 1 : i32
      %get3A_2540 = arith.index_cast %get3A_2539 : i32 to index
      %get3A_2541 = arith.constant 16 : index
      %get3A_2542 = tpu.vector_load %arg9[%get3A_2540, %get3A_2541] {strides = array<i32>} : memref<128x32xf32, #tpu.memory_space<vmem>>, vector<1x16xf32>,
      %get3A_2543 = vector.shape_cast %get3A_2542 : vector<1x16xf32> to vector<16xf32>
      %add3A_2544 = arith.addf %broadcast_in_dim3A_2509, %get3A_2543 : vector<16xf32>
      %get3A_2545 = arith.constant 2 : i32
      %get3A_2546 = arith.index_cast %get3A_2545 : i32 to index
      %get3A_2547 = arith.constant 0 : index
      %get3A_2548 = tpu.vector_load %arg9[%get3A_2546, %get3A_2547] {strides = array<i32>} : memref<128x32xf32, #tpu.memory_space<vmem>>, vector<1x16xf32>,
      %get3A_2549 = vector.shape_cast %get3A_2548 : vector<1x16xf32> to vector<16xf32>
      %add3A_2550 = arith.addf %broadcast_in_dim3A_2503, %get3A_2549 : vector<16xf32>
      %get3A_2551 = arith.constant 2 : i32
      %get3A_2552 = arith.index_cast %get3A_2551 : i32 to index
      %get3A_2553 = arith.constant 16 : index
      %get3A_2554 = tpu.vector_load %arg9[%get3A_2552, %get3A_2553] {strides = array<i32>} : memref<128x32xf32, #tpu.memory_space<vmem>>, vector<1x16xf32>,
      %get3A_2555 = vector.shape_cast %get3A_2554 : vector<1x16xf32> to vector<16xf32>
      %add3A_2556 = arith.addf %broadcast_in_dim3A_2511, %get3A_2555 : vector<16xf32>
      %get3A_2557 = arith.constant 3 : i32
      %get3A_2558 = arith.index_cast %get3A_2557 : i32 to index
      %get3A_2559 = arith.constant 0 : index
      %get3A_2560 = tpu.vector_load %arg9[%get3A_2558, %get3A_2559] {strides = array<i32>} : memref<128x32xf32, #tpu.memory_space<vmem>>, vector<1x16xf32>,
      %get3A_2561 = vector.shape_cast %get3A_2560 : vector<1x16xf32> to vector<16xf32>
      %add3A_2562 = arith.addf %broadcast_in_dim3A_2505, %get3A_2561 : vector<16xf32>
      %get3A_2563 = arith.constant 3 : i32
      %get3A_2564 = arith.index_cast %get3A_2563 : i32 to index
      %get3A_2565 = arith.constant 16 : index
      %get3A_2566 = tpu.vector_load %arg9[%get3A_2564, %get3A_2565] {strides = array<i32>} : memref<128x32xf32, #tpu.memory_space<vmem>>, vector<1x16xf32>,
      %get3A_2567 = vector.shape_cast %get3A_2566 : vector<1x16xf32> to vector<16xf32>
      %add3A_2568 = arith.addf %broadcast_in_dim3A_2513, %get3A_2567 : vector<16xf32>
      %get3A_2569 = arith.constant 4 : i32
      %get3A_2570 = arith.index_cast %get3A_2569 : i32 to index
      %get3A_2571 = arith.constant 0 : index
      %get3A_2572 = tpu.vector_load %arg9[%get3A_2570, %get3A_2571] {strides = array<i32>} : memref<128x32xf32, #tpu.memory_space<vmem>>, vector<1x16xf32>,
      %get3A_2573 = vector.shape_cast %get3A_2572 : vector<1x16xf32> to vector<16xf32>
      %add3A_2574 = arith.addf %add3A_2526, %get3A_2573 : vector<16xf32>
      %get3A_2575 = arith.constant 4 : i32
      %get3A_2576 = arith.index_cast %get3A_2575 : i32 to index
      %get3A_2577 = arith.constant 16 : index
      %get3A_2578 = tpu.vector_load %arg9[%get3A_2576, %get3A_2577] {strides = array<i32>} : memref<128x32xf32, #tpu.memory_space<vmem>>, vector<1x16xf32>,
      %get3A_2579 = vector.shape_cast %get3A_2578 : vector<1x16xf32> to vector<16xf32>
      %add3A_2580 = arith.addf %add3A_2532, %get3A_2579 : vector<16xf32>
      %get3A_2581 = arith.constant 5 : i32
      %get3A_2582 = arith.index_cast %get3A_2581 : i32 to index
      %get3A_2583 = arith.constant 0 : index
      %get3A_2584 = tpu.vector_load %arg9[%get3A_2582, %get3A_2583] {strides = array<i32>} : memref<128x32xf32, #tpu.memory_space<vmem>>, vector<1x16xf32>,
      %get3A_2585 = vector.shape_cast %get3A_2584 : vector<1x16xf32> to vector<16xf32>
      %add3A_2586 = arith.addf %add3A_2538, %get3A_2585 : vector<16xf32>
      %get3A_2587 = arith.constant 5 : i32
      %get3A_2588 = arith.index_cast %get3A_2587 : i32 to index
      %get3A_2589 = arith.constant 16 : index
      %get3A_2590 = tpu.vector_load %arg9[%get3A_2588, %get3A_2589] {strides = array<i32>} : memref<128x32xf32, #tpu.memory_space<vmem>>, vector<1x16xf32>,
      %get3A_2591 = vector.shape_cast %get3A_2590 : vector<1x16xf32> to vector<16xf32>
      %add3A_2592 = arith.addf %add3A_2544, %get3A_2591 : vector<16xf32>
      %get3A_2593 = arith.constant 6 : i32
      %get3A_2594 = arith.index_cast %get3A_2593 : i32 to index
      %get3A_2595 = arith.constant 0 : index
      %get3A_2596 = tpu.vector_load %arg9[%get3A_2594, %get3A_2595] {strides = array<i32>} : memref<128x32xf32, #tpu.memory_space<vmem>>, vector<1x16xf32>,
      %get3A_2597 = vector.shape_cast %get3A_2596 : vector<1x16xf32> to vector<16xf32>
      %add3A_2598 = arith.addf %add3A_2550, %get3A_2597 : vector<16xf32>
      %get3A_2599 = arith.constant 6 : i32
      %get3A_2600 = arith.index_cast %get3A_2599 : i32 to index
      %get3A_2601 = arith.constant 16 : index
      %get3A_2602 = tpu.vector_load %arg9[%get3A_2600, %get3A_2601] {strides = array<i32>} : memref<128x32xf32, #tpu.memory_space<vmem>>, vector<1x16xf32>,
      %get3A_2603 = vector.shape_cast %get3A_2602 : vector<1x16xf32> to vector<16xf32>
      %add3A_2604 = arith.addf %add3A_2556, %get3A_2603 : vector<16xf32>
      %get3A_2605 = arith.constant 7 : i32
      %get3A_2606 = arith.index_cast %get3A_2605 : i32 to index
      %get3A_2607 = arith.constant 0 : index
      %get3A_2608 = tpu.vector_load %arg9[%get3A_2606, %get3A_2607] {strides = array<i32>} : memref<128x32xf32, #tpu.memory_space<vmem>>, vector<1x16xf32>,
      %get3A_2609 = vector.shape_cast %get3A_2608 : vector<1x16xf32> to vector<16xf32>
      %add3A_2610 = arith.addf %add3A_2562, %get3A_2609 : vector<16xf32>
      %get3A_2611 = arith.constant 7 : i32
      %get3A_2612 = arith.index_cast %get3A_2611 : i32 to index
      %get3A_2613 = arith.constant 16 : index
      %get3A_2614 = tpu.vector_load %arg9[%get3A_2612, %get3A_2613] {strides = array<i32>} : memref<128x32xf32, #tpu.memory_space<vmem>>, vector<1x16xf32>,
      %get3A_2615 = vector.shape_cast %get3A_2614 : vector<1x16xf32> to vector<16xf32>
      %add3A_2616 = arith.addf %add3A_2568, %get3A_2615 : vector<16xf32>
      %get3A_2617 = arith.constant 8 : i32
      %get3A_2618 = arith.index_cast %get3A_2617 : i32 to index
      %get3A_2619 = arith.constant 0 : index
      %get3A_2620 = tpu.vector_load %arg9[%get3A_2618, %get3A_2619] {strides = array<i32>} : memref<128x32xf32, #tpu.memory_space<vmem>>, vector<1x16xf32>,
      %get3A_2621 = vector.shape_cast %get3A_2620 : vector<1x16xf32> to vector<16xf32>
      %add3A_2622 = arith.addf %add3A_2574, %get3A_2621 : vector<16xf32>
      %get3A_2623 = arith.constant 8 : i32
      %get3A_2624 = arith.index_cast %get3A_2623 : i32 to index
      %get3A_2625 = arith.constant 16 : index
      %get3A_2626 = tpu.vector_load %arg9[%get3A_2624, %get3A_2625] {strides = array<i32>} : memref<128x32xf32, #tpu.memory_space<vmem>>, vector<1x16xf32>,
      %get3A_2627 = vector.shape_cast %get3A_2626 : vector<1x16xf32> to vector<16xf32>
      %add3A_2628 = arith.addf %add3A_2580, %get3A_2627 : vector<16xf32>
      %get3A_2629 = arith.constant 9 : i32
      %get3A_2630 = arith.index_cast %get3A_2629 : i32 to index
      %get3A_2631 = arith.constant 0 : index
      %get3A_2632 = tpu.vector_load %arg9[%get3A_2630, %get3A_2631] {strides = array<i32>} : memref<128x32xf32, #tpu.memory_space<vmem>>, vector<1x16xf32>,
      %get3A_2633 = vector.shape_cast %get3A_2632 : vector<1x16xf32> to vector<16xf32>
      %add3A_2634 = arith.addf %add3A_2586, %get3A_2633 : vector<16xf32>
      %get3A_2635 = arith.constant 9 : i32
      %get3A_2636 = arith.index_cast %get3A_2635 : i32 to index
      %get3A_2637 = arith.constant 16 : index
      %get3A_2638 = tpu.vector_load %arg9[%get3A_2636, %get3A_2637] {strides = array<i32>} : memref<128x32xf32, #tpu.memory_space<vmem>>, vector<1x16xf32>,
      %get3A_2639 = vector.shape_cast %get3A_2638 : vector<1x16xf32> to vector<16xf32>
      %add3A_2640 = arith.addf %add3A_2592, %get3A_2639 : vector<16xf32>
      %get3A_2641 = arith.constant 10 : i32
      %get3A_2642 = arith.index_cast %get3A_2641 : i32 to index
      %get3A_2643 = arith.constant 0 : index
      %get3A_2644 = tpu.vector_load %arg9[%get3A_2642, %get3A_2643] {strides = array<i32>} : memref<128x32xf32, #tpu.memory_space<vmem>>, vector<1x16xf32>,
      %get3A_2645 = vector.shape_cast %get3A_2644 : vector<1x16xf32> to vector<16xf32>
      %add3A_2646 = arith.addf %add3A_2598, %get3A_2645 : vector<16xf32>
      %get3A_2647 = arith.constant 10 : i32
      %get3A_2648 = arith.index_cast %get3A_2647 : i32 to index
      %get3A_2649 = arith.constant 16 : index
      %get3A_2650 = tpu.vector_load %arg9[%get3A_2648, %get3A_2649] {strides = array<i32>} : memref<128x32xf32, #tpu.memory_space<vmem>>, vector<1x16xf32>,
      %get3A_2651 = vector.shape_cast %get3A_2650 : vector<1x16xf32> to vector<16xf32>
      %add3A_2652 = arith.addf %add3A_2604, %get3A_2651 : vector<16xf32>
      %get3A_2653 = arith.constant 11 : i32
      %get3A_2654 = arith.index_cast %get3A_2653 : i32 to index
      %get3A_2655 = arith.constant 0 : index
      %get3A_2656 = tpu.vector_load %arg9[%get3A_2654, %get3A_2655] {strides = array<i32>} : memref<128x32xf32, #tpu.memory_space<vmem>>, vector<1x16xf32>,
      %get3A_2657 = vector.shape_cast %get3A_2656 : vector<1x16xf32> to vector<16xf32>
      %add3A_2658 = arith.addf %add3A_2610, %get3A_2657 : vector<16xf32>
      %get3A_2659 = arith.constant 11 : i32
      %get3A_2660 = arith.index_cast %get3A_2659 : i32 to index
      %get3A_2661 = arith.constant 16 : index
      %get3A_2662 = tpu.vector_load %arg9[%get3A_2660, %get3A_2661] {strides = array<i32>} : memref<128x32xf32, #tpu.memory_space<vmem>>, vector<1x16xf32>,
      %get3A_2663 = vector.shape_cast %get3A_2662 : vector<1x16xf32> to vector<16xf32>
      %add3A_2664 = arith.addf %add3A_2616, %get3A_2663 : vector<16xf32>
      %get3A_2665 = arith.constant 12 : i32
      %get3A_2666 = arith.index_cast %get3A_2665 : i32 to index
      %get3A_2667 = arith.constant 0 : index
      %get3A_2668 = tpu.vector_load %arg9[%get3A_2666, %get3A_2667] {strides = array<i32>} : memref<128x32xf32, #tpu.memory_space<vmem>>, vector<1x16xf32>,
      %get3A_2669 = vector.shape_cast %get3A_2668 : vector<1x16xf32> to vector<16xf32>
      %add3A_2670 = arith.addf %add3A_2622, %get3A_2669 : vector<16xf32>
      %get3A_2671 = arith.constant 12 : i32
      %get3A_2672 = arith.index_cast %get3A_2671 : i32 to index
      %get3A_2673 = arith.constant 16 : index
      %get3A_2674 = tpu.vector_load %arg9[%get3A_2672, %get3A_2673] {strides = array<i32>} : memref<128x32xf32, #tpu.memory_space<vmem>>, vector<1x16xf32>,
      %get3A_2675 = vector.shape_cast %get3A_2674 : vector<1x16xf32> to vector<16xf32>
      %add3A_2676 = arith.addf %add3A_2628, %get3A_2675 : vector<16xf32>
      %get3A_2677 = arith.constant 13 : i32
      %get3A_2678 = arith.index_cast %get3A_2677 : i32 to index
      %get3A_2679 = arith.constant 0 : index
      %get3A_2680 = tpu.vector_load %arg9[%get3A_2678, %get3A_2679] {strides = array<i32>} : memref<128x32xf32, #tpu.memory_space<vmem>>, vector<1x16xf32>,
      %get3A_2681 = vector.shape_cast %get3A_2680 : vector<1x16xf32> to vector<16xf32>
      %add3A_2682 = arith.addf %add3A_2634, %get3A_2681 : vector<16xf32>
      %get3A_2683 = arith.constant 13 : i32
      %get3A_2684 = arith.index_cast %get3A_2683 : i32 to index
      %get3A_2685 = arith.constant 16 : index
      %get3A_2686 = tpu.vector_load %arg9[%get3A_2684, %get3A_2685] {strides = array<i32>} : memref<128x32xf32, #tpu.memory_space<vmem>>, vector<1x16xf32>,
      %get3A_2687 = vector.shape_cast %get3A_2686 : vector<1x16xf32> to vector<16xf32>
      %add3A_2688 = arith.addf %add3A_2640, %get3A_2687 : vector<16xf32>
      %get3A_2689 = arith.constant 14 : i32
      %get3A_2690 = arith.index_cast %get3A_2689 : i32 to index
      %get3A_2691 = arith.constant 0 : index
      %get3A_2692 = tpu.vector_load %arg9[%get3A_2690, %get3A_2691] {strides = array<i32>} : memref<128x32xf32, #tpu.memory_space<vmem>>, vector<1x16xf32>,
      %get3A_2693 = vector.shape_cast %get3A_2692 : vector<1x16xf32> to vector<16xf32>
      %add3A_2694 = arith.addf %add3A_2646, %get3A_2693 : vector<16xf32>
      %get3A_2695 = arith.constant 14 : i32
      %get3A_2696 = arith.index_cast %get3A_2695 : i32 to index
      %get3A_2697 = arith.constant 16 : index
      %get3A_2698 = tpu.vector_load %arg9[%get3A_2696, %get3A_2697] {strides = array<i32>} : memref<128x32xf32, #tpu.memory_space<vmem>>, vector<1x16xf32>,
      %get3A_2699 = vector.shape_cast %get3A_2698 : vector<1x16xf32> to vector<16xf32>
      %add3A_2700 = arith.addf %add3A_2652, %get3A_2699 : vector<16xf32>
      %get3A_2701 = arith.constant 15 : i32
      %get3A_2702 = arith.index_cast %get3A_2701 : i32 to index
      %get3A_2703 = arith.constant 0 : index
      %get3A_2704 = tpu.vector_load %arg9[%get3A_2702, %get3A_2703] {strides = array<i32>} : memref<128x32xf32, #tpu.memory_space<vmem>>, vector<1x16xf32>,
      %get3A_2705 = vector.shape_cast %get3A_2704 : vector<1x16xf32> to vector<16xf32>
      %add3A_2706 = arith.addf %add3A_2658, %get3A_2705 : vector<16xf32>
      %get3A_2707 = arith.constant 15 : i32
      %get3A_2708 = arith.index_cast %get3A_2707 : i32 to index
      %get3A_2709 = arith.constant 16 : index
      %get3A_2710 = tpu.vector_load %arg9[%get3A_2708, %get3A_2709] {strides = array<i32>} : memref<128x32xf32, #tpu.memory_space<vmem>>, vector<1x16xf32>,
      %get3A_2711 = vector.shape_cast %get3A_2710 : vector<1x16xf32> to vector<16xf32>
      %add3A_2712 = arith.addf %add3A_2664, %get3A_2711 : vector<16xf32>
      %get3A_2713 = arith.constant 16 : i32
      %get3A_2714 = arith.index_cast %get3A_2713 : i32 to index
      %get3A_2715 = arith.constant 0 : index
      %get3A_2716 = tpu.vector_load %arg9[%get3A_2714, %get3A_2715] {strides = array<i32>} : memref<128x32xf32, #tpu.memory_space<vmem>>, vector<1x16xf32>,
      %get3A_2717 = vector.shape_cast %get3A_2716 : vector<1x16xf32> to vector<16xf32>
      %add3A_2718 = arith.addf %add3A_2670, %get3A_2717 : vector<16xf32>
      %get3A_2719 = arith.constant 16 : i32
      %get3A_2720 = arith.index_cast %get3A_2719 : i32 to index
      %get3A_2721 = arith.constant 16 : index
      %get3A_2722 = tpu.vector_load %arg9[%get3A_2720, %get3A_2721] {strides = array<i32>} : memref<128x32xf32, #tpu.memory_space<vmem>>, vector<1x16xf32>,
      %get3A_2723 = vector.shape_cast %get3A_2722 : vector<1x16xf32> to vector<16xf32>
      %add3A_2724 = arith.addf %add3A_2676, %get3A_2723 : vector<16xf32>
      %get3A_2725 = arith.constant 17 : i32
      %get3A_2726 = arith.index_cast %get3A_2725 : i32 to index
      %get3A_2727 = arith.constant 0 : index
      %get3A_2728 = tpu.vector_load %arg9[%get3A_2726, %get3A_2727] {strides = array<i32>} : memref<128x32xf32, #tpu.memory_space<vmem>>, vector<1x16xf32>,
      %get3A_2729 = vector.shape_cast %get3A_2728 : vector<1x16xf32> to vector<16xf32>
      %add3A_2730 = arith.addf %add3A_2682, %get3A_2729 : vector<16xf32>
      %get3A_2731 = arith.constant 17 : i32
      %get3A_2732 = arith.index_cast %get3A_2731 : i32 to index
      %get3A_2733 = arith.constant 16 : index
      %get3A_2734 = tpu.vector_load %arg9[%get3A_2732, %get3A_2733] {strides = array<i32>} : memref<128x32xf32, #tpu.memory_space<vmem>>, vector<1x16xf32>,
      %get3A_2735 = vector.shape_cast %get3A_2734 : vector<1x16xf32> to vector<16xf32>
      %add3A_2736 = arith.addf %add3A_2688, %get3A_2735 : vector<16xf32>
      %get3A_2737 = arith.constant 18 : i32
      %get3A_2738 = arith.index_cast %get3A_2737 : i32 to index
      %get3A_2739 = arith.constant 0 : index
      %get3A_2740 = tpu.vector_load %arg9[%get3A_2738, %get3A_2739] {strides = array<i32>} : memref<128x32xf32, #tpu.memory_space<vmem>>, vector<1x16xf32>,
      %get3A_2741 = vector.shape_cast %get3A_2740 : vector<1x16xf32> to vector<16xf32>
      %add3A_2742 = arith.addf %add3A_2694, %get3A_2741 : vector<16xf32>
      %get3A_2743 = arith.constant 18 : i32
      %get3A_2744 = arith.index_cast %get3A_2743 : i32 to index
      %get3A_2745 = arith.constant 16 : index
      %get3A_2746 = tpu.vector_load %arg9[%get3A_2744, %get3A_2745] {strides = array<i32>} : memref<128x32xf32, #tpu.memory_space<vmem>>, vector<1x16xf32>,
      %get3A_2747 = vector.shape_cast %get3A_2746 : vector<1x16xf32> to vector<16xf32>
      %add3A_2748 = arith.addf %add3A_2700, %get3A_2747 : vector<16xf32>
      %get3A_2749 = arith.constant 19 : i32
      %get3A_2750 = arith.index_cast %get3A_2749 : i32 to index
      %get3A_2751 = arith.constant 0 : index
      %get3A_2752 = tpu.vector_load %arg9[%get3A_2750, %get3A_2751] {strides = array<i32>} : memref<128x32xf32, #tpu.memory_space<vmem>>, vector<1x16xf32>,
      %get3A_2753 = vector.shape_cast %get3A_2752 : vector<1x16xf32> to vector<16xf32>
      %add3A_2754 = arith.addf %add3A_2706, %get3A_2753 : vector<16xf32>
      %get3A_2755 = arith.constant 19 : i32
      %get3A_2756 = arith.index_cast %get3A_2755 : i32 to index
      %get3A_2757 = arith.constant 16 : index
      %get3A_2758 = tpu.vector_load %arg9[%get3A_2756, %get3A_2757] {strides = array<i32>} : memref<128x32xf32, #tpu.memory_space<vmem>>, vector<1x16xf32>,
      %get3A_2759 = vector.shape_cast %get3A_2758 : vector<1x16xf32> to vector<16xf32>
      %add3A_2760 = arith.addf %add3A_2712, %get3A_2759 : vector<16xf32>
      %get3A_2761 = arith.constant 20 : i32
      %get3A_2762 = arith.index_cast %get3A_2761 : i32 to index
      %get3A_2763 = arith.constant 0 : index
      %get3A_2764 = tpu.vector_load %arg9[%get3A_2762, %get3A_2763] {strides = array<i32>} : memref<128x32xf32, #tpu.memory_space<vmem>>, vector<1x16xf32>,
      %get3A_2765 = vector.shape_cast %get3A_2764 : vector<1x16xf32> to vector<16xf32>
      %add3A_2766 = arith.addf %add3A_2718, %get3A_2765 : vector<16xf32>
      %get3A_2767 = arith.constant 20 : i32
      %get3A_2768 = arith.index_cast %get3A_2767 : i32 to index
      %get3A_2769 = arith.constant 16 : index
      %get3A_2770 = tpu.vector_load %arg9[%get3A_2768, %get3A_2769] {strides = array<i32>} : memref<128x32xf32, #tpu.memory_space<vmem>>, vector<1x16xf32>,
      %get3A_2771 = vector.shape_cast %get3A_2770 : vector<1x16xf32> to vector<16xf32>
      %add3A_2772 = arith.addf %add3A_2724, %get3A_2771 : vector<16xf32>
      %get3A_2773 = arith.constant 21 : i32
      %get3A_2774 = arith.index_cast %get3A_2773 : i32 to index
      %get3A_2775 = arith.constant 0 : index
      %get3A_2776 = tpu.vector_load %arg9[%get3A_2774, %get3A_2775] {strides = array<i32>} : memref<128x32xf32, #tpu.memory_space<vmem>>, vector<1x16xf32>,
      %get3A_2777 = vector.shape_cast %get3A_2776 : vector<1x16xf32> to vector<16xf32>
      %add3A_2778 = arith.addf %add3A_2730, %get3A_2777 : vector<16xf32>
      %get3A_2779 = arith.constant 21 : i32
      %get3A_2780 = arith.index_cast %get3A_2779 : i32 to index
      %get3A_2781 = arith.constant 16 : index
      %get3A_2782 = tpu.vector_load %arg9[%get3A_2780, %get3A_2781] {strides = array<i32>} : memref<128x32xf32, #tpu.memory_space<vmem>>, vector<1x16xf32>,
      %get3A_2783 = vector.shape_cast %get3A_2782 : vector<1x16xf32> to vector<16xf32>
      %add3A_2784 = arith.addf %add3A_2736, %get3A_2783 : vector<16xf32>
      %get3A_2785 = arith.constant 22 : i32
      %get3A_2786 = arith.index_cast %get3A_2785 : i32 to index
      %get3A_2787 = arith.constant 0 : index
      %get3A_2788 = tpu.vector_load %arg9[%get3A_2786, %get3A_2787] {strides = array<i32>} : memref<128x32xf32, #tpu.memory_space<vmem>>, vector<1x16xf32>,
      %get3A_2789 = vector.shape_cast %get3A_2788 : vector<1x16xf32> to vector<16xf32>
      %add3A_2790 = arith.addf %add3A_2742, %get3A_2789 : vector<16xf32>
      %get3A_2791 = arith.constant 22 : i32
      %get3A_2792 = arith.index_cast %get3A_2791 : i32 to index
      %get3A_2793 = arith.constant 16 : index
      %get3A_2794 = tpu.vector_load %arg9[%get3A_2792, %get3A_2793] {strides = array<i32>} : memref<128x32xf32, #tpu.memory_space<vmem>>, vector<1x16xf32>,
      %get3A_2795 = vector.shape_cast %get3A_2794 : vector<1x16xf32> to vector<16xf32>
      %add3A_2796 = arith.addf %add3A_2748, %get3A_2795 : vector<16xf32>
      %get3A_2797 = arith.constant 23 : i32
      %get3A_2798 = arith.index_cast %get3A_2797 : i32 to index
      %get3A_2799 = arith.constant 0 : index
      %get3A_2800 = tpu.vector_load %arg9[%get3A_2798, %get3A_2799] {strides = array<i32>} : memref<128x32xf32, #tpu.memory_space<vmem>>, vector<1x16xf32>,
      %get3A_2801 = vector.shape_cast %get3A_2800 : vector<1x16xf32> to vector<16xf32>
      %add3A_2802 = arith.addf %add3A_2754, %get3A_2801 : vector<16xf32>
      %get3A_2803 = arith.constant 23 : i32
      %get3A_2804 = arith.index_cast %get3A_2803 : i32 to index
      %get3A_2805 = arith.constant 16 : index
      %get3A_2806 = tpu.vector_load %arg9[%get3A_2804, %get3A_2805] {strides = array<i32>} : memref<128x32xf32, #tpu.memory_space<vmem>>, vector<1x16xf32>,
      %get3A_2807 = vector.shape_cast %get3A_2806 : vector<1x16xf32> to vector<16xf32>
      %add3A_2808 = arith.addf %add3A_2760, %get3A_2807 : vector<16xf32>
      %get3A_2809 = arith.constant 24 : i32
      %get3A_2810 = arith.index_cast %get3A_2809 : i32 to index
      %get3A_2811 = arith.constant 0 : index
      %get3A_2812 = tpu.vector_load %arg9[%get3A_2810, %get3A_2811] {strides = array<i32>} : memref<128x32xf32, #tpu.memory_space<vmem>>, vector<1x16xf32>,
      %get3A_2813 = vector.shape_cast %get3A_2812 : vector<1x16xf32> to vector<16xf32>
      %add3A_2814 = arith.addf %add3A_2766, %get3A_2813 : vector<16xf32>
      %get3A_2815 = arith.constant 24 : i32
      %get3A_2816 = arith.index_cast %get3A_2815 : i32 to index
      %get3A_2817 = arith.constant 16 : index
      %get3A_2818 = tpu.vector_load %arg9[%get3A_2816, %get3A_2817] {strides = array<i32>} : memref<128x32xf32, #tpu.memory_space<vmem>>, vector<1x16xf32>,
      %get3A_2819 = vector.shape_cast %get3A_2818 : vector<1x16xf32> to vector<16xf32>
      %add3A_2820 = arith.addf %add3A_2772, %get3A_2819 : vector<16xf32>
      %get3A_2821 = arith.constant 25 : i32
      %get3A_2822 = arith.index_cast %get3A_2821 : i32 to index
      %get3A_2823 = arith.constant 0 : index
      %get3A_2824 = tpu.vector_load %arg9[%get3A_2822, %get3A_2823] {strides = array<i32>} : memref<128x32xf32, #tpu.memory_space<vmem>>, vector<1x16xf32>,
      %get3A_2825 = vector.shape_cast %get3A_2824 : vector<1x16xf32> to vector<16xf32>
      %add3A_2826 = arith.addf %add3A_2778, %get3A_2825 : vector<16xf32>
      %get3A_2827 = arith.constant 25 : i32
      %get3A_2828 = arith.index_cast %get3A_2827 : i32 to index
      %get3A_2829 = arith.constant 16 : index
      %get3A_2830 = tpu.vector_load %arg9[%get3A_2828, %get3A_2829] {strides = array<i32>} : memref<128x32xf32, #tpu.memory_space<vmem>>, vector<1x16xf32>,
      %get3A_2831 = vector.shape_cast %get3A_2830 : vector<1x16xf32> to vector<16xf32>
      %add3A_2832 = arith.addf %add3A_2784, %get3A_2831 : vector<16xf32>
      %get3A_2833 = arith.constant 26 : i32
      %get3A_2834 = arith.index_cast %get3A_2833 : i32 to index
      %get3A_2835 = arith.constant 0 : index
      %get3A_2836 = tpu.vector_load %arg9[%get3A_2834, %get3A_2835] {strides = array<i32>} : memref<128x32xf32, #tpu.memory_space<vmem>>, vector<1x16xf32>,
      %get3A_2837 = vector.shape_cast %get3A_2836 : vector<1x16xf32> to vector<16xf32>
      %add3A_2838 = arith.addf %add3A_2790, %get3A_2837 : vector<16xf32>
      %get3A_2839 = arith.constant 26 : i32
      %get3A_2840 = arith.index_cast %get3A_2839 : i32 to index
      %get3A_2841 = arith.constant 16 : index
      %get3A_2842 = tpu.vector_load %arg9[%get3A_2840, %get3A_2841] {strides = array<i32>} : memref<128x32xf32, #tpu.memory_space<vmem>>, vector<1x16xf32>,
      %get3A_2843 = vector.shape_cast %get3A_2842 : vector<1x16xf32> to vector<16xf32>
      %add3A_2844 = arith.addf %add3A_2796, %get3A_2843 : vector<16xf32>
      %get3A_2845 = arith.constant 27 : i32
      %get3A_2846 = arith.index_cast %get3A_2845 : i32 to index
      %get3A_2847 = arith.constant 0 : index
      %get3A_2848 = tpu.vector_load %arg9[%get3A_2846, %get3A_2847] {strides = array<i32>} : memref<128x32xf32, #tpu.memory_space<vmem>>, vector<1x16xf32>,
      %get3A_2849 = vector.shape_cast %get3A_2848 : vector<1x16xf32> to vector<16xf32>
      %add3A_2850 = arith.addf %add3A_2802, %get3A_2849 : vector<16xf32>
      %get3A_2851 = arith.constant 27 : i32
      %get3A_2852 = arith.index_cast %get3A_2851 : i32 to index
      %get3A_2853 = arith.constant 16 : index
      %get3A_2854 = tpu.vector_load %arg9[%get3A_2852, %get3A_2853] {strides = array<i32>} : memref<128x32xf32, #tpu.memory_space<vmem>>, vector<1x16xf32>,
      %get3A_2855 = vector.shape_cast %get3A_2854 : vector<1x16xf32> to vector<16xf32>
      %add3A_2856 = arith.addf %add3A_2808, %get3A_2855 : vector<16xf32>
      %get3A_2857 = arith.constant 28 : i32
      %get3A_2858 = arith.index_cast %get3A_2857 : i32 to index
      %get3A_2859 = arith.constant 0 : index
      %get3A_2860 = tpu.vector_load %arg9[%get3A_2858, %get3A_2859] {strides = array<i32>} : memref<128x32xf32, #tpu.memory_space<vmem>>, vector<1x16xf32>,
      %get3A_2861 = vector.shape_cast %get3A_2860 : vector<1x16xf32> to vector<16xf32>
      %add3A_2862 = arith.addf %add3A_2814, %get3A_2861 : vector<16xf32>
      %get3A_2863 = arith.constant 28 : i32
      %get3A_2864 = arith.index_cast %get3A_2863 : i32 to index
      %get3A_2865 = arith.constant 16 : index
      %get3A_2866 = tpu.vector_load %arg9[%get3A_2864, %get3A_2865] {strides = array<i32>} : memref<128x32xf32, #tpu.memory_space<vmem>>, vector<1x16xf32>,
      %get3A_2867 = vector.shape_cast %get3A_2866 : vector<1x16xf32> to vector<16xf32>
      %add3A_2868 = arith.addf %add3A_2820, %get3A_2867 : vector<16xf32>
      %get3A_2869 = arith.constant 29 : i32
      %get3A_2870 = arith.index_cast %get3A_2869 : i32 to index
      %get3A_2871 = arith.constant 0 : index
      %get3A_2872 = tpu.vector_load %arg9[%get3A_2870, %get3A_2871] {strides = array<i32>} : memref<128x32xf32, #tpu.memory_space<vmem>>, vector<1x16xf32>,
      %get3A_2873 = vector.shape_cast %get3A_2872 : vector<1x16xf32> to vector<16xf32>
      %add3A_2874 = arith.addf %add3A_2826, %get3A_2873 : vector<16xf32>
      %get3A_2875 = arith.constant 29 : i32
      %get3A_2876 = arith.index_cast %get3A_2875 : i32 to index
      %get3A_2877 = arith.constant 16 : index
      %get3A_2878 = tpu.vector_load %arg9[%get3A_2876, %get3A_2877] {strides = array<i32>} : memref<128x32xf32, #tpu.memory_space<vmem>>, vector<1x16xf32>,
      %get3A_2879 = vector.shape_cast %get3A_2878 : vector<1x16xf32> to vector<16xf32>
      %add3A_2880 = arith.addf %add3A_2832, %get3A_2879 : vector<16xf32>
      %get3A_2881 = arith.constant 30 : i32
      %get3A_2882 = arith.index_cast %get3A_2881 : i32 to index
      %get3A_2883 = arith.constant 0 : index
      %get3A_2884 = tpu.vector_load %arg9[%get3A_2882, %get3A_2883] {strides = array<i32>} : memref<128x32xf32, #tpu.memory_space<vmem>>, vector<1x16xf32>,
      %get3A_2885 = vector.shape_cast %get3A_2884 : vector<1x16xf32> to vector<16xf32>
      %add3A_2886 = arith.addf %add3A_2838, %get3A_2885 : vector<16xf32>
      %get3A_2887 = arith.constant 30 : i32
      %get3A_2888 = arith.index_cast %get3A_2887 : i32 to index
      %get3A_2889 = arith.constant 16 : index
      %get3A_2890 = tpu.vector_load %arg9[%get3A_2888, %get3A_2889] {strides = array<i32>} : memref<128x32xf32, #tpu.memory_space<vmem>>, vector<1x16xf32>,
      %get3A_2891 = vector.shape_cast %get3A_2890 : vector<1x16xf32> to vector<16xf32>
      %add3A_2892 = arith.addf %add3A_2844, %get3A_2891 : vector<16xf32>
      %get3A_2893 = arith.constant 31 : i32
      %get3A_2894 = arith.index_cast %get3A_2893 : i32 to index
      %get3A_2895 = arith.constant 0 : index
      %get3A_2896 = tpu.vector_load %arg9[%get3A_2894, %get3A_2895] {strides = array<i32>} : memref<128x32xf32, #tpu.memory_space<vmem>>, vector<1x16xf32>,
      %get3A_2897 = vector.shape_cast %get3A_2896 : vector<1x16xf32> to vector<16xf32>
      %add3A_2898 = arith.addf %add3A_2850, %get3A_2897 : vector<16xf32>
      %get3A_2899 = arith.constant 31 : i32
      %get3A_2900 = arith.index_cast %get3A_2899 : i32 to index
      %get3A_2901 = arith.constant 16 : index
      %get3A_2902 = tpu.vector_load %arg9[%get3A_2900, %get3A_2901] {strides = array<i32>} : memref<128x32xf32, #tpu.memory_space<vmem>>, vector<1x16xf32>,
      %get3A_2903 = vector.shape_cast %get3A_2902 : vector<1x16xf32> to vector<16xf32>
      %add3A_2904 = arith.addf %add3A_2856, %get3A_2903 : vector<16xf32>
      %get3A_2905 = arith.constant 32 : i32
      %get3A_2906 = arith.index_cast %get3A_2905 : i32 to index
      %get3A_2907 = arith.constant 0 : index
      %get3A_2908 = tpu.vector_load %arg9[%get3A_2906, %get3A_2907] {strides = array<i32>} : memref<128x32xf32, #tpu.memory_space<vmem>>, vector<1x16xf32>,
      %get3A_2909 = vector.shape_cast %get3A_2908 : vector<1x16xf32> to vector<16xf32>
      %add3A_2910 = arith.addf %add3A_2862, %get3A_2909 : vector<16xf32>
      %get3A_2911 = arith.constant 32 : i32
      %get3A_2912 = arith.index_cast %get3A_2911 : i32 to index
      %get3A_2913 = arith.constant 16 : index
      %get3A_2914 = tpu.vector_load %arg9[%get3A_2912, %get3A_2913] {strides = array<i32>} : memref<128x32xf32, #tpu.memory_space<vmem>>, vector<1x16xf32>,
      %get3A_2915 = vector.shape_cast %get3A_2914 : vector<1x16xf32> to vector<16xf32>
      %add3A_2916 = arith.addf %add3A_2868, %get3A_2915 : vector<16xf32>
      %get3A_2917 = arith.constant 33 : i32
      %get3A_2918 = arith.index_cast %get3A_2917 : i32 to index
      %get3A_2919 = arith.constant 0 : index
      %get3A_2920 = tpu.vector_load %arg9[%get3A_2918, %get3A_2919] {strides = array<i32>} : memref<128x32xf32, #tpu.memory_space<vmem>>, vector<1x16xf32>,
      %get3A_2921 = vector.shape_cast %get3A_2920 : vector<1x16xf32> to vector<16xf32>
      %add3A_2922 = arith.addf %add3A_2874, %get3A_2921 : vector<16xf32>
      %get3A_2923 = arith.constant 33 : i32
      %get3A_2924 = arith.index_cast %get3A_2923 : i32 to index
      %get3A_2925 = arith.constant 16 : index
      %get3A_2926 = tpu.vector_load %arg9[%get3A_2924, %get3A_2925] {strides = array<i32>} : memref<128x32xf32, #tpu.memory_space<vmem>>, vector<1x16xf32>,
      %get3A_2927 = vector.shape_cast %get3A_2926 : vector<1x16xf32> to vector<16xf32>
      %add3A_2928 = arith.addf %add3A_2880, %get3A_2927 : vector<16xf32>
      %get3A_2929 = arith.constant 34 : i32
      %get3A_2930 = arith.index_cast %get3A_2929 : i32 to index
      %get3A_2931 = arith.constant 0 : index
      %get3A_2932 = tpu.vector_load %arg9[%get3A_2930, %get3A_2931] {strides = array<i32>} : memref<128x32xf32, #tpu.memory_space<vmem>>, vector<1x16xf32>,
      %get3A_2933 = vector.shape_cast %get3A_2932 : vector<1x16xf32> to vector<16xf32>
      %add3A_2934 = arith.addf %add3A_2886, %get3A_2933 : vector<16xf32>
      %get3A_2935 = arith.constant 34 : i32
      %get3A_2936 = arith.index_cast %get3A_2935 : i32 to index
      %get3A_2937 = arith.constant 16 : index
      %get3A_2938 = tpu.vector_load %arg9[%get3A_2936, %get3A_2937] {strides = array<i32>} : memref<128x32xf32, #tpu.memory_space<vmem>>, vector<1x16xf32>,
      %get3A_2939 = vector.shape_cast %get3A_2938 : vector<1x16xf32> to vector<16xf32>
      %add3A_2940 = arith.addf %add3A_2892, %get3A_2939 : vector<16xf32>
      %get3A_2941 = arith.constant 35 : i32
      %get3A_2942 = arith.index_cast %get3A_2941 : i32 to index
      %get3A_2943 = arith.constant 0 : index
      %get3A_2944 = tpu.vector_load %arg9[%get3A_2942, %get3A_2943] {strides = array<i32>} : memref<128x32xf32, #tpu.memory_space<vmem>>, vector<1x16xf32>,
      %get3A_2945 = vector.shape_cast %get3A_2944 : vector<1x16xf32> to vector<16xf32>
      %add3A_2946 = arith.addf %add3A_2898, %get3A_2945 : vector<16xf32>
      %get3A_2947 = arith.constant 35 : i32
      %get3A_2948 = arith.index_cast %get3A_2947 : i32 to index
      %get3A_2949 = arith.constant 16 : index
      %get3A_2950 = tpu.vector_load %arg9[%get3A_2948, %get3A_2949] {strides = array<i32>} : memref<128x32xf32, #tpu.memory_space<vmem>>, vector<1x16xf32>,
      %get3A_2951 = vector.shape_cast %get3A_2950 : vector<1x16xf32> to vector<16xf32>
      %add3A_2952 = arith.addf %add3A_2904, %get3A_2951 : vector<16xf32>
      %get3A_2953 = arith.constant 36 : i32
      %get3A_2954 = arith.index_cast %get3A_2953 : i32 to index
      %get3A_2955 = arith.constant 0 : index
      %get3A_2956 = tpu.vector_load %arg9[%get3A_2954, %get3A_2955] {strides = array<i32>} : memref<128x32xf32, #tpu.memory_space<vmem>>, vector<1x16xf32>,
      %get3A_2957 = vector.shape_cast %get3A_2956 : vector<1x16xf32> to vector<16xf32>
      %add3A_2958 = arith.addf %add3A_2910, %get3A_2957 : vector<16xf32>
      %get3A_2959 = arith.constant 36 : i32
      %get3A_2960 = arith.index_cast %get3A_2959 : i32 to index
      %get3A_2961 = arith.constant 16 : index
      %get3A_2962 = tpu.vector_load %arg9[%get3A_2960, %get3A_2961] {strides = array<i32>} : memref<128x32xf32, #tpu.memory_space<vmem>>, vector<1x16xf32>,
      %get3A_2963 = vector.shape_cast %get3A_2962 : vector<1x16xf32> to vector<16xf32>
      %add3A_2964 = arith.addf %add3A_2916, %get3A_2963 : vector<16xf32>
      %get3A_2965 = arith.constant 37 : i32
      %get3A_2966 = arith.index_cast %get3A_2965 : i32 to index
      %get3A_2967 = arith.constant 0 : index
      %get3A_2968 = tpu.vector_load %arg9[%get3A_2966, %get3A_2967] {strides = array<i32>} : memref<128x32xf32, #tpu.memory_space<vmem>>, vector<1x16xf32>,
      %get3A_2969 = vector.shape_cast %get3A_2968 : vector<1x16xf32> to vector<16xf32>
      %add3A_2970 = arith.addf %add3A_2922, %get3A_2969 : vector<16xf32>
      %get3A_2971 = arith.constant 37 : i32
      %get3A_2972 = arith.index_cast %get3A_2971 : i32 to index
      %get3A_2973 = arith.constant 16 : index
      %get3A_2974 = tpu.vector_load %arg9[%get3A_2972, %get3A_2973] {strides = array<i32>} : memref<128x32xf32, #tpu.memory_space<vmem>>, vector<1x16xf32>,
      %get3A_2975 = vector.shape_cast %get3A_2974 : vector<1x16xf32> to vector<16xf32>
      %add3A_2976 = arith.addf %add3A_2928, %get3A_2975 : vector<16xf32>
      %get3A_2977 = arith.constant 38 : i32
      %get3A_2978 = arith.index_cast %get3A_2977 : i32 to index
      %get3A_2979 = arith.constant 0 : index
      %get3A_2980 = tpu.vector_load %arg9[%get3A_2978, %get3A_2979] {strides = array<i32>} : memref<128x32xf32, #tpu.memory_space<vmem>>, vector<1x16xf32>,
      %get3A_2981 = vector.shape_cast %get3A_2980 : vector<1x16xf32> to vector<16xf32>
      %add3A_2982 = arith.addf %add3A_2934, %get3A_2981 : vector<16xf32>
      %get3A_2983 = arith.constant 38 : i32
      %get3A_2984 = arith.index_cast %get3A_2983 : i32 to index
      %get3A_2985 = arith.constant 16 : index
      %get3A_2986 = tpu.vector_load %arg9[%get3A_2984, %get3A_2985] {strides = array<i32>} : memref<128x32xf32, #tpu.memory_space<vmem>>, vector<1x16xf32>,
      %get3A_2987 = vector.shape_cast %get3A_2986 : vector<1x16xf32> to vector<16xf32>
      %add3A_2988 = arith.addf %add3A_2940, %get3A_2987 : vector<16xf32>
      %get3A_2989 = arith.constant 39 : i32
      %get3A_2990 = arith.index_cast %get3A_2989 : i32 to index
      %get3A_2991 = arith.constant 0 : index
      %get3A_2992 = tpu.vector_load %arg9[%get3A_2990, %get3A_2991] {strides = array<i32>} : memref<128x32xf32, #tpu.memory_space<vmem>>, vector<1x16xf32>,
      %get3A_2993 = vector.shape_cast %get3A_2992 : vector<1x16xf32> to vector<16xf32>
      %add3A_2994 = arith.addf %add3A_2946, %get3A_2993 : vector<16xf32>
      %get3A_2995 = arith.constant 39 : i32
      %get3A_2996 = arith.index_cast %get3A_2995 : i32 to index
      %get3A_2997 = arith.constant 16 : index
      %get3A_2998 = tpu.vector_load %arg9[%get3A_2996, %get3A_2997] {strides = array<i32>} : memref<128x32xf32, #tpu.memory_space<vmem>>, vector<1x16xf32>,
      %get3A_2999 = vector.shape_cast %get3A_2998 : vector<1x16xf32> to vector<16xf32>
      %add3A_3000 = arith.addf %add3A_2952, %get3A_2999 : vector<16xf32>
      %get3A_3001 = arith.constant 40 : i32
      %get3A_3002 = arith.index_cast %get3A_3001 : i32 to index
      %get3A_3003 = arith.constant 0 : index
      %get3A_3004 = tpu.vector_load %arg9[%get3A_3002, %get3A_3003] {strides = array<i32>} : memref<128x32xf32, #tpu.memory_space<vmem>>, vector<1x16xf32>,
      %get3A_3005 = vector.shape_cast %get3A_3004 : vector<1x16xf32> to vector<16xf32>
      %add3A_3006 = arith.addf %add3A_2958, %get3A_3005 : vector<16xf32>
      %get3A_3007 = arith.constant 40 : i32
      %get3A_3008 = arith.index_cast %get3A_3007 : i32 to index
      %get3A_3009 = arith.constant 16 : index
      %get3A_3010 = tpu.vector_load %arg9[%get3A_3008, %get3A_3009] {strides = array<i32>} : memref<128x32xf32, #tpu.memory_space<vmem>>, vector<1x16xf32>,
      %get3A_3011 = vector.shape_cast %get3A_3010 : vector<1x16xf32> to vector<16xf32>
      %add3A_3012 = arith.addf %add3A_2964, %get3A_3011 : vector<16xf32>
      %get3A_3013 = arith.constant 41 : i32
      %get3A_3014 = arith.index_cast %get3A_3013 : i32 to index
      %get3A_3015 = arith.constant 0 : index
      %get3A_3016 = tpu.vector_load %arg9[%get3A_3014, %get3A_3015] {strides = array<i32>} : memref<128x32xf32, #tpu.memory_space<vmem>>, vector<1x16xf32>,
      %get3A_3017 = vector.shape_cast %get3A_3016 : vector<1x16xf32> to vector<16xf32>
      %add3A_3018 = arith.addf %add3A_2970, %get3A_3017 : vector<16xf32>
      %get3A_3019 = arith.constant 41 : i32
      %get3A_3020 = arith.index_cast %get3A_3019 : i32 to index
      %get3A_3021 = arith.constant 16 : index
      %get3A_3022 = tpu.vector_load %arg9[%get3A_3020, %get3A_3021] {strides = array<i32>} : memref<128x32xf32, #tpu.memory_space<vmem>>, vector<1x16xf32>,
      %get3A_3023 = vector.shape_cast %get3A_3022 : vector<1x16xf32> to vector<16xf32>
      %add3A_3024 = arith.addf %add3A_2976, %get3A_3023 : vector<16xf32>
      %get3A_3025 = arith.constant 42 : i32
      %get3A_3026 = arith.index_cast %get3A_3025 : i32 to index
      %get3A_3027 = arith.constant 0 : index
      %get3A_3028 = tpu.vector_load %arg9[%get3A_3026, %get3A_3027] {strides = array<i32>} : memref<128x32xf32, #tpu.memory_space<vmem>>, vector<1x16xf32>,
      %get3A_3029 = vector.shape_cast %get3A_3028 : vector<1x16xf32> to vector<16xf32>
      %add3A_3030 = arith.addf %add3A_2982, %get3A_3029 : vector<16xf32>
      %get3A_3031 = arith.constant 42 : i32
      %get3A_3032 = arith.index_cast %get3A_3031 : i32 to index
      %get3A_3033 = arith.constant 16 : index
      %get3A_3034 = tpu.vector_load %arg9[%get3A_3032, %get3A_3033] {strides = array<i32>} : memref<128x32xf32, #tpu.memory_space<vmem>>, vector<1x16xf32>,
      %get3A_3035 = vector.shape_cast %get3A_3034 : vector<1x16xf32> to vector<16xf32>
      %add3A_3036 = arith.addf %add3A_2988, %get3A_3035 : vector<16xf32>
      %get3A_3037 = arith.constant 43 : i32
      %get3A_3038 = arith.index_cast %get3A_3037 : i32 to index
      %get3A_3039 = arith.constant 0 : index
      %get3A_3040 = tpu.vector_load %arg9[%get3A_3038, %get3A_3039] {strides = array<i32>} : memref<128x32xf32, #tpu.memory_space<vmem>>, vector<1x16xf32>,
      %get3A_3041 = vector.shape_cast %get3A_3040 : vector<1x16xf32> to vector<16xf32>
      %add3A_3042 = arith.addf %add3A_2994, %get3A_3041 : vector<16xf32>
      %get3A_3043 = arith.constant 43 : i32
      %get3A_3044 = arith.index_cast %get3A_3043 : i32 to index
      %get3A_3045 = arith.constant 16 : index
      %get3A_3046 = tpu.vector_load %arg9[%get3A_3044, %get3A_3045] {strides = array<i32>} : memref<128x32xf32, #tpu.memory_space<vmem>>, vector<1x16xf32>,
      %get3A_3047 = vector.shape_cast %get3A_3046 : vector<1x16xf32> to vector<16xf32>
      %add3A_3048 = arith.addf %add3A_3000, %get3A_3047 : vector<16xf32>
      %get3A_3049 = arith.constant 44 : i32
      %get3A_3050 = arith.index_cast %get3A_3049 : i32 to index
      %get3A_3051 = arith.constant 0 : index
      %get3A_3052 = tpu.vector_load %arg9[%get3A_3050, %get3A_3051] {strides = array<i32>} : memref<128x32xf32, #tpu.memory_space<vmem>>, vector<1x16xf32>,
      %get3A_3053 = vector.shape_cast %get3A_3052 : vector<1x16xf32> to vector<16xf32>
      %add3A_3054 = arith.addf %add3A_3006, %get3A_3053 : vector<16xf32>
      %get3A_3055 = arith.constant 44 : i32
      %get3A_3056 = arith.index_cast %get3A_3055 : i32 to index
      %get3A_3057 = arith.constant 16 : index
      %get3A_3058 = tpu.vector_load %arg9[%get3A_3056, %get3A_3057] {strides = array<i32>} : memref<128x32xf32, #tpu.memory_space<vmem>>, vector<1x16xf32>,
      %get3A_3059 = vector.shape_cast %get3A_3058 : vector<1x16xf32> to vector<16xf32>
      %add3A_3060 = arith.addf %add3A_3012, %get3A_3059 : vector<16xf32>
      %get3A_3061 = arith.constant 45 : i32
      %get3A_3062 = arith.index_cast %get3A_3061 : i32 to index
      %get3A_3063 = arith.constant 0 : index
      %get3A_3064 = tpu.vector_load %arg9[%get3A_3062, %get3A_3063] {strides = array<i32>} : memref<128x32xf32, #tpu.memory_space<vmem>>, vector<1x16xf32>,
      %get3A_3065 = vector.shape_cast %get3A_3064 : vector<1x16xf32> to vector<16xf32>
      %add3A_3066 = arith.addf %add3A_3018, %get3A_3065 : vector<16xf32>
      %get3A_3067 = arith.constant 45 : i32
      %get3A_3068 = arith.index_cast %get3A_3067 : i32 to index
      %get3A_3069 = arith.constant 16 : index
      %get3A_3070 = tpu.vector_load %arg9[%get3A_3068, %get3A_3069] {strides = array<i32>} : memref<128x32xf32, #tpu.memory_space<vmem>>, vector<1x16xf32>,
      %get3A_3071 = vector.shape_cast %get3A_3070 : vector<1x16xf32> to vector<16xf32>
      %add3A_3072 = arith.addf %add3A_3024, %get3A_3071 : vector<16xf32>
      %get3A_3073 = arith.constant 46 : i32
      %get3A_3074 = arith.index_cast %get3A_3073 : i32 to index
      %get3A_3075 = arith.constant 0 : index
      %get3A_3076 = tpu.vector_load %arg9[%get3A_3074, %get3A_3075] {strides = array<i32>} : memref<128x32xf32, #tpu.memory_space<vmem>>, vector<1x16xf32>,
      %get3A_3077 = vector.shape_cast %get3A_3076 : vector<1x16xf32> to vector<16xf32>
      %add3A_3078 = arith.addf %add3A_3030, %get3A_3077 : vector<16xf32>
      %get3A_3079 = arith.constant 46 : i32
      %get3A_3080 = arith.index_cast %get3A_3079 : i32 to index
      %get3A_3081 = arith.constant 16 : index
      %get3A_3082 = tpu.vector_load %arg9[%get3A_3080, %get3A_3081] {strides = array<i32>} : memref<128x32xf32, #tpu.memory_space<vmem>>, vector<1x16xf32>,
      %get3A_3083 = vector.shape_cast %get3A_3082 : vector<1x16xf32> to vector<16xf32>
      %add3A_3084 = arith.addf %add3A_3036, %get3A_3083 : vector<16xf32>
      %get3A_3085 = arith.constant 47 : i32
      %get3A_3086 = arith.index_cast %get3A_3085 : i32 to index
      %get3A_3087 = arith.constant 0 : index
      %get3A_3088 = tpu.vector_load %arg9[%get3A_3086, %get3A_3087] {strides = array<i32>} : memref<128x32xf32, #tpu.memory_space<vmem>>, vector<1x16xf32>,
      %get3A_3089 = vector.shape_cast %get3A_3088 : vector<1x16xf32> to vector<16xf32>
      %add3A_3090 = arith.addf %add3A_3042, %get3A_3089 : vector<16xf32>
      %get3A_3091 = arith.constant 47 : i32
      %get3A_3092 = arith.index_cast %get3A_3091 : i32 to index
      %get3A_3093 = arith.constant 16 : index
      %get3A_3094 = tpu.vector_load %arg9[%get3A_3092, %get3A_3093] {strides = array<i32>} : memref<128x32xf32, #tpu.memory_space<vmem>>, vector<1x16xf32>,
      %get3A_3095 = vector.shape_cast %get3A_3094 : vector<1x16xf32> to vector<16xf32>
      %add3A_3096 = arith.addf %add3A_3048, %get3A_3095 : vector<16xf32>
      %get3A_3097 = arith.constant 48 : i32
      %get3A_3098 = arith.index_cast %get3A_3097 : i32 to index
      %get3A_3099 = arith.constant 0 : index
      %get3A_3100 = tpu.vector_load %arg9[%get3A_3098, %get3A_3099] {strides = array<i32>} : memref<128x32xf32, #tpu.memory_space<vmem>>, vector<1x16xf32>,
      %get3A_3101 = vector.shape_cast %get3A_3100 : vector<1x16xf32> to vector<16xf32>
      %add3A_3102 = arith.addf %add3A_3054, %get3A_3101 : vector<16xf32>
      %get3A_3103 = arith.constant 48 : i32
      %get3A_3104 = arith.index_cast %get3A_3103 : i32 to index
      %get3A_3105 = arith.constant 16 : index
      %get3A_3106 = tpu.vector_load %arg9[%get3A_3104, %get3A_3105] {strides = array<i32>} : memref<128x32xf32, #tpu.memory_space<vmem>>, vector<1x16xf32>,
      %get3A_3107 = vector.shape_cast %get3A_3106 : vector<1x16xf32> to vector<16xf32>
      %add3A_3108 = arith.addf %add3A_3060, %get3A_3107 : vector<16xf32>
      %get3A_3109 = arith.constant 49 : i32
      %get3A_3110 = arith.index_cast %get3A_3109 : i32 to index
      %get3A_3111 = arith.constant 0 : index
      %get3A_3112 = tpu.vector_load %arg9[%get3A_3110, %get3A_3111] {strides = array<i32>} : memref<128x32xf32, #tpu.memory_space<vmem>>, vector<1x16xf32>,
      %get3A_3113 = vector.shape_cast %get3A_3112 : vector<1x16xf32> to vector<16xf32>
      %add3A_3114 = arith.addf %add3A_3066, %get3A_3113 : vector<16xf32>
      %get3A_3115 = arith.constant 49 : i32
      %get3A_3116 = arith.index_cast %get3A_3115 : i32 to index
      %get3A_3117 = arith.constant 16 : index
      %get3A_3118 = tpu.vector_load %arg9[%get3A_3116, %get3A_3117] {strides = array<i32>} : memref<128x32xf32, #tpu.memory_space<vmem>>, vector<1x16xf32>,
      %get3A_3119 = vector.shape_cast %get3A_3118 : vector<1x16xf32> to vector<16xf32>
      %add3A_3120 = arith.addf %add3A_3072, %get3A_3119 : vector<16xf32>
      %get3A_3121 = arith.constant 50 : i32
      %get3A_3122 = arith.index_cast %get3A_3121 : i32 to index
      %get3A_3123 = arith.constant 0 : index
      %get3A_3124 = tpu.vector_load %arg9[%get3A_3122, %get3A_3123] {strides = array<i32>} : memref<128x32xf32, #tpu.memory_space<vmem>>, vector<1x16xf32>,
      %get3A_3125 = vector.shape_cast %get3A_3124 : vector<1x16xf32> to vector<16xf32>
      %add3A_3126 = arith.addf %add3A_3078, %get3A_3125 : vector<16xf32>
      %get3A_3127 = arith.constant 50 : i32
      %get3A_3128 = arith.index_cast %get3A_3127 : i32 to index
      %get3A_3129 = arith.constant 16 : index
      %get3A_3130 = tpu.vector_load %arg9[%get3A_3128, %get3A_3129] {strides = array<i32>} : memref<128x32xf32, #tpu.memory_space<vmem>>, vector<1x16xf32>,
      %get3A_3131 = vector.shape_cast %get3A_3130 : vector<1x16xf32> to vector<16xf32>
      %add3A_3132 = arith.addf %add3A_3084, %get3A_3131 : vector<16xf32>
      %get3A_3133 = arith.constant 51 : i32
      %get3A_3134 = arith.index_cast %get3A_3133 : i32 to index
      %get3A_3135 = arith.constant 0 : index
      %get3A_3136 = tpu.vector_load %arg9[%get3A_3134, %get3A_3135] {strides = array<i32>} : memref<128x32xf32, #tpu.memory_space<vmem>>, vector<1x16xf32>,
      %get3A_3137 = vector.shape_cast %get3A_3136 : vector<1x16xf32> to vector<16xf32>
      %add3A_3138 = arith.addf %add3A_3090, %get3A_3137 : vector<16xf32>
      %get3A_3139 = arith.constant 51 : i32
      %get3A_3140 = arith.index_cast %get3A_3139 : i32 to index
      %get3A_3141 = arith.constant 16 : index
      %get3A_3142 = tpu.vector_load %arg9[%get3A_3140, %get3A_3141] {strides = array<i32>} : memref<128x32xf32, #tpu.memory_space<vmem>>, vector<1x16xf32>,
      %get3A_3143 = vector.shape_cast %get3A_3142 : vector<1x16xf32> to vector<16xf32>
      %add3A_3144 = arith.addf %add3A_3096, %get3A_3143 : vector<16xf32>
      %get3A_3145 = arith.constant 52 : i32
      %get3A_3146 = arith.index_cast %get3A_3145 : i32 to index
      %get3A_3147 = arith.constant 0 : index
      %get3A_3148 = tpu.vector_load %arg9[%get3A_3146, %get3A_3147] {strides = array<i32>} : memref<128x32xf32, #tpu.memory_space<vmem>>, vector<1x16xf32>,
      %get3A_3149 = vector.shape_cast %get3A_3148 : vector<1x16xf32> to vector<16xf32>
      %add3A_3150 = arith.addf %add3A_3102, %get3A_3149 : vector<16xf32>
      %get3A_3151 = arith.constant 52 : i32
      %get3A_3152 = arith.index_cast %get3A_3151 : i32 to index
      %get3A_3153 = arith.constant 16 : index
      %get3A_3154 = tpu.vector_load %arg9[%get3A_3152, %get3A_3153] {strides = array<i32>} : memref<128x32xf32, #tpu.memory_space<vmem>>, vector<1x16xf32>,
      %get3A_3155 = vector.shape_cast %get3A_3154 : vector<1x16xf32> to vector<16xf32>
      %add3A_3156 = arith.addf %add3A_3108, %get3A_3155 : vector<16xf32>
      %get3A_3157 = arith.constant 53 : i32
      %get3A_3158 = arith.index_cast %get3A_3157 : i32 to index
      %get3A_3159 = arith.constant 0 : index
      %get3A_3160 = tpu.vector_load %arg9[%get3A_3158, %get3A_3159] {strides = array<i32>} : memref<128x32xf32, #tpu.memory_space<vmem>>, vector<1x16xf32>,
      %get3A_3161 = vector.shape_cast %get3A_3160 : vector<1x16xf32> to vector<16xf32>
      %add3A_3162 = arith.addf %add3A_3114, %get3A_3161 : vector<16xf32>
      %get3A_3163 = arith.constant 53 : i32
      %get3A_3164 = arith.index_cast %get3A_3163 : i32 to index
      %get3A_3165 = arith.constant 16 : index
      %get3A_3166 = tpu.vector_load %arg9[%get3A_3164, %get3A_3165] {strides = array<i32>} : memref<128x32xf32, #tpu.memory_space<vmem>>, vector<1x16xf32>,
      %get3A_3167 = vector.shape_cast %get3A_3166 : vector<1x16xf32> to vector<16xf32>
      %add3A_3168 = arith.addf %add3A_3120, %get3A_3167 : vector<16xf32>
      %get3A_3169 = arith.constant 54 : i32
      %get3A_3170 = arith.index_cast %get3A_3169 : i32 to index
      %get3A_3171 = arith.constant 0 : index
      %get3A_3172 = tpu.vector_load %arg9[%get3A_3170, %get3A_3171] {strides = array<i32>} : memref<128x32xf32, #tpu.memory_space<vmem>>, vector<1x16xf32>,
      %get3A_3173 = vector.shape_cast %get3A_3172 : vector<1x16xf32> to vector<16xf32>
      %add3A_3174 = arith.addf %add3A_3126, %get3A_3173 : vector<16xf32>
      %get3A_3175 = arith.constant 54 : i32
      %get3A_3176 = arith.index_cast %get3A_3175 : i32 to index
      %get3A_3177 = arith.constant 16 : index
      %get3A_3178 = tpu.vector_load %arg9[%get3A_3176, %get3A_3177] {strides = array<i32>} : memref<128x32xf32, #tpu.memory_space<vmem>>, vector<1x16xf32>,
      %get3A_3179 = vector.shape_cast %get3A_3178 : vector<1x16xf32> to vector<16xf32>
      %add3A_3180 = arith.addf %add3A_3132, %get3A_3179 : vector<16xf32>
      %get3A_3181 = arith.constant 55 : i32
      %get3A_3182 = arith.index_cast %get3A_3181 : i32 to index
      %get3A_3183 = arith.constant 0 : index
      %get3A_3184 = tpu.vector_load %arg9[%get3A_3182, %get3A_3183] {strides = array<i32>} : memref<128x32xf32, #tpu.memory_space<vmem>>, vector<1x16xf32>,
      %get3A_3185 = vector.shape_cast %get3A_3184 : vector<1x16xf32> to vector<16xf32>
      %add3A_3186 = arith.addf %add3A_3138, %get3A_3185 : vector<16xf32>
      %get3A_3187 = arith.constant 55 : i32
      %get3A_3188 = arith.index_cast %get3A_3187 : i32 to index
      %get3A_3189 = arith.constant 16 : index
      %get3A_3190 = tpu.vector_load %arg9[%get3A_3188, %get3A_3189] {strides = array<i32>} : memref<128x32xf32, #tpu.memory_space<vmem>>, vector<1x16xf32>,
      %get3A_3191 = vector.shape_cast %get3A_3190 : vector<1x16xf32> to vector<16xf32>
      %add3A_3192 = arith.addf %add3A_3144, %get3A_3191 : vector<16xf32>
      %get3A_3193 = arith.constant 56 : i32
      %get3A_3194 = arith.index_cast %get3A_3193 : i32 to index
      %get3A_3195 = arith.constant 0 : index
      %get3A_3196 = tpu.vector_load %arg9[%get3A_3194, %get3A_3195] {strides = array<i32>} : memref<128x32xf32, #tpu.memory_space<vmem>>, vector<1x16xf32>,
      %get3A_3197 = vector.shape_cast %get3A_3196 : vector<1x16xf32> to vector<16xf32>
      %add3A_3198 = arith.addf %add3A_3150, %get3A_3197 : vector<16xf32>
      %get3A_3199 = arith.constant 56 : i32
      %get3A_3200 = arith.index_cast %get3A_3199 : i32 to index
      %get3A_3201 = arith.constant 16 : index
      %get3A_3202 = tpu.vector_load %arg9[%get3A_3200, %get3A_3201] {strides = array<i32>} : memref<128x32xf32, #tpu.memory_space<vmem>>, vector<1x16xf32>,
      %get3A_3203 = vector.shape_cast %get3A_3202 : vector<1x16xf32> to vector<16xf32>
      %add3A_3204 = arith.addf %add3A_3156, %get3A_3203 : vector<16xf32>
      %get3A_3205 = arith.constant 57 : i32
      %get3A_3206 = arith.index_cast %get3A_3205 : i32 to index
      %get3A_3207 = arith.constant 0 : index
      %get3A_3208 = tpu.vector_load %arg9[%get3A_3206, %get3A_3207] {strides = array<i32>} : memref<128x32xf32, #tpu.memory_space<vmem>>, vector<1x16xf32>,
      %get3A_3209 = vector.shape_cast %get3A_3208 : vector<1x16xf32> to vector<16xf32>
      %add3A_3210 = arith.addf %add3A_3162, %get3A_3209 : vector<16xf32>
      %get3A_3211 = arith.constant 57 : i32
      %get3A_3212 = arith.index_cast %get3A_3211 : i32 to index
      %get3A_3213 = arith.constant 16 : index
      %get3A_3214 = tpu.vector_load %arg9[%get3A_3212, %get3A_3213] {strides = array<i32>} : memref<128x32xf32, #tpu.memory_space<vmem>>, vector<1x16xf32>,
      %get3A_3215 = vector.shape_cast %get3A_3214 : vector<1x16xf32> to vector<16xf32>
      %add3A_3216 = arith.addf %add3A_3168, %get3A_3215 : vector<16xf32>
      %get3A_3217 = arith.constant 58 : i32
      %get3A_3218 = arith.index_cast %get3A_3217 : i32 to index
      %get3A_3219 = arith.constant 0 : index
      %get3A_3220 = tpu.vector_load %arg9[%get3A_3218, %get3A_3219] {strides = array<i32>} : memref<128x32xf32, #tpu.memory_space<vmem>>, vector<1x16xf32>,
      %get3A_3221 = vector.shape_cast %get3A_3220 : vector<1x16xf32> to vector<16xf32>
      %add3A_3222 = arith.addf %add3A_3174, %get3A_3221 : vector<16xf32>
      %get3A_3223 = arith.constant 58 : i32
      %get3A_3224 = arith.index_cast %get3A_3223 : i32 to index
      %get3A_3225 = arith.constant 16 : index
      %get3A_3226 = tpu.vector_load %arg9[%get3A_3224, %get3A_3225] {strides = array<i32>} : memref<128x32xf32, #tpu.memory_space<vmem>>, vector<1x16xf32>,
      %get3A_3227 = vector.shape_cast %get3A_3226 : vector<1x16xf32> to vector<16xf32>
      %add3A_3228 = arith.addf %add3A_3180, %get3A_3227 : vector<16xf32>
      %get3A_3229 = arith.constant 59 : i32
      %get3A_3230 = arith.index_cast %get3A_3229 : i32 to index
      %get3A_3231 = arith.constant 0 : index
      %get3A_3232 = tpu.vector_load %arg9[%get3A_3230, %get3A_3231] {strides = array<i32>} : memref<128x32xf32, #tpu.memory_space<vmem>>, vector<1x16xf32>,
      %get3A_3233 = vector.shape_cast %get3A_3232 : vector<1x16xf32> to vector<16xf32>
      %add3A_3234 = arith.addf %add3A_3186, %get3A_3233 : vector<16xf32>
      %get3A_3235 = arith.constant 59 : i32
      %get3A_3236 = arith.index_cast %get3A_3235 : i32 to index
      %get3A_3237 = arith.constant 16 : index
      %get3A_3238 = tpu.vector_load %arg9[%get3A_3236, %get3A_3237] {strides = array<i32>} : memref<128x32xf32, #tpu.memory_space<vmem>>, vector<1x16xf32>,
      %get3A_3239 = vector.shape_cast %get3A_3238 : vector<1x16xf32> to vector<16xf32>
      %add3A_3240 = arith.addf %add3A_3192, %get3A_3239 : vector<16xf32>
      %get3A_3241 = arith.constant 60 : i32
      %get3A_3242 = arith.index_cast %get3A_3241 : i32 to index
      %get3A_3243 = arith.constant 0 : index
      %get3A_3244 = tpu.vector_load %arg9[%get3A_3242, %get3A_3243] {strides = array<i32>} : memref<128x32xf32, #tpu.memory_space<vmem>>, vector<1x16xf32>,
      %get3A_3245 = vector.shape_cast %get3A_3244 : vector<1x16xf32> to vector<16xf32>
      %add3A_3246 = arith.addf %add3A_3198, %get3A_3245 : vector<16xf32>
      %get3A_3247 = arith.constant 60 : i32
      %get3A_3248 = arith.index_cast %get3A_3247 : i32 to index
      %get3A_3249 = arith.constant 16 : index
      %get3A_3250 = tpu.vector_load %arg9[%get3A_3248, %get3A_3249] {strides = array<i32>} : memref<128x32xf32, #tpu.memory_space<vmem>>, vector<1x16xf32>,
      %get3A_3251 = vector.shape_cast %get3A_3250 : vector<1x16xf32> to vector<16xf32>
      %add3A_3252 = arith.addf %add3A_3204, %get3A_3251 : vector<16xf32>
      %get3A_3253 = arith.constant 61 : i32
      %get3A_3254 = arith.index_cast %get3A_3253 : i32 to index
      %get3A_3255 = arith.constant 0 : index
      %get3A_3256 = tpu.vector_load %arg9[%get3A_3254, %get3A_3255] {strides = array<i32>} : memref<128x32xf32, #tpu.memory_space<vmem>>, vector<1x16xf32>,
      %get3A_3257 = vector.shape_cast %get3A_3256 : vector<1x16xf32> to vector<16xf32>
      %add3A_3258 = arith.addf %add3A_3210, %get3A_3257 : vector<16xf32>
      %get3A_3259 = arith.constant 61 : i32
      %get3A_3260 = arith.index_cast %get3A_3259 : i32 to index
      %get3A_3261 = arith.constant 16 : index
      %get3A_3262 = tpu.vector_load %arg9[%get3A_3260, %get3A_3261] {strides = array<i32>} : memref<128x32xf32, #tpu.memory_space<vmem>>, vector<1x16xf32>,
      %get3A_3263 = vector.shape_cast %get3A_3262 : vector<1x16xf32> to vector<16xf32>
      %add3A_3264 = arith.addf %add3A_3216, %get3A_3263 : vector<16xf32>
      %get3A_3265 = arith.constant 62 : i32
      %get3A_3266 = arith.index_cast %get3A_3265 : i32 to index
      %get3A_3267 = arith.constant 0 : index
      %get3A_3268 = tpu.vector_load %arg9[%get3A_3266, %get3A_3267] {strides = array<i32>} : memref<128x32xf32, #tpu.memory_space<vmem>>, vector<1x16xf32>,
      %get3A_3269 = vector.shape_cast %get3A_3268 : vector<1x16xf32> to vector<16xf32>
      %add3A_3270 = arith.addf %add3A_3222, %get3A_3269 : vector<16xf32>
      %get3A_3271 = arith.constant 62 : i32
      %get3A_3272 = arith.index_cast %get3A_3271 : i32 to index
      %get3A_3273 = arith.constant 16 : index
      %get3A_3274 = tpu.vector_load %arg9[%get3A_3272, %get3A_3273] {strides = array<i32>} : memref<128x32xf32, #tpu.memory_space<vmem>>, vector<1x16xf32>,
      %get3A_3275 = vector.shape_cast %get3A_3274 : vector<1x16xf32> to vector<16xf32>
      %add3A_3276 = arith.addf %add3A_3228, %get3A_3275 : vector<16xf32>
      %get3A_3277 = arith.constant 63 : i32
      %get3A_3278 = arith.index_cast %get3A_3277 : i32 to index
      %get3A_3279 = arith.constant 0 : index
      %get3A_3280 = tpu.vector_load %arg9[%get3A_3278, %get3A_3279] {strides = array<i32>} : memref<128x32xf32, #tpu.memory_space<vmem>>, vector<1x16xf32>,
      %get3A_3281 = vector.shape_cast %get3A_3280 : vector<1x16xf32> to vector<16xf32>
      %add3A_3282 = arith.addf %add3A_3234, %get3A_3281 : vector<16xf32>
      %get3A_3283 = arith.constant 63 : i32
      %get3A_3284 = arith.index_cast %get3A_3283 : i32 to index
      %get3A_3285 = arith.constant 16 : index
      %get3A_3286 = tpu.vector_load %arg9[%get3A_3284, %get3A_3285] {strides = array<i32>} : memref<128x32xf32, #tpu.memory_space<vmem>>, vector<1x16xf32>,
      %get3A_3287 = vector.shape_cast %get3A_3286 : vector<1x16xf32> to vector<16xf32>
      %add3A_3288 = arith.addf %add3A_3240, %get3A_3287 : vector<16xf32>
      %get3A_3289 = arith.constant 64 : i32
      %get3A_3290 = arith.index_cast %get3A_3289 : i32 to index
      %get3A_3291 = arith.constant 0 : index
      %get3A_3292 = tpu.vector_load %arg9[%get3A_3290, %get3A_3291] {strides = array<i32>} : memref<128x32xf32, #tpu.memory_space<vmem>>, vector<1x16xf32>,
      %get3A_3293 = vector.shape_cast %get3A_3292 : vector<1x16xf32> to vector<16xf32>
      %add3A_3294 = arith.addf %add3A_3246, %get3A_3293 : vector<16xf32>
      %get3A_3295 = arith.constant 64 : i32
      %get3A_3296 = arith.index_cast %get3A_3295 : i32 to index
      %get3A_3297 = arith.constant 16 : index
      %get3A_3298 = tpu.vector_load %arg9[%get3A_3296, %get3A_3297] {strides = array<i32>} : memref<128x32xf32, #tpu.memory_space<vmem>>, vector<1x16xf32>,
      %get3A_3299 = vector.shape_cast %get3A_3298 : vector<1x16xf32> to vector<16xf32>
      %add3A_3300 = arith.addf %add3A_3252, %get3A_3299 : vector<16xf32>
      %get3A_3301 = arith.constant 65 : i32
      %get3A_3302 = arith.index_cast %get3A_3301 : i32 to index
      %get3A_3303 = arith.constant 0 : index
      %get3A_3304 = tpu.vector_load %arg9[%get3A_3302, %get3A_3303] {strides = array<i32>} : memref<128x32xf32, #tpu.memory_space<vmem>>, vector<1x16xf32>,
      %get3A_3305 = vector.shape_cast %get3A_3304 : vector<1x16xf32> to vector<16xf32>
      %add3A_3306 = arith.addf %add3A_3258, %get3A_3305 : vector<16xf32>
      %get3A_3307 = arith.constant 65 : i32
      %get3A_3308 = arith.index_cast %get3A_3307 : i32 to index
      %get3A_3309 = arith.constant 16 : index
      %get3A_3310 = tpu.vector_load %arg9[%get3A_3308, %get3A_3309] {strides = array<i32>} : memref<128x32xf32, #tpu.memory_space<vmem>>, vector<1x16xf32>,
      %get3A_3311 = vector.shape_cast %get3A_3310 : vector<1x16xf32> to vector<16xf32>
      %add3A_3312 = arith.addf %add3A_3264, %get3A_3311 : vector<16xf32>
      %get3A_3313 = arith.constant 66 : i32
      %get3A_3314 = arith.index_cast %get3A_3313 : i32 to index
      %get3A_3315 = arith.constant 0 : index
      %get3A_3316 = tpu.vector_load %arg9[%get3A_3314, %get3A_3315] {strides = array<i32>} : memref<128x32xf32, #tpu.memory_space<vmem>>, vector<1x16xf32>,
      %get3A_3317 = vector.shape_cast %get3A_3316 : vector<1x16xf32> to vector<16xf32>
      %add3A_3318 = arith.addf %add3A_3270, %get3A_3317 : vector<16xf32>
      %get3A_3319 = arith.constant 66 : i32
      %get3A_3320 = arith.index_cast %get3A_3319 : i32 to index
      %get3A_3321 = arith.constant 16 : index
      %get3A_3322 = tpu.vector_load %arg9[%get3A_3320, %get3A_3321] {strides = array<i32>} : memref<128x32xf32, #tpu.memory_space<vmem>>, vector<1x16xf32>,
      %get3A_3323 = vector.shape_cast %get3A_3322 : vector<1x16xf32> to vector<16xf32>
      %add3A_3324 = arith.addf %add3A_3276, %get3A_3323 : vector<16xf32>
      %get3A_3325 = arith.constant 67 : i32
      %get3A_3326 = arith.index_cast %get3A_3325 : i32 to index
      %get3A_3327 = arith.constant 0 : index
      %get3A_3328 = tpu.vector_load %arg9[%get3A_3326, %get3A_3327] {strides = array<i32>} : memref<128x32xf32, #tpu.memory_space<vmem>>, vector<1x16xf32>,
      %get3A_3329 = vector.shape_cast %get3A_3328 : vector<1x16xf32> to vector<16xf32>
      %add3A_3330 = arith.addf %add3A_3282, %get3A_3329 : vector<16xf32>
      %get3A_3331 = arith.constant 67 : i32
      %get3A_3332 = arith.index_cast %get3A_3331 : i32 to index
      %get3A_3333 = arith.constant 16 : index
      %get3A_3334 = tpu.vector_load %arg9[%get3A_3332, %get3A_3333] {strides = array<i32>} : memref<128x32xf32, #tpu.memory_space<vmem>>, vector<1x16xf32>,
      %get3A_3335 = vector.shape_cast %get3A_3334 : vector<1x16xf32> to vector<16xf32>
      %add3A_3336 = arith.addf %add3A_3288, %get3A_3335 : vector<16xf32>
      %get3A_3337 = arith.constant 68 : i32
      %get3A_3338 = arith.index_cast %get3A_3337 : i32 to index
      %get3A_3339 = arith.constant 0 : index
      %get3A_3340 = tpu.vector_load %arg9[%get3A_3338, %get3A_3339] {strides = array<i32>} : memref<128x32xf32, #tpu.memory_space<vmem>>, vector<1x16xf32>,
      %get3A_3341 = vector.shape_cast %get3A_3340 : vector<1x16xf32> to vector<16xf32>
      %add3A_3342 = arith.addf %add3A_3294, %get3A_3341 : vector<16xf32>
      %get3A_3343 = arith.constant 68 : i32
      %get3A_3344 = arith.index_cast %get3A_3343 : i32 to index
      %get3A_3345 = arith.constant 16 : index
      %get3A_3346 = tpu.vector_load %arg9[%get3A_3344, %get3A_3345] {strides = array<i32>} : memref<128x32xf32, #tpu.memory_space<vmem>>, vector<1x16xf32>,
      %get3A_3347 = vector.shape_cast %get3A_3346 : vector<1x16xf32> to vector<16xf32>
      %add3A_3348 = arith.addf %add3A_3300, %get3A_3347 : vector<16xf32>
      %get3A_3349 = arith.constant 69 : i32
      %get3A_3350 = arith.index_cast %get3A_3349 : i32 to index
      %get3A_3351 = arith.constant 0 : index
      %get3A_3352 = tpu.vector_load %arg9[%get3A_3350, %get3A_3351] {strides = array<i32>} : memref<128x32xf32, #tpu.memory_space<vmem>>, vector<1x16xf32>,
      %get3A_3353 = vector.shape_cast %get3A_3352 : vector<1x16xf32> to vector<16xf32>
      %add3A_3354 = arith.addf %add3A_3306, %get3A_3353 : vector<16xf32>
      %get3A_3355 = arith.constant 69 : i32
      %get3A_3356 = arith.index_cast %get3A_3355 : i32 to index
      %get3A_3357 = arith.constant 16 : index
      %get3A_3358 = tpu.vector_load %arg9[%get3A_3356, %get3A_3357] {strides = array<i32>} : memref<128x32xf32, #tpu.memory_space<vmem>>, vector<1x16xf32>,
      %get3A_3359 = vector.shape_cast %get3A_3358 : vector<1x16xf32> to vector<16xf32>
      %add3A_3360 = arith.addf %add3A_3312, %get3A_3359 : vector<16xf32>
      %get3A_3361 = arith.constant 70 : i32
      %get3A_3362 = arith.index_cast %get3A_3361 : i32 to index
      %get3A_3363 = arith.constant 0 : index
      %get3A_3364 = tpu.vector_load %arg9[%get3A_3362, %get3A_3363] {strides = array<i32>} : memref<128x32xf32, #tpu.memory_space<vmem>>, vector<1x16xf32>,
      %get3A_3365 = vector.shape_cast %get3A_3364 : vector<1x16xf32> to vector<16xf32>
      %add3A_3366 = arith.addf %add3A_3318, %get3A_3365 : vector<16xf32>
      %get3A_3367 = arith.constant 70 : i32
      %get3A_3368 = arith.index_cast %get3A_3367 : i32 to index
      %get3A_3369 = arith.constant 16 : index
      %get3A_3370 = tpu.vector_load %arg9[%get3A_3368, %get3A_3369] {strides = array<i32>} : memref<128x32xf32, #tpu.memory_space<vmem>>, vector<1x16xf32>,
      %get3A_3371 = vector.shape_cast %get3A_3370 : vector<1x16xf32> to vector<16xf32>
      %add3A_3372 = arith.addf %add3A_3324, %get3A_3371 : vector<16xf32>
      %get3A_3373 = arith.constant 71 : i32
      %get3A_3374 = arith.index_cast %get3A_3373 : i32 to index
      %get3A_3375 = arith.constant 0 : index
      %get3A_3376 = tpu.vector_load %arg9[%get3A_3374, %get3A_3375] {strides = array<i32>} : memref<128x32xf32, #tpu.memory_space<vmem>>, vector<1x16xf32>,
      %get3A_3377 = vector.shape_cast %get3A_3376 : vector<1x16xf32> to vector<16xf32>
      %add3A_3378 = arith.addf %add3A_3330, %get3A_3377 : vector<16xf32>
      %get3A_3379 = arith.constant 71 : i32
      %get3A_3380 = arith.index_cast %get3A_3379 : i32 to index
      %get3A_3381 = arith.constant 16 : index
      %get3A_3382 = tpu.vector_load %arg9[%get3A_3380, %get3A_3381] {strides = array<i32>} : memref<128x32xf32, #tpu.memory_space<vmem>>, vector<1x16xf32>,
      %get3A_3383 = vector.shape_cast %get3A_3382 : vector<1x16xf32> to vector<16xf32>
      %add3A_3384 = arith.addf %add3A_3336, %get3A_3383 : vector<16xf32>
      %get3A_3385 = arith.constant 72 : i32
      %get3A_3386 = arith.index_cast %get3A_3385 : i32 to index
      %get3A_3387 = arith.constant 0 : index
      %get3A_3388 = tpu.vector_load %arg9[%get3A_3386, %get3A_3387] {strides = array<i32>} : memref<128x32xf32, #tpu.memory_space<vmem>>, vector<1x16xf32>,
      %get3A_3389 = vector.shape_cast %get3A_3388 : vector<1x16xf32> to vector<16xf32>
      %add3A_3390 = arith.addf %add3A_3342, %get3A_3389 : vector<16xf32>
      %get3A_3391 = arith.constant 72 : i32
      %get3A_3392 = arith.index_cast %get3A_3391 : i32 to index
      %get3A_3393 = arith.constant 16 : index
      %get3A_3394 = tpu.vector_load %arg9[%get3A_3392, %get3A_3393] {strides = array<i32>} : memref<128x32xf32, #tpu.memory_space<vmem>>, vector<1x16xf32>,
      %get3A_3395 = vector.shape_cast %get3A_3394 : vector<1x16xf32> to vector<16xf32>
      %add3A_3396 = arith.addf %add3A_3348, %get3A_3395 : vector<16xf32>
      %get3A_3397 = arith.constant 73 : i32
      %get3A_3398 = arith.index_cast %get3A_3397 : i32 to index
      %get3A_3399 = arith.constant 0 : index
      %get3A_3400 = tpu.vector_load %arg9[%get3A_3398, %get3A_3399] {strides = array<i32>} : memref<128x32xf32, #tpu.memory_space<vmem>>, vector<1x16xf32>,
      %get3A_3401 = vector.shape_cast %get3A_3400 : vector<1x16xf32> to vector<16xf32>
      %add3A_3402 = arith.addf %add3A_3354, %get3A_3401 : vector<16xf32>
      %get3A_3403 = arith.constant 73 : i32
      %get3A_3404 = arith.index_cast %get3A_3403 : i32 to index
      %get3A_3405 = arith.constant 16 : index
      %get3A_3406 = tpu.vector_load %arg9[%get3A_3404, %get3A_3405] {strides = array<i32>} : memref<128x32xf32, #tpu.memory_space<vmem>>, vector<1x16xf32>,
      %get3A_3407 = vector.shape_cast %get3A_3406 : vector<1x16xf32> to vector<16xf32>
      %add3A_3408 = arith.addf %add3A_3360, %get3A_3407 : vector<16xf32>
      %get3A_3409 = arith.constant 74 : i32
      %get3A_3410 = arith.index_cast %get3A_3409 : i32 to index
      %get3A_3411 = arith.constant 0 : index
      %get3A_3412 = tpu.vector_load %arg9[%get3A_3410, %get3A_3411] {strides = array<i32>} : memref<128x32xf32, #tpu.memory_space<vmem>>, vector<1x16xf32>,
      %get3A_3413 = vector.shape_cast %get3A_3412 : vector<1x16xf32> to vector<16xf32>
      %add3A_3414 = arith.addf %add3A_3366, %get3A_3413 : vector<16xf32>
      %get3A_3415 = arith.constant 74 : i32
      %get3A_3416 = arith.index_cast %get3A_3415 : i32 to index
      %get3A_3417 = arith.constant 16 : index
      %get3A_3418 = tpu.vector_load %arg9[%get3A_3416, %get3A_3417] {strides = array<i32>} : memref<128x32xf32, #tpu.memory_space<vmem>>, vector<1x16xf32>,
      %get3A_3419 = vector.shape_cast %get3A_3418 : vector<1x16xf32> to vector<16xf32>
      %add3A_3420 = arith.addf %add3A_3372, %get3A_3419 : vector<16xf32>
      %get3A_3421 = arith.constant 75 : i32
      %get3A_3422 = arith.index_cast %get3A_3421 : i32 to index
      %get3A_3423 = arith.constant 0 : index
      %get3A_3424 = tpu.vector_load %arg9[%get3A_3422, %get3A_3423] {strides = array<i32>} : memref<128x32xf32, #tpu.memory_space<vmem>>, vector<1x16xf32>,
      %get3A_3425 = vector.shape_cast %get3A_3424 : vector<1x16xf32> to vector<16xf32>
      %add3A_3426 = arith.addf %add3A_3378, %get3A_3425 : vector<16xf32>
      %get3A_3427 = arith.constant 75 : i32
      %get3A_3428 = arith.index_cast %get3A_3427 : i32 to index
      %get3A_3429 = arith.constant 16 : index
      %get3A_3430 = tpu.vector_load %arg9[%get3A_3428, %get3A_3429] {strides = array<i32>} : memref<128x32xf32, #tpu.memory_space<vmem>>, vector<1x16xf32>,
      %get3A_3431 = vector.shape_cast %get3A_3430 : vector<1x16xf32> to vector<16xf32>
      %add3A_3432 = arith.addf %add3A_3384, %get3A_3431 : vector<16xf32>
      %get3A_3433 = arith.constant 76 : i32
      %get3A_3434 = arith.index_cast %get3A_3433 : i32 to index
      %get3A_3435 = arith.constant 0 : index
      %get3A_3436 = tpu.vector_load %arg9[%get3A_3434, %get3A_3435] {strides = array<i32>} : memref<128x32xf32, #tpu.memory_space<vmem>>, vector<1x16xf32>,
      %get3A_3437 = vector.shape_cast %get3A_3436 : vector<1x16xf32> to vector<16xf32>
      %add3A_3438 = arith.addf %add3A_3390, %get3A_3437 : vector<16xf32>
      %get3A_3439 = arith.constant 76 : i32
      %get3A_3440 = arith.index_cast %get3A_3439 : i32 to index
      %get3A_3441 = arith.constant 16 : index
      %get3A_3442 = tpu.vector_load %arg9[%get3A_3440, %get3A_3441] {strides = array<i32>} : memref<128x32xf32, #tpu.memory_space<vmem>>, vector<1x16xf32>,
      %get3A_3443 = vector.shape_cast %get3A_3442 : vector<1x16xf32> to vector<16xf32>
      %add3A_3444 = arith.addf %add3A_3396, %get3A_3443 : vector<16xf32>
      %get3A_3445 = arith.constant 77 : i32
      %get3A_3446 = arith.index_cast %get3A_3445 : i32 to index
      %get3A_3447 = arith.constant 0 : index
      %get3A_3448 = tpu.vector_load %arg9[%get3A_3446, %get3A_3447] {strides = array<i32>} : memref<128x32xf32, #tpu.memory_space<vmem>>, vector<1x16xf32>,
      %get3A_3449 = vector.shape_cast %get3A_3448 : vector<1x16xf32> to vector<16xf32>
      %add3A_3450 = arith.addf %add3A_3402, %get3A_3449 : vector<16xf32>
      %get3A_3451 = arith.constant 77 : i32
      %get3A_3452 = arith.index_cast %get3A_3451 : i32 to index
      %get3A_3453 = arith.constant 16 : index
      %get3A_3454 = tpu.vector_load %arg9[%get3A_3452, %get3A_3453] {strides = array<i32>} : memref<128x32xf32, #tpu.memory_space<vmem>>, vector<1x16xf32>,
      %get3A_3455 = vector.shape_cast %get3A_3454 : vector<1x16xf32> to vector<16xf32>
      %add3A_3456 = arith.addf %add3A_3408, %get3A_3455 : vector<16xf32>
      %get3A_3457 = arith.constant 78 : i32
      %get3A_3458 = arith.index_cast %get3A_3457 : i32 to index
      %get3A_3459 = arith.constant 0 : index
      %get3A_3460 = tpu.vector_load %arg9[%get3A_3458, %get3A_3459] {strides = array<i32>} : memref<128x32xf32, #tpu.memory_space<vmem>>, vector<1x16xf32>,
      %get3A_3461 = vector.shape_cast %get3A_3460 : vector<1x16xf32> to vector<16xf32>
      %add3A_3462 = arith.addf %add3A_3414, %get3A_3461 : vector<16xf32>
      %get3A_3463 = arith.constant 78 : i32
      %get3A_3464 = arith.index_cast %get3A_3463 : i32 to index
      %get3A_3465 = arith.constant 16 : index
      %get3A_3466 = tpu.vector_load %arg9[%get3A_3464, %get3A_3465] {strides = array<i32>} : memref<128x32xf32, #tpu.memory_space<vmem>>, vector<1x16xf32>,
      %get3A_3467 = vector.shape_cast %get3A_3466 : vector<1x16xf32> to vector<16xf32>
      %add3A_3468 = arith.addf %add3A_3420, %get3A_3467 : vector<16xf32>
      %get3A_3469 = arith.constant 79 : i32
      %get3A_3470 = arith.index_cast %get3A_3469 : i32 to index
      %get3A_3471 = arith.constant 0 : index
      %get3A_3472 = tpu.vector_load %arg9[%get3A_3470, %get3A_3471] {strides = array<i32>} : memref<128x32xf32, #tpu.memory_space<vmem>>, vector<1x16xf32>,
      %get3A_3473 = vector.shape_cast %get3A_3472 : vector<1x16xf32> to vector<16xf32>
      %add3A_3474 = arith.addf %add3A_3426, %get3A_3473 : vector<16xf32>
      %get3A_3475 = arith.constant 79 : i32
      %get3A_3476 = arith.index_cast %get3A_3475 : i32 to index
      %get3A_3477 = arith.constant 16 : index
      %get3A_3478 = tpu.vector_load %arg9[%get3A_3476, %get3A_3477] {strides = array<i32>} : memref<128x32xf32, #tpu.memory_space<vmem>>, vector<1x16xf32>,
      %get3A_3479 = vector.shape_cast %get3A_3478 : vector<1x16xf32> to vector<16xf32>
      %add3A_3480 = arith.addf %add3A_3432, %get3A_3479 : vector<16xf32>
      %get3A_3481 = arith.constant 80 : i32
      %get3A_3482 = arith.index_cast %get3A_3481 : i32 to index
      %get3A_3483 = arith.constant 0 : index
      %get3A_3484 = tpu.vector_load %arg9[%get3A_3482, %get3A_3483] {strides = array<i32>} : memref<128x32xf32, #tpu.memory_space<vmem>>, vector<1x16xf32>,
      %get3A_3485 = vector.shape_cast %get3A_3484 : vector<1x16xf32> to vector<16xf32>
      %add3A_3486 = arith.addf %add3A_3438, %get3A_3485 : vector<16xf32>
      %get3A_3487 = arith.constant 80 : i32
      %get3A_3488 = arith.index_cast %get3A_3487 : i32 to index
      %get3A_3489 = arith.constant 16 : index
      %get3A_3490 = tpu.vector_load %arg9[%get3A_3488, %get3A_3489] {strides = array<i32>} : memref<128x32xf32, #tpu.memory_space<vmem>>, vector<1x16xf32>,
      %get3A_3491 = vector.shape_cast %get3A_3490 : vector<1x16xf32> to vector<16xf32>
      %add3A_3492 = arith.addf %add3A_3444, %get3A_3491 : vector<16xf32>
      %get3A_3493 = arith.constant 81 : i32
      %get3A_3494 = arith.index_cast %get3A_3493 : i32 to index
      %get3A_3495 = arith.constant 0 : index
      %get3A_3496 = tpu.vector_load %arg9[%get3A_3494, %get3A_3495] {strides = array<i32>} : memref<128x32xf32, #tpu.memory_space<vmem>>, vector<1x16xf32>,
      %get3A_3497 = vector.shape_cast %get3A_3496 : vector<1x16xf32> to vector<16xf32>
      %add3A_3498 = arith.addf %add3A_3450, %get3A_3497 : vector<16xf32>
      %get3A_3499 = arith.constant 81 : i32
      %get3A_3500 = arith.index_cast %get3A_3499 : i32 to index
      %get3A_3501 = arith.constant 16 : index
      %get3A_3502 = tpu.vector_load %arg9[%get3A_3500, %get3A_3501] {strides = array<i32>} : memref<128x32xf32, #tpu.memory_space<vmem>>, vector<1x16xf32>,
      %get3A_3503 = vector.shape_cast %get3A_3502 : vector<1x16xf32> to vector<16xf32>
      %add3A_3504 = arith.addf %add3A_3456, %get3A_3503 : vector<16xf32>
      %get3A_3505 = arith.constant 82 : i32
      %get3A_3506 = arith.index_cast %get3A_3505 : i32 to index
      %get3A_3507 = arith.constant 0 : index
      %get3A_3508 = tpu.vector_load %arg9[%get3A_3506, %get3A_3507] {strides = array<i32>} : memref<128x32xf32, #tpu.memory_space<vmem>>, vector<1x16xf32>,
      %get3A_3509 = vector.shape_cast %get3A_3508 : vector<1x16xf32> to vector<16xf32>
      %add3A_3510 = arith.addf %add3A_3462, %get3A_3509 : vector<16xf32>
      %get3A_3511 = arith.constant 82 : i32
      %get3A_3512 = arith.index_cast %get3A_3511 : i32 to index
      %get3A_3513 = arith.constant 16 : index
      %get3A_3514 = tpu.vector_load %arg9[%get3A_3512, %get3A_3513] {strides = array<i32>} : memref<128x32xf32, #tpu.memory_space<vmem>>, vector<1x16xf32>,
      %get3A_3515 = vector.shape_cast %get3A_3514 : vector<1x16xf32> to vector<16xf32>
      %add3A_3516 = arith.addf %add3A_3468, %get3A_3515 : vector<16xf32>
      %get3A_3517 = arith.constant 83 : i32
      %get3A_3518 = arith.index_cast %get3A_3517 : i32 to index
      %get3A_3519 = arith.constant 0 : index
      %get3A_3520 = tpu.vector_load %arg9[%get3A_3518, %get3A_3519] {strides = array<i32>} : memref<128x32xf32, #tpu.memory_space<vmem>>, vector<1x16xf32>,
      %get3A_3521 = vector.shape_cast %get3A_3520 : vector<1x16xf32> to vector<16xf32>
      %add3A_3522 = arith.addf %add3A_3474, %get3A_3521 : vector<16xf32>
      %get3A_3523 = arith.constant 83 : i32
      %get3A_3524 = arith.index_cast %get3A_3523 : i32 to index
      %get3A_3525 = arith.constant 16 : index
      %get3A_3526 = tpu.vector_load %arg9[%get3A_3524, %get3A_3525] {strides = array<i32>} : memref<128x32xf32, #tpu.memory_space<vmem>>, vector<1x16xf32>,
      %get3A_3527 = vector.shape_cast %get3A_3526 : vector<1x16xf32> to vector<16xf32>
      %add3A_3528 = arith.addf %add3A_3480, %get3A_3527 : vector<16xf32>
      %get3A_3529 = arith.constant 84 : i32
      %get3A_3530 = arith.index_cast %get3A_3529 : i32 to index
      %get3A_3531 = arith.constant 0 : index
      %get3A_3532 = tpu.vector_load %arg9[%get3A_3530, %get3A_3531] {strides = array<i32>} : memref<128x32xf32, #tpu.memory_space<vmem>>, vector<1x16xf32>,
      %get3A_3533 = vector.shape_cast %get3A_3532 : vector<1x16xf32> to vector<16xf32>
      %add3A_3534 = arith.addf %add3A_3486, %get3A_3533 : vector<16xf32>
      %get3A_3535 = arith.constant 84 : i32
      %get3A_3536 = arith.index_cast %get3A_3535 : i32 to index
      %get3A_3537 = arith.constant 16 : index
      %get3A_3538 = tpu.vector_load %arg9[%get3A_3536, %get3A_3537] {strides = array<i32>} : memref<128x32xf32, #tpu.memory_space<vmem>>, vector<1x16xf32>,
      %get3A_3539 = vector.shape_cast %get3A_3538 : vector<1x16xf32> to vector<16xf32>
      %add3A_3540 = arith.addf %add3A_3492, %get3A_3539 : vector<16xf32>
      %get3A_3541 = arith.constant 85 : i32
      %get3A_3542 = arith.index_cast %get3A_3541 : i32 to index
      %get3A_3543 = arith.constant 0 : index
      %get3A_3544 = tpu.vector_load %arg9[%get3A_3542, %get3A_3543] {strides = array<i32>} : memref<128x32xf32, #tpu.memory_space<vmem>>, vector<1x16xf32>,
      %get3A_3545 = vector.shape_cast %get3A_3544 : vector<1x16xf32> to vector<16xf32>
      %add3A_3546 = arith.addf %add3A_3498, %get3A_3545 : vector<16xf32>
      %get3A_3547 = arith.constant 85 : i32
      %get3A_3548 = arith.index_cast %get3A_3547 : i32 to index
      %get3A_3549 = arith.constant 16 : index
      %get3A_3550 = tpu.vector_load %arg9[%get3A_3548, %get3A_3549] {strides = array<i32>} : memref<128x32xf32, #tpu.memory_space<vmem>>, vector<1x16xf32>,
      %get3A_3551 = vector.shape_cast %get3A_3550 : vector<1x16xf32> to vector<16xf32>
      %add3A_3552 = arith.addf %add3A_3504, %get3A_3551 : vector<16xf32>
      %get3A_3553 = arith.constant 86 : i32
      %get3A_3554 = arith.index_cast %get3A_3553 : i32 to index
      %get3A_3555 = arith.constant 0 : index
      %get3A_3556 = tpu.vector_load %arg9[%get3A_3554, %get3A_3555] {strides = array<i32>} : memref<128x32xf32, #tpu.memory_space<vmem>>, vector<1x16xf32>,
      %get3A_3557 = vector.shape_cast %get3A_3556 : vector<1x16xf32> to vector<16xf32>
      %add3A_3558 = arith.addf %add3A_3510, %get3A_3557 : vector<16xf32>
      %get3A_3559 = arith.constant 86 : i32
      %get3A_3560 = arith.index_cast %get3A_3559 : i32 to index
      %get3A_3561 = arith.constant 16 : index
      %get3A_3562 = tpu.vector_load %arg9[%get3A_3560, %get3A_3561] {strides = array<i32>} : memref<128x32xf32, #tpu.memory_space<vmem>>, vector<1x16xf32>,
      %get3A_3563 = vector.shape_cast %get3A_3562 : vector<1x16xf32> to vector<16xf32>
      %add3A_3564 = arith.addf %add3A_3516, %get3A_3563 : vector<16xf32>
      %get3A_3565 = arith.constant 87 : i32
      %get3A_3566 = arith.index_cast %get3A_3565 : i32 to index
      %get3A_3567 = arith.constant 0 : index
      %get3A_3568 = tpu.vector_load %arg9[%get3A_3566, %get3A_3567] {strides = array<i32>} : memref<128x32xf32, #tpu.memory_space<vmem>>, vector<1x16xf32>,
      %get3A_3569 = vector.shape_cast %get3A_3568 : vector<1x16xf32> to vector<16xf32>
      %add3A_3570 = arith.addf %add3A_3522, %get3A_3569 : vector<16xf32>
      %get3A_3571 = arith.constant 87 : i32
      %get3A_3572 = arith.index_cast %get3A_3571 : i32 to index
      %get3A_3573 = arith.constant 16 : index
      %get3A_3574 = tpu.vector_load %arg9[%get3A_3572, %get3A_3573] {strides = array<i32>} : memref<128x32xf32, #tpu.memory_space<vmem>>, vector<1x16xf32>,
      %get3A_3575 = vector.shape_cast %get3A_3574 : vector<1x16xf32> to vector<16xf32>
      %add3A_3576 = arith.addf %add3A_3528, %get3A_3575 : vector<16xf32>
      %get3A_3577 = arith.constant 88 : i32
      %get3A_3578 = arith.index_cast %get3A_3577 : i32 to index
      %get3A_3579 = arith.constant 0 : index
      %get3A_3580 = tpu.vector_load %arg9[%get3A_3578, %get3A_3579] {strides = array<i32>} : memref<128x32xf32, #tpu.memory_space<vmem>>, vector<1x16xf32>,
      %get3A_3581 = vector.shape_cast %get3A_3580 : vector<1x16xf32> to vector<16xf32>
      %add3A_3582 = arith.addf %add3A_3534, %get3A_3581 : vector<16xf32>
      %get3A_3583 = arith.constant 88 : i32
      %get3A_3584 = arith.index_cast %get3A_3583 : i32 to index
      %get3A_3585 = arith.constant 16 : index
      %get3A_3586 = tpu.vector_load %arg9[%get3A_3584, %get3A_3585] {strides = array<i32>} : memref<128x32xf32, #tpu.memory_space<vmem>>, vector<1x16xf32>,
      %get3A_3587 = vector.shape_cast %get3A_3586 : vector<1x16xf32> to vector<16xf32>
      %add3A_3588 = arith.addf %add3A_3540, %get3A_3587 : vector<16xf32>
      %get3A_3589 = arith.constant 89 : i32
      %get3A_3590 = arith.index_cast %get3A_3589 : i32 to index
      %get3A_3591 = arith.constant 0 : index
      %get3A_3592 = tpu.vector_load %arg9[%get3A_3590, %get3A_3591] {strides = array<i32>} : memref<128x32xf32, #tpu.memory_space<vmem>>, vector<1x16xf32>,
      %get3A_3593 = vector.shape_cast %get3A_3592 : vector<1x16xf32> to vector<16xf32>
      %add3A_3594 = arith.addf %add3A_3546, %get3A_3593 : vector<16xf32>
      %get3A_3595 = arith.constant 89 : i32
      %get3A_3596 = arith.index_cast %get3A_3595 : i32 to index
      %get3A_3597 = arith.constant 16 : index
      %get3A_3598 = tpu.vector_load %arg9[%get3A_3596, %get3A_3597] {strides = array<i32>} : memref<128x32xf32, #tpu.memory_space<vmem>>, vector<1x16xf32>,
      %get3A_3599 = vector.shape_cast %get3A_3598 : vector<1x16xf32> to vector<16xf32>
      %add3A_3600 = arith.addf %add3A_3552, %get3A_3599 : vector<16xf32>
      %get3A_3601 = arith.constant 90 : i32
      %get3A_3602 = arith.index_cast %get3A_3601 : i32 to index
      %get3A_3603 = arith.constant 0 : index
      %get3A_3604 = tpu.vector_load %arg9[%get3A_3602, %get3A_3603] {strides = array<i32>} : memref<128x32xf32, #tpu.memory_space<vmem>>, vector<1x16xf32>,
      %get3A_3605 = vector.shape_cast %get3A_3604 : vector<1x16xf32> to vector<16xf32>
      %add3A_3606 = arith.addf %add3A_3558, %get3A_3605 : vector<16xf32>
      %get3A_3607 = arith.constant 90 : i32
      %get3A_3608 = arith.index_cast %get3A_3607 : i32 to index
      %get3A_3609 = arith.constant 16 : index
      %get3A_3610 = tpu.vector_load %arg9[%get3A_3608, %get3A_3609] {strides = array<i32>} : memref<128x32xf32, #tpu.memory_space<vmem>>, vector<1x16xf32>,
      %get3A_3611 = vector.shape_cast %get3A_3610 : vector<1x16xf32> to vector<16xf32>
      %add3A_3612 = arith.addf %add3A_3564, %get3A_3611 : vector<16xf32>
      %get3A_3613 = arith.constant 91 : i32
      %get3A_3614 = arith.index_cast %get3A_3613 : i32 to index
      %get3A_3615 = arith.constant 0 : index
      %get3A_3616 = tpu.vector_load %arg9[%get3A_3614, %get3A_3615] {strides = array<i32>} : memref<128x32xf32, #tpu.memory_space<vmem>>, vector<1x16xf32>,
      %get3A_3617 = vector.shape_cast %get3A_3616 : vector<1x16xf32> to vector<16xf32>
      %add3A_3618 = arith.addf %add3A_3570, %get3A_3617 : vector<16xf32>
      %get3A_3619 = arith.constant 91 : i32
      %get3A_3620 = arith.index_cast %get3A_3619 : i32 to index
      %get3A_3621 = arith.constant 16 : index
      %get3A_3622 = tpu.vector_load %arg9[%get3A_3620, %get3A_3621] {strides = array<i32>} : memref<128x32xf32, #tpu.memory_space<vmem>>, vector<1x16xf32>,
      %get3A_3623 = vector.shape_cast %get3A_3622 : vector<1x16xf32> to vector<16xf32>
      %add3A_3624 = arith.addf %add3A_3576, %get3A_3623 : vector<16xf32>
      %get3A_3625 = arith.constant 92 : i32
      %get3A_3626 = arith.index_cast %get3A_3625 : i32 to index
      %get3A_3627 = arith.constant 0 : index
      %get3A_3628 = tpu.vector_load %arg9[%get3A_3626, %get3A_3627] {strides = array<i32>} : memref<128x32xf32, #tpu.memory_space<vmem>>, vector<1x16xf32>,
      %get3A_3629 = vector.shape_cast %get3A_3628 : vector<1x16xf32> to vector<16xf32>
      %add3A_3630 = arith.addf %add3A_3582, %get3A_3629 : vector<16xf32>
      %get3A_3631 = arith.constant 92 : i32
      %get3A_3632 = arith.index_cast %get3A_3631 : i32 to index
      %get3A_3633 = arith.constant 16 : index
      %get3A_3634 = tpu.vector_load %arg9[%get3A_3632, %get3A_3633] {strides = array<i32>} : memref<128x32xf32, #tpu.memory_space<vmem>>, vector<1x16xf32>,
      %get3A_3635 = vector.shape_cast %get3A_3634 : vector<1x16xf32> to vector<16xf32>
      %add3A_3636 = arith.addf %add3A_3588, %get3A_3635 : vector<16xf32>
      %get3A_3637 = arith.constant 93 : i32
      %get3A_3638 = arith.index_cast %get3A_3637 : i32 to index
      %get3A_3639 = arith.constant 0 : index
      %get3A_3640 = tpu.vector_load %arg9[%get3A_3638, %get3A_3639] {strides = array<i32>} : memref<128x32xf32, #tpu.memory_space<vmem>>, vector<1x16xf32>,
      %get3A_3641 = vector.shape_cast %get3A_3640 : vector<1x16xf32> to vector<16xf32>
      %add3A_3642 = arith.addf %add3A_3594, %get3A_3641 : vector<16xf32>
      %get3A_3643 = arith.constant 93 : i32
      %get3A_3644 = arith.index_cast %get3A_3643 : i32 to index
      %get3A_3645 = arith.constant 16 : index
      %get3A_3646 = tpu.vector_load %arg9[%get3A_3644, %get3A_3645] {strides = array<i32>} : memref<128x32xf32, #tpu.memory_space<vmem>>, vector<1x16xf32>,
      %get3A_3647 = vector.shape_cast %get3A_3646 : vector<1x16xf32> to vector<16xf32>
      %add3A_3648 = arith.addf %add3A_3600, %get3A_3647 : vector<16xf32>
      %get3A_3649 = arith.constant 94 : i32
      %get3A_3650 = arith.index_cast %get3A_3649 : i32 to index
      %get3A_3651 = arith.constant 0 : index
      %get3A_3652 = tpu.vector_load %arg9[%get3A_3650, %get3A_3651] {strides = array<i32>} : memref<128x32xf32, #tpu.memory_space<vmem>>, vector<1x16xf32>,
      %get3A_3653 = vector.shape_cast %get3A_3652 : vector<1x16xf32> to vector<16xf32>
      %add3A_3654 = arith.addf %add3A_3606, %get3A_3653 : vector<16xf32>
      %get3A_3655 = arith.constant 94 : i32
      %get3A_3656 = arith.index_cast %get3A_3655 : i32 to index
      %get3A_3657 = arith.constant 16 : index
      %get3A_3658 = tpu.vector_load %arg9[%get3A_3656, %get3A_3657] {strides = array<i32>} : memref<128x32xf32, #tpu.memory_space<vmem>>, vector<1x16xf32>,
      %get3A_3659 = vector.shape_cast %get3A_3658 : vector<1x16xf32> to vector<16xf32>
      %add3A_3660 = arith.addf %add3A_3612, %get3A_3659 : vector<16xf32>
      %get3A_3661 = arith.constant 95 : i32
      %get3A_3662 = arith.index_cast %get3A_3661 : i32 to index
      %get3A_3663 = arith.constant 0 : index
      %get3A_3664 = tpu.vector_load %arg9[%get3A_3662, %get3A_3663] {strides = array<i32>} : memref<128x32xf32, #tpu.memory_space<vmem>>, vector<1x16xf32>,
      %get3A_3665 = vector.shape_cast %get3A_3664 : vector<1x16xf32> to vector<16xf32>
      %add3A_3666 = arith.addf %add3A_3618, %get3A_3665 : vector<16xf32>
      %get3A_3667 = arith.constant 95 : i32
      %get3A_3668 = arith.index_cast %get3A_3667 : i32 to index
      %get3A_3669 = arith.constant 16 : index
      %get3A_3670 = tpu.vector_load %arg9[%get3A_3668, %get3A_3669] {strides = array<i32>} : memref<128x32xf32, #tpu.memory_space<vmem>>, vector<1x16xf32>,
      %get3A_3671 = vector.shape_cast %get3A_3670 : vector<1x16xf32> to vector<16xf32>
      %add3A_3672 = arith.addf %add3A_3624, %get3A_3671 : vector<16xf32>
      %get3A_3673 = arith.constant 96 : i32
      %get3A_3674 = arith.index_cast %get3A_3673 : i32 to index
      %get3A_3675 = arith.constant 0 : index
      %get3A_3676 = tpu.vector_load %arg9[%get3A_3674, %get3A_3675] {strides = array<i32>} : memref<128x32xf32, #tpu.memory_space<vmem>>, vector<1x16xf32>,
      %get3A_3677 = vector.shape_cast %get3A_3676 : vector<1x16xf32> to vector<16xf32>
      %add3A_3678 = arith.addf %add3A_3630, %get3A_3677 : vector<16xf32>
      %get3A_3679 = arith.constant 96 : i32
      %get3A_3680 = arith.index_cast %get3A_3679 : i32 to index
      %get3A_3681 = arith.constant 16 : index
      %get3A_3682 = tpu.vector_load %arg9[%get3A_3680, %get3A_3681] {strides = array<i32>} : memref<128x32xf32, #tpu.memory_space<vmem>>, vector<1x16xf32>,
      %get3A_3683 = vector.shape_cast %get3A_3682 : vector<1x16xf32> to vector<16xf32>
      %add3A_3684 = arith.addf %add3A_3636, %get3A_3683 : vector<16xf32>
      %get3A_3685 = arith.constant 97 : i32
      %get3A_3686 = arith.index_cast %get3A_3685 : i32 to index
      %get3A_3687 = arith.constant 0 : index
      %get3A_3688 = tpu.vector_load %arg9[%get3A_3686, %get3A_3687] {strides = array<i32>} : memref<128x32xf32, #tpu.memory_space<vmem>>, vector<1x16xf32>,
      %get3A_3689 = vector.shape_cast %get3A_3688 : vector<1x16xf32> to vector<16xf32>
      %add3A_3690 = arith.addf %add3A_3642, %get3A_3689 : vector<16xf32>
      %get3A_3691 = arith.constant 97 : i32
      %get3A_3692 = arith.index_cast %get3A_3691 : i32 to index
      %get3A_3693 = arith.constant 16 : index
      %get3A_3694 = tpu.vector_load %arg9[%get3A_3692, %get3A_3693] {strides = array<i32>} : memref<128x32xf32, #tpu.memory_space<vmem>>, vector<1x16xf32>,
      %get3A_3695 = vector.shape_cast %get3A_3694 : vector<1x16xf32> to vector<16xf32>
      %add3A_3696 = arith.addf %add3A_3648, %get3A_3695 : vector<16xf32>
      %get3A_3697 = arith.constant 98 : i32
      %get3A_3698 = arith.index_cast %get3A_3697 : i32 to index
      %get3A_3699 = arith.constant 0 : index
      %get3A_3700 = tpu.vector_load %arg9[%get3A_3698, %get3A_3699] {strides = array<i32>} : memref<128x32xf32, #tpu.memory_space<vmem>>, vector<1x16xf32>,
      %get3A_3701 = vector.shape_cast %get3A_3700 : vector<1x16xf32> to vector<16xf32>
      %add3A_3702 = arith.addf %add3A_3654, %get3A_3701 : vector<16xf32>
      %get3A_3703 = arith.constant 98 : i32
      %get3A_3704 = arith.index_cast %get3A_3703 : i32 to index
      %get3A_3705 = arith.constant 16 : index
      %get3A_3706 = tpu.vector_load %arg9[%get3A_3704, %get3A_3705] {strides = array<i32>} : memref<128x32xf32, #tpu.memory_space<vmem>>, vector<1x16xf32>,
      %get3A_3707 = vector.shape_cast %get3A_3706 : vector<1x16xf32> to vector<16xf32>
      %add3A_3708 = arith.addf %add3A_3660, %get3A_3707 : vector<16xf32>
      %get3A_3709 = arith.constant 99 : i32
      %get3A_3710 = arith.index_cast %get3A_3709 : i32 to index
      %get3A_3711 = arith.constant 0 : index
      %get3A_3712 = tpu.vector_load %arg9[%get3A_3710, %get3A_3711] {strides = array<i32>} : memref<128x32xf32, #tpu.memory_space<vmem>>, vector<1x16xf32>,
      %get3A_3713 = vector.shape_cast %get3A_3712 : vector<1x16xf32> to vector<16xf32>
      %add3A_3714 = arith.addf %add3A_3666, %get3A_3713 : vector<16xf32>
      %get3A_3715 = arith.constant 99 : i32
      %get3A_3716 = arith.index_cast %get3A_3715 : i32 to index
      %get3A_3717 = arith.constant 16 : index
      %get3A_3718 = tpu.vector_load %arg9[%get3A_3716, %get3A_3717] {strides = array<i32>} : memref<128x32xf32, #tpu.memory_space<vmem>>, vector<1x16xf32>,
      %get3A_3719 = vector.shape_cast %get3A_3718 : vector<1x16xf32> to vector<16xf32>
      %add3A_3720 = arith.addf %add3A_3672, %get3A_3719 : vector<16xf32>
      %get3A_3721 = arith.constant 100 : i32
      %get3A_3722 = arith.index_cast %get3A_3721 : i32 to index
      %get3A_3723 = arith.constant 0 : index
      %get3A_3724 = tpu.vector_load %arg9[%get3A_3722, %get3A_3723] {strides = array<i32>} : memref<128x32xf32, #tpu.memory_space<vmem>>, vector<1x16xf32>,
      %get3A_3725 = vector.shape_cast %get3A_3724 : vector<1x16xf32> to vector<16xf32>
      %add3A_3726 = arith.addf %add3A_3678, %get3A_3725 : vector<16xf32>
      %get3A_3727 = arith.constant 100 : i32
      %get3A_3728 = arith.index_cast %get3A_3727 : i32 to index
      %get3A_3729 = arith.constant 16 : index
      %get3A_3730 = tpu.vector_load %arg9[%get3A_3728, %get3A_3729] {strides = array<i32>} : memref<128x32xf32, #tpu.memory_space<vmem>>, vector<1x16xf32>,
      %get3A_3731 = vector.shape_cast %get3A_3730 : vector<1x16xf32> to vector<16xf32>
      %add3A_3732 = arith.addf %add3A_3684, %get3A_3731 : vector<16xf32>
      %get3A_3733 = arith.constant 101 : i32
      %get3A_3734 = arith.index_cast %get3A_3733 : i32 to index
      %get3A_3735 = arith.constant 0 : index
      %get3A_3736 = tpu.vector_load %arg9[%get3A_3734, %get3A_3735] {strides = array<i32>} : memref<128x32xf32, #tpu.memory_space<vmem>>, vector<1x16xf32>,
      %get3A_3737 = vector.shape_cast %get3A_3736 : vector<1x16xf32> to vector<16xf32>
      %add3A_3738 = arith.addf %add3A_3690, %get3A_3737 : vector<16xf32>
      %get3A_3739 = arith.constant 101 : i32
      %get3A_3740 = arith.index_cast %get3A_3739 : i32 to index
      %get3A_3741 = arith.constant 16 : index
      %get3A_3742 = tpu.vector_load %arg9[%get3A_3740, %get3A_3741] {strides = array<i32>} : memref<128x32xf32, #tpu.memory_space<vmem>>, vector<1x16xf32>,
      %get3A_3743 = vector.shape_cast %get3A_3742 : vector<1x16xf32> to vector<16xf32>
      %add3A_3744 = arith.addf %add3A_3696, %get3A_3743 : vector<16xf32>
      %get3A_3745 = arith.constant 102 : i32
      %get3A_3746 = arith.index_cast %get3A_3745 : i32 to index
      %get3A_3747 = arith.constant 0 : index
      %get3A_3748 = tpu.vector_load %arg9[%get3A_3746, %get3A_3747] {strides = array<i32>} : memref<128x32xf32, #tpu.memory_space<vmem>>, vector<1x16xf32>,
      %get3A_3749 = vector.shape_cast %get3A_3748 : vector<1x16xf32> to vector<16xf32>
      %add3A_3750 = arith.addf %add3A_3702, %get3A_3749 : vector<16xf32>
      %get3A_3751 = arith.constant 102 : i32
      %get3A_3752 = arith.index_cast %get3A_3751 : i32 to index
      %get3A_3753 = arith.constant 16 : index
      %get3A_3754 = tpu.vector_load %arg9[%get3A_3752, %get3A_3753] {strides = array<i32>} : memref<128x32xf32, #tpu.memory_space<vmem>>, vector<1x16xf32>,
      %get3A_3755 = vector.shape_cast %get3A_3754 : vector<1x16xf32> to vector<16xf32>
      %add3A_3756 = arith.addf %add3A_3708, %get3A_3755 : vector<16xf32>
      %get3A_3757 = arith.constant 103 : i32
      %get3A_3758 = arith.index_cast %get3A_3757 : i32 to index
      %get3A_3759 = arith.constant 0 : index
      %get3A_3760 = tpu.vector_load %arg9[%get3A_3758, %get3A_3759] {strides = array<i32>} : memref<128x32xf32, #tpu.memory_space<vmem>>, vector<1x16xf32>,
      %get3A_3761 = vector.shape_cast %get3A_3760 : vector<1x16xf32> to vector<16xf32>
      %add3A_3762 = arith.addf %add3A_3714, %get3A_3761 : vector<16xf32>
      %get3A_3763 = arith.constant 103 : i32
      %get3A_3764 = arith.index_cast %get3A_3763 : i32 to index
      %get3A_3765 = arith.constant 16 : index
      %get3A_3766 = tpu.vector_load %arg9[%get3A_3764, %get3A_3765] {strides = array<i32>} : memref<128x32xf32, #tpu.memory_space<vmem>>, vector<1x16xf32>,
      %get3A_3767 = vector.shape_cast %get3A_3766 : vector<1x16xf32> to vector<16xf32>
      %add3A_3768 = arith.addf %add3A_3720, %get3A_3767 : vector<16xf32>
      %get3A_3769 = arith.constant 104 : i32
      %get3A_3770 = arith.index_cast %get3A_3769 : i32 to index
      %get3A_3771 = arith.constant 0 : index
      %get3A_3772 = tpu.vector_load %arg9[%get3A_3770, %get3A_3771] {strides = array<i32>} : memref<128x32xf32, #tpu.memory_space<vmem>>, vector<1x16xf32>,
      %get3A_3773 = vector.shape_cast %get3A_3772 : vector<1x16xf32> to vector<16xf32>
      %add3A_3774 = arith.addf %add3A_3726, %get3A_3773 : vector<16xf32>
      %get3A_3775 = arith.constant 104 : i32
      %get3A_3776 = arith.index_cast %get3A_3775 : i32 to index
      %get3A_3777 = arith.constant 16 : index
      %get3A_3778 = tpu.vector_load %arg9[%get3A_3776, %get3A_3777] {strides = array<i32>} : memref<128x32xf32, #tpu.memory_space<vmem>>, vector<1x16xf32>,
      %get3A_3779 = vector.shape_cast %get3A_3778 : vector<1x16xf32> to vector<16xf32>
      %add3A_3780 = arith.addf %add3A_3732, %get3A_3779 : vector<16xf32>
      %get3A_3781 = arith.constant 105 : i32
      %get3A_3782 = arith.index_cast %get3A_3781 : i32 to index
      %get3A_3783 = arith.constant 0 : index
      %get3A_3784 = tpu.vector_load %arg9[%get3A_3782, %get3A_3783] {strides = array<i32>} : memref<128x32xf32, #tpu.memory_space<vmem>>, vector<1x16xf32>,
      %get3A_3785 = vector.shape_cast %get3A_3784 : vector<1x16xf32> to vector<16xf32>
      %add3A_3786 = arith.addf %add3A_3738, %get3A_3785 : vector<16xf32>
      %get3A_3787 = arith.constant 105 : i32
      %get3A_3788 = arith.index_cast %get3A_3787 : i32 to index
      %get3A_3789 = arith.constant 16 : index
      %get3A_3790 = tpu.vector_load %arg9[%get3A_3788, %get3A_3789] {strides = array<i32>} : memref<128x32xf32, #tpu.memory_space<vmem>>, vector<1x16xf32>,
      %get3A_3791 = vector.shape_cast %get3A_3790 : vector<1x16xf32> to vector<16xf32>
      %add3A_3792 = arith.addf %add3A_3744, %get3A_3791 : vector<16xf32>
      %get3A_3793 = arith.constant 106 : i32
      %get3A_3794 = arith.index_cast %get3A_3793 : i32 to index
      %get3A_3795 = arith.constant 0 : index
      %get3A_3796 = tpu.vector_load %arg9[%get3A_3794, %get3A_3795] {strides = array<i32>} : memref<128x32xf32, #tpu.memory_space<vmem>>, vector<1x16xf32>,
      %get3A_3797 = vector.shape_cast %get3A_3796 : vector<1x16xf32> to vector<16xf32>
      %add3A_3798 = arith.addf %add3A_3750, %get3A_3797 : vector<16xf32>
      %get3A_3799 = arith.constant 106 : i32
      %get3A_3800 = arith.index_cast %get3A_3799 : i32 to index
      %get3A_3801 = arith.constant 16 : index
      %get3A_3802 = tpu.vector_load %arg9[%get3A_3800, %get3A_3801] {strides = array<i32>} : memref<128x32xf32, #tpu.memory_space<vmem>>, vector<1x16xf32>,
      %get3A_3803 = vector.shape_cast %get3A_3802 : vector<1x16xf32> to vector<16xf32>
      %add3A_3804 = arith.addf %add3A_3756, %get3A_3803 : vector<16xf32>
      %get3A_3805 = arith.constant 107 : i32
      %get3A_3806 = arith.index_cast %get3A_3805 : i32 to index
      %get3A_3807 = arith.constant 0 : index
      %get3A_3808 = tpu.vector_load %arg9[%get3A_3806, %get3A_3807] {strides = array<i32>} : memref<128x32xf32, #tpu.memory_space<vmem>>, vector<1x16xf32>,
      %get3A_3809 = vector.shape_cast %get3A_3808 : vector<1x16xf32> to vector<16xf32>
      %add3A_3810 = arith.addf %add3A_3762, %get3A_3809 : vector<16xf32>
      %get3A_3811 = arith.constant 107 : i32
      %get3A_3812 = arith.index_cast %get3A_3811 : i32 to index
      %get3A_3813 = arith.constant 16 : index
      %get3A_3814 = tpu.vector_load %arg9[%get3A_3812, %get3A_3813] {strides = array<i32>} : memref<128x32xf32, #tpu.memory_space<vmem>>, vector<1x16xf32>,
      %get3A_3815 = vector.shape_cast %get3A_3814 : vector<1x16xf32> to vector<16xf32>
      %add3A_3816 = arith.addf %add3A_3768, %get3A_3815 : vector<16xf32>
      %get3A_3817 = arith.constant 108 : i32
      %get3A_3818 = arith.index_cast %get3A_3817 : i32 to index
      %get3A_3819 = arith.constant 0 : index
      %get3A_3820 = tpu.vector_load %arg9[%get3A_3818, %get3A_3819] {strides = array<i32>} : memref<128x32xf32, #tpu.memory_space<vmem>>, vector<1x16xf32>,
      %get3A_3821 = vector.shape_cast %get3A_3820 : vector<1x16xf32> to vector<16xf32>
      %add3A_3822 = arith.addf %add3A_3774, %get3A_3821 : vector<16xf32>
      %get3A_3823 = arith.constant 108 : i32
      %get3A_3824 = arith.index_cast %get3A_3823 : i32 to index
      %get3A_3825 = arith.constant 16 : index
      %get3A_3826 = tpu.vector_load %arg9[%get3A_3824, %get3A_3825] {strides = array<i32>} : memref<128x32xf32, #tpu.memory_space<vmem>>, vector<1x16xf32>,
      %get3A_3827 = vector.shape_cast %get3A_3826 : vector<1x16xf32> to vector<16xf32>
      %add3A_3828 = arith.addf %add3A_3780, %get3A_3827 : vector<16xf32>
      %get3A_3829 = arith.constant 109 : i32
      %get3A_3830 = arith.index_cast %get3A_3829 : i32 to index
      %get3A_3831 = arith.constant 0 : index
      %get3A_3832 = tpu.vector_load %arg9[%get3A_3830, %get3A_3831] {strides = array<i32>} : memref<128x32xf32, #tpu.memory_space<vmem>>, vector<1x16xf32>,
      %get3A_3833 = vector.shape_cast %get3A_3832 : vector<1x16xf32> to vector<16xf32>
      %add3A_3834 = arith.addf %add3A_3786, %get3A_3833 : vector<16xf32>
      %get3A_3835 = arith.constant 109 : i32
      %get3A_3836 = arith.index_cast %get3A_3835 : i32 to index
      %get3A_3837 = arith.constant 16 : index
      %get3A_3838 = tpu.vector_load %arg9[%get3A_3836, %get3A_3837] {strides = array<i32>} : memref<128x32xf32, #tpu.memory_space<vmem>>, vector<1x16xf32>,
      %get3A_3839 = vector.shape_cast %get3A_3838 : vector<1x16xf32> to vector<16xf32>
      %add3A_3840 = arith.addf %add3A_3792, %get3A_3839 : vector<16xf32>
      %get3A_3841 = arith.constant 110 : i32
      %get3A_3842 = arith.index_cast %get3A_3841 : i32 to index
      %get3A_3843 = arith.constant 0 : index
      %get3A_3844 = tpu.vector_load %arg9[%get3A_3842, %get3A_3843] {strides = array<i32>} : memref<128x32xf32, #tpu.memory_space<vmem>>, vector<1x16xf32>,
      %get3A_3845 = vector.shape_cast %get3A_3844 : vector<1x16xf32> to vector<16xf32>
      %add3A_3846 = arith.addf %add3A_3798, %get3A_3845 : vector<16xf32>
      %get3A_3847 = arith.constant 110 : i32
      %get3A_3848 = arith.index_cast %get3A_3847 : i32 to index
      %get3A_3849 = arith.constant 16 : index
      %get3A_3850 = tpu.vector_load %arg9[%get3A_3848, %get3A_3849] {strides = array<i32>} : memref<128x32xf32, #tpu.memory_space<vmem>>, vector<1x16xf32>,
      %get3A_3851 = vector.shape_cast %get3A_3850 : vector<1x16xf32> to vector<16xf32>
      %add3A_3852 = arith.addf %add3A_3804, %get3A_3851 : vector<16xf32>
      %get3A_3853 = arith.constant 111 : i32
      %get3A_3854 = arith.index_cast %get3A_3853 : i32 to index
      %get3A_3855 = arith.constant 0 : index
      %get3A_3856 = tpu.vector_load %arg9[%get3A_3854, %get3A_3855] {strides = array<i32>} : memref<128x32xf32, #tpu.memory_space<vmem>>, vector<1x16xf32>,
      %get3A_3857 = vector.shape_cast %get3A_3856 : vector<1x16xf32> to vector<16xf32>
      %add3A_3858 = arith.addf %add3A_3810, %get3A_3857 : vector<16xf32>
      %get3A_3859 = arith.constant 111 : i32
      %get3A_3860 = arith.index_cast %get3A_3859 : i32 to index
      %get3A_3861 = arith.constant 16 : index
      %get3A_3862 = tpu.vector_load %arg9[%get3A_3860, %get3A_3861] {strides = array<i32>} : memref<128x32xf32, #tpu.memory_space<vmem>>, vector<1x16xf32>,
      %get3A_3863 = vector.shape_cast %get3A_3862 : vector<1x16xf32> to vector<16xf32>
      %add3A_3864 = arith.addf %add3A_3816, %get3A_3863 : vector<16xf32>
      %get3A_3865 = arith.constant 112 : i32
      %get3A_3866 = arith.index_cast %get3A_3865 : i32 to index
      %get3A_3867 = arith.constant 0 : index
      %get3A_3868 = tpu.vector_load %arg9[%get3A_3866, %get3A_3867] {strides = array<i32>} : memref<128x32xf32, #tpu.memory_space<vmem>>, vector<1x16xf32>,
      %get3A_3869 = vector.shape_cast %get3A_3868 : vector<1x16xf32> to vector<16xf32>
      %add3A_3870 = arith.addf %add3A_3822, %get3A_3869 : vector<16xf32>
      %get3A_3871 = arith.constant 112 : i32
      %get3A_3872 = arith.index_cast %get3A_3871 : i32 to index
      %get3A_3873 = arith.constant 16 : index
      %get3A_3874 = tpu.vector_load %arg9[%get3A_3872, %get3A_3873] {strides = array<i32>} : memref<128x32xf32, #tpu.memory_space<vmem>>, vector<1x16xf32>,
      %get3A_3875 = vector.shape_cast %get3A_3874 : vector<1x16xf32> to vector<16xf32>
      %add3A_3876 = arith.addf %add3A_3828, %get3A_3875 : vector<16xf32>
      %get3A_3877 = arith.constant 113 : i32
      %get3A_3878 = arith.index_cast %get3A_3877 : i32 to index
      %get3A_3879 = arith.constant 0 : index
      %get3A_3880 = tpu.vector_load %arg9[%get3A_3878, %get3A_3879] {strides = array<i32>} : memref<128x32xf32, #tpu.memory_space<vmem>>, vector<1x16xf32>,
      %get3A_3881 = vector.shape_cast %get3A_3880 : vector<1x16xf32> to vector<16xf32>
      %add3A_3882 = arith.addf %add3A_3834, %get3A_3881 : vector<16xf32>
      %get3A_3883 = arith.constant 113 : i32
      %get3A_3884 = arith.index_cast %get3A_3883 : i32 to index
      %get3A_3885 = arith.constant 16 : index
      %get3A_3886 = tpu.vector_load %arg9[%get3A_3884, %get3A_3885] {strides = array<i32>} : memref<128x32xf32, #tpu.memory_space<vmem>>, vector<1x16xf32>,
      %get3A_3887 = vector.shape_cast %get3A_3886 : vector<1x16xf32> to vector<16xf32>
      %add3A_3888 = arith.addf %add3A_3840, %get3A_3887 : vector<16xf32>
      %get3A_3889 = arith.constant 114 : i32
      %get3A_3890 = arith.index_cast %get3A_3889 : i32 to index
      %get3A_3891 = arith.constant 0 : index
      %get3A_3892 = tpu.vector_load %arg9[%get3A_3890, %get3A_3891] {strides = array<i32>} : memref<128x32xf32, #tpu.memory_space<vmem>>, vector<1x16xf32>,
      %get3A_3893 = vector.shape_cast %get3A_3892 : vector<1x16xf32> to vector<16xf32>
      %add3A_3894 = arith.addf %add3A_3846, %get3A_3893 : vector<16xf32>
      %get3A_3895 = arith.constant 114 : i32
      %get3A_3896 = arith.index_cast %get3A_3895 : i32 to index
      %get3A_3897 = arith.constant 16 : index
      %get3A_3898 = tpu.vector_load %arg9[%get3A_3896, %get3A_3897] {strides = array<i32>} : memref<128x32xf32, #tpu.memory_space<vmem>>, vector<1x16xf32>,
      %get3A_3899 = vector.shape_cast %get3A_3898 : vector<1x16xf32> to vector<16xf32>
      %add3A_3900 = arith.addf %add3A_3852, %get3A_3899 : vector<16xf32>
      %get3A_3901 = arith.constant 115 : i32
      %get3A_3902 = arith.index_cast %get3A_3901 : i32 to index
      %get3A_3903 = arith.constant 0 : index
      %get3A_3904 = tpu.vector_load %arg9[%get3A_3902, %get3A_3903] {strides = array<i32>} : memref<128x32xf32, #tpu.memory_space<vmem>>, vector<1x16xf32>,
      %get3A_3905 = vector.shape_cast %get3A_3904 : vector<1x16xf32> to vector<16xf32>
      %add3A_3906 = arith.addf %add3A_3858, %get3A_3905 : vector<16xf32>
      %get3A_3907 = arith.constant 115 : i32
      %get3A_3908 = arith.index_cast %get3A_3907 : i32 to index
      %get3A_3909 = arith.constant 16 : index
      %get3A_3910 = tpu.vector_load %arg9[%get3A_3908, %get3A_3909] {strides = array<i32>} : memref<128x32xf32, #tpu.memory_space<vmem>>, vector<1x16xf32>,
      %get3A_3911 = vector.shape_cast %get3A_3910 : vector<1x16xf32> to vector<16xf32>
      %add3A_3912 = arith.addf %add3A_3864, %get3A_3911 : vector<16xf32>
      %get3A_3913 = arith.constant 116 : i32
      %get3A_3914 = arith.index_cast %get3A_3913 : i32 to index
      %get3A_3915 = arith.constant 0 : index
      %get3A_3916 = tpu.vector_load %arg9[%get3A_3914, %get3A_3915] {strides = array<i32>} : memref<128x32xf32, #tpu.memory_space<vmem>>, vector<1x16xf32>,
      %get3A_3917 = vector.shape_cast %get3A_3916 : vector<1x16xf32> to vector<16xf32>
      %add3A_3918 = arith.addf %add3A_3870, %get3A_3917 : vector<16xf32>
      %get3A_3919 = arith.constant 116 : i32
      %get3A_3920 = arith.index_cast %get3A_3919 : i32 to index
      %get3A_3921 = arith.constant 16 : index
      %get3A_3922 = tpu.vector_load %arg9[%get3A_3920, %get3A_3921] {strides = array<i32>} : memref<128x32xf32, #tpu.memory_space<vmem>>, vector<1x16xf32>,
      %get3A_3923 = vector.shape_cast %get3A_3922 : vector<1x16xf32> to vector<16xf32>
      %add3A_3924 = arith.addf %add3A_3876, %get3A_3923 : vector<16xf32>
      %get3A_3925 = arith.constant 117 : i32
      %get3A_3926 = arith.index_cast %get3A_3925 : i32 to index
      %get3A_3927 = arith.constant 0 : index
      %get3A_3928 = tpu.vector_load %arg9[%get3A_3926, %get3A_3927] {strides = array<i32>} : memref<128x32xf32, #tpu.memory_space<vmem>>, vector<1x16xf32>,
      %get3A_3929 = vector.shape_cast %get3A_3928 : vector<1x16xf32> to vector<16xf32>
      %add3A_3930 = arith.addf %add3A_3882, %get3A_3929 : vector<16xf32>
      %get3A_3931 = arith.constant 117 : i32
      %get3A_3932 = arith.index_cast %get3A_3931 : i32 to index
      %get3A_3933 = arith.constant 16 : index
      %get3A_3934 = tpu.vector_load %arg9[%get3A_3932, %get3A_3933] {strides = array<i32>} : memref<128x32xf32, #tpu.memory_space<vmem>>, vector<1x16xf32>,
      %get3A_3935 = vector.shape_cast %get3A_3934 : vector<1x16xf32> to vector<16xf32>
      %add3A_3936 = arith.addf %add3A_3888, %get3A_3935 : vector<16xf32>
      %get3A_3937 = arith.constant 118 : i32
      %get3A_3938 = arith.index_cast %get3A_3937 : i32 to index
      %get3A_3939 = arith.constant 0 : index
      %get3A_3940 = tpu.vector_load %arg9[%get3A_3938, %get3A_3939] {strides = array<i32>} : memref<128x32xf32, #tpu.memory_space<vmem>>, vector<1x16xf32>,
      %get3A_3941 = vector.shape_cast %get3A_3940 : vector<1x16xf32> to vector<16xf32>
      %add3A_3942 = arith.addf %add3A_3894, %get3A_3941 : vector<16xf32>
      %get3A_3943 = arith.constant 118 : i32
      %get3A_3944 = arith.index_cast %get3A_3943 : i32 to index
      %get3A_3945 = arith.constant 16 : index
      %get3A_3946 = tpu.vector_load %arg9[%get3A_3944, %get3A_3945] {strides = array<i32>} : memref<128x32xf32, #tpu.memory_space<vmem>>, vector<1x16xf32>,
      %get3A_3947 = vector.shape_cast %get3A_3946 : vector<1x16xf32> to vector<16xf32>
      %add3A_3948 = arith.addf %add3A_3900, %get3A_3947 : vector<16xf32>
      %get3A_3949 = arith.constant 119 : i32
      %get3A_3950 = arith.index_cast %get3A_3949 : i32 to index
      %get3A_3951 = arith.constant 0 : index
      %get3A_3952 = tpu.vector_load %arg9[%get3A_3950, %get3A_3951] {strides = array<i32>} : memref<128x32xf32, #tpu.memory_space<vmem>>, vector<1x16xf32>,
      %get3A_3953 = vector.shape_cast %get3A_3952 : vector<1x16xf32> to vector<16xf32>
      %add3A_3954 = arith.addf %add3A_3906, %get3A_3953 : vector<16xf32>
      %get3A_3955 = arith.constant 119 : i32
      %get3A_3956 = arith.index_cast %get3A_3955 : i32 to index
      %get3A_3957 = arith.constant 16 : index
      %get3A_3958 = tpu.vector_load %arg9[%get3A_3956, %get3A_3957] {strides = array<i32>} : memref<128x32xf32, #tpu.memory_space<vmem>>, vector<1x16xf32>,
      %get3A_3959 = vector.shape_cast %get3A_3958 : vector<1x16xf32> to vector<16xf32>
      %add3A_3960 = arith.addf %add3A_3912, %get3A_3959 : vector<16xf32>
      %get3A_3961 = arith.constant 120 : i32
      %get3A_3962 = arith.index_cast %get3A_3961 : i32 to index
      %get3A_3963 = arith.constant 0 : index
      %get3A_3964 = tpu.vector_load %arg9[%get3A_3962, %get3A_3963] {strides = array<i32>} : memref<128x32xf32, #tpu.memory_space<vmem>>, vector<1x16xf32>,
      %get3A_3965 = vector.shape_cast %get3A_3964 : vector<1x16xf32> to vector<16xf32>
      %add3A_3966 = arith.addf %add3A_3918, %get3A_3965 : vector<16xf32>
      %get3A_3967 = arith.constant 120 : i32
      %get3A_3968 = arith.index_cast %get3A_3967 : i32 to index
      %get3A_3969 = arith.constant 16 : index
      %get3A_3970 = tpu.vector_load %arg9[%get3A_3968, %get3A_3969] {strides = array<i32>} : memref<128x32xf32, #tpu.memory_space<vmem>>, vector<1x16xf32>,
      %get3A_3971 = vector.shape_cast %get3A_3970 : vector<1x16xf32> to vector<16xf32>
      %add3A_3972 = arith.addf %add3A_3924, %get3A_3971 : vector<16xf32>
      %get3A_3973 = arith.constant 121 : i32
      %get3A_3974 = arith.index_cast %get3A_3973 : i32 to index
      %get3A_3975 = arith.constant 0 : index
      %get3A_3976 = tpu.vector_load %arg9[%get3A_3974, %get3A_3975] {strides = array<i32>} : memref<128x32xf32, #tpu.memory_space<vmem>>, vector<1x16xf32>,
      %get3A_3977 = vector.shape_cast %get3A_3976 : vector<1x16xf32> to vector<16xf32>
      %add3A_3978 = arith.addf %add3A_3930, %get3A_3977 : vector<16xf32>
      %get3A_3979 = arith.constant 121 : i32
      %get3A_3980 = arith.index_cast %get3A_3979 : i32 to index
      %get3A_3981 = arith.constant 16 : index
      %get3A_3982 = tpu.vector_load %arg9[%get3A_3980, %get3A_3981] {strides = array<i32>} : memref<128x32xf32, #tpu.memory_space<vmem>>, vector<1x16xf32>,
      %get3A_3983 = vector.shape_cast %get3A_3982 : vector<1x16xf32> to vector<16xf32>
      %add3A_3984 = arith.addf %add3A_3936, %get3A_3983 : vector<16xf32>
      %get3A_3985 = arith.constant 122 : i32
      %get3A_3986 = arith.index_cast %get3A_3985 : i32 to index
      %get3A_3987 = arith.constant 0 : index
      %get3A_3988 = tpu.vector_load %arg9[%get3A_3986, %get3A_3987] {strides = array<i32>} : memref<128x32xf32, #tpu.memory_space<vmem>>, vector<1x16xf32>,
      %get3A_3989 = vector.shape_cast %get3A_3988 : vector<1x16xf32> to vector<16xf32>
      %add3A_3990 = arith.addf %add3A_3942, %get3A_3989 : vector<16xf32>
      %get3A_3991 = arith.constant 122 : i32
      %get3A_3992 = arith.index_cast %get3A_3991 : i32 to index
      %get3A_3993 = arith.constant 16 : index
      %get3A_3994 = tpu.vector_load %arg9[%get3A_3992, %get3A_3993] {strides = array<i32>} : memref<128x32xf32, #tpu.memory_space<vmem>>, vector<1x16xf32>,
      %get3A_3995 = vector.shape_cast %get3A_3994 : vector<1x16xf32> to vector<16xf32>
      %add3A_3996 = arith.addf %add3A_3948, %get3A_3995 : vector<16xf32>
      %get3A_3997 = arith.constant 123 : i32
      %get3A_3998 = arith.index_cast %get3A_3997 : i32 to index
      %get3A_3999 = arith.constant 0 : index
      %get3A_4000 = tpu.vector_load %arg9[%get3A_3998, %get3A_3999] {strides = array<i32>} : memref<128x32xf32, #tpu.memory_space<vmem>>, vector<1x16xf32>,
      %get3A_4001 = vector.shape_cast %get3A_4000 : vector<1x16xf32> to vector<16xf32>
      %add3A_4002 = arith.addf %add3A_3954, %get3A_4001 : vector<16xf32>
      %get3A_4003 = arith.constant 123 : i32
      %get3A_4004 = arith.index_cast %get3A_4003 : i32 to index
      %get3A_4005 = arith.constant 16 : index
      %get3A_4006 = tpu.vector_load %arg9[%get3A_4004, %get3A_4005] {strides = array<i32>} : memref<128x32xf32, #tpu.memory_space<vmem>>, vector<1x16xf32>,
      %get3A_4007 = vector.shape_cast %get3A_4006 : vector<1x16xf32> to vector<16xf32>
      %add3A_4008 = arith.addf %add3A_3960, %get3A_4007 : vector<16xf32>
      %get3A_4009 = arith.constant 124 : i32
      %get3A_4010 = arith.index_cast %get3A_4009 : i32 to index
      %get3A_4011 = arith.constant 0 : index
      %get3A_4012 = tpu.vector_load %arg9[%get3A_4010, %get3A_4011] {strides = array<i32>} : memref<128x32xf32, #tpu.memory_space<vmem>>, vector<1x16xf32>,
      %get3A_4013 = vector.shape_cast %get3A_4012 : vector<1x16xf32> to vector<16xf32>
      %add3A_4014 = arith.addf %add3A_3966, %get3A_4013 : vector<16xf32>
      %get3A_4015 = arith.constant 124 : i32
      %get3A_4016 = arith.index_cast %get3A_4015 : i32 to index
      %get3A_4017 = arith.constant 16 : index
      %get3A_4018 = tpu.vector_load %arg9[%get3A_4016, %get3A_4017] {strides = array<i32>} : memref<128x32xf32, #tpu.memory_space<vmem>>, vector<1x16xf32>,
      %get3A_4019 = vector.shape_cast %get3A_4018 : vector<1x16xf32> to vector<16xf32>
      %add3A_4020 = arith.addf %add3A_3972, %get3A_4019 : vector<16xf32>
      %get3A_4021 = arith.constant 125 : i32
      %get3A_4022 = arith.index_cast %get3A_4021 : i32 to index
      %get3A_4023 = arith.constant 0 : index
      %get3A_4024 = tpu.vector_load %arg9[%get3A_4022, %get3A_4023] {strides = array<i32>} : memref<128x32xf32, #tpu.memory_space<vmem>>, vector<1x16xf32>,
      %get3A_4025 = vector.shape_cast %get3A_4024 : vector<1x16xf32> to vector<16xf32>
      %add3A_4026 = arith.addf %add3A_3978, %get3A_4025 : vector<16xf32>
      %get3A_4027 = arith.constant 125 : i32
      %get3A_4028 = arith.index_cast %get3A_4027 : i32 to index
      %get3A_4029 = arith.constant 16 : index
      %get3A_4030 = tpu.vector_load %arg9[%get3A_4028, %get3A_4029] {strides = array<i32>} : memref<128x32xf32, #tpu.memory_space<vmem>>, vector<1x16xf32>,
      %get3A_4031 = vector.shape_cast %get3A_4030 : vector<1x16xf32> to vector<16xf32>
      %add3A_4032 = arith.addf %add3A_3984, %get3A_4031 : vector<16xf32>
      %get3A_4033 = arith.constant 126 : i32
      %get3A_4034 = arith.index_cast %get3A_4033 : i32 to index
      %get3A_4035 = arith.constant 0 : index
      %get3A_4036 = tpu.vector_load %arg9[%get3A_4034, %get3A_4035] {strides = array<i32>} : memref<128x32xf32, #tpu.memory_space<vmem>>, vector<1x16xf32>,
      %get3A_4037 = vector.shape_cast %get3A_4036 : vector<1x16xf32> to vector<16xf32>
      %add3A_4038 = arith.addf %add3A_3990, %get3A_4037 : vector<16xf32>
      %get3A_4039 = arith.constant 126 : i32
      %get3A_4040 = arith.index_cast %get3A_4039 : i32 to index
      %get3A_4041 = arith.constant 16 : index
      %get3A_4042 = tpu.vector_load %arg9[%get3A_4040, %get3A_4041] {strides = array<i32>} : memref<128x32xf32, #tpu.memory_space<vmem>>, vector<1x16xf32>,
      %get3A_4043 = vector.shape_cast %get3A_4042 : vector<1x16xf32> to vector<16xf32>
      %add3A_4044 = arith.addf %add3A_3996, %get3A_4043 : vector<16xf32>
      %get3A_4045 = arith.constant 127 : i32
      %get3A_4046 = arith.index_cast %get3A_4045 : i32 to index
      %get3A_4047 = arith.constant 0 : index
      %get3A_4048 = tpu.vector_load %arg9[%get3A_4046, %get3A_4047] {strides = array<i32>} : memref<128x32xf32, #tpu.memory_space<vmem>>, vector<1x16xf32>,
      %get3A_4049 = vector.shape_cast %get3A_4048 : vector<1x16xf32> to vector<16xf32>
      %add3A_4050 = arith.addf %add3A_4002, %get3A_4049 : vector<16xf32>
      %get3A_4051 = arith.constant 127 : i32
      %get3A_4052 = arith.index_cast %get3A_4051 : i32 to index
      %get3A_4053 = arith.constant 16 : index
      %get3A_4054 = tpu.vector_load %arg9[%get3A_4052, %get3A_4053] {strides = array<i32>} : memref<128x32xf32, #tpu.memory_space<vmem>>, vector<1x16xf32>,
      %get3A_4055 = vector.shape_cast %get3A_4054 : vector<1x16xf32> to vector<16xf32>
      %add3A_4056 = arith.addf %add3A_4008, %get3A_4055 : vector<16xf32>
      %dma_wait3A_4057 = arith.constant 0 : i32
      %dma_wait3A_4058 = arith.constant 0 : i32
      %dma_wait3A_4059 = tpu.memref_slice %arg6[%dma_wait3A_4057, %dma_wait3A_4058] : memref<128x72xi32, #tpu.memory_space<vmem>> -> memref<1x72xi32, #tpu.memory_space<vmem>>
      %dma_wait3A_4060 = tpu.memref_squeeze %dma_wait3A_4059 : memref<1x72xi32, #tpu.memory_space<vmem>> -> memref<72xi32, #tpu.memory_space<vmem>>
      %dma_wait3A_4061 = arith.constant 0 : i32
      %dma_wait3A_4062 = arith.constant 0 : i32
      %dma_wait3A_4063 = tpu.memref_slice %arg3[%dma_wait3A_4061, %dma_wait3A_4062] : memref<1000001x32xf32, #tpu.memory_space<hbm>> -> memref<1000001x32xf32, #tpu.memory_space<hbm>>
      tpu.wait_indirect_dma semaphore(%arg15 : memref<!tpu.dma_semaphore, #tpu.memory_space<semaphore_mem>>) src(%dma_wait3A_4063 : memref<1000001x32xf32, #tpu.memory_space<hbm>>) dst(%arg10 : memref<72x32xf32, #tpu.memory_space<vmem>>)
      %get3A_4064 = arith.constant 0 : i32
      %get3A_4065 = arith.index_cast %get3A_4064 : i32 to index
      %get3A_4066 = arith.constant 0 : index
      %get3A_4067 = tpu.vector_load %arg10[%get3A_4065, %get3A_4066] {strides = array<i32>} : memref<72x32xf32, #tpu.memory_space<vmem>>, vector<1x16xf32>,
      %get3A_4068 = vector.shape_cast %get3A_4067 : vector<1x16xf32> to vector<16xf32>
      %add3A_4069 = arith.addf %add3A_4014, %get3A_4068 : vector<16xf32>
      %get3A_4070 = arith.constant 0 : i32
      %get3A_4071 = arith.index_cast %get3A_4070 : i32 to index
      %get3A_4072 = arith.constant 16 : index
      %get3A_4073 = tpu.vector_load %arg10[%get3A_4071, %get3A_4072] {strides = array<i32>} : memref<72x32xf32, #tpu.memory_space<vmem>>, vector<1x16xf32>,
      %get3A_4074 = vector.shape_cast %get3A_4073 : vector<1x16xf32> to vector<16xf32>
      %add3A_4075 = arith.addf %add3A_4020, %get3A_4074 : vector<16xf32>
      %get3A_4076 = arith.constant 1 : i32
      %get3A_4077 = arith.index_cast %get3A_4076 : i32 to index
      %get3A_4078 = arith.constant 0 : index
      %get3A_4079 = tpu.vector_load %arg10[%get3A_4077, %get3A_4078] {strides = array<i32>} : memref<72x32xf32, #tpu.memory_space<vmem>>, vector<1x16xf32>,
      %get3A_4080 = vector.shape_cast %get3A_4079 : vector<1x16xf32> to vector<16xf32>
      %add3A_4081 = arith.addf %add3A_4026, %get3A_4080 : vector<16xf32>
      %get3A_4082 = arith.constant 1 : i32
      %get3A_4083 = arith.index_cast %get3A_4082 : i32 to index
      %get3A_4084 = arith.constant 16 : index
      %get3A_4085 = tpu.vector_load %arg10[%get3A_4083, %get3A_4084] {strides = array<i32>} : memref<72x32xf32, #tpu.memory_space<vmem>>, vector<1x16xf32>,
      %get3A_4086 = vector.shape_cast %get3A_4085 : vector<1x16xf32> to vector<16xf32>
      %add3A_4087 = arith.addf %add3A_4032, %get3A_4086 : vector<16xf32>
      %get3A_4088 = arith.constant 2 : i32
      %get3A_4089 = arith.index_cast %get3A_4088 : i32 to index
      %get3A_4090 = arith.constant 0 : index
      %get3A_4091 = tpu.vector_load %arg10[%get3A_4089, %get3A_4090] {strides = array<i32>} : memref<72x32xf32, #tpu.memory_space<vmem>>, vector<1x16xf32>,
      %get3A_4092 = vector.shape_cast %get3A_4091 : vector<1x16xf32> to vector<16xf32>
      %add3A_4093 = arith.addf %add3A_4038, %get3A_4092 : vector<16xf32>
      %get3A_4094 = arith.constant 2 : i32
      %get3A_4095 = arith.index_cast %get3A_4094 : i32 to index
      %get3A_4096 = arith.constant 16 : index
      %get3A_4097 = tpu.vector_load %arg10[%get3A_4095, %get3A_4096] {strides = array<i32>} : memref<72x32xf32, #tpu.memory_space<vmem>>, vector<1x16xf32>,
      %get3A_4098 = vector.shape_cast %get3A_4097 : vector<1x16xf32> to vector<16xf32>
      %add3A_4099 = arith.addf %add3A_4044, %get3A_4098 : vector<16xf32>
      %get3A_4100 = arith.constant 3 : i32
      %get3A_4101 = arith.index_cast %get3A_4100 : i32 to index
      %get3A_4102 = arith.constant 0 : index
      %get3A_4103 = tpu.vector_load %arg10[%get3A_4101, %get3A_4102] {strides = array<i32>} : memref<72x32xf32, #tpu.memory_space<vmem>>, vector<1x16xf32>,
      %get3A_4104 = vector.shape_cast %get3A_4103 : vector<1x16xf32> to vector<16xf32>
      %add3A_4105 = arith.addf %add3A_4050, %get3A_4104 : vector<16xf32>
      %get3A_4106 = arith.constant 3 : i32
      %get3A_4107 = arith.index_cast %get3A_4106 : i32 to index
      %get3A_4108 = arith.constant 16 : index
      %get3A_4109 = tpu.vector_load %arg10[%get3A_4107, %get3A_4108] {strides = array<i32>} : memref<72x32xf32, #tpu.memory_space<vmem>>, vector<1x16xf32>,
      %get3A_4110 = vector.shape_cast %get3A_4109 : vector<1x16xf32> to vector<16xf32>
      %add3A_4111 = arith.addf %add3A_4056, %get3A_4110 : vector<16xf32>
      %get3A_4112 = arith.constant 4 : i32
      %get3A_4113 = arith.index_cast %get3A_4112 : i32 to index
      %get3A_4114 = arith.constant 0 : index
      %get3A_4115 = tpu.vector_load %arg10[%get3A_4113, %get3A_4114] {strides = array<i32>} : memref<72x32xf32, #tpu.memory_space<vmem>>, vector<1x16xf32>,
      %get3A_4116 = vector.shape_cast %get3A_4115 : vector<1x16xf32> to vector<16xf32>
      %add3A_4117 = arith.addf %add3A_4069, %get3A_4116 : vector<16xf32>
      %get3A_4118 = arith.constant 4 : i32
      %get3A_4119 = arith.index_cast %get3A_4118 : i32 to index
      %get3A_4120 = arith.constant 16 : index
      %get3A_4121 = tpu.vector_load %arg10[%get3A_4119, %get3A_4120] {strides = array<i32>} : memref<72x32xf32, #tpu.memory_space<vmem>>, vector<1x16xf32>,
      %get3A_4122 = vector.shape_cast %get3A_4121 : vector<1x16xf32> to vector<16xf32>
      %add3A_4123 = arith.addf %add3A_4075, %get3A_4122 : vector<16xf32>
      %get3A_4124 = arith.constant 5 : i32
      %get3A_4125 = arith.index_cast %get3A_4124 : i32 to index
      %get3A_4126 = arith.constant 0 : index
      %get3A_4127 = tpu.vector_load %arg10[%get3A_4125, %get3A_4126] {strides = array<i32>} : memref<72x32xf32, #tpu.memory_space<vmem>>, vector<1x16xf32>,
      %get3A_4128 = vector.shape_cast %get3A_4127 : vector<1x16xf32> to vector<16xf32>
      %add3A_4129 = arith.addf %add3A_4081, %get3A_4128 : vector<16xf32>
      %get3A_4130 = arith.constant 5 : i32
      %get3A_4131 = arith.index_cast %get3A_4130 : i32 to index
      %get3A_4132 = arith.constant 16 : index
      %get3A_4133 = tpu.vector_load %arg10[%get3A_4131, %get3A_4132] {strides = array<i32>} : memref<72x32xf32, #tpu.memory_space<vmem>>, vector<1x16xf32>,
      %get3A_4134 = vector.shape_cast %get3A_4133 : vector<1x16xf32> to vector<16xf32>
      %add3A_4135 = arith.addf %add3A_4087, %get3A_4134 : vector<16xf32>
      %get3A_4136 = arith.constant 6 : i32
      %get3A_4137 = arith.index_cast %get3A_4136 : i32 to index
      %get3A_4138 = arith.constant 0 : index
      %get3A_4139 = tpu.vector_load %arg10[%get3A_4137, %get3A_4138] {strides = array<i32>} : memref<72x32xf32, #tpu.memory_space<vmem>>, vector<1x16xf32>,
      %get3A_4140 = vector.shape_cast %get3A_4139 : vector<1x16xf32> to vector<16xf32>
      %add3A_4141 = arith.addf %add3A_4093, %get3A_4140 : vector<16xf32>
      %get3A_4142 = arith.constant 6 : i32
      %get3A_4143 = arith.index_cast %get3A_4142 : i32 to index
      %get3A_4144 = arith.constant 16 : index
      %get3A_4145 = tpu.vector_load %arg10[%get3A_4143, %get3A_4144] {strides = array<i32>} : memref<72x32xf32, #tpu.memory_space<vmem>>, vector<1x16xf32>,
      %get3A_4146 = vector.shape_cast %get3A_4145 : vector<1x16xf32> to vector<16xf32>
      %add3A_4147 = arith.addf %add3A_4099, %get3A_4146 : vector<16xf32>
      %get3A_4148 = arith.constant 7 : i32
      %get3A_4149 = arith.index_cast %get3A_4148 : i32 to index
      %get3A_4150 = arith.constant 0 : index
      %get3A_4151 = tpu.vector_load %arg10[%get3A_4149, %get3A_4150] {strides = array<i32>} : memref<72x32xf32, #tpu.memory_space<vmem>>, vector<1x16xf32>,
      %get3A_4152 = vector.shape_cast %get3A_4151 : vector<1x16xf32> to vector<16xf32>
      %add3A_4153 = arith.addf %add3A_4105, %get3A_4152 : vector<16xf32>
      %get3A_4154 = arith.constant 7 : i32
      %get3A_4155 = arith.index_cast %get3A_4154 : i32 to index
      %get3A_4156 = arith.constant 16 : index
      %get3A_4157 = tpu.vector_load %arg10[%get3A_4155, %get3A_4156] {strides = array<i32>} : memref<72x32xf32, #tpu.memory_space<vmem>>, vector<1x16xf32>,
      %get3A_4158 = vector.shape_cast %get3A_4157 : vector<1x16xf32> to vector<16xf32>
      %add3A_4159 = arith.addf %add3A_4111, %get3A_4158 : vector<16xf32>
      %get3A_4160 = arith.constant 8 : i32
      %get3A_4161 = arith.index_cast %get3A_4160 : i32 to index
      %get3A_4162 = arith.constant 0 : index
      %get3A_4163 = tpu.vector_load %arg10[%get3A_4161, %get3A_4162] {strides = array<i32>} : memref<72x32xf32, #tpu.memory_space<vmem>>, vector<1x16xf32>,
      %get3A_4164 = vector.shape_cast %get3A_4163 : vector<1x16xf32> to vector<16xf32>
      %add3A_4165 = arith.addf %add3A_4117, %get3A_4164 : vector<16xf32>
      %get3A_4166 = arith.constant 8 : i32
      %get3A_4167 = arith.index_cast %get3A_4166 : i32 to index
      %get3A_4168 = arith.constant 16 : index
      %get3A_4169 = tpu.vector_load %arg10[%get3A_4167, %get3A_4168] {strides = array<i32>} : memref<72x32xf32, #tpu.memory_space<vmem>>, vector<1x16xf32>,
      %get3A_4170 = vector.shape_cast %get3A_4169 : vector<1x16xf32> to vector<16xf32>
      %add3A_4171 = arith.addf %add3A_4123, %get3A_4170 : vector<16xf32>
      %get3A_4172 = arith.constant 9 : i32
      %get3A_4173 = arith.index_cast %get3A_4172 : i32 to index
      %get3A_4174 = arith.constant 0 : index
      %get3A_4175 = tpu.vector_load %arg10[%get3A_4173, %get3A_4174] {strides = array<i32>} : memref<72x32xf32, #tpu.memory_space<vmem>>, vector<1x16xf32>,
      %get3A_4176 = vector.shape_cast %get3A_4175 : vector<1x16xf32> to vector<16xf32>
      %add3A_4177 = arith.addf %add3A_4129, %get3A_4176 : vector<16xf32>
      %get3A_4178 = arith.constant 9 : i32
      %get3A_4179 = arith.index_cast %get3A_4178 : i32 to index
      %get3A_4180 = arith.constant 16 : index
      %get3A_4181 = tpu.vector_load %arg10[%get3A_4179, %get3A_4180] {strides = array<i32>} : memref<72x32xf32, #tpu.memory_space<vmem>>, vector<1x16xf32>,
      %get3A_4182 = vector.shape_cast %get3A_4181 : vector<1x16xf32> to vector<16xf32>
      %add3A_4183 = arith.addf %add3A_4135, %get3A_4182 : vector<16xf32>
      %get3A_4184 = arith.constant 10 : i32
      %get3A_4185 = arith.index_cast %get3A_4184 : i32 to index
      %get3A_4186 = arith.constant 0 : index
      %get3A_4187 = tpu.vector_load %arg10[%get3A_4185, %get3A_4186] {strides = array<i32>} : memref<72x32xf32, #tpu.memory_space<vmem>>, vector<1x16xf32>,
      %get3A_4188 = vector.shape_cast %get3A_4187 : vector<1x16xf32> to vector<16xf32>
      %add3A_4189 = arith.addf %add3A_4141, %get3A_4188 : vector<16xf32>
      %get3A_4190 = arith.constant 10 : i32
      %get3A_4191 = arith.index_cast %get3A_4190 : i32 to index
      %get3A_4192 = arith.constant 16 : index
      %get3A_4193 = tpu.vector_load %arg10[%get3A_4191, %get3A_4192] {strides = array<i32>} : memref<72x32xf32, #tpu.memory_space<vmem>>, vector<1x16xf32>,
      %get3A_4194 = vector.shape_cast %get3A_4193 : vector<1x16xf32> to vector<16xf32>
      %add3A_4195 = arith.addf %add3A_4147, %get3A_4194 : vector<16xf32>
      %get3A_4196 = arith.constant 11 : i32
      %get3A_4197 = arith.index_cast %get3A_4196 : i32 to index
      %get3A_4198 = arith.constant 0 : index
      %get3A_4199 = tpu.vector_load %arg10[%get3A_4197, %get3A_4198] {strides = array<i32>} : memref<72x32xf32, #tpu.memory_space<vmem>>, vector<1x16xf32>,
      %get3A_4200 = vector.shape_cast %get3A_4199 : vector<1x16xf32> to vector<16xf32>
      %add3A_4201 = arith.addf %add3A_4153, %get3A_4200 : vector<16xf32>
      %get3A_4202 = arith.constant 11 : i32
      %get3A_4203 = arith.index_cast %get3A_4202 : i32 to index
      %get3A_4204 = arith.constant 16 : index
      %get3A_4205 = tpu.vector_load %arg10[%get3A_4203, %get3A_4204] {strides = array<i32>} : memref<72x32xf32, #tpu.memory_space<vmem>>, vector<1x16xf32>,
      %get3A_4206 = vector.shape_cast %get3A_4205 : vector<1x16xf32> to vector<16xf32>
      %add3A_4207 = arith.addf %add3A_4159, %get3A_4206 : vector<16xf32>
      %get3A_4208 = arith.constant 12 : i32
      %get3A_4209 = arith.index_cast %get3A_4208 : i32 to index
      %get3A_4210 = arith.constant 0 : index
      %get3A_4211 = tpu.vector_load %arg10[%get3A_4209, %get3A_4210] {strides = array<i32>} : memref<72x32xf32, #tpu.memory_space<vmem>>, vector<1x16xf32>,
      %get3A_4212 = vector.shape_cast %get3A_4211 : vector<1x16xf32> to vector<16xf32>
      %add3A_4213 = arith.addf %add3A_4165, %get3A_4212 : vector<16xf32>
      %get3A_4214 = arith.constant 12 : i32
      %get3A_4215 = arith.index_cast %get3A_4214 : i32 to index
      %get3A_4216 = arith.constant 16 : index
      %get3A_4217 = tpu.vector_load %arg10[%get3A_4215, %get3A_4216] {strides = array<i32>} : memref<72x32xf32, #tpu.memory_space<vmem>>, vector<1x16xf32>,
      %get3A_4218 = vector.shape_cast %get3A_4217 : vector<1x16xf32> to vector<16xf32>
      %add3A_4219 = arith.addf %add3A_4171, %get3A_4218 : vector<16xf32>
      %get3A_4220 = arith.constant 13 : i32
      %get3A_4221 = arith.index_cast %get3A_4220 : i32 to index
      %get3A_4222 = arith.constant 0 : index
      %get3A_4223 = tpu.vector_load %arg10[%get3A_4221, %get3A_4222] {strides = array<i32>} : memref<72x32xf32, #tpu.memory_space<vmem>>, vector<1x16xf32>,
      %get3A_4224 = vector.shape_cast %get3A_4223 : vector<1x16xf32> to vector<16xf32>
      %add3A_4225 = arith.addf %add3A_4177, %get3A_4224 : vector<16xf32>
      %get3A_4226 = arith.constant 13 : i32
      %get3A_4227 = arith.index_cast %get3A_4226 : i32 to index
      %get3A_4228 = arith.constant 16 : index
      %get3A_4229 = tpu.vector_load %arg10[%get3A_4227, %get3A_4228] {strides = array<i32>} : memref<72x32xf32, #tpu.memory_space<vmem>>, vector<1x16xf32>,
      %get3A_4230 = vector.shape_cast %get3A_4229 : vector<1x16xf32> to vector<16xf32>
      %add3A_4231 = arith.addf %add3A_4183, %get3A_4230 : vector<16xf32>
      %get3A_4232 = arith.constant 14 : i32
      %get3A_4233 = arith.index_cast %get3A_4232 : i32 to index
      %get3A_4234 = arith.constant 0 : index
      %get3A_4235 = tpu.vector_load %arg10[%get3A_4233, %get3A_4234] {strides = array<i32>} : memref<72x32xf32, #tpu.memory_space<vmem>>, vector<1x16xf32>,
      %get3A_4236 = vector.shape_cast %get3A_4235 : vector<1x16xf32> to vector<16xf32>
      %add3A_4237 = arith.addf %add3A_4189, %get3A_4236 : vector<16xf32>
      %get3A_4238 = arith.constant 14 : i32
      %get3A_4239 = arith.index_cast %get3A_4238 : i32 to index
      %get3A_4240 = arith.constant 16 : index
      %get3A_4241 = tpu.vector_load %arg10[%get3A_4239, %get3A_4240] {strides = array<i32>} : memref<72x32xf32, #tpu.memory_space<vmem>>, vector<1x16xf32>,
      %get3A_4242 = vector.shape_cast %get3A_4241 : vector<1x16xf32> to vector<16xf32>
      %add3A_4243 = arith.addf %add3A_4195, %get3A_4242 : vector<16xf32>
      %get3A_4244 = arith.constant 15 : i32
      %get3A_4245 = arith.index_cast %get3A_4244 : i32 to index
      %get3A_4246 = arith.constant 0 : index
      %get3A_4247 = tpu.vector_load %arg10[%get3A_4245, %get3A_4246] {strides = array<i32>} : memref<72x32xf32, #tpu.memory_space<vmem>>, vector<1x16xf32>,
      %get3A_4248 = vector.shape_cast %get3A_4247 : vector<1x16xf32> to vector<16xf32>
      %add3A_4249 = arith.addf %add3A_4201, %get3A_4248 : vector<16xf32>
      %get3A_4250 = arith.constant 15 : i32
      %get3A_4251 = arith.index_cast %get3A_4250 : i32 to index
      %get3A_4252 = arith.constant 16 : index
      %get3A_4253 = tpu.vector_load %arg10[%get3A_4251, %get3A_4252] {strides = array<i32>} : memref<72x32xf32, #tpu.memory_space<vmem>>, vector<1x16xf32>,
      %get3A_4254 = vector.shape_cast %get3A_4253 : vector<1x16xf32> to vector<16xf32>
      %add3A_4255 = arith.addf %add3A_4207, %get3A_4254 : vector<16xf32>
      %get3A_4256 = arith.constant 16 : i32
      %get3A_4257 = arith.index_cast %get3A_4256 : i32 to index
      %get3A_4258 = arith.constant 0 : index
      %get3A_4259 = tpu.vector_load %arg10[%get3A_4257, %get3A_4258] {strides = array<i32>} : memref<72x32xf32, #tpu.memory_space<vmem>>, vector<1x16xf32>,
      %get3A_4260 = vector.shape_cast %get3A_4259 : vector<1x16xf32> to vector<16xf32>
      %add3A_4261 = arith.addf %add3A_4213, %get3A_4260 : vector<16xf32>
      %get3A_4262 = arith.constant 16 : i32
      %get3A_4263 = arith.index_cast %get3A_4262 : i32 to index
      %get3A_4264 = arith.constant 16 : index
      %get3A_4265 = tpu.vector_load %arg10[%get3A_4263, %get3A_4264] {strides = array<i32>} : memref<72x32xf32, #tpu.memory_space<vmem>>, vector<1x16xf32>,
      %get3A_4266 = vector.shape_cast %get3A_4265 : vector<1x16xf32> to vector<16xf32>
      %add3A_4267 = arith.addf %add3A_4219, %get3A_4266 : vector<16xf32>
      %get3A_4268 = arith.constant 17 : i32
      %get3A_4269 = arith.index_cast %get3A_4268 : i32 to index
      %get3A_4270 = arith.constant 0 : index
      %get3A_4271 = tpu.vector_load %arg10[%get3A_4269, %get3A_4270] {strides = array<i32>} : memref<72x32xf32, #tpu.memory_space<vmem>>, vector<1x16xf32>,
      %get3A_4272 = vector.shape_cast %get3A_4271 : vector<1x16xf32> to vector<16xf32>
      %add3A_4273 = arith.addf %add3A_4225, %get3A_4272 : vector<16xf32>
      %get3A_4274 = arith.constant 17 : i32
      %get3A_4275 = arith.index_cast %get3A_4274 : i32 to index
      %get3A_4276 = arith.constant 16 : index
      %get3A_4277 = tpu.vector_load %arg10[%get3A_4275, %get3A_4276] {strides = array<i32>} : memref<72x32xf32, #tpu.memory_space<vmem>>, vector<1x16xf32>,
      %get3A_4278 = vector.shape_cast %get3A_4277 : vector<1x16xf32> to vector<16xf32>
      %add3A_4279 = arith.addf %add3A_4231, %get3A_4278 : vector<16xf32>
      %get3A_4280 = arith.constant 18 : i32
      %get3A_4281 = arith.index_cast %get3A_4280 : i32 to index
      %get3A_4282 = arith.constant 0 : index
      %get3A_4283 = tpu.vector_load %arg10[%get3A_4281, %get3A_4282] {strides = array<i32>} : memref<72x32xf32, #tpu.memory_space<vmem>>, vector<1x16xf32>,
      %get3A_4284 = vector.shape_cast %get3A_4283 : vector<1x16xf32> to vector<16xf32>
      %add3A_4285 = arith.addf %add3A_4237, %get3A_4284 : vector<16xf32>
      %get3A_4286 = arith.constant 18 : i32
      %get3A_4287 = arith.index_cast %get3A_4286 : i32 to index
      %get3A_4288 = arith.constant 16 : index
      %get3A_4289 = tpu.vector_load %arg10[%get3A_4287, %get3A_4288] {strides = array<i32>} : memref<72x32xf32, #tpu.memory_space<vmem>>, vector<1x16xf32>,
      %get3A_4290 = vector.shape_cast %get3A_4289 : vector<1x16xf32> to vector<16xf32>
      %add3A_4291 = arith.addf %add3A_4243, %get3A_4290 : vector<16xf32>
      %get3A_4292 = arith.constant 19 : i32
      %get3A_4293 = arith.index_cast %get3A_4292 : i32 to index
      %get3A_4294 = arith.constant 0 : index
      %get3A_4295 = tpu.vector_load %arg10[%get3A_4293, %get3A_4294] {strides = array<i32>} : memref<72x32xf32, #tpu.memory_space<vmem>>, vector<1x16xf32>,
      %get3A_4296 = vector.shape_cast %get3A_4295 : vector<1x16xf32> to vector<16xf32>
      %add3A_4297 = arith.addf %add3A_4249, %get3A_4296 : vector<16xf32>
      %get3A_4298 = arith.constant 19 : i32
      %get3A_4299 = arith.index_cast %get3A_4298 : i32 to index
      %get3A_4300 = arith.constant 16 : index
      %get3A_4301 = tpu.vector_load %arg10[%get3A_4299, %get3A_4300] {strides = array<i32>} : memref<72x32xf32, #tpu.memory_space<vmem>>, vector<1x16xf32>,
      %get3A_4302 = vector.shape_cast %get3A_4301 : vector<1x16xf32> to vector<16xf32>
      %add3A_4303 = arith.addf %add3A_4255, %get3A_4302 : vector<16xf32>
      %get3A_4304 = arith.constant 20 : i32
      %get3A_4305 = arith.index_cast %get3A_4304 : i32 to index
      %get3A_4306 = arith.constant 0 : index
      %get3A_4307 = tpu.vector_load %arg10[%get3A_4305, %get3A_4306] {strides = array<i32>} : memref<72x32xf32, #tpu.memory_space<vmem>>, vector<1x16xf32>,
      %get3A_4308 = vector.shape_cast %get3A_4307 : vector<1x16xf32> to vector<16xf32>
      %add3A_4309 = arith.addf %add3A_4261, %get3A_4308 : vector<16xf32>
      %get3A_4310 = arith.constant 20 : i32
      %get3A_4311 = arith.index_cast %get3A_4310 : i32 to index
      %get3A_4312 = arith.constant 16 : index
      %get3A_4313 = tpu.vector_load %arg10[%get3A_4311, %get3A_4312] {strides = array<i32>} : memref<72x32xf32, #tpu.memory_space<vmem>>, vector<1x16xf32>,
      %get3A_4314 = vector.shape_cast %get3A_4313 : vector<1x16xf32> to vector<16xf32>
      %add3A_4315 = arith.addf %add3A_4267, %get3A_4314 : vector<16xf32>
      %get3A_4316 = arith.constant 21 : i32
      %get3A_4317 = arith.index_cast %get3A_4316 : i32 to index
      %get3A_4318 = arith.constant 0 : index
      %get3A_4319 = tpu.vector_load %arg10[%get3A_4317, %get3A_4318] {strides = array<i32>} : memref<72x32xf32, #tpu.memory_space<vmem>>, vector<1x16xf32>,
      %get3A_4320 = vector.shape_cast %get3A_4319 : vector<1x16xf32> to vector<16xf32>
      %add3A_4321 = arith.addf %add3A_4273, %get3A_4320 : vector<16xf32>
      %get3A_4322 = arith.constant 21 : i32
      %get3A_4323 = arith.index_cast %get3A_4322 : i32 to index
      %get3A_4324 = arith.constant 16 : index
      %get3A_4325 = tpu.vector_load %arg10[%get3A_4323, %get3A_4324] {strides = array<i32>} : memref<72x32xf32, #tpu.memory_space<vmem>>, vector<1x16xf32>,
      %get3A_4326 = vector.shape_cast %get3A_4325 : vector<1x16xf32> to vector<16xf32>
      %add3A_4327 = arith.addf %add3A_4279, %get3A_4326 : vector<16xf32>
      %get3A_4328 = arith.constant 22 : i32
      %get3A_4329 = arith.index_cast %get3A_4328 : i32 to index
      %get3A_4330 = arith.constant 0 : index
      %get3A_4331 = tpu.vector_load %arg10[%get3A_4329, %get3A_4330] {strides = array<i32>} : memref<72x32xf32, #tpu.memory_space<vmem>>, vector<1x16xf32>,
      %get3A_4332 = vector.shape_cast %get3A_4331 : vector<1x16xf32> to vector<16xf32>
      %add3A_4333 = arith.addf %add3A_4285, %get3A_4332 : vector<16xf32>
      %get3A_4334 = arith.constant 22 : i32
      %get3A_4335 = arith.index_cast %get3A_4334 : i32 to index
      %get3A_4336 = arith.constant 16 : index
      %get3A_4337 = tpu.vector_load %arg10[%get3A_4335, %get3A_4336] {strides = array<i32>} : memref<72x32xf32, #tpu.memory_space<vmem>>, vector<1x16xf32>,
      %get3A_4338 = vector.shape_cast %get3A_4337 : vector<1x16xf32> to vector<16xf32>
      %add3A_4339 = arith.addf %add3A_4291, %get3A_4338 : vector<16xf32>
      %get3A_4340 = arith.constant 23 : i32
      %get3A_4341 = arith.index_cast %get3A_4340 : i32 to index
      %get3A_4342 = arith.constant 0 : index
      %get3A_4343 = tpu.vector_load %arg10[%get3A_4341, %get3A_4342] {strides = array<i32>} : memref<72x32xf32, #tpu.memory_space<vmem>>, vector<1x16xf32>,
      %get3A_4344 = vector.shape_cast %get3A_4343 : vector<1x16xf32> to vector<16xf32>
      %add3A_4345 = arith.addf %add3A_4297, %get3A_4344 : vector<16xf32>
      %get3A_4346 = arith.constant 23 : i32
      %get3A_4347 = arith.index_cast %get3A_4346 : i32 to index
      %get3A_4348 = arith.constant 16 : index
      %get3A_4349 = tpu.vector_load %arg10[%get3A_4347, %get3A_4348] {strides = array<i32>} : memref<72x32xf32, #tpu.memory_space<vmem>>, vector<1x16xf32>,
      %get3A_4350 = vector.shape_cast %get3A_4349 : vector<1x16xf32> to vector<16xf32>
      %add3A_4351 = arith.addf %add3A_4303, %get3A_4350 : vector<16xf32>
      %get3A_4352 = arith.constant 24 : i32
      %get3A_4353 = arith.index_cast %get3A_4352 : i32 to index
      %get3A_4354 = arith.constant 0 : index
      %get3A_4355 = tpu.vector_load %arg10[%get3A_4353, %get3A_4354] {strides = array<i32>} : memref<72x32xf32, #tpu.memory_space<vmem>>, vector<1x16xf32>,
      %get3A_4356 = vector.shape_cast %get3A_4355 : vector<1x16xf32> to vector<16xf32>
      %add3A_4357 = arith.addf %add3A_4309, %get3A_4356 : vector<16xf32>
      %get3A_4358 = arith.constant 24 : i32
      %get3A_4359 = arith.index_cast %get3A_4358 : i32 to index
      %get3A_4360 = arith.constant 16 : index
      %get3A_4361 = tpu.vector_load %arg10[%get3A_4359, %get3A_4360] {strides = array<i32>} : memref<72x32xf32, #tpu.memory_space<vmem>>, vector<1x16xf32>,
      %get3A_4362 = vector.shape_cast %get3A_4361 : vector<1x16xf32> to vector<16xf32>
      %add3A_4363 = arith.addf %add3A_4315, %get3A_4362 : vector<16xf32>
      %get3A_4364 = arith.constant 25 : i32
      %get3A_4365 = arith.index_cast %get3A_4364 : i32 to index
      %get3A_4366 = arith.constant 0 : index
      %get3A_4367 = tpu.vector_load %arg10[%get3A_4365, %get3A_4366] {strides = array<i32>} : memref<72x32xf32, #tpu.memory_space<vmem>>, vector<1x16xf32>,
      %get3A_4368 = vector.shape_cast %get3A_4367 : vector<1x16xf32> to vector<16xf32>
      %add3A_4369 = arith.addf %add3A_4321, %get3A_4368 : vector<16xf32>
      %get3A_4370 = arith.constant 25 : i32
      %get3A_4371 = arith.index_cast %get3A_4370 : i32 to index
      %get3A_4372 = arith.constant 16 : index
      %get3A_4373 = tpu.vector_load %arg10[%get3A_4371, %get3A_4372] {strides = array<i32>} : memref<72x32xf32, #tpu.memory_space<vmem>>, vector<1x16xf32>,
      %get3A_4374 = vector.shape_cast %get3A_4373 : vector<1x16xf32> to vector<16xf32>
      %add3A_4375 = arith.addf %add3A_4327, %get3A_4374 : vector<16xf32>
      %get3A_4376 = arith.constant 26 : i32
      %get3A_4377 = arith.index_cast %get3A_4376 : i32 to index
      %get3A_4378 = arith.constant 0 : index
      %get3A_4379 = tpu.vector_load %arg10[%get3A_4377, %get3A_4378] {strides = array<i32>} : memref<72x32xf32, #tpu.memory_space<vmem>>, vector<1x16xf32>,
      %get3A_4380 = vector.shape_cast %get3A_4379 : vector<1x16xf32> to vector<16xf32>
      %add3A_4381 = arith.addf %add3A_4333, %get3A_4380 : vector<16xf32>
      %get3A_4382 = arith.constant 26 : i32
      %get3A_4383 = arith.index_cast %get3A_4382 : i32 to index
      %get3A_4384 = arith.constant 16 : index
      %get3A_4385 = tpu.vector_load %arg10[%get3A_4383, %get3A_4384] {strides = array<i32>} : memref<72x32xf32, #tpu.memory_space<vmem>>, vector<1x16xf32>,
      %get3A_4386 = vector.shape_cast %get3A_4385 : vector<1x16xf32> to vector<16xf32>
      %add3A_4387 = arith.addf %add3A_4339, %get3A_4386 : vector<16xf32>
      %get3A_4388 = arith.constant 27 : i32
      %get3A_4389 = arith.index_cast %get3A_4388 : i32 to index
      %get3A_4390 = arith.constant 0 : index
      %get3A_4391 = tpu.vector_load %arg10[%get3A_4389, %get3A_4390] {strides = array<i32>} : memref<72x32xf32, #tpu.memory_space<vmem>>, vector<1x16xf32>,
      %get3A_4392 = vector.shape_cast %get3A_4391 : vector<1x16xf32> to vector<16xf32>
      %add3A_4393 = arith.addf %add3A_4345, %get3A_4392 : vector<16xf32>
      %get3A_4394 = arith.constant 27 : i32
      %get3A_4395 = arith.index_cast %get3A_4394 : i32 to index
      %get3A_4396 = arith.constant 16 : index
      %get3A_4397 = tpu.vector_load %arg10[%get3A_4395, %get3A_4396] {strides = array<i32>} : memref<72x32xf32, #tpu.memory_space<vmem>>, vector<1x16xf32>,
      %get3A_4398 = vector.shape_cast %get3A_4397 : vector<1x16xf32> to vector<16xf32>
      %add3A_4399 = arith.addf %add3A_4351, %get3A_4398 : vector<16xf32>
      %get3A_4400 = arith.constant 28 : i32
      %get3A_4401 = arith.index_cast %get3A_4400 : i32 to index
      %get3A_4402 = arith.constant 0 : index
      %get3A_4403 = tpu.vector_load %arg10[%get3A_4401, %get3A_4402] {strides = array<i32>} : memref<72x32xf32, #tpu.memory_space<vmem>>, vector<1x16xf32>,
      %get3A_4404 = vector.shape_cast %get3A_4403 : vector<1x16xf32> to vector<16xf32>
      %add3A_4405 = arith.addf %add3A_4357, %get3A_4404 : vector<16xf32>
      %get3A_4406 = arith.constant 28 : i32
      %get3A_4407 = arith.index_cast %get3A_4406 : i32 to index
      %get3A_4408 = arith.constant 16 : index
      %get3A_4409 = tpu.vector_load %arg10[%get3A_4407, %get3A_4408] {strides = array<i32>} : memref<72x32xf32, #tpu.memory_space<vmem>>, vector<1x16xf32>,
      %get3A_4410 = vector.shape_cast %get3A_4409 : vector<1x16xf32> to vector<16xf32>
      %add3A_4411 = arith.addf %add3A_4363, %get3A_4410 : vector<16xf32>
      %get3A_4412 = arith.constant 29 : i32
      %get3A_4413 = arith.index_cast %get3A_4412 : i32 to index
      %get3A_4414 = arith.constant 0 : index
      %get3A_4415 = tpu.vector_load %arg10[%get3A_4413, %get3A_4414] {strides = array<i32>} : memref<72x32xf32, #tpu.memory_space<vmem>>, vector<1x16xf32>,
      %get3A_4416 = vector.shape_cast %get3A_4415 : vector<1x16xf32> to vector<16xf32>
      %add3A_4417 = arith.addf %add3A_4369, %get3A_4416 : vector<16xf32>
      %get3A_4418 = arith.constant 29 : i32
      %get3A_4419 = arith.index_cast %get3A_4418 : i32 to index
      %get3A_4420 = arith.constant 16 : index
      %get3A_4421 = tpu.vector_load %arg10[%get3A_4419, %get3A_4420] {strides = array<i32>} : memref<72x32xf32, #tpu.memory_space<vmem>>, vector<1x16xf32>,
      %get3A_4422 = vector.shape_cast %get3A_4421 : vector<1x16xf32> to vector<16xf32>
      %add3A_4423 = arith.addf %add3A_4375, %get3A_4422 : vector<16xf32>
      %get3A_4424 = arith.constant 30 : i32
      %get3A_4425 = arith.index_cast %get3A_4424 : i32 to index
      %get3A_4426 = arith.constant 0 : index
      %get3A_4427 = tpu.vector_load %arg10[%get3A_4425, %get3A_4426] {strides = array<i32>} : memref<72x32xf32, #tpu.memory_space<vmem>>, vector<1x16xf32>,
      %get3A_4428 = vector.shape_cast %get3A_4427 : vector<1x16xf32> to vector<16xf32>
      %add3A_4429 = arith.addf %add3A_4381, %get3A_4428 : vector<16xf32>
      %get3A_4430 = arith.constant 30 : i32
      %get3A_4431 = arith.index_cast %get3A_4430 : i32 to index
      %get3A_4432 = arith.constant 16 : index
      %get3A_4433 = tpu.vector_load %arg10[%get3A_4431, %get3A_4432] {strides = array<i32>} : memref<72x32xf32, #tpu.memory_space<vmem>>, vector<1x16xf32>,
      %get3A_4434 = vector.shape_cast %get3A_4433 : vector<1x16xf32> to vector<16xf32>
      %add3A_4435 = arith.addf %add3A_4387, %get3A_4434 : vector<16xf32>
      %get3A_4436 = arith.constant 31 : i32
      %get3A_4437 = arith.index_cast %get3A_4436 : i32 to index
      %get3A_4438 = arith.constant 0 : index
      %get3A_4439 = tpu.vector_load %arg10[%get3A_4437, %get3A_4438] {strides = array<i32>} : memref<72x32xf32, #tpu.memory_space<vmem>>, vector<1x16xf32>,
      %get3A_4440 = vector.shape_cast %get3A_4439 : vector<1x16xf32> to vector<16xf32>
      %add3A_4441 = arith.addf %add3A_4393, %get3A_4440 : vector<16xf32>
      %get3A_4442 = arith.constant 31 : i32
      %get3A_4443 = arith.index_cast %get3A_4442 : i32 to index
      %get3A_4444 = arith.constant 16 : index
      %get3A_4445 = tpu.vector_load %arg10[%get3A_4443, %get3A_4444] {strides = array<i32>} : memref<72x32xf32, #tpu.memory_space<vmem>>, vector<1x16xf32>,
      %get3A_4446 = vector.shape_cast %get3A_4445 : vector<1x16xf32> to vector<16xf32>
      %add3A_4447 = arith.addf %add3A_4399, %get3A_4446 : vector<16xf32>
      %get3A_4448 = arith.constant 32 : i32
      %get3A_4449 = arith.index_cast %get3A_4448 : i32 to index
      %get3A_4450 = arith.constant 0 : index
      %get3A_4451 = tpu.vector_load %arg10[%get3A_4449, %get3A_4450] {strides = array<i32>} : memref<72x32xf32, #tpu.memory_space<vmem>>, vector<1x16xf32>,
      %get3A_4452 = vector.shape_cast %get3A_4451 : vector<1x16xf32> to vector<16xf32>
      %add3A_4453 = arith.addf %add3A_4405, %get3A_4452 : vector<16xf32>
      %get3A_4454 = arith.constant 32 : i32
      %get3A_4455 = arith.index_cast %get3A_4454 : i32 to index
      %get3A_4456 = arith.constant 16 : index
      %get3A_4457 = tpu.vector_load %arg10[%get3A_4455, %get3A_4456] {strides = array<i32>} : memref<72x32xf32, #tpu.memory_space<vmem>>, vector<1x16xf32>,
      %get3A_4458 = vector.shape_cast %get3A_4457 : vector<1x16xf32> to vector<16xf32>
      %add3A_4459 = arith.addf %add3A_4411, %get3A_4458 : vector<16xf32>
      %get3A_4460 = arith.constant 33 : i32
      %get3A_4461 = arith.index_cast %get3A_4460 : i32 to index
      %get3A_4462 = arith.constant 0 : index
      %get3A_4463 = tpu.vector_load %arg10[%get3A_4461, %get3A_4462] {strides = array<i32>} : memref<72x32xf32, #tpu.memory_space<vmem>>, vector<1x16xf32>,
      %get3A_4464 = vector.shape_cast %get3A_4463 : vector<1x16xf32> to vector<16xf32>
      %add3A_4465 = arith.addf %add3A_4417, %get3A_4464 : vector<16xf32>
      %get3A_4466 = arith.constant 33 : i32
      %get3A_4467 = arith.index_cast %get3A_4466 : i32 to index
      %get3A_4468 = arith.constant 16 : index
      %get3A_4469 = tpu.vector_load %arg10[%get3A_4467, %get3A_4468] {strides = array<i32>} : memref<72x32xf32, #tpu.memory_space<vmem>>, vector<1x16xf32>,
      %get3A_4470 = vector.shape_cast %get3A_4469 : vector<1x16xf32> to vector<16xf32>
      %add3A_4471 = arith.addf %add3A_4423, %get3A_4470 : vector<16xf32>
      %get3A_4472 = arith.constant 34 : i32
      %get3A_4473 = arith.index_cast %get3A_4472 : i32 to index
      %get3A_4474 = arith.constant 0 : index
      %get3A_4475 = tpu.vector_load %arg10[%get3A_4473, %get3A_4474] {strides = array<i32>} : memref<72x32xf32, #tpu.memory_space<vmem>>, vector<1x16xf32>,
      %get3A_4476 = vector.shape_cast %get3A_4475 : vector<1x16xf32> to vector<16xf32>
      %add3A_4477 = arith.addf %add3A_4429, %get3A_4476 : vector<16xf32>
      %get3A_4478 = arith.constant 34 : i32
      %get3A_4479 = arith.index_cast %get3A_4478 : i32 to index
      %get3A_4480 = arith.constant 16 : index
      %get3A_4481 = tpu.vector_load %arg10[%get3A_4479, %get3A_4480] {strides = array<i32>} : memref<72x32xf32, #tpu.memory_space<vmem>>, vector<1x16xf32>,
      %get3A_4482 = vector.shape_cast %get3A_4481 : vector<1x16xf32> to vector<16xf32>
      %add3A_4483 = arith.addf %add3A_4435, %get3A_4482 : vector<16xf32>
      %get3A_4484 = arith.constant 35 : i32
      %get3A_4485 = arith.index_cast %get3A_4484 : i32 to index
      %get3A_4486 = arith.constant 0 : index
      %get3A_4487 = tpu.vector_load %arg10[%get3A_4485, %get3A_4486] {strides = array<i32>} : memref<72x32xf32, #tpu.memory_space<vmem>>, vector<1x16xf32>,
      %get3A_4488 = vector.shape_cast %get3A_4487 : vector<1x16xf32> to vector<16xf32>
      %add3A_4489 = arith.addf %add3A_4441, %get3A_4488 : vector<16xf32>
      %get3A_4490 = arith.constant 35 : i32
      %get3A_4491 = arith.index_cast %get3A_4490 : i32 to index
      %get3A_4492 = arith.constant 16 : index
      %get3A_4493 = tpu.vector_load %arg10[%get3A_4491, %get3A_4492] {strides = array<i32>} : memref<72x32xf32, #tpu.memory_space<vmem>>, vector<1x16xf32>,
      %get3A_4494 = vector.shape_cast %get3A_4493 : vector<1x16xf32> to vector<16xf32>
      %add3A_4495 = arith.addf %add3A_4447, %get3A_4494 : vector<16xf32>
      %get3A_4496 = arith.constant 36 : i32
      %get3A_4497 = arith.index_cast %get3A_4496 : i32 to index
      %get3A_4498 = arith.constant 0 : index
      %get3A_4499 = tpu.vector_load %arg10[%get3A_4497, %get3A_4498] {strides = array<i32>} : memref<72x32xf32, #tpu.memory_space<vmem>>, vector<1x16xf32>,
      %get3A_4500 = vector.shape_cast %get3A_4499 : vector<1x16xf32> to vector<16xf32>
      %add3A_4501 = arith.addf %add3A_4453, %get3A_4500 : vector<16xf32>
      %get3A_4502 = arith.constant 36 : i32
      %get3A_4503 = arith.index_cast %get3A_4502 : i32 to index
      %get3A_4504 = arith.constant 16 : index
      %get3A_4505 = tpu.vector_load %arg10[%get3A_4503, %get3A_4504] {strides = array<i32>} : memref<72x32xf32, #tpu.memory_space<vmem>>, vector<1x16xf32>,
      %get3A_4506 = vector.shape_cast %get3A_4505 : vector<1x16xf32> to vector<16xf32>
      %add3A_4507 = arith.addf %add3A_4459, %get3A_4506 : vector<16xf32>
      %get3A_4508 = arith.constant 37 : i32
      %get3A_4509 = arith.index_cast %get3A_4508 : i32 to index
      %get3A_4510 = arith.constant 0 : index
      %get3A_4511 = tpu.vector_load %arg10[%get3A_4509, %get3A_4510] {strides = array<i32>} : memref<72x32xf32, #tpu.memory_space<vmem>>, vector<1x16xf32>,
      %get3A_4512 = vector.shape_cast %get3A_4511 : vector<1x16xf32> to vector<16xf32>
      %add3A_4513 = arith.addf %add3A_4465, %get3A_4512 : vector<16xf32>
      %get3A_4514 = arith.constant 37 : i32
      %get3A_4515 = arith.index_cast %get3A_4514 : i32 to index
      %get3A_4516 = arith.constant 16 : index
      %get3A_4517 = tpu.vector_load %arg10[%get3A_4515, %get3A_4516] {strides = array<i32>} : memref<72x32xf32, #tpu.memory_space<vmem>>, vector<1x16xf32>,
      %get3A_4518 = vector.shape_cast %get3A_4517 : vector<1x16xf32> to vector<16xf32>
      %add3A_4519 = arith.addf %add3A_4471, %get3A_4518 : vector<16xf32>
      %get3A_4520 = arith.constant 38 : i32
      %get3A_4521 = arith.index_cast %get3A_4520 : i32 to index
      %get3A_4522 = arith.constant 0 : index
      %get3A_4523 = tpu.vector_load %arg10[%get3A_4521, %get3A_4522] {strides = array<i32>} : memref<72x32xf32, #tpu.memory_space<vmem>>, vector<1x16xf32>,
      %get3A_4524 = vector.shape_cast %get3A_4523 : vector<1x16xf32> to vector<16xf32>
      %add3A_4525 = arith.addf %add3A_4477, %get3A_4524 : vector<16xf32>
      %get3A_4526 = arith.constant 38 : i32
      %get3A_4527 = arith.index_cast %get3A_4526 : i32 to index
      %get3A_4528 = arith.constant 16 : index
      %get3A_4529 = tpu.vector_load %arg10[%get3A_4527, %get3A_4528] {strides = array<i32>} : memref<72x32xf32, #tpu.memory_space<vmem>>, vector<1x16xf32>,
      %get3A_4530 = vector.shape_cast %get3A_4529 : vector<1x16xf32> to vector<16xf32>
      %add3A_4531 = arith.addf %add3A_4483, %get3A_4530 : vector<16xf32>
      %get3A_4532 = arith.constant 39 : i32
      %get3A_4533 = arith.index_cast %get3A_4532 : i32 to index
      %get3A_4534 = arith.constant 0 : index
      %get3A_4535 = tpu.vector_load %arg10[%get3A_4533, %get3A_4534] {strides = array<i32>} : memref<72x32xf32, #tpu.memory_space<vmem>>, vector<1x16xf32>,
      %get3A_4536 = vector.shape_cast %get3A_4535 : vector<1x16xf32> to vector<16xf32>
      %add3A_4537 = arith.addf %add3A_4489, %get3A_4536 : vector<16xf32>
      %get3A_4538 = arith.constant 39 : i32
      %get3A_4539 = arith.index_cast %get3A_4538 : i32 to index
      %get3A_4540 = arith.constant 16 : index
      %get3A_4541 = tpu.vector_load %arg10[%get3A_4539, %get3A_4540] {strides = array<i32>} : memref<72x32xf32, #tpu.memory_space<vmem>>, vector<1x16xf32>,
      %get3A_4542 = vector.shape_cast %get3A_4541 : vector<1x16xf32> to vector<16xf32>
      %add3A_4543 = arith.addf %add3A_4495, %get3A_4542 : vector<16xf32>
      %get3A_4544 = arith.constant 40 : i32
      %get3A_4545 = arith.index_cast %get3A_4544 : i32 to index
      %get3A_4546 = arith.constant 0 : index
      %get3A_4547 = tpu.vector_load %arg10[%get3A_4545, %get3A_4546] {strides = array<i32>} : memref<72x32xf32, #tpu.memory_space<vmem>>, vector<1x16xf32>,
      %get3A_4548 = vector.shape_cast %get3A_4547 : vector<1x16xf32> to vector<16xf32>
      %add3A_4549 = arith.addf %add3A_4501, %get3A_4548 : vector<16xf32>
      %get3A_4550 = arith.constant 40 : i32
      %get3A_4551 = arith.index_cast %get3A_4550 : i32 to index
      %get3A_4552 = arith.constant 16 : index
      %get3A_4553 = tpu.vector_load %arg10[%get3A_4551, %get3A_4552] {strides = array<i32>} : memref<72x32xf32, #tpu.memory_space<vmem>>, vector<1x16xf32>,
      %get3A_4554 = vector.shape_cast %get3A_4553 : vector<1x16xf32> to vector<16xf32>
      %add3A_4555 = arith.addf %add3A_4507, %get3A_4554 : vector<16xf32>
      %get3A_4556 = arith.constant 41 : i32
      %get3A_4557 = arith.index_cast %get3A_4556 : i32 to index
      %get3A_4558 = arith.constant 0 : index
      %get3A_4559 = tpu.vector_load %arg10[%get3A_4557, %get3A_4558] {strides = array<i32>} : memref<72x32xf32, #tpu.memory_space<vmem>>, vector<1x16xf32>,
      %get3A_4560 = vector.shape_cast %get3A_4559 : vector<1x16xf32> to vector<16xf32>
      %add3A_4561 = arith.addf %add3A_4513, %get3A_4560 : vector<16xf32>
      %get3A_4562 = arith.constant 41 : i32
      %get3A_4563 = arith.index_cast %get3A_4562 : i32 to index
      %get3A_4564 = arith.constant 16 : index
      %get3A_4565 = tpu.vector_load %arg10[%get3A_4563, %get3A_4564] {strides = array<i32>} : memref<72x32xf32, #tpu.memory_space<vmem>>, vector<1x16xf32>,
      %get3A_4566 = vector.shape_cast %get3A_4565 : vector<1x16xf32> to vector<16xf32>
      %add3A_4567 = arith.addf %add3A_4519, %get3A_4566 : vector<16xf32>
      %get3A_4568 = arith.constant 42 : i32
      %get3A_4569 = arith.index_cast %get3A_4568 : i32 to index
      %get3A_4570 = arith.constant 0 : index
      %get3A_4571 = tpu.vector_load %arg10[%get3A_4569, %get3A_4570] {strides = array<i32>} : memref<72x32xf32, #tpu.memory_space<vmem>>, vector<1x16xf32>,
      %get3A_4572 = vector.shape_cast %get3A_4571 : vector<1x16xf32> to vector<16xf32>
      %add3A_4573 = arith.addf %add3A_4525, %get3A_4572 : vector<16xf32>
      %get3A_4574 = arith.constant 42 : i32
      %get3A_4575 = arith.index_cast %get3A_4574 : i32 to index
      %get3A_4576 = arith.constant 16 : index
      %get3A_4577 = tpu.vector_load %arg10[%get3A_4575, %get3A_4576] {strides = array<i32>} : memref<72x32xf32, #tpu.memory_space<vmem>>, vector<1x16xf32>,
      %get3A_4578 = vector.shape_cast %get3A_4577 : vector<1x16xf32> to vector<16xf32>
      %add3A_4579 = arith.addf %add3A_4531, %get3A_4578 : vector<16xf32>
      %get3A_4580 = arith.constant 43 : i32
      %get3A_4581 = arith.index_cast %get3A_4580 : i32 to index
      %get3A_4582 = arith.constant 0 : index
      %get3A_4583 = tpu.vector_load %arg10[%get3A_4581, %get3A_4582] {strides = array<i32>} : memref<72x32xf32, #tpu.memory_space<vmem>>, vector<1x16xf32>,
      %get3A_4584 = vector.shape_cast %get3A_4583 : vector<1x16xf32> to vector<16xf32>
      %add3A_4585 = arith.addf %add3A_4537, %get3A_4584 : vector<16xf32>
      %get3A_4586 = arith.constant 43 : i32
      %get3A_4587 = arith.index_cast %get3A_4586 : i32 to index
      %get3A_4588 = arith.constant 16 : index
      %get3A_4589 = tpu.vector_load %arg10[%get3A_4587, %get3A_4588] {strides = array<i32>} : memref<72x32xf32, #tpu.memory_space<vmem>>, vector<1x16xf32>,
      %get3A_4590 = vector.shape_cast %get3A_4589 : vector<1x16xf32> to vector<16xf32>
      %add3A_4591 = arith.addf %add3A_4543, %get3A_4590 : vector<16xf32>
      %get3A_4592 = arith.constant 44 : i32
      %get3A_4593 = arith.index_cast %get3A_4592 : i32 to index
      %get3A_4594 = arith.constant 0 : index
      %get3A_4595 = tpu.vector_load %arg10[%get3A_4593, %get3A_4594] {strides = array<i32>} : memref<72x32xf32, #tpu.memory_space<vmem>>, vector<1x16xf32>,
      %get3A_4596 = vector.shape_cast %get3A_4595 : vector<1x16xf32> to vector<16xf32>
      %add3A_4597 = arith.addf %add3A_4549, %get3A_4596 : vector<16xf32>
      %get3A_4598 = arith.constant 44 : i32
      %get3A_4599 = arith.index_cast %get3A_4598 : i32 to index
      %get3A_4600 = arith.constant 16 : index
      %get3A_4601 = tpu.vector_load %arg10[%get3A_4599, %get3A_4600] {strides = array<i32>} : memref<72x32xf32, #tpu.memory_space<vmem>>, vector<1x16xf32>,
      %get3A_4602 = vector.shape_cast %get3A_4601 : vector<1x16xf32> to vector<16xf32>
      %add3A_4603 = arith.addf %add3A_4555, %get3A_4602 : vector<16xf32>
      %get3A_4604 = arith.constant 45 : i32
      %get3A_4605 = arith.index_cast %get3A_4604 : i32 to index
      %get3A_4606 = arith.constant 0 : index
      %get3A_4607 = tpu.vector_load %arg10[%get3A_4605, %get3A_4606] {strides = array<i32>} : memref<72x32xf32, #tpu.memory_space<vmem>>, vector<1x16xf32>,
      %get3A_4608 = vector.shape_cast %get3A_4607 : vector<1x16xf32> to vector<16xf32>
      %add3A_4609 = arith.addf %add3A_4561, %get3A_4608 : vector<16xf32>
      %get3A_4610 = arith.constant 45 : i32
      %get3A_4611 = arith.index_cast %get3A_4610 : i32 to index
      %get3A_4612 = arith.constant 16 : index
      %get3A_4613 = tpu.vector_load %arg10[%get3A_4611, %get3A_4612] {strides = array<i32>} : memref<72x32xf32, #tpu.memory_space<vmem>>, vector<1x16xf32>,
      %get3A_4614 = vector.shape_cast %get3A_4613 : vector<1x16xf32> to vector<16xf32>
      %add3A_4615 = arith.addf %add3A_4567, %get3A_4614 : vector<16xf32>
      %get3A_4616 = arith.constant 46 : i32
      %get3A_4617 = arith.index_cast %get3A_4616 : i32 to index
      %get3A_4618 = arith.constant 0 : index
      %get3A_4619 = tpu.vector_load %arg10[%get3A_4617, %get3A_4618] {strides = array<i32>} : memref<72x32xf32, #tpu.memory_space<vmem>>, vector<1x16xf32>,
      %get3A_4620 = vector.shape_cast %get3A_4619 : vector<1x16xf32> to vector<16xf32>
      %add3A_4621 = arith.addf %add3A_4573, %get3A_4620 : vector<16xf32>
      %get3A_4622 = arith.constant 46 : i32
      %get3A_4623 = arith.index_cast %get3A_4622 : i32 to index
      %get3A_4624 = arith.constant 16 : index
      %get3A_4625 = tpu.vector_load %arg10[%get3A_4623, %get3A_4624] {strides = array<i32>} : memref<72x32xf32, #tpu.memory_space<vmem>>, vector<1x16xf32>,
      %get3A_4626 = vector.shape_cast %get3A_4625 : vector<1x16xf32> to vector<16xf32>
      %add3A_4627 = arith.addf %add3A_4579, %get3A_4626 : vector<16xf32>
      %get3A_4628 = arith.constant 47 : i32
      %get3A_4629 = arith.index_cast %get3A_4628 : i32 to index
      %get3A_4630 = arith.constant 0 : index
      %get3A_4631 = tpu.vector_load %arg10[%get3A_4629, %get3A_4630] {strides = array<i32>} : memref<72x32xf32, #tpu.memory_space<vmem>>, vector<1x16xf32>,
      %get3A_4632 = vector.shape_cast %get3A_4631 : vector<1x16xf32> to vector<16xf32>
      %add3A_4633 = arith.addf %add3A_4585, %get3A_4632 : vector<16xf32>
      %get3A_4634 = arith.constant 47 : i32
      %get3A_4635 = arith.index_cast %get3A_4634 : i32 to index
      %get3A_4636 = arith.constant 16 : index
      %get3A_4637 = tpu.vector_load %arg10[%get3A_4635, %get3A_4636] {strides = array<i32>} : memref<72x32xf32, #tpu.memory_space<vmem>>, vector<1x16xf32>,
      %get3A_4638 = vector.shape_cast %get3A_4637 : vector<1x16xf32> to vector<16xf32>
      %add3A_4639 = arith.addf %add3A_4591, %get3A_4638 : vector<16xf32>
      %get3A_4640 = arith.constant 48 : i32
      %get3A_4641 = arith.index_cast %get3A_4640 : i32 to index
      %get3A_4642 = arith.constant 0 : index
      %get3A_4643 = tpu.vector_load %arg10[%get3A_4641, %get3A_4642] {strides = array<i32>} : memref<72x32xf32, #tpu.memory_space<vmem>>, vector<1x16xf32>,
      %get3A_4644 = vector.shape_cast %get3A_4643 : vector<1x16xf32> to vector<16xf32>
      %add3A_4645 = arith.addf %add3A_4597, %get3A_4644 : vector<16xf32>
      %get3A_4646 = arith.constant 48 : i32
      %get3A_4647 = arith.index_cast %get3A_4646 : i32 to index
      %get3A_4648 = arith.constant 16 : index
      %get3A_4649 = tpu.vector_load %arg10[%get3A_4647, %get3A_4648] {strides = array<i32>} : memref<72x32xf32, #tpu.memory_space<vmem>>, vector<1x16xf32>,
      %get3A_4650 = vector.shape_cast %get3A_4649 : vector<1x16xf32> to vector<16xf32>
      %add3A_4651 = arith.addf %add3A_4603, %get3A_4650 : vector<16xf32>
      %get3A_4652 = arith.constant 49 : i32
      %get3A_4653 = arith.index_cast %get3A_4652 : i32 to index
      %get3A_4654 = arith.constant 0 : index
      %get3A_4655 = tpu.vector_load %arg10[%get3A_4653, %get3A_4654] {strides = array<i32>} : memref<72x32xf32, #tpu.memory_space<vmem>>, vector<1x16xf32>,
      %get3A_4656 = vector.shape_cast %get3A_4655 : vector<1x16xf32> to vector<16xf32>
      %add3A_4657 = arith.addf %add3A_4609, %get3A_4656 : vector<16xf32>
      %get3A_4658 = arith.constant 49 : i32
      %get3A_4659 = arith.index_cast %get3A_4658 : i32 to index
      %get3A_4660 = arith.constant 16 : index
      %get3A_4661 = tpu.vector_load %arg10[%get3A_4659, %get3A_4660] {strides = array<i32>} : memref<72x32xf32, #tpu.memory_space<vmem>>, vector<1x16xf32>,
      %get3A_4662 = vector.shape_cast %get3A_4661 : vector<1x16xf32> to vector<16xf32>
      %add3A_4663 = arith.addf %add3A_4615, %get3A_4662 : vector<16xf32>
      %get3A_4664 = arith.constant 50 : i32
      %get3A_4665 = arith.index_cast %get3A_4664 : i32 to index
      %get3A_4666 = arith.constant 0 : index
      %get3A_4667 = tpu.vector_load %arg10[%get3A_4665, %get3A_4666] {strides = array<i32>} : memref<72x32xf32, #tpu.memory_space<vmem>>, vector<1x16xf32>,
      %get3A_4668 = vector.shape_cast %get3A_4667 : vector<1x16xf32> to vector<16xf32>
      %add3A_4669 = arith.addf %add3A_4621, %get3A_4668 : vector<16xf32>
      %get3A_4670 = arith.constant 50 : i32
      %get3A_4671 = arith.index_cast %get3A_4670 : i32 to index
      %get3A_4672 = arith.constant 16 : index
      %get3A_4673 = tpu.vector_load %arg10[%get3A_4671, %get3A_4672] {strides = array<i32>} : memref<72x32xf32, #tpu.memory_space<vmem>>, vector<1x16xf32>,
      %get3A_4674 = vector.shape_cast %get3A_4673 : vector<1x16xf32> to vector<16xf32>
      %add3A_4675 = arith.addf %add3A_4627, %get3A_4674 : vector<16xf32>
      %get3A_4676 = arith.constant 51 : i32
      %get3A_4677 = arith.index_cast %get3A_4676 : i32 to index
      %get3A_4678 = arith.constant 0 : index
      %get3A_4679 = tpu.vector_load %arg10[%get3A_4677, %get3A_4678] {strides = array<i32>} : memref<72x32xf32, #tpu.memory_space<vmem>>, vector<1x16xf32>,
      %get3A_4680 = vector.shape_cast %get3A_4679 : vector<1x16xf32> to vector<16xf32>
      %add3A_4681 = arith.addf %add3A_4633, %get3A_4680 : vector<16xf32>
      %get3A_4682 = arith.constant 51 : i32
      %get3A_4683 = arith.index_cast %get3A_4682 : i32 to index
      %get3A_4684 = arith.constant 16 : index
      %get3A_4685 = tpu.vector_load %arg10[%get3A_4683, %get3A_4684] {strides = array<i32>} : memref<72x32xf32, #tpu.memory_space<vmem>>, vector<1x16xf32>,
      %get3A_4686 = vector.shape_cast %get3A_4685 : vector<1x16xf32> to vector<16xf32>
      %add3A_4687 = arith.addf %add3A_4639, %get3A_4686 : vector<16xf32>
      %get3A_4688 = arith.constant 52 : i32
      %get3A_4689 = arith.index_cast %get3A_4688 : i32 to index
      %get3A_4690 = arith.constant 0 : index
      %get3A_4691 = tpu.vector_load %arg10[%get3A_4689, %get3A_4690] {strides = array<i32>} : memref<72x32xf32, #tpu.memory_space<vmem>>, vector<1x16xf32>,
      %get3A_4692 = vector.shape_cast %get3A_4691 : vector<1x16xf32> to vector<16xf32>
      %add3A_4693 = arith.addf %add3A_4645, %get3A_4692 : vector<16xf32>
      %get3A_4694 = arith.constant 52 : i32
      %get3A_4695 = arith.index_cast %get3A_4694 : i32 to index
      %get3A_4696 = arith.constant 16 : index
      %get3A_4697 = tpu.vector_load %arg10[%get3A_4695, %get3A_4696] {strides = array<i32>} : memref<72x32xf32, #tpu.memory_space<vmem>>, vector<1x16xf32>,
      %get3A_4698 = vector.shape_cast %get3A_4697 : vector<1x16xf32> to vector<16xf32>
      %add3A_4699 = arith.addf %add3A_4651, %get3A_4698 : vector<16xf32>
      %get3A_4700 = arith.constant 53 : i32
      %get3A_4701 = arith.index_cast %get3A_4700 : i32 to index
      %get3A_4702 = arith.constant 0 : index
      %get3A_4703 = tpu.vector_load %arg10[%get3A_4701, %get3A_4702] {strides = array<i32>} : memref<72x32xf32, #tpu.memory_space<vmem>>, vector<1x16xf32>,
      %get3A_4704 = vector.shape_cast %get3A_4703 : vector<1x16xf32> to vector<16xf32>
      %add3A_4705 = arith.addf %add3A_4657, %get3A_4704 : vector<16xf32>
      %get3A_4706 = arith.constant 53 : i32
      %get3A_4707 = arith.index_cast %get3A_4706 : i32 to index
      %get3A_4708 = arith.constant 16 : index
      %get3A_4709 = tpu.vector_load %arg10[%get3A_4707, %get3A_4708] {strides = array<i32>} : memref<72x32xf32, #tpu.memory_space<vmem>>, vector<1x16xf32>,
      %get3A_4710 = vector.shape_cast %get3A_4709 : vector<1x16xf32> to vector<16xf32>
      %add3A_4711 = arith.addf %add3A_4663, %get3A_4710 : vector<16xf32>
      %get3A_4712 = arith.constant 54 : i32
      %get3A_4713 = arith.index_cast %get3A_4712 : i32 to index
      %get3A_4714 = arith.constant 0 : index
      %get3A_4715 = tpu.vector_load %arg10[%get3A_4713, %get3A_4714] {strides = array<i32>} : memref<72x32xf32, #tpu.memory_space<vmem>>, vector<1x16xf32>,
      %get3A_4716 = vector.shape_cast %get3A_4715 : vector<1x16xf32> to vector<16xf32>
      %add3A_4717 = arith.addf %add3A_4669, %get3A_4716 : vector<16xf32>
      %get3A_4718 = arith.constant 54 : i32
      %get3A_4719 = arith.index_cast %get3A_4718 : i32 to index
      %get3A_4720 = arith.constant 16 : index
      %get3A_4721 = tpu.vector_load %arg10[%get3A_4719, %get3A_4720] {strides = array<i32>} : memref<72x32xf32, #tpu.memory_space<vmem>>, vector<1x16xf32>,
      %get3A_4722 = vector.shape_cast %get3A_4721 : vector<1x16xf32> to vector<16xf32>
      %add3A_4723 = arith.addf %add3A_4675, %get3A_4722 : vector<16xf32>
      %get3A_4724 = arith.constant 55 : i32
      %get3A_4725 = arith.index_cast %get3A_4724 : i32 to index
      %get3A_4726 = arith.constant 0 : index
      %get3A_4727 = tpu.vector_load %arg10[%get3A_4725, %get3A_4726] {strides = array<i32>} : memref<72x32xf32, #tpu.memory_space<vmem>>, vector<1x16xf32>,
      %get3A_4728 = vector.shape_cast %get3A_4727 : vector<1x16xf32> to vector<16xf32>
      %add3A_4729 = arith.addf %add3A_4681, %get3A_4728 : vector<16xf32>
      %get3A_4730 = arith.constant 55 : i32
      %get3A_4731 = arith.index_cast %get3A_4730 : i32 to index
      %get3A_4732 = arith.constant 16 : index
      %get3A_4733 = tpu.vector_load %arg10[%get3A_4731, %get3A_4732] {strides = array<i32>} : memref<72x32xf32, #tpu.memory_space<vmem>>, vector<1x16xf32>,
      %get3A_4734 = vector.shape_cast %get3A_4733 : vector<1x16xf32> to vector<16xf32>
      %add3A_4735 = arith.addf %add3A_4687, %get3A_4734 : vector<16xf32>
      %get3A_4736 = arith.constant 56 : i32
      %get3A_4737 = arith.index_cast %get3A_4736 : i32 to index
      %get3A_4738 = arith.constant 0 : index
      %get3A_4739 = tpu.vector_load %arg10[%get3A_4737, %get3A_4738] {strides = array<i32>} : memref<72x32xf32, #tpu.memory_space<vmem>>, vector<1x16xf32>,
      %get3A_4740 = vector.shape_cast %get3A_4739 : vector<1x16xf32> to vector<16xf32>
      %add3A_4741 = arith.addf %add3A_4693, %get3A_4740 : vector<16xf32>
      %get3A_4742 = arith.constant 56 : i32
      %get3A_4743 = arith.index_cast %get3A_4742 : i32 to index
      %get3A_4744 = arith.constant 16 : index
      %get3A_4745 = tpu.vector_load %arg10[%get3A_4743, %get3A_4744] {strides = array<i32>} : memref<72x32xf32, #tpu.memory_space<vmem>>, vector<1x16xf32>,
      %get3A_4746 = vector.shape_cast %get3A_4745 : vector<1x16xf32> to vector<16xf32>
      %add3A_4747 = arith.addf %add3A_4699, %get3A_4746 : vector<16xf32>
      %get3A_4748 = arith.constant 57 : i32
      %get3A_4749 = arith.index_cast %get3A_4748 : i32 to index
      %get3A_4750 = arith.constant 0 : index
      %get3A_4751 = tpu.vector_load %arg10[%get3A_4749, %get3A_4750] {strides = array<i32>} : memref<72x32xf32, #tpu.memory_space<vmem>>, vector<1x16xf32>,
      %get3A_4752 = vector.shape_cast %get3A_4751 : vector<1x16xf32> to vector<16xf32>
      %add3A_4753 = arith.addf %add3A_4705, %get3A_4752 : vector<16xf32>
      %get3A_4754 = arith.constant 57 : i32
      %get3A_4755 = arith.index_cast %get3A_4754 : i32 to index
      %get3A_4756 = arith.constant 16 : index
      %get3A_4757 = tpu.vector_load %arg10[%get3A_4755, %get3A_4756] {strides = array<i32>} : memref<72x32xf32, #tpu.memory_space<vmem>>, vector<1x16xf32>,
      %get3A_4758 = vector.shape_cast %get3A_4757 : vector<1x16xf32> to vector<16xf32>
      %add3A_4759 = arith.addf %add3A_4711, %get3A_4758 : vector<16xf32>
      %get3A_4760 = arith.constant 58 : i32
      %get3A_4761 = arith.index_cast %get3A_4760 : i32 to index
      %get3A_4762 = arith.constant 0 : index
      %get3A_4763 = tpu.vector_load %arg10[%get3A_4761, %get3A_4762] {strides = array<i32>} : memref<72x32xf32, #tpu.memory_space<vmem>>, vector<1x16xf32>,
      %get3A_4764 = vector.shape_cast %get3A_4763 : vector<1x16xf32> to vector<16xf32>
      %add3A_4765 = arith.addf %add3A_4717, %get3A_4764 : vector<16xf32>
      %get3A_4766 = arith.constant 58 : i32
      %get3A_4767 = arith.index_cast %get3A_4766 : i32 to index
      %get3A_4768 = arith.constant 16 : index
      %get3A_4769 = tpu.vector_load %arg10[%get3A_4767, %get3A_4768] {strides = array<i32>} : memref<72x32xf32, #tpu.memory_space<vmem>>, vector<1x16xf32>,
      %get3A_4770 = vector.shape_cast %get3A_4769 : vector<1x16xf32> to vector<16xf32>
      %add3A_4771 = arith.addf %add3A_4723, %get3A_4770 : vector<16xf32>
      %get3A_4772 = arith.constant 59 : i32
      %get3A_4773 = arith.index_cast %get3A_4772 : i32 to index
      %get3A_4774 = arith.constant 0 : index
      %get3A_4775 = tpu.vector_load %arg10[%get3A_4773, %get3A_4774] {strides = array<i32>} : memref<72x32xf32, #tpu.memory_space<vmem>>, vector<1x16xf32>,
      %get3A_4776 = vector.shape_cast %get3A_4775 : vector<1x16xf32> to vector<16xf32>
      %add3A_4777 = arith.addf %add3A_4729, %get3A_4776 : vector<16xf32>
      %get3A_4778 = arith.constant 59 : i32
      %get3A_4779 = arith.index_cast %get3A_4778 : i32 to index
      %get3A_4780 = arith.constant 16 : index
      %get3A_4781 = tpu.vector_load %arg10[%get3A_4779, %get3A_4780] {strides = array<i32>} : memref<72x32xf32, #tpu.memory_space<vmem>>, vector<1x16xf32>,
      %get3A_4782 = vector.shape_cast %get3A_4781 : vector<1x16xf32> to vector<16xf32>
      %add3A_4783 = arith.addf %add3A_4735, %get3A_4782 : vector<16xf32>
      %get3A_4784 = arith.constant 60 : i32
      %get3A_4785 = arith.index_cast %get3A_4784 : i32 to index
      %get3A_4786 = arith.constant 0 : index
      %get3A_4787 = tpu.vector_load %arg10[%get3A_4785, %get3A_4786] {strides = array<i32>} : memref<72x32xf32, #tpu.memory_space<vmem>>, vector<1x16xf32>,
      %get3A_4788 = vector.shape_cast %get3A_4787 : vector<1x16xf32> to vector<16xf32>
      %add3A_4789 = arith.addf %add3A_4741, %get3A_4788 : vector<16xf32>
      %get3A_4790 = arith.constant 60 : i32
      %get3A_4791 = arith.index_cast %get3A_4790 : i32 to index
      %get3A_4792 = arith.constant 16 : index
      %get3A_4793 = tpu.vector_load %arg10[%get3A_4791, %get3A_4792] {strides = array<i32>} : memref<72x32xf32, #tpu.memory_space<vmem>>, vector<1x16xf32>,
      %get3A_4794 = vector.shape_cast %get3A_4793 : vector<1x16xf32> to vector<16xf32>
      %add3A_4795 = arith.addf %add3A_4747, %get3A_4794 : vector<16xf32>
      %get3A_4796 = arith.constant 61 : i32
      %get3A_4797 = arith.index_cast %get3A_4796 : i32 to index
      %get3A_4798 = arith.constant 0 : index
      %get3A_4799 = tpu.vector_load %arg10[%get3A_4797, %get3A_4798] {strides = array<i32>} : memref<72x32xf32, #tpu.memory_space<vmem>>, vector<1x16xf32>,
      %get3A_4800 = vector.shape_cast %get3A_4799 : vector<1x16xf32> to vector<16xf32>
      %add3A_4801 = arith.addf %add3A_4753, %get3A_4800 : vector<16xf32>
      %get3A_4802 = arith.constant 61 : i32
      %get3A_4803 = arith.index_cast %get3A_4802 : i32 to index
      %get3A_4804 = arith.constant 16 : index
      %get3A_4805 = tpu.vector_load %arg10[%get3A_4803, %get3A_4804] {strides = array<i32>} : memref<72x32xf32, #tpu.memory_space<vmem>>, vector<1x16xf32>,
      %get3A_4806 = vector.shape_cast %get3A_4805 : vector<1x16xf32> to vector<16xf32>
      %add3A_4807 = arith.addf %add3A_4759, %get3A_4806 : vector<16xf32>
      %get3A_4808 = arith.constant 62 : i32
      %get3A_4809 = arith.index_cast %get3A_4808 : i32 to index
      %get3A_4810 = arith.constant 0 : index
      %get3A_4811 = tpu.vector_load %arg10[%get3A_4809, %get3A_4810] {strides = array<i32>} : memref<72x32xf32, #tpu.memory_space<vmem>>, vector<1x16xf32>,
      %get3A_4812 = vector.shape_cast %get3A_4811 : vector<1x16xf32> to vector<16xf32>
      %add3A_4813 = arith.addf %add3A_4765, %get3A_4812 : vector<16xf32>
      %get3A_4814 = arith.constant 62 : i32
      %get3A_4815 = arith.index_cast %get3A_4814 : i32 to index
      %get3A_4816 = arith.constant 16 : index
      %get3A_4817 = tpu.vector_load %arg10[%get3A_4815, %get3A_4816] {strides = array<i32>} : memref<72x32xf32, #tpu.memory_space<vmem>>, vector<1x16xf32>,
      %get3A_4818 = vector.shape_cast %get3A_4817 : vector<1x16xf32> to vector<16xf32>
      %add3A_4819 = arith.addf %add3A_4771, %get3A_4818 : vector<16xf32>
      %get3A_4820 = arith.constant 63 : i32
      %get3A_4821 = arith.index_cast %get3A_4820 : i32 to index
      %get3A_4822 = arith.constant 0 : index
      %get3A_4823 = tpu.vector_load %arg10[%get3A_4821, %get3A_4822] {strides = array<i32>} : memref<72x32xf32, #tpu.memory_space<vmem>>, vector<1x16xf32>,
      %get3A_4824 = vector.shape_cast %get3A_4823 : vector<1x16xf32> to vector<16xf32>
      %add3A_4825 = arith.addf %add3A_4777, %get3A_4824 : vector<16xf32>
      %get3A_4826 = arith.constant 63 : i32
      %get3A_4827 = arith.index_cast %get3A_4826 : i32 to index
      %get3A_4828 = arith.constant 16 : index
      %get3A_4829 = tpu.vector_load %arg10[%get3A_4827, %get3A_4828] {strides = array<i32>} : memref<72x32xf32, #tpu.memory_space<vmem>>, vector<1x16xf32>,
      %get3A_4830 = vector.shape_cast %get3A_4829 : vector<1x16xf32> to vector<16xf32>
      %add3A_4831 = arith.addf %add3A_4783, %get3A_4830 : vector<16xf32>
      %get3A_4832 = arith.constant 64 : i32
      %get3A_4833 = arith.index_cast %get3A_4832 : i32 to index
      %get3A_4834 = arith.constant 0 : index
      %get3A_4835 = tpu.vector_load %arg10[%get3A_4833, %get3A_4834] {strides = array<i32>} : memref<72x32xf32, #tpu.memory_space<vmem>>, vector<1x16xf32>,
      %get3A_4836 = vector.shape_cast %get3A_4835 : vector<1x16xf32> to vector<16xf32>
      %add3A_4837 = arith.addf %add3A_4789, %get3A_4836 : vector<16xf32>
      %get3A_4838 = arith.constant 64 : i32
      %get3A_4839 = arith.index_cast %get3A_4838 : i32 to index
      %get3A_4840 = arith.constant 16 : index
      %get3A_4841 = tpu.vector_load %arg10[%get3A_4839, %get3A_4840] {strides = array<i32>} : memref<72x32xf32, #tpu.memory_space<vmem>>, vector<1x16xf32>,
      %get3A_4842 = vector.shape_cast %get3A_4841 : vector<1x16xf32> to vector<16xf32>
      %add3A_4843 = arith.addf %add3A_4795, %get3A_4842 : vector<16xf32>
      %get3A_4844 = arith.constant 65 : i32
      %get3A_4845 = arith.index_cast %get3A_4844 : i32 to index
      %get3A_4846 = arith.constant 0 : index
      %get3A_4847 = tpu.vector_load %arg10[%get3A_4845, %get3A_4846] {strides = array<i32>} : memref<72x32xf32, #tpu.memory_space<vmem>>, vector<1x16xf32>,
      %get3A_4848 = vector.shape_cast %get3A_4847 : vector<1x16xf32> to vector<16xf32>
      %add3A_4849 = arith.addf %add3A_4801, %get3A_4848 : vector<16xf32>
      %get3A_4850 = arith.constant 65 : i32
      %get3A_4851 = arith.index_cast %get3A_4850 : i32 to index
      %get3A_4852 = arith.constant 16 : index
      %get3A_4853 = tpu.vector_load %arg10[%get3A_4851, %get3A_4852] {strides = array<i32>} : memref<72x32xf32, #tpu.memory_space<vmem>>, vector<1x16xf32>,
      %get3A_4854 = vector.shape_cast %get3A_4853 : vector<1x16xf32> to vector<16xf32>
      %add3A_4855 = arith.addf %add3A_4807, %get3A_4854 : vector<16xf32>
      %get3A_4856 = arith.constant 66 : i32
      %get3A_4857 = arith.index_cast %get3A_4856 : i32 to index
      %get3A_4858 = arith.constant 0 : index
      %get3A_4859 = tpu.vector_load %arg10[%get3A_4857, %get3A_4858] {strides = array<i32>} : memref<72x32xf32, #tpu.memory_space<vmem>>, vector<1x16xf32>,
      %get3A_4860 = vector.shape_cast %get3A_4859 : vector<1x16xf32> to vector<16xf32>
      %add3A_4861 = arith.addf %add3A_4813, %get3A_4860 : vector<16xf32>
      %get3A_4862 = arith.constant 66 : i32
      %get3A_4863 = arith.index_cast %get3A_4862 : i32 to index
      %get3A_4864 = arith.constant 16 : index
      %get3A_4865 = tpu.vector_load %arg10[%get3A_4863, %get3A_4864] {strides = array<i32>} : memref<72x32xf32, #tpu.memory_space<vmem>>, vector<1x16xf32>,
      %get3A_4866 = vector.shape_cast %get3A_4865 : vector<1x16xf32> to vector<16xf32>
      %add3A_4867 = arith.addf %add3A_4819, %get3A_4866 : vector<16xf32>
      %get3A_4868 = arith.constant 67 : i32
      %get3A_4869 = arith.index_cast %get3A_4868 : i32 to index
      %get3A_4870 = arith.constant 0 : index
      %get3A_4871 = tpu.vector_load %arg10[%get3A_4869, %get3A_4870] {strides = array<i32>} : memref<72x32xf32, #tpu.memory_space<vmem>>, vector<1x16xf32>,
      %get3A_4872 = vector.shape_cast %get3A_4871 : vector<1x16xf32> to vector<16xf32>
      %add3A_4873 = arith.addf %add3A_4825, %get3A_4872 : vector<16xf32>
      %get3A_4874 = arith.constant 67 : i32
      %get3A_4875 = arith.index_cast %get3A_4874 : i32 to index
      %get3A_4876 = arith.constant 16 : index
      %get3A_4877 = tpu.vector_load %arg10[%get3A_4875, %get3A_4876] {strides = array<i32>} : memref<72x32xf32, #tpu.memory_space<vmem>>, vector<1x16xf32>,
      %get3A_4878 = vector.shape_cast %get3A_4877 : vector<1x16xf32> to vector<16xf32>
      %add3A_4879 = arith.addf %add3A_4831, %get3A_4878 : vector<16xf32>
      %get3A_4880 = arith.constant 68 : i32
      %get3A_4881 = arith.index_cast %get3A_4880 : i32 to index
      %get3A_4882 = arith.constant 0 : index
      %get3A_4883 = tpu.vector_load %arg10[%get3A_4881, %get3A_4882] {strides = array<i32>} : memref<72x32xf32, #tpu.memory_space<vmem>>, vector<1x16xf32>,
      %get3A_4884 = vector.shape_cast %get3A_4883 : vector<1x16xf32> to vector<16xf32>
      %add3A_4885 = arith.addf %add3A_4837, %get3A_4884 : vector<16xf32>
      %get3A_4886 = arith.constant 68 : i32
      %get3A_4887 = arith.index_cast %get3A_4886 : i32 to index
      %get3A_4888 = arith.constant 16 : index
      %get3A_4889 = tpu.vector_load %arg10[%get3A_4887, %get3A_4888] {strides = array<i32>} : memref<72x32xf32, #tpu.memory_space<vmem>>, vector<1x16xf32>,
      %get3A_4890 = vector.shape_cast %get3A_4889 : vector<1x16xf32> to vector<16xf32>
      %add3A_4891 = arith.addf %add3A_4843, %get3A_4890 : vector<16xf32>
      %get3A_4892 = arith.constant 69 : i32
      %get3A_4893 = arith.index_cast %get3A_4892 : i32 to index
      %get3A_4894 = arith.constant 0 : index
      %get3A_4895 = tpu.vector_load %arg10[%get3A_4893, %get3A_4894] {strides = array<i32>} : memref<72x32xf32, #tpu.memory_space<vmem>>, vector<1x16xf32>,
      %get3A_4896 = vector.shape_cast %get3A_4895 : vector<1x16xf32> to vector<16xf32>
      %add3A_4897 = arith.addf %add3A_4849, %get3A_4896 : vector<16xf32>
      %get3A_4898 = arith.constant 69 : i32
      %get3A_4899 = arith.index_cast %get3A_4898 : i32 to index
      %get3A_4900 = arith.constant 16 : index
      %get3A_4901 = tpu.vector_load %arg10[%get3A_4899, %get3A_4900] {strides = array<i32>} : memref<72x32xf32, #tpu.memory_space<vmem>>, vector<1x16xf32>,
      %get3A_4902 = vector.shape_cast %get3A_4901 : vector<1x16xf32> to vector<16xf32>
      %add3A_4903 = arith.addf %add3A_4855, %get3A_4902 : vector<16xf32>
      %get3A_4904 = arith.constant 70 : i32
      %get3A_4905 = arith.index_cast %get3A_4904 : i32 to index
      %get3A_4906 = arith.constant 0 : index
      %get3A_4907 = tpu.vector_load %arg10[%get3A_4905, %get3A_4906] {strides = array<i32>} : memref<72x32xf32, #tpu.memory_space<vmem>>, vector<1x16xf32>,
      %get3A_4908 = vector.shape_cast %get3A_4907 : vector<1x16xf32> to vector<16xf32>
      %add3A_4909 = arith.addf %add3A_4861, %get3A_4908 : vector<16xf32>
      %get3A_4910 = arith.constant 70 : i32
      %get3A_4911 = arith.index_cast %get3A_4910 : i32 to index
      %get3A_4912 = arith.constant 16 : index
      %get3A_4913 = tpu.vector_load %arg10[%get3A_4911, %get3A_4912] {strides = array<i32>} : memref<72x32xf32, #tpu.memory_space<vmem>>, vector<1x16xf32>,
      %get3A_4914 = vector.shape_cast %get3A_4913 : vector<1x16xf32> to vector<16xf32>
      %add3A_4915 = arith.addf %add3A_4867, %get3A_4914 : vector<16xf32>
      %get3A_4916 = arith.constant 71 : i32
      %get3A_4917 = arith.index_cast %get3A_4916 : i32 to index
      %get3A_4918 = arith.constant 0 : index
      %get3A_4919 = tpu.vector_load %arg10[%get3A_4917, %get3A_4918] {strides = array<i32>} : memref<72x32xf32, #tpu.memory_space<vmem>>, vector<1x16xf32>,
      %get3A_4920 = vector.shape_cast %get3A_4919 : vector<1x16xf32> to vector<16xf32>
      %add3A_4921 = arith.addf %add3A_4873, %get3A_4920 : vector<16xf32>
      %get3A_4922 = arith.constant 71 : i32
      %get3A_4923 = arith.index_cast %get3A_4922 : i32 to index
      %get3A_4924 = arith.constant 16 : index
      %get3A_4925 = tpu.vector_load %arg10[%get3A_4923, %get3A_4924] {strides = array<i32>} : memref<72x32xf32, #tpu.memory_space<vmem>>, vector<1x16xf32>,
      %get3A_4926 = vector.shape_cast %get3A_4925 : vector<1x16xf32> to vector<16xf32>
      %add3A_4927 = arith.addf %add3A_4879, %get3A_4926 : vector<16xf32>
      %add3A_4928 = arith.addf %add3A_4885, %add3A_4897 : vector<16xf32>
      %add3A_4929 = arith.addf %add3A_4909, %add3A_4921 : vector<16xf32>
      %add3A_4930 = arith.addf %add3A_4928, %add3A_4929 : vector<16xf32>
      %mul3A_4931 = arith.constant 5.000000e-03 : f32
      %mul3A_4932 = vector.broadcast %mul3A_4931 : f32 to vector<16xf32>
      %mul3A_4933 = arith.mulf %add3A_4930, %mul3A_4932 : vector<16xf32>
      %swap3A_4934 = arith.index_cast %add3A_2497 : i32 to index
      %swap3A_4935 = arith.constant 0 : index
      %swap3A_4936 = tpu.vector_load %arg11[%swap3A_4934, %swap3A_4935] {strides = array<i32>} : memref<128x32xf32, #tpu.memory_space<vmem>>, vector<1x16xf32>,
      %swap3A_4937 = vector.shape_cast %swap3A_4936 : vector<1x16xf32> to vector<16xf32>
      %swap3A_4938 = vector.shape_cast %mul3A_4933 : vector<16xf32> to vector<1x16xf32>
      tpu.vector_store %arg11[%swap3A_4934, %swap3A_4935], %swap3A_4938 {strides = array<i32>} : memref<128x32xf32, #tpu.memory_space<vmem>>, vector<1x16xf32>,
      %add3A_4939 = arith.addf %add3A_4891, %add3A_4903 : vector<16xf32>
      %add3A_4940 = arith.addf %add3A_4915, %add3A_4927 : vector<16xf32>
      %add3A_4941 = arith.addf %add3A_4939, %add3A_4940 : vector<16xf32>
      %mul3A_4942 = arith.constant 5.000000e-03 : f32
      %mul3A_4943 = vector.broadcast %mul3A_4942 : f32 to vector<16xf32>
      %mul3A_4944 = arith.mulf %add3A_4941, %mul3A_4943 : vector<16xf32>
      %swap3A_4945 = arith.index_cast %add3A_2497 : i32 to index
      %swap3A_4946 = arith.constant 16 : index
      %swap3A_4947 = tpu.vector_load %arg11[%swap3A_4945, %swap3A_4946] {strides = array<i32>} : memref<128x32xf32, #tpu.memory_space<vmem>>, vector<1x16xf32>,
      %swap3A_4948 = vector.shape_cast %swap3A_4947 : vector<1x16xf32> to vector<16xf32>
      %swap3A_4949 = vector.shape_cast %mul3A_4944 : vector<16xf32> to vector<1x16xf32>
      tpu.vector_store %arg11[%swap3A_4945, %swap3A_4946], %swap3A_4949 {strides = array<i32>} : memref<128x32xf32, #tpu.memory_space<vmem>>, vector<1x16xf32>,
      %add3A_4950 = arith.constant 2 : i32
      %add3A_4951 = arith.addi %add3A_2497, %add3A_4950 : i32
      %lt3A_4952 = arith.constant 128 : i32
      %lt3A_4953 = arith.cmpi slt, %add3A_4951, %lt3A_4952 : i32
      %convert_element_type3A_4954 = arith.extui %lt3A_4953 : i1 to i32
      %cond3A_4955 = arith.constant 0 : i32
      %cond3A_4956 = arith.cmpi ne, %convert_element_type3A_4954, %cond3A_4955 : i32
      scf.if %cond3A_4956 {
        %add3A_4957 = arith.constant 2 : i32
        %add3A_4958 = arith.addi %add3A_2497, %add3A_4957 : i32
        %dma_start3A_4959 = arith.constant 0 : i32
        %dma_start3A_4960 = tpu.memref_slice %arg5[%add3A_4958, %dma_start3A_4959] : memref<128x128xi32, #tpu.memory_space<vmem>> -> memref<1x128xi32, #tpu.memory_space<vmem>>
        %dma_start3A_4961 = tpu.memref_squeeze %dma_start3A_4960 : memref<1x128xi32, #tpu.memory_space<vmem>> -> memref<128xi32, #tpu.memory_space<vmem>>
        %dma_start3A_4962 = arith.constant 0 : i32
        %dma_start3A_4963 = arith.constant 0 : i32
        %dma_start3A_4964 = tpu.memref_slice %arg3[%dma_start3A_4962, %dma_start3A_4963] : memref<1000001x32xf32, #tpu.memory_space<hbm>> -> memref<1000001x32xf32, #tpu.memory_space<hbm>>
        tpu.enqueue_indirect_dma source(%dma_start3A_4964 : memref<1000001x32xf32, #tpu.memory_space<hbm>>) target(%arg9 : memref<128x32xf32, #tpu.memory_space<vmem>>) offsets(%dma_start3A_4961 : memref<128xi32, #tpu.memory_space<vmem>>) semaphore(%arg13 : memref<!tpu.dma_semaphore, #tpu.memory_space<semaphore_mem>>)
        %add3A_4965 = arith.constant 2 : i32
        %add3A_4966 = arith.addi %add3A_2497, %add3A_4965 : i32
        %dma_start3A_4967 = arith.constant 0 : i32
        %dma_start3A_4968 = tpu.memref_slice %arg6[%add3A_4966, %dma_start3A_4967] : memref<128x72xi32, #tpu.memory_space<vmem>> -> memref<1x72xi32, #tpu.memory_space<vmem>>
        %dma_start3A_4969 = tpu.memref_squeeze %dma_start3A_4968 : memref<1x72xi32, #tpu.memory_space<vmem>> -> memref<72xi32, #tpu.memory_space<vmem>>
        %dma_start3A_4970 = arith.constant 0 : i32
        %dma_start3A_4971 = arith.constant 0 : i32
        %dma_start3A_4972 = tpu.memref_slice %arg3[%dma_start3A_4970, %dma_start3A_4971] : memref<1000001x32xf32, #tpu.memory_space<hbm>> -> memref<1000001x32xf32, #tpu.memory_space<hbm>>
        tpu.enqueue_indirect_dma source(%dma_start3A_4972 : memref<1000001x32xf32, #tpu.memory_space<hbm>>) target(%arg10 : memref<72x32xf32, #tpu.memory_space<vmem>>) offsets(%dma_start3A_4969 : memref<72xi32, #tpu.memory_space<vmem>>) semaphore(%arg15 : memref<!tpu.dma_semaphore, #tpu.memory_space<semaphore_mem>>)
      } else {
      }
    }
    %scan3A_34 = arith.constant 64 : i32
    %mul3A_35 = arith.constant 128 : i32
    %mul3A_36 = arith.muli %add3A, %mul3A_35 : i32
    "tpu.region"() ({
      %run_scoped3A = tpu.sem_alloc : memref<!tpu.dma_semaphore, #tpu.memory_space<semaphore_mem>>
      %dma_start3A_37 = arith.constant 0 : i32
      %dma_start3A_38 = tpu.memref_slice %arg4[%mul3A_36, %dma_start3A_37] : memref<4096x32xf32, #tpu.memory_space<hbm>> -> memref<128x32xf32, #tpu.memory_space<hbm>>
      %dma_start3A_39 = arith.constant 0 : i32
      %dma_start3A_40 = tpu.memref_slice %arg4[%mul3A_36, %dma_start3A_39] : memref<4096x32xf32, #tpu.memory_space<hbm>> -> memref<128x32xf32, #tpu.memory_space<hbm>>
      tpu.enqueue_dma source(%arg11 : memref<128x32xf32, #tpu.memory_space<vmem>>) target(%dma_start3A_40 : memref<128x32xf32, #tpu.memory_space<hbm>>) target_semaphore(%run_scoped3A : memref<!tpu.dma_semaphore, #tpu.memory_space<semaphore_mem>>)
      %dma_wait3A = arith.constant 0 : i32
      %dma_wait3A_41 = tpu.memref_slice %arg4[%mul3A_36, %dma_wait3A] : memref<4096x32xf32, #tpu.memory_space<hbm>> -> memref<128x32xf32, #tpu.memory_space<hbm>>
      %dma_wait3A_42 = arith.constant 0 : i32
      %dma_wait3A_43 = tpu.memref_slice %arg4[%mul3A_36, %dma_wait3A_42] : memref<4096x32xf32, #tpu.memory_space<hbm>> -> memref<128x32xf32, #tpu.memory_space<hbm>>
      tpu.wait_dma2 semaphore(%run_scoped3A : memref<!tpu.dma_semaphore, #tpu.memory_space<semaphore_mem>>) src(%arg11 : memref<128x32xf32, #tpu.memory_space<vmem>>) dst(%dma_wait3A_43 : memref<128x32xf32, #tpu.memory_space<hbm>>)
      tpu.yield
    }) : () -> ()
    return
  }
}

module attributes {stable_mosaic.version = 14 : i64} {
  func.func @_linear_body(%arg0: memref<4096x32xf32, #tpu.memory_space<vmem>>, %arg1: memref<32x100xf32, #tpu.memory_space<vmem>>, %arg2: memref<1x100xf32, #tpu.memory_space<vmem>>, %arg3: memref<4096x100xf32, #tpu.memory_space<vmem>>) attributes {dimension_semantics = [], scalar_prefetch = 0 : i64, scratch_operands = 0 : i64, tpu.core_type = #tpu.core_type<tc>} {
    %get3A = arith.constant 0 : index
    %get3A_0 = arith.constant 0 : index
    %get3A_1 = vector.load %arg0[%get3A, %get3A_0] : memref<4096x32xf32, #tpu.memory_space<vmem>>, vector<4096x32xf32>
    %get3A_2 = arith.constant 0 : index
    %get3A_3 = arith.constant 0 : index
    %get3A_4 = vector.load %arg1[%get3A_2, %get3A_3] : memref<32x100xf32, #tpu.memory_space<vmem>>, vector<32x100xf32>
    %dot_general3A = arith.constant dense<0.000000e+00> : vector<4096x100xf32>
    %dot_general3A_5 = tpu.matmul %get3A_1, %get3A_4, %dot_general3A {dimension_numbers = #tpu.dot_dimension_numbers<[1], [0], [0], [1], [0, 0, 1, 1], [], []>, transpose_lhs_hint = false} : vector<4096x32xf32>, vector<32x100xf32>, vector<4096x100xf32> -> vector<4096x100xf32>
    %get3A_6 = arith.constant 0 : index
    %get3A_7 = arith.constant 0 : index
    %get3A_8 = vector.load %arg2[%get3A_6, %get3A_7] : memref<1x100xf32, #tpu.memory_space<vmem>>, vector<1x100xf32>
    %add3A = vector.broadcast %get3A_8 : vector<1x100xf32> to vector<4096x100xf32>
    %add3A_9 = arith.addf %dot_general3A_5, %add3A : vector<4096x100xf32>
    %swap3A = arith.constant 0 : index
    %swap3A_10 = arith.constant 0 : index
    %swap3A_11 = vector.load %arg3[%swap3A, %swap3A_10] : memref<4096x100xf32, #tpu.memory_space<vmem>>, vector<4096x100xf32>
    tpu.vector_store %arg3[%swap3A, %swap3A_10], %add3A_9 {strides = array<i32>} : memref<4096x100xf32, #tpu.memory_space<vmem>>, vector<4096x100xf32>,
    return
  }
}

</mosaic_0001>

<sc_bundles>
// kernel: kernel.4.cloned.1.call-start
scs
__scs_entry_jumppad:
0x0: {  	(pc) =	sbr.rel $0x88, $3  }
0x1: {  	(tag) =	ssettag $0x0;
	lr =	simm.s32 $0x1  }
0x2: {  	[smem:$0x3F9D] =	sst lr;
	_ =	strace $0xD0000000  }
0x3: {  	_ = 	snop  }
0x4: {  	_ = 	snop  }
0x5: {  	_ = 	snop  }
0x6: {  	_ = 	snop  }
0x7: {  	_ = 	snop  }
__scs_overlays_trampoline_lowered:
0x8: {  	[smem:$0x3FAC] =	sst s0  }
0x9: {  	[smem:$0x3FAD] =	sst s1  }
0xa: {  	[smem:$0x3FAE] =	sst s2  }
0xb: {  	[smem:$0x3FAF] =	sst s3  }
0xc: {  	[smem:$0x3FB0] =	sst s4  }
0xd: {  	[smem:$0x3FB1] =	sst s5  }
0xe: {  	[smem:$0x3FB2] =	sst s6  }
0xf: {  	[smem:$0x3FB3] =	sst s7  }
0x10: {  	[smem:$0x3FB4] =	sst s8  }
0x11: {  	[smem:$0x3FB5] =	sst s9;
	s0 =	simm.s32 @!p0 $0x0  }
0x12: {  	s1 =	sld [smem:$0x3F9B];
	s0 =	simm.s32 @p0 $0x1  }
0x13: {  	[smem:$0x3FB6] =	sst s0;
	s0 =	simm.s32 @!p1 $0x0  }
0x14: {  	s2 =	sld [smem:$0x3F9A];
	s0 =	simm.s32 @p1 $0x1  }
0x15: {  	[smem:$0x3FB7] =	sst s0;
	s0 =	simm.s32 @!p2 $0x0  }
0x16: {  	s3 =	sld [smem:$0x3FDB];
	s0 =	simm.s32 @p2 $0x1  }
0x17: {  	s4 =	simm.s32 $0x1BF5;
	[smem:$0x3FB9] =	sst s0  }
0x18: {  	s0 =	sld [smem:$0x3F9C];
	_ =	swait.ge [sflag:s4], $0x0  }
0x19: {  	s7 =	sld [smem:$0x3F9D]  }
0x1a: {  	s8 =	sadd.s32 $0xFFFFE003, lr  }
0x1b: {  	s9 =	sadd.s32 $0xFFFFFEF7, lr;
	s5 =	simm.s32 $0xFFFFFFFF;
	p2 =	slt.u32 s8, $0xFFFFF086  }
0x1c: {  	p1 =	slt.u32 s9, $0xF7A;
	s5 =	simm.s32 @!p2 $0x0  }
0x1d: {  	s5 =	simm.s32 @p1 $0x1;
	p0 =	seq.s32 s7, s2  }
0x1e: {  	s7 =	smul.u32 @!p0 $0xF7A, s2;
	p2 =	seq.s32 @!p0 s5, $0x0  }
0x1f: {  	s9 =	smul.u32 $0xF7A, s1;
	s8 =	simm.s32 @!p0 $0x1BF5;
	p2 =	por !p2, p0  }
0x20: {  	[sflag:s8] =	ssyncset.s32 @!p0 $0xFFFFF086;
	s6 =	sadd.s32 @!p0 s3, s7;
	s7 =	simm.s32 @!p0 $0x108  }
0x21: {  	s3 =	sadd.s32 s3, s9;
	s6 =	sadd.s32 @!p0 $0x88, s6;
	s7 =	simm.s32 @p2 $0x1082  }
0x22: {  	[simem:s7], [sflag:s8] =	dma.local @!p0 [hbm:s6], $0xF7A  }
0x23: {  	s9 =	sor.u32 $0xD0000000, s2;
	s6 =	simm.s32 $0x108;
	_ =	swait.ge @!p0 [sflag:s8], $0x0  }
0x24: {  	s3 =	sadd.s32 $0x88, s3;
	s6 =	simm.s32 @!p1 $0x1082;
	[sflag:s4] =	ssyncset.s32 $0xFFFFF086  }
0x25: {  	[simem:s6], [sflag:s4] =	dma.local [hbm:s3], $0xF7A  }
0x26: {  	[smem:$0x3F9D] =	sst s1;
	(tag) =	ssettag s2;
	_ =	strace s9  }
0x27: {  	s1 =	sld [smem:$0x3FAD]  }
0x28: {  	s2 =	sld [smem:$0x3FAE]  }
0x29: {  	s4 =	sld [smem:$0x3FB0]  }
0x2a: {  	p0 =	seq.s32 s5, $0x0;
	s5 =	sld [smem:$0x3FB1]  }
0x2b: {  	s6 =	sld [smem:$0x3FB2]  }
0x2c: {  	s7 =	sld [smem:$0x3FB3]  }
0x2d: {  	s3 =	simm.s32 $0x108;
	s8 =	sld [smem:$0x3FB4]  }
0x2e: {  	s3 =	simm.s32 @!p0 $0x1082;
	s9 =	sld [smem:$0x3FB5]  }
0x2f: {  	lr =	sadd.s32 s0, s3;
	s0 =	sld [smem:$0x3FAC]  }
0x30: {  	s3 =	sld [smem:$0x3FAF]  }
0x31: {  	[smem:$0x3FB8] =	sst s10  }
0x32: {  	s10 =	sld [smem:$0x3FB6];
	_ =	sdelay $0x3  }
0x33: {  	p0 =	seq.s32 s10, $0x1;
	s10 =	sld [smem:$0x3FB8];
	_ =	sdelay $0x3  }
0x34: {  	[smem:$0x3FB8] =	sst s10  }
0x35: {  	s10 =	sld [smem:$0x3FB7];
	_ =	sdelay $0x3  }
0x36: {  	p1 =	seq.s32 s10, $0x1;
	s10 =	sld [smem:$0x3FB8];
	_ =	sdelay $0x3  }
0x37: {  	[smem:$0x3FB8] =	sst s10  }
0x38: {  	s10 =	sld [smem:$0x3FB9]  }
0x39: {  	_ = 	snop;
	(pc) =	sbr.ind lr, $3  }
0x3a: {  	_ = 	snop  }
0x3b: {  	_ = 	snop  }
0x3c: {  	p2 =	seq.s32 s10, $0x1;
	s10 =	sld [smem:$0x3FB8]  }
0x3d: {  	_ =	shalt  }
0x3e: {  	_ =	shalt  }
0x3f: {  	_ =	shalt  }
0x40: {  	_ =	shalt  }
0x41: {  	_ =	shalt  }
0x42: {  	_ =	shalt  }
0x43: {  	_ =	shalt  }
0x44: {  	_ =	shalt  }
0x45: {  	_ =	shalt  }
0x46: {  	_ =	shalt  }
0x47: {  	_ =	shalt  }
0x48: {  	_ =	shalt  }
0x49: {  	_ =	shalt  }
0x4a: {  	_ =	shalt  }
0x4b: {  	_ =	shalt  }
0x4c: {  	_ =	shalt  }
0x4d: {  	_ =	shalt  }
0x4e: {  	_ =	shalt  }
0x4f: {  	_ =	shalt  }
0x50: {  	_ =	shalt  }
0x51: {  	_ =	shalt  }
0x52: {  	_ =	shalt  }
0x53: {  	_ =	shalt  }
0x54: {  	_ =	shalt  }
0x55: {  	_ =	shalt  }
0x56: {  	_ =	shalt  }
0x57: {  	_ =	shalt  }
0x58: {  	_ =	shalt  }
0x59: {  	_ =	shalt  }
0x5a: {  	_ =	shalt  }
0x5b: {  	_ =	shalt  }
0x5c: {  	_ =	shalt  }
0x5d: {  	_ =	shalt  }
0x5e: {  	_ =	shalt  }
0x5f: {  	_ =	shalt  }
0x60: {  	_ =	shalt  }
0x61: {  	_ =	shalt  }
0x62: {  	_ =	shalt  }
0x63: {  	_ =	shalt  }
0x64: {  	_ =	shalt  }
0x65: {  	_ =	shalt  }
0x66: {  	_ =	shalt  }
0x67: {  	_ =	shalt  }
0x68: {  	_ =	shalt  }
0x69: {  	_ =	shalt  }
0x6a: {  	_ =	shalt  }
0x6b: {  	_ =	shalt  }
0x6c: {  	_ =	shalt  }
0x6d: {  	_ =	shalt  }
0x6e: {  	_ =	shalt  }
0x6f: {  	_ =	shalt  }
0x70: {  	_ =	shalt  }
0x71: {  	_ =	shalt  }
0x72: {  	_ =	shalt  }
0x73: {  	_ =	shalt  }
0x74: {  	_ =	shalt  }
0x75: {  	_ =	shalt  }
0x76: {  	_ =	shalt  }
0x77: {  	_ =	shalt  }
0x78: {  	_ =	shalt  }
0x79: {  	_ =	shalt  }
0x7a: {  	_ =	shalt  }
0x7b: {  	_ =	shalt  }
0x7c: {  	_ =	shalt  }
0x7d: {  	_ =	shalt  }
0x7e: {  	_ =	shalt  }
0x7f: {  	_ =	shalt  }
0x80: {  	_ =	shalt  }
0x81: {  	_ =	shalt  }
0x82: {  	_ =	shalt  }
0x83: {  	_ =	shalt  }
0x84: {  	_ =	shalt  }
0x85: {  	_ =	shalt  }
0x86: {  	_ =	shalt  }
0x87: {  	_ =	shalt  }
.Lfunc_end0:
.L_simem_size_0:
called_computation_lowered:
.L_overlay_start_0:
0x88: {  	s2 =	sld [smem:$0x3FD9]  }
0x89: {  	s3 =	sld [smem:$0x3FFE];
	_ =	sdelay $0x1  }
0x8a: {  	s1 =	srdreg.scid  }
0x8b: {  	s0 =	sand.u32 $0x1, s1  }
0x8c: {  	s17 =	sshll.u32 s0, $0xA;
	s2 =	sadd.s32 s3, s2  }
0x8d: {  	s2 =	sadd.s32 s2, s17  }
0x8e: {  	[smem:$0x3FC4] =	sst s2  }
0x8f: {  	_ = 	snop  }
0x90: {  	s2 =	sld [smem:$0x3FD0];
	(tm) =	ssettm $0x1  }
0x91: {  	s18 =	sld [smem:$0x3FFB];
	_ =	sdelay $0x3  }
0x92: {  	_ =	strace s18  }
0x93: {  	s3 =	sld [smem:$0x3FFC];
	_ =	sdelay $0x3  }
0x94: {  	_ =	strace s3  }
0x95: {  	s3 =	sld [smem:$0x3FFD];
	_ =	sdelay $0x3  }
0x96: {  	_ =	strace s3  }
0x97: {  	_ =	strace $0x8FFFFFFF  }
0x98: {  	s19 =	sld [smem:$0x3FDB];
	_ =	sdelay $0x1  }
0x99: {  	s4 =	simm.s32 $_scs_section_size  }
0x9a: {  	s5 =	simm.s32 $_size__tile_overlayer_lowered;
	s6 =	simm.s32 $_tile_overlayer_lowered  }
0x9b: {  	s22 =	simm.s32 $0x1BFF;
	s21 =	sshll.u32 s6, $0x1;
	s3 =	sadd.s32 s4, s19  }
0x9c: {  	s7 =	simm.s32 $0x0;
	s20 =	sshll.u32 s5, $0x1;
	s5 =	sadd.s32 s21, s3  }
0x9d: {  	[timem:s7], [sflag:s22] =	dma.local [hbm:s5], s20  }
0x9e: {  	_ =	swait.ge [sflag:s22], s20  }
0x9f: {  	s4 =	ssub.s32 $0x0, s20;
	[sflag:s22] =	ssyncset.done $0x0  }
0xa0: {  	[sflag:s22] =	ssyncadd.s32 s4;
	_ =	sdelay $0x1  }
0xa1: {  	s23 =	simm.s32 $0x1B8B  }
0xa2: {  	_ =	swait.ge [sflag:s23], $0x1  }
0xa3: {  	[sflag:s23] =	ssyncset.done $0x0  }
0xa4: {  	s25 =	simm.s32 $0x1B8E;
	s24 =	sld [smem:$0x3FFE];
	[sflag:s23] =	ssyncadd.s32 $0xFFFFFFFF  }
0xa5: {  	s26 =	simm.s32 $execute0_lowered;
	[smem:$0x3FD2] =	sst s25  }
0xa6: {  	s5 =	sshll.u32 s26, $0x1;
	_ =	strace $0x80000046;
	[dreg:$0x1] =	wrdreg $0xFFFFFFFF  }
0xa7: {  	s28 =	simm.s32 $_size_execute0_lowered;
	s3 =	sadd.s32 s3, s5;
	[dreg:$0x0] =	wrdreg $0x0  }
0xa8: {  	s5 =	sshll.u32 s28, $0x1;
	[dreg:$0x2] =	wrdreg s3  }
0xa9: {  	[dreg:$0x3] =	wrdreg s5  }
0xaa: {  	[dreg:$0x4] =	wrdreg $0xC0  }
0xab: {  	_ =	task [dreg:s7], $0x5FFFF  }
0xac: {  	[dreg:$0x1] =	wrdreg $0xFFFFFFFF  }
0xad: {  	[dreg:$0x0] =	wrdreg $0x60  }
0xae: {  	[dreg:$0x2] =	wrdreg s24  }
0xaf: {  	[dreg:$0x3] =	wrdreg s2  }
0xb0: {  	[dreg:$0x4] =	wrdreg $0x9  }
0xb1: {  	_ =	task.clear_ibuf [dreg:s7], $0x5FFFF;
	_ =	strace $0x90000046  }
0xb2: {  	s29 =	simm.s32 $0x9;
	_ =	strace $0x80000048  }
0xb3: {  	_ =	swait.ge [sflag:s29], $0x1  }
0xb4: {  	[sflag:s29] =	ssyncadd.s32 $0xFFFFFFFF  }
0xb5: {  	_ =	strace $0x90000048  }
0xb6: {  	_ =	sfence  }
0xb7: {  	s30 =	sld [smem:$0x0];
	_ =	sdelay $0x2  }
0xb8: {  	s31 =	sshll.u32 s1, $0xD;
	s1 =	sshrl.u32 s1, $0x2  }
0xb9: {  	s3 =	sand.u32 $0x4000, s31;
	s1 =	sadd.s32 s1, s30  }
0xba: {  	s0 =	sor.u32 s3, s0;
	s1 =	sshll.u32 s1, $0x11  }
0xbb: {  	s0 =	sor.u32 s1, s0  }
0xbc: {  	s0 =	sadd.s32 $0x8F2B, s0  }
0xbd: {  	[sflag:s0] =	ssyncadd.remote.s32 $0x1  }
0xbe: {  	_ =	sfence.sel $0xFFFF  }
0xbf: {  	[dreg:$0x0] =	wrdreg $0xFFFFFFFF;
	(pc) =	sbr.abs _section_cstart, $3  }
0xc0: {  	[dreg:$0x1] =	wrdreg $0xFFFFFFFF  }
0xc1: {  	_ =	task.clear_ibuf [dreg:s7], $0x2FFFF;
	_ =	strace $0x9FFFFFFF  }
0xc2: {  	(tm) =	ssettm $0x7FFFFFFF  }
0xc3: {  	_ =	shalt  }
tec
execute0_lowered:
.L_overlay_start_1:
0x0: {  	(tag) =	ssettag $0x1  }
0x1: {  	s1 =	srdreg.scid;
	s3 =	rddreg [dreg:$0x0]  }
0x2: {  	s0 =	stileid.u32;
	s6 =	rddreg [dreg:$0x1]  }
0x3: {  	s2 =	simm.s32 $0x0;
	s9 =	simm.s32 $0xC8;
	s10 =	simm.s32 $0x5  }
0x4: {  	s11 =	simm.s32 $0x48;
	s12 =	simm.s32 $0x4000;
	s13 =	simm.s32 $0x6400  }
0x5: {  	s14 =	simm.s32 $0x7400;
	s15 =	simm.s32 $0x7D00;
	s16 =	simm.s32 $0x4048  }
0x6: {  	s17 =	simm.s32 $0x8D00;
	s18 =	simm.s32 $0x1;
	s19 =	simm.s32 $0x3  }
0x7: {  	s20 =	simm.s32 $0x2;
	s21 =	simm.s32 $0x4;
	s22 =	simm.s32 $0x9600  }
0x8: {  	s23 =	simm.s32 $0x0;
	s4 =	sand.u32 $0x1, s1;
	s1 =	rddreg [dreg:$0x2]  }
0x9: {  	s5 =	sshll.u32 s0, $0x8;
	[smem:$0x7FF] =	sst s2;
	s7 =	sshll.u32 s4, $0x7  }
.Ltmp0:
0xa: {  	s4 =	ssub.s32 $0x2, s4;
	s7 =	sor.u32 s7, s5;
	(pc) =	sbr.rel .LBB2_1-.Ltmp0, $4  }
0xb: {  	s8 =	sshrl.u32 s4, $0x1;
	s5 =	smul.u32 $0x19, s7;
	s7 =	sshll.u32 s7, $0x2  }
0xc: {  	_ =	strace $0x80000047;
	s8 =	ssub.s32 s4, s8;
	s6 =	sadd.s32 s6, s7  }
0xd: {  	s7 =	smax.u32 s8, $0x1;
	s8 =	simm.s32 $0x80;
	s5 =	sadd.s32 s5, s3  }
0xe: {  	s3 =	sadd.s32 $0xF43000, s3;
	s4 =	sadd.s32 $0xA00, s5;
	s5 =	sadd.s32 $0xA10, s5  }
.LBB2_4:
0xf: {  	s23 =	sadd.s32 $0x1, s23  }
0x10: {  	p0 =	sne.s32 s23, s7  }
.Ltmp1:
0x11: {  	_ = 	snop;
	(pc) =	sbr.rel @!p0 .LBB2_5-.Ltmp1, $4  }
0x12: {  	[hbm4b:s6+s2] =	stream.linear.scatter [tilespmem:s22], [sflag:$0x5], $0x1000, $0x38;
	[tilespmem:$0xA600] =	vst v63  }
0x13: {  	_ =	swait.ge [sflag:s10], $0x1000  }
0x14: {  	[sflag:s10] =	ssyncset.done $0x0  }
0x15: {  	[sflag:s10] =	ssyncadd.s32 $0xFFFFF000  }
.LBB2_1:
0x16: {  	[tilespmem:s2], [sflag:$0x5] =	stream.strided.gather [hbm4b:s4+s8], $0x4000, s9, s8, $0x38;
	[tilespmem:$0xA600] =	vst v63  }
0x17: {  	_ =	swait.ge [sflag:s10], $0x4000  }
0x18: {  	[sflag:s10] =	ssyncset.done $0x0  }
0x19: {  	[sflag:s10] =	ssyncadd.s32 $0xFFFFC000  }
0x1a: {  	[tilespmem:s12], [sflag:$0x5] =	stream.strided.gather [hbm4b:s5+s11], $0x2400, s9, s11, $0x38;
	[tilespmem:$0xA600] =	vst v63  }
0x1b: {  	_ =	swait.ge [sflag:s10], $0x2400  }
0x1c: {  	[sflag:s10] =	ssyncset.done $0x0  }
0x1d: {  	[sflag:s10] =	ssyncadd.s32 $0xFFFFDC00  }
0x1e: {  	[tilespmem:s13], [sflag:$0x1] =	stream.indirect.gather [hbm4b:s3+s8], $0x20, s2, s8, $0xb8;
	[tilespmem:$0xA600] =	vst v63  }
0x1f: {  	_ = 	snop  }
0x20: {  	[tilespmem:s14], [sflag:$0x3] =	stream.indirect.gather [hbm4b:s3+s11], $0x20, s12, s11, $0xb8;
	[tilespmem:$0xA600] =	vst v63  }
0x21: {  	_ = 	snop  }
0x22: {  	[tilespmem:s15], [sflag:$0x2] =	stream.indirect.gather [hbm4b:s3+s8], $0x20, s8, s8, $0xb8;
	[tilespmem:$0xA600] =	vst v63  }
0x23: {  	s24 =	simm.s32 $0x100;
	s25 =	simm.s32 $0xFFFF7240;
	s26 =	simm.s32 $0x9620  }
0x24: {  	[tilespmem:s17], [sflag:$0x4] =	stream.indirect.gather [hbm4b:s3+s11], $0x20, s16, s11, $0xb8;
	[tilespmem:$0xA600] =	vst v63  }
.LBB2_2:
0x25: {  	_ =	swait.ge [sflag:s18], $0x1000  }
0x26: {  	[sflag:s18] =	ssyncset.done $0x0  }
0x27: {  	[sflag:s18] =	ssyncadd.s32 $0xFFFFF000  }
0x28: {  	v61 =	vld [tilespmem:$0x67E0];
	_ =	sdelay $0x4  }
0x29: {  	[tilespmem:$0x1E620] =	vst v61;
	v61 =	vld [tilespmem:$0x6800];
	_ =	sdelay $0x4  }
0x2a: {  	[tilespmem:$0x1E630] =	vst v61;
	v61 =	vld [tilespmem:$0x6810];
	_ =	sdelay $0x4  }
0x2b: {  	[tilespmem:$0x1E640] =	vst v61;
	v61 =	vld [tilespmem:$0x6820];
	_ =	sdelay $0x4  }
0x2c: {  	[tilespmem:$0x1E650] =	vst v61;
	v61 =	vld [tilespmem:$0x6830];
	_ =	sdelay $0x4  }
0x2d: {  	[tilespmem:$0x1E660] =	vst v61;
	v61 =	vld [tilespmem:$0x6840];
	_ =	sdelay $0x4  }
0x2e: {  	[tilespmem:$0x1E670] =	vst v61;
	v61 =	vld [tilespmem:$0x6850];
	_ =	sdelay $0x4  }
0x2f: {  	[tilespmem:$0x1E680] =	vst v61;
	v61 =	vld [tilespmem:$0x6860];
	_ =	sdelay $0x4  }
0x30: {  	[tilespmem:$0x1E690] =	vst v61;
	v61 =	vld [tilespmem:$0x6870];
	_ =	sdelay $0x4  }
0x31: {  	[tilespmem:$0x1E6A0] =	vst v61;
	v61 =	vld [tilespmem:$0x6880];
	_ =	sdelay $0x4  }
0x32: {  	[tilespmem:$0x1E6B0] =	vst v61;
	v61 =	vld [tilespmem:$0x6890];
	_ =	sdelay $0x4  }
0x33: {  	[tilespmem:$0x1E6C0] =	vst v61;
	v61 =	vld [tilespmem:$0x68A0];
	_ =	sdelay $0x4  }
0x34: {  	[tilespmem:$0x1E6D0] =	vst v61;
	v61 =	vld [tilespmem:$0x68B0];
	_ =	sdelay $0x4  }
0x35: {  	[tilespmem:$0x1E6E0] =	vst v61;
	v61 =	vld [tilespmem:$0x68C0];
	_ =	sdelay $0x4  }
0x36: {  	[tilespmem:$0x1E6F0] =	vst v61;
	v61 =	vld [tilespmem:$0x68D0];
	_ =	sdelay $0x4  }
0x37: {  	[tilespmem:$0x1E700] =	vst v61;
	v61 =	vld [tilespmem:$0x68E0];
	_ =	sdelay $0x4  }
0x38: {  	[tilespmem:$0x1E710] =	vst v61;
	v61 =	vld [tilespmem:$0x68F0];
	_ =	sdelay $0x4  }
0x39: {  	[tilespmem:$0x1E720] =	vst v61;
	v61 =	vld [tilespmem:$0x6900];
	_ =	sdelay $0x4  }
0x3a: {  	[tilespmem:$0x1E730] =	vst v61;
	v61 =	vld [tilespmem:$0x6910];
	_ =	sdelay $0x4  }
0x3b: {  	[tilespmem:$0x1E740] =	vst v61;
	v61 =	vld [tilespmem:$0x6920];
	_ =	sdelay $0x4  }
0x3c: {  	[tilespmem:$0x1E750] =	vst v61;
	v61 =	vld [tilespmem:$0x6930];
	_ =	sdelay $0x4  }
0x3d: {  	[tilespmem:$0x1E760] =	vst v61;
	v61 =	vld [tilespmem:$0x6940];
	_ =	sdelay $0x4  }
0x3e: {  	[tilespmem:$0x1E770] =	vst v61;
	v61 =	vld [tilespmem:$0x6950];
	_ =	sdelay $0x4  }
0x3f: {  	[tilespmem:$0x1E780] =	vst v61;
	v61 =	vld [tilespmem:$0x6960];
	_ =	sdelay $0x2  }
0x40: {  	v4 =	vld [tilespmem:$0x6400]  }
0x41: {  	v5 =	vld [tilespmem:$0x6410]  }
0x42: {  	[tilespmem:$0x1E790] =	vst v61;
	v61 =	vld [tilespmem:$0x6970]  }
0x43: {  	v6 =	vld [tilespmem:$0x6420]  }
0x44: {  	v7 =	vld [tilespmem:$0x6430]  }
0x45: {  	v12 =	vld [tilespmem:$0x6440]  }
0x46: {  	v13 =	vld [tilespmem:$0x6450]  }
0x47: {  	[tilespmem:$0x1E7A0] =	vst v61;
	v61 =	vld [tilespmem:$0x6980]  }
0x48: {  	v16 =	vld [tilespmem:$0x6460]  }
0x49: {  	v17 =	vld [tilespmem:$0x6470]  }
0x4a: {  	v0 =	vld [tilespmem:$0x6480]  }
0x4b: {  	v1 =	vld [tilespmem:$0x6490]  }
0x4c: {  	[tilespmem:$0x1E7B0] =	vst v61;
	v61 =	vld [tilespmem:$0x6990]  }
0x4d: {  	v2 =	vld [tilespmem:$0x64A0]  }
0x4e: {  	v3 =	vld [tilespmem:$0x64B0]  }
0x4f: {  	v8 =	vld [tilespmem:$0x64C0]  }
0x50: {  	v9 =	vld [tilespmem:$0x64D0]  }
0x51: {  	[tilespmem:$0x1E7C0] =	vst v61;
	v61 =	vld [tilespmem:$0x69A0]  }
0x52: {  	v10 =	vld [tilespmem:$0x64E0]  }
0x53: {  	v11 =	vld [tilespmem:$0x64F0]  }
0x54: {  	v14 =	vld [tilespmem:$0x6500]  }
0x55: {  	v15 =	vld [tilespmem:$0x6510]  }
0x56: {  	[tilespmem:$0x1E7D0] =	vst v61;
	v61 =	vld [tilespmem:$0x69B0]  }
0x57: {  	v18 =	vld [tilespmem:$0x6520]  }
0x58: {  	v19 =	vld [tilespmem:$0x6530]  }
0x59: {  	v20 =	vld [tilespmem:$0x6540]  }
0x5a: {  	v21 =	vld [tilespmem:$0x6550]  }
0x5b: {  	[tilespmem:$0x1E7E0] =	vst v61;
	v61 =	vld [tilespmem:$0x69C0]  }
0x5c: {  	v22 =	vld [tilespmem:$0x6560]  }
0x5d: {  	v23 =	vld [tilespmem:$0x6570]  }
0x5e: {  	v24 =	vld [tilespmem:$0x6580]  }
0x5f: {  	v25 =	vld [tilespmem:$0x6590]  }
0x60: {  	[tilespmem:$0x1E7F0] =	vst v61;
	v61 =	vld [tilespmem:$0x69D0]  }
0x61: {  	v26 =	vld [tilespmem:$0x65A0]  }
0x62: {  	v27 =	vld [tilespmem:$0x65B0]  }
0x63: {  	v28 =	vld [tilespmem:$0x65C0]  }
0x64: {  	v29 =	vld [tilespmem:$0x65D0]  }
0x65: {  	[tilespmem:$0x1E800] =	vst v61;
	v61 =	vld [tilespmem:$0x69E0]  }
0x66: {  	v30 =	vld [tilespmem:$0x65E0]  }
0x67: {  	v31 =	vld [tilespmem:$0x65F0]  }
0x68: {  	v32 =	vld [tilespmem:$0x6600]  }
0x69: {  	v33 =	vld [tilespmem:$0x6610]  }
0x6a: {  	[tilespmem:$0x1E810] =	vst v61;
	v61 =	vld [tilespmem:$0x69F0]  }
0x6b: {  	v34 =	vld [tilespmem:$0x6620]  }
0x6c: {  	v35 =	vld [tilespmem:$0x6630]  }
0x6d: {  	v36 =	vld [tilespmem:$0x6640]  }
0x6e: {  	v37 =	vld [tilespmem:$0x6650]  }
0x6f: {  	[tilespmem:$0x1E820] =	vst v61;
	v61 =	vld [tilespmem:$0x6A00]  }
0x70: {  	v38 =	vld [tilespmem:$0x6660]  }
0x71: {  	v39 =	vld [tilespmem:$0x6670]  }
0x72: {  	v40 =	vld [tilespmem:$0x6680]  }
0x73: {  	v41 =	vld [tilespmem:$0x6690]  }
0x74: {  	[tilespmem:$0x1E830] =	vst v61;
	v61 =	vld [tilespmem:$0x6A10]  }
0x75: {  	v42 =	vld [tilespmem:$0x66A0]  }
0x76: {  	v43 =	vld [tilespmem:$0x66B0]  }
0x77: {  	v44 =	vld [tilespmem:$0x66C0]  }
0x78: {  	v45 =	vld [tilespmem:$0x66D0]  }
0x79: {  	[tilespmem:$0x1E840] =	vst v61;
	v61 =	vld [tilespmem:$0x6A20]  }
0x7a: {  	v46 =	vld [tilespmem:$0x66E0]  }
0x7b: {  	v47 =	vld [tilespmem:$0x66F0]  }
0x7c: {  	v48 =	vld [tilespmem:$0x6700]  }
0x7d: {  	v49 =	vld [tilespmem:$0x6710]  }
0x7e: {  	[tilespmem:$0x1E850] =	vst v61;
	v61 =	vld [tilespmem:$0x6A30]  }
0x7f: {  	v50 =	vld [tilespmem:$0x6720]  }
0x80: {  	v51 =	vld [tilespmem:$0x6730]  }
0x81: {  	v52 =	vld [tilespmem:$0x6740]  }
0x82: {  	v53 =	vld [tilespmem:$0x6750]  }
0x83: {  	[tilespmem:$0x1E860] =	vst v61;
	v61 =	vld [tilespmem:$0x6A40]  }
0x84: {  	v54 =	vld [tilespmem:$0x6760]  }
0x85: {  	v55 =	vld [tilespmem:$0x6770]  }
0x86: {  	v62 =	vld [tilespmem:$0x6780]  }
0x87: {  	v56 =	vld [tilespmem:$0x6790]  }
0x88: {  	[tilespmem:$0x1E870] =	vst v61;
	v61 =	vld [tilespmem:$0x6A50]  }
0x89: {  	v58 =	vld [tilespmem:$0x67A0]  }
0x8a: {  	v57 =	vld [tilespmem:$0x67B0]  }
0x8b: {  	v60 =	vld [tilespmem:$0x67C0]  }
0x8c: {  	v59 =	vld [tilespmem:$0x67D0]  }
0x8d: {  	v63 =	vld [tilespmem:$0x67F0];
	[tilespmem:$0x1E880] =	vst v61  }
0x8e: {  	v61 =	vld [tilespmem:$0x6A60];
	_ =	sdelay $0x4  }
0x8f: {  	[tilespmem:$0x1E890] =	vst v61;
	v61 =	vld [tilespmem:$0x6A70];
	_ =	sdelay $0x4  }
0x90: {  	[tilespmem:$0x1E8A0] =	vst v61;
	v61 =	vld [tilespmem:$0x6A80];
	_ =	sdelay $0x4  }
0x91: {  	[tilespmem:$0x1E8B0] =	vst v61;
	v61 =	vld [tilespmem:$0x6A90];
	_ =	sdelay $0x4  }
0x92: {  	[tilespmem:$0x1E8C0] =	vst v61;
	v61 =	vld [tilespmem:$0x6AA0];
	_ =	sdelay $0x4  }
0x93: {  	[tilespmem:$0x1E8D0] =	vst v61;
	v61 =	vld [tilespmem:$0x6AB0];
	_ =	sdelay $0x4  }
0x94: {  	[tilespmem:$0x1E8E0] =	vst v61;
	v61 =	vld [tilespmem:$0x6AC0];
	_ =	sdelay $0x4  }
0x95: {  	[tilespmem:$0x1E8F0] =	vst v61;
	v61 =	vld [tilespmem:$0x6AD0];
	_ =	sdelay $0x4  }
0x96: {  	[tilespmem:$0x1E900] =	vst v61;
	v61 =	vld [tilespmem:$0x6AE0];
	_ =	sdelay $0x4  }
0x97: {  	[tilespmem:$0x1E910] =	vst v61;
	v61 =	vld [tilespmem:$0x6AF0];
	_ =	sdelay $0x4  }
0x98: {  	[tilespmem:$0x1E920] =	vst v61;
	v61 =	vld [tilespmem:$0x6B00];
	_ =	sdelay $0x4  }
0x99: {  	[tilespmem:$0x1E930] =	vst v61;
	v61 =	vld [tilespmem:$0x6B10];
	_ =	sdelay $0x4  }
0x9a: {  	[tilespmem:$0x1E940] =	vst v61;
	v61 =	vld [tilespmem:$0x6B20];
	_ =	sdelay $0x4  }
0x9b: {  	[tilespmem:$0x1E950] =	vst v61;
	v61 =	vld [tilespmem:$0x6B30];
	_ =	sdelay $0x4  }
0x9c: {  	[tilespmem:$0x1E960] =	vst v61;
	v61 =	vld [tilespmem:$0x6B40];
	_ =	sdelay $0x4  }
0x9d: {  	[tilespmem:$0x1E970] =	vst v61;
	v61 =	vld [tilespmem:$0x6B50];
	_ =	sdelay $0x4  }
0x9e: {  	[tilespmem:$0x1E980] =	vst v61;
	v61 =	vld [tilespmem:$0x6B60];
	_ =	sdelay $0x4  }
0x9f: {  	[tilespmem:$0x1E990] =	vst v61;
	v61 =	vld [tilespmem:$0x6B70];
	_ =	sdelay $0x4  }
0xa0: {  	[tilespmem:$0x1E9A0] =	vst v61;
	v61 =	vld [tilespmem:$0x6B80];
	_ =	sdelay $0x4  }
0xa1: {  	[tilespmem:$0x1E9B0] =	vst v61;
	v61 =	vld [tilespmem:$0x6B90];
	_ =	sdelay $0x4  }
0xa2: {  	[tilespmem:$0x1E9C0] =	vst v61;
	v61 =	vld [tilespmem:$0x6BA0];
	_ =	sdelay $0x4  }
0xa3: {  	[tilespmem:$0x1E9D0] =	vst v61;
	v61 =	vld [tilespmem:$0x6BB0];
	_ =	sdelay $0x4  }
0xa4: {  	[tilespmem:$0x1E9E0] =	vst v61;
	v61 =	vld [tilespmem:$0x6BC0];
	_ =	sdelay $0x4  }
0xa5: {  	[tilespmem:$0x1E9F0] =	vst v61;
	v61 =	vld [tilespmem:$0x6BD0];
	_ =	sdelay $0x4  }
0xa6: {  	[tilespmem:$0x1EA00] =	vst v61;
	v61 =	vld [tilespmem:$0x6BE0];
	_ =	sdelay $0x4  }
0xa7: {  	[tilespmem:$0x1EA10] =	vst v61;
	v61 =	vld [tilespmem:$0x6BF0];
	_ =	sdelay $0x4  }
0xa8: {  	[tilespmem:$0x1EA20] =	vst v61;
	v61 =	vld [tilespmem:$0x6C00];
	_ =	sdelay $0x4  }
0xa9: {  	[tilespmem:$0x1EA30] =	vst v61;
	v61 =	vld [tilespmem:$0x6C10];
	_ =	sdelay $0x4  }
0xaa: {  	[tilespmem:$0x1EA40] =	vst v61;
	v61 =	vld [tilespmem:$0x6C20];
	_ =	sdelay $0x4  }
0xab: {  	[tilespmem:$0x1EA50] =	vst v61;
	v61 =	vld [tilespmem:$0x6C30];
	_ =	sdelay $0x4  }
0xac: {  	[tilespmem:$0x1EA60] =	vst v61;
	v61 =	vld [tilespmem:$0x6C40];
	_ =	sdelay $0x4  }
0xad: {  	[tilespmem:$0x1EA70] =	vst v61;
	v61 =	vld [tilespmem:$0x6C50];
	_ =	sdelay $0x4  }
0xae: {  	[tilespmem:$0x1EA80] =	vst v61;
	v61 =	vld [tilespmem:$0x6C60];
	_ =	sdelay $0x4  }
0xaf: {  	[tilespmem:$0x1EA90] =	vst v61;
	v61 =	vld [tilespmem:$0x6C70];
	_ =	sdelay $0x4  }
0xb0: {  	[tilespmem:$0x1EAA0] =	vst v61;
	v61 =	vld [tilespmem:$0x6C80];
	_ =	sdelay $0x4  }
0xb1: {  	[tilespmem:$0x1EAB0] =	vst v61;
	v61 =	vld [tilespmem:$0x6C90];
	_ =	sdelay $0x4  }
0xb2: {  	[tilespmem:$0x1EAC0] =	vst v61;
	v61 =	vld [tilespmem:$0x6CA0];
	_ =	sdelay $0x4  }
0xb3: {  	[tilespmem:$0x1EAD0] =	vst v61;
	v61 =	vld [tilespmem:$0x6CB0];
	_ =	sdelay $0x4  }
0xb4: {  	[tilespmem:$0x1EAE0] =	vst v61;
	v61 =	vld [tilespmem:$0x6CC0];
	_ =	sdelay $0x4  }
0xb5: {  	[tilespmem:$0x1EAF0] =	vst v61;
	v61 =	vld [tilespmem:$0x6CD0];
	_ =	sdelay $0x4  }
0xb6: {  	[tilespmem:$0x1EB00] =	vst v61;
	v61 =	vld [tilespmem:$0x6CE0];
	_ =	sdelay $0x4  }
0xb7: {  	[tilespmem:$0x1EB10] =	vst v61;
	v61 =	vld [tilespmem:$0x6CF0];
	_ =	sdelay $0x4  }
0xb8: {  	[tilespmem:$0x1EB20] =	vst v61;
	v61 =	vld [tilespmem:$0x6D00];
	_ =	sdelay $0x4  }
0xb9: {  	[tilespmem:$0x1EB30] =	vst v61;
	v61 =	vld [tilespmem:$0x6D10];
	_ =	sdelay $0x4  }
0xba: {  	[tilespmem:$0x1EB40] =	vst v61;
	v61 =	vld [tilespmem:$0x6D20];
	_ =	sdelay $0x4  }
0xbb: {  	[tilespmem:$0x1EB50] =	vst v61;
	v61 =	vld [tilespmem:$0x6D30];
	_ =	sdelay $0x4  }
0xbc: {  	[tilespmem:$0x1EB60] =	vst v61;
	v61 =	vld [tilespmem:$0x6D40];
	_ =	sdelay $0x4  }
0xbd: {  	[tilespmem:$0x1EB70] =	vst v61;
	v61 =	vld [tilespmem:$0x6D50];
	_ =	sdelay $0x4  }
0xbe: {  	[tilespmem:$0x1EB80] =	vst v61;
	v61 =	vld [tilespmem:$0x6D60];
	_ =	sdelay $0x4  }
0xbf: {  	[tilespmem:$0x1EB90] =	vst v61;
	v61 =	vld [tilespmem:$0x6D70];
	_ =	sdelay $0x4  }
0xc0: {  	[tilespmem:$0x1EBA0] =	vst v61;
	v61 =	vld [tilespmem:$0x6D80];
	_ =	sdelay $0x4  }
0xc1: {  	[tilespmem:$0x1EBB0] =	vst v61;
	v61 =	vld [tilespmem:$0x6D90];
	_ =	sdelay $0x4  }
0xc2: {  	[tilespmem:$0x1EBC0] =	vst v61;
	v61 =	vld [tilespmem:$0x6DA0];
	_ =	sdelay $0x4  }
0xc3: {  	[tilespmem:$0x1EBD0] =	vst v61;
	v61 =	vld [tilespmem:$0x6DB0];
	_ =	sdelay $0x4  }
0xc4: {  	[tilespmem:$0x1EBE0] =	vst v61;
	v61 =	vld [tilespmem:$0x6DC0];
	_ =	sdelay $0x4  }
0xc5: {  	[tilespmem:$0x1EBF0] =	vst v61;
	v61 =	vld [tilespmem:$0x6DD0];
	_ =	sdelay $0x4  }
0xc6: {  	[tilespmem:$0x1EC00] =	vst v61;
	v61 =	vld [tilespmem:$0x6DE0];
	_ =	sdelay $0x4  }
0xc7: {  	[tilespmem:$0x1EC10] =	vst v61;
	v61 =	vld [tilespmem:$0x6DF0];
	_ =	sdelay $0x4  }
0xc8: {  	[tilespmem:$0x1EC20] =	vst v61;
	v61 =	vld [tilespmem:$0x6E00];
	_ =	sdelay $0x4  }
0xc9: {  	[tilespmem:$0x1EC30] =	vst v61;
	v61 =	vld [tilespmem:$0x6E10];
	_ =	sdelay $0x4  }
0xca: {  	[tilespmem:$0x1EC40] =	vst v61;
	v61 =	vld [tilespmem:$0x6E20];
	_ =	sdelay $0x4  }
0xcb: {  	[tilespmem:$0x1EC50] =	vst v61;
	v61 =	vld [tilespmem:$0x6E30];
	_ =	sdelay $0x4  }
0xcc: {  	[tilespmem:$0x1EC60] =	vst v61;
	v61 =	vld [tilespmem:$0x6E40];
	_ =	sdelay $0x4  }
0xcd: {  	[tilespmem:$0x1EC70] =	vst v61;
	v61 =	vld [tilespmem:$0x6E50];
	_ =	sdelay $0x4  }
0xce: {  	[tilespmem:$0x1EC80] =	vst v61;
	v61 =	vld [tilespmem:$0x6E60];
	_ =	sdelay $0x4  }
0xcf: {  	[tilespmem:$0x1EC90] =	vst v61;
	v61 =	vld [tilespmem:$0x6E70];
	_ =	sdelay $0x4  }
0xd0: {  	[tilespmem:$0x1ECA0] =	vst v61;
	v61 =	vld [tilespmem:$0x6E80];
	_ =	sdelay $0x4  }
0xd1: {  	[tilespmem:$0x1ECB0] =	vst v61;
	v61 =	vld [tilespmem:$0x6E90];
	_ =	sdelay $0x4  }
0xd2: {  	[tilespmem:$0x1ECC0] =	vst v61;
	v61 =	vld [tilespmem:$0x6EA0];
	_ =	sdelay $0x4  }
0xd3: {  	[tilespmem:$0x1ECD0] =	vst v61;
	v61 =	vld [tilespmem:$0x6EB0];
	_ =	sdelay $0x4  }
0xd4: {  	[tilespmem:$0x1ECE0] =	vst v61;
	v61 =	vld [tilespmem:$0x6EC0];
	_ =	sdelay $0x4  }
0xd5: {  	[tilespmem:$0x1ECF0] =	vst v61;
	v61 =	vld [tilespmem:$0x6ED0];
	_ =	sdelay $0x4  }
0xd6: {  	[tilespmem:$0x1ED00] =	vst v61;
	v61 =	vld [tilespmem:$0x6EE0];
	_ =	sdelay $0x4  }
0xd7: {  	[tilespmem:$0x1ED10] =	vst v61;
	v61 =	vld [tilespmem:$0x6EF0];
	_ =	sdelay $0x4  }
0xd8: {  	[tilespmem:$0x1ED20] =	vst v61;
	v61 =	vld [tilespmem:$0x6F00];
	_ =	sdelay $0x4  }
0xd9: {  	[tilespmem:$0x1ED30] =	vst v61;
	v61 =	vld [tilespmem:$0x6F10];
	_ =	sdelay $0x4  }
0xda: {  	[tilespmem:$0x1ED40] =	vst v61;
	v61 =	vld [tilespmem:$0x6F20];
	_ =	sdelay $0x4  }
0xdb: {  	[tilespmem:$0x1ED50] =	vst v61;
	v61 =	vld [tilespmem:$0x6F30];
	_ =	sdelay $0x4  }
0xdc: {  	[tilespmem:$0x1ED60] =	vst v61;
	v61 =	vld [tilespmem:$0x6F40];
	_ =	sdelay $0x4  }
0xdd: {  	[tilespmem:$0x1ED70] =	vst v61;
	v61 =	vld [tilespmem:$0x6F50];
	_ =	sdelay $0x4  }
0xde: {  	[tilespmem:$0x1ED80] =	vst v61;
	v61 =	vld [tilespmem:$0x6F60];
	_ =	sdelay $0x4  }
0xdf: {  	[tilespmem:$0x1ED90] =	vst v61;
	v61 =	vld [tilespmem:$0x6F70];
	_ =	sdelay $0x4  }
0xe0: {  	[tilespmem:$0x1EDA0] =	vst v61;
	v61 =	vld [tilespmem:$0x6F80];
	_ =	sdelay $0x4  }
0xe1: {  	[tilespmem:$0x1EDB0] =	vst v61;
	v61 =	vld [tilespmem:$0x6F90];
	_ =	sdelay $0x4  }
0xe2: {  	[tilespmem:$0x1EDC0] =	vst v61;
	v61 =	vld [tilespmem:$0x6FA0];
	_ =	sdelay $0x4  }
0xe3: {  	[tilespmem:$0x1EDD0] =	vst v61;
	v61 =	vld [tilespmem:$0x6FB0];
	_ =	sdelay $0x4  }
0xe4: {  	[tilespmem:$0x1EDE0] =	vst v61;
	v61 =	vld [tilespmem:$0x6FC0];
	_ =	sdelay $0x4  }
0xe5: {  	[tilespmem:$0x1EDF0] =	vst v61;
	v61 =	vld [tilespmem:$0x6FD0];
	_ =	sdelay $0x4  }
0xe6: {  	[tilespmem:$0x1EE00] =	vst v61;
	v61 =	vld [tilespmem:$0x6FE0];
	_ =	sdelay $0x4  }
0xe7: {  	[tilespmem:$0x1EE10] =	vst v61;
	v61 =	vld [tilespmem:$0x6FF0];
	_ =	sdelay $0x4  }
0xe8: {  	[tilespmem:$0x1EE20] =	vst v61;
	v61 =	vld [tilespmem:$0x7000];
	_ =	sdelay $0x4  }
0xe9: {  	[tilespmem:$0x1EE30] =	vst v61;
	v61 =	vld [tilespmem:$0x7010];
	_ =	sdelay $0x4  }
0xea: {  	[tilespmem:$0x1EE40] =	vst v61;
	v61 =	vld [tilespmem:$0x7020];
	_ =	sdelay $0x4  }
0xeb: {  	[tilespmem:$0x1EE50] =	vst v61;
	v61 =	vld [tilespmem:$0x7030];
	_ =	sdelay $0x4  }
0xec: {  	[tilespmem:$0x1EE60] =	vst v61;
	v61 =	vld [tilespmem:$0x7040];
	_ =	sdelay $0x4  }
0xed: {  	[tilespmem:$0x1EE70] =	vst v61;
	v61 =	vld [tilespmem:$0x7050]  }
0xee: {  	v4 =	vadd.f32 $0.0e+00, v4  }
0xef: {  	v5 =	vadd.f32 $0.0e+00, v5;
	v6 =	vadd.f32 $0.0e+00, v6  }
0xf0: {  	v7 =	vadd.f32 $0.0e+00, v7;
	v16 =	vadd.f32 $0.0e+00, v16  }
0xf1: {  	v0 =	vadd.f32 v0, v4;
	v4 =	vadd.f32 $0.0e+00, v12;
	v12 =	vld [tilespmem:$0x7140]  }
0xf2: {  	v17 =	vadd.f32 $0.0e+00, v17;
	v1 =	vadd.f32 v1, v5;
	[tilespmem:$0x1EE80] =	vst v61;
	v61 =	vld [tilespmem:$0x7060]  }
0xf3: {  	v2 =	vadd.f32 v2, v6;
	v6 =	vadd.f32 v10, v16;
	v10 =	vld [tilespmem:$0x7170]  }
0xf4: {  	v3 =	vadd.f32 v3, v7;
	v7 =	vadd.f32 v11, v17;
	v11 =	vld [tilespmem:$0x7180]  }
0xf5: {  	v0 =	vadd.f32 v14, v0;
	v14 =	vld [tilespmem:$0x7190]  }
0xf6: {  	v1 =	vadd.f32 v15, v1;
	v15 =	vld [tilespmem:$0x71A0]  }
0xf7: {  	[tilespmem:$0x1EE90] =	vst v61;
	v61 =	vld [tilespmem:$0x7070]  }
0xf8: {  	v16 =	vld [tilespmem:$0x71B0]  }
0xf9: {  	v17 =	vld [tilespmem:$0x71C0]  }
0xfa: {  	v2 =	vadd.f32 v18, v2;
	v18 =	vld [tilespmem:$0x71D0]  }
0xfb: {  	v4 =	vadd.f32 v8, v4;
	v3 =	vadd.f32 v19, v3;
	v19 =	vld [tilespmem:$0x71E0]  }
0xfc: {  	[tilespmem:$0x1EEA0] =	vst v61;
	v61 =	vld [tilespmem:$0x7080]  }
0xfd: {  	v4 =	vadd.f32 v20, v4;
	v20 =	vld [tilespmem:$0x71F0]  }
0xfe: {  	v6 =	vadd.f32 v22, v6;
	v22 =	vld [tilespmem:$0x7210]  }
0xff: {  	v7 =	vadd.f32 v23, v7;
	v23 =	vld [tilespmem:$0x7220]  }
0x100: {  	v0 =	vadd.f32 v24, v0;
	v24 =	vld [tilespmem:$0x7230]  }
0x101: {  	[tilespmem:$0x1EEB0] =	vst v61;
	v61 =	vld [tilespmem:$0x7090]  }
0x102: {  	v1 =	vadd.f32 v25, v1;
	v25 =	vld [tilespmem:$0x7240]  }
0x103: {  	v2 =	vadd.f32 v26, v2;
	v26 =	vld [tilespmem:$0x7250]  }
0x104: {  	v3 =	vadd.f32 v27, v3;
	v27 =	vld [tilespmem:$0x7260]  }
0x105: {  	v4 =	vadd.f32 v28, v4;
	v28 =	vld [tilespmem:$0x7270]  }
0x106: {  	[tilespmem:$0x1EEC0] =	vst v61;
	v61 =	vld [tilespmem:$0x70A0]  }
0x107: {  	v6 =	vadd.f32 v30, v6;
	v30 =	vld [tilespmem:$0x7290]  }
0x108: {  	v7 =	vadd.f32 v31, v7;
	v3 =	vadd.f32 v35, v3;
	v31 =	vld [tilespmem:$0x72A0]  }
0x109: {  	v0 =	vadd.f32 v32, v0;
	v32 =	vld [tilespmem:$0x72B0]  }
0x10a: {  	v1 =	vadd.f32 v33, v1;
	v3 =	vadd.f32 v43, v3;
	v33 =	vld [tilespmem:$0x72C0]  }
0x10b: {  	v2 =	vadd.f32 v34, v2;
	[tilespmem:$0x1EED0] =	vst v61;
	v61 =	vld [tilespmem:$0x70B0]  }
0x10c: {  	v4 =	vadd.f32 v36, v4;
	v3 =	vadd.f32 v51, v3;
	v34 =	vld [tilespmem:$0x72D0]  }
0x10d: {  	v7 =	vadd.f32 v39, v7;
	v2 =	vadd.f32 v42, v2;
	v35 =	vld [tilespmem:$0x72E0]  }
0x10e: {  	v4 =	vadd.f32 v44, v4;
	v3 =	vadd.f32 v57, v3;
	v57 =	vld [tilespmem:$0x1E620]  }
0x10f: {  	v0 =	vadd.f32 v40, v0;
	v2 =	vadd.f32 v50, v2;
	v36 =	vld [tilespmem:$0x72F0]  }
0x110: {  	v7 =	vadd.f32 v47, v7;
	v4 =	vadd.f32 v52, v4;
	[tilespmem:$0x1EEE0] =	vst v61;
	v61 =	vld [tilespmem:$0x70C0]  }
0x111: {  	v0 =	vadd.f32 v48, v0;
	v2 =	vadd.f32 v58, v2;
	v58 =	vld [tilespmem:$0x1E630]  }
0x112: {  	v7 =	vadd.f32 v55, v7;
	v4 =	vadd.f32 v60, v4;
	v60 =	vld [tilespmem:$0x7300]  }
0x113: {  	v0 =	vadd.f32 v62, v0;
	v62 =	vld [tilespmem:$0x1E660]  }
0x114: {  	v7 =	vadd.f32 v63, v7;
	v63 =	vld [tilespmem:$0x7310]  }
0x115: {  	[tilespmem:$0x1EEF0] =	vst v61;
	v61 =	vld [tilespmem:$0x70D0]  }
0x116: {  	v6 =	vadd.f32 v38, v6;
	v38 =	vld [tilespmem:$0x1E680]  }
0x117: {  	v39 =	vld [tilespmem:$0x7320]  }
0x118: {  	v40 =	vld [tilespmem:$0x1E690]  }
0x119: {  	v1 =	vadd.f32 v41, v1;
	v41 =	vld [tilespmem:$0x1E6A0]  }
0x11a: {  	[tilespmem:$0x1EF00] =	vst v61;
	v61 =	vld [tilespmem:$0x70E0]  }
0x11b: {  	v42 =	vld [tilespmem:$0x7330]  }
0x11c: {  	v43 =	vld [tilespmem:$0x1E6B0]  }
0x11d: {  	v44 =	vld [tilespmem:$0x1E6C0]  }
0x11e: {  	v6 =	vadd.f32 v46, v6;
	v46 =	vld [tilespmem:$0x1E6D0]  }
0x11f: {  	[tilespmem:$0x1EF10] =	vst v61;
	v61 =	vld [tilespmem:$0x70F0]  }
0x120: {  	v47 =	vld [tilespmem:$0x1E6E0]  }
0x121: {  	v48 =	vld [tilespmem:$0x7350]  }
0x122: {  	v1 =	vadd.f32 v49, v1;
	v49 =	vld [tilespmem:$0x1E6F0]  }
0x123: {  	v50 =	vld [tilespmem:$0x1E700]  }
0x124: {  	[tilespmem:$0x1EF20] =	vst v61;
	v61 =	vld [tilespmem:$0x7100]  }
0x125: {  	v51 =	vld [tilespmem:$0x7360]  }
0x126: {  	v52 =	vld [tilespmem:$0x1E710]  }
0x127: {  	v6 =	vadd.f32 v54, v6;
	v54 =	vld [tilespmem:$0x7370]  }
0x128: {  	v55 =	vld [tilespmem:$0x1E730]  }
0x129: {  	[tilespmem:$0x1EF30] =	vst v61;
	v61 =	vld [tilespmem:$0x7110]  }
0x12a: {  	v1 =	vadd.f32 v56, v1;
	v56 =	vld [tilespmem:$0x1E740]  }
0x12b: {  	v6 =	vadd.f32 v57, v6;
	v57 =	vld [tilespmem:$0x7380]  }
0x12c: {  	v0 =	vadd.f32 v58, v0;
	v58 =	vld [tilespmem:$0x1E750]  }
0x12d: {  	[tilespmem:$0x1EF70] =	vst v60;
	v60 =	vld [tilespmem:$0x7390]  }
0x12e: {  	[tilespmem:$0x1EF40] =	vst v61;
	v61 =	vld [tilespmem:$0x7120]  }
0x12f: {  	v3 =	vadd.f32 v62, v3;
	v62 =	vld [tilespmem:$0x1E780]  }
0x130: {  	[tilespmem:$0x1EF80] =	vst v63;
	v63 =	vld [tilespmem:$0x73A0]  }
0x131: {  	[tilespmem:$0x1EF90] =	vst v39;
	v39 =	vld [tilespmem:$0x73B0]  }
0x132: {  	v7 =	vadd.f32 v41, v7;
	v41 =	vld [tilespmem:$0x1E7C0]  }
0x133: {  	[tilespmem:$0x1EF50] =	vst v61;
	v61 =	vld [tilespmem:$0x7130]  }
0x134: {  	[tilespmem:$0x1EFA0] =	vst v42;
	v42 =	vld [tilespmem:$0x73C0]  }
0x135: {  	[tilespmem:$0x1EFC0] =	vst v48;
	v48 =	vld [tilespmem:$0x73E0]  }
0x136: {  	[tilespmem:$0x1EFD0] =	vst v51;
	v51 =	vld [tilespmem:$0x73F0]  }
0x137: {  	v6 =	vadd.f32 v40, v6;
	v40 =	vld [tilespmem:$0x1E7B0]  }
0x138: {  	v0 =	vadd.f32 v43, v0;
	v43 =	vld [tilespmem:$0x1E7D0];
	[tilespmem:$0x1EF60] =	vst v61;
	v61 =	vadd.f32 $0.0e+00, v13  }
0x139: {  	v3 =	vadd.f32 v47, v3;
	v47 =	vld [tilespmem:$0x1E800]  }
0x13a: {  	v6 =	vadd.f32 v52, v6;
	v52 =	vld [tilespmem:$0x1E830];
	v5 =	vadd.f32 v9, v61  }
0x13b: {  	v13 =	vld [tilespmem:$0x7150]  }
0x13c: {  	v61 =	vld [tilespmem:$0x1E650];
	v5 =	vadd.f32 v21, v5  }
0x13d: {  	v9 =	vld [tilespmem:$0x7160]  }
0x13e: {  	v21 =	vld [tilespmem:$0x7200];
	v5 =	vadd.f32 v29, v5  }
0x13f: {  	v29 =	vld [tilespmem:$0x7280]  }
0x140: {  	v5 =	vadd.f32 v37, v5;
	v37 =	vld [tilespmem:$0x1E670]  }
0x141: {  	v2 =	vadd.f32 v61, v2;
	v61 =	vld [tilespmem:$0x1E770]  }
0x142: {  	v5 =	vadd.f32 v45, v5;
	v45 =	vld [tilespmem:$0x7340]  }
0x143: {  	[tilespmem:$0x1EFE0] =	vst v54;
	v2 =	vadd.f32 v46, v2;
	v46 =	vld [tilespmem:$0x1E7F0]  }
0x144: {  	[tilespmem:$0x1EFF0] =	vst v57;
	v5 =	vadd.f32 v53, v5;
	v53 =	vld [tilespmem:$0x1E720]  }
0x145: {  	[tilespmem:$0x1F000] =	vst v60;
	v4 =	vadd.f32 v37, v4;
	v37 =	vld [tilespmem:$0x1E790]  }
0x146: {  	[tilespmem:$0x1F010] =	vst v63;
	v5 =	vadd.f32 v59, v5;
	v59 =	vld [tilespmem:$0x1E640]  }
0x147: {  	[tilespmem:$0x1EFB0] =	vst v45;
	v45 =	vld [tilespmem:$0x73D0]  }
0x148: {  	[tilespmem:$0x1F020] =	vst v39;
	v4 =	vadd.f32 v49, v4;
	v49 =	vld [tilespmem:$0x1E810]  }
0x149: {  	[tilespmem:$0x1F030] =	vst v42;
	v5 =	vadd.f32 v38, v5;
	v38 =	vld [tilespmem:$0x1E7A0]  }
0x14a: {  	[tilespmem:$0x1F050] =	vst v48;
	v7 =	vadd.f32 v53, v7;
	v53 =	vld [tilespmem:$0x1E840]  }
0x14b: {  	[tilespmem:$0x1F060] =	vst v51;
	v5 =	vadd.f32 v50, v5;
	v50 =	vld [tilespmem:$0x1E820];
	v1 =	vadd.f32 v59, v1  }
0x14c: {  	v59 =	vld [tilespmem:$0x1E760];
	[tilespmem:$0x1F040] =	vst v45  }
0x14d: {  	v1 =	vadd.f32 v44, v1;
	v44 =	vld [tilespmem:$0x1E7E0];
	_ =	swait.ge [sflag:s19], $0x900  }
0x14e: {  	v54 =	vld [tilespmem:$0x1E850]  }
0x14f: {  	v0 =	vadd.f32 v55, v0;
	v55 =	vld [tilespmem:$0x1E860]  }
0x150: {  	v57 =	vld [tilespmem:$0x1E880]  }
0x151: {  	v2 =	vadd.f32 v58, v2;
	v58 =	vld [tilespmem:$0x1E890]  }
0x152: {  	v4 =	vadd.f32 v61, v4;
	v61 =	vld [tilespmem:$0x1E8B0]  }
0x153: {  	v5 =	vadd.f32 v62, v5;
	v62 =	vld [tilespmem:$0x1E8C0]  }
0x154: {  	v6 =	vadd.f32 v37, v6;
	v37 =	vld [tilespmem:$0x1E8D0]  }
0x155: {  	v7 =	vadd.f32 v38, v7;
	v38 =	vld [tilespmem:$0x1E8E0]  }
0x156: {  	v0 =	vadd.f32 v40, v0;
	v40 =	vld [tilespmem:$0x1E8F0]  }
0x157: {  	v2 =	vadd.f32 v43, v2;
	v43 =	vld [tilespmem:$0x1E910]  }
0x158: {  	v4 =	vadd.f32 v46, v4;
	v46 =	vld [tilespmem:$0x1E930]  }
0x159: {  	v5 =	vadd.f32 v47, v5;
	v47 =	vld [tilespmem:$0x1E940]  }
0x15a: {  	v6 =	vadd.f32 v49, v6;
	v49 =	vld [tilespmem:$0x1E950]  }
0x15b: {  	v0 =	vadd.f32 v52, v0;
	v52 =	vld [tilespmem:$0x1E970]  }
0x15c: {  	v1 =	vadd.f32 v56, v1;
	v56 =	vld [tilespmem:$0x1E870]  }
0x15d: {  	[sflag:s19] =	ssyncset.done $0x0;
	v7 =	vadd.f32 v50, v7;
	v50 =	vld [tilespmem:$0x1E960]  }
0x15e: {  	[sflag:s19] =	ssyncadd.s32 $0xFFFFF700;
	v3 =	vadd.f32 v59, v3;
	v59 =	vld [tilespmem:$0x1E8A0]  }
0x15f: {  	v60 =	vld [tilespmem:$0x7400]  }
0x160: {  	v63 =	vld [tilespmem:$0x7410]  }
0x161: {  	v39 =	vld [tilespmem:$0x7420]  }
0x162: {  	v42 =	vld [tilespmem:$0x7430]  }
0x163: {  	v45 =	vld [tilespmem:$0x7440]  }
0x164: {  	v48 =	vld [tilespmem:$0x7450]  }
0x165: {  	v51 =	vld [tilespmem:$0x7460]  }
0x166: {  	v1 =	vadd.f32 v41, v1;
	v41 =	vld [tilespmem:$0x1E900]  }
0x167: {  	v3 =	vadd.f32 v44, v3;
	v44 =	vld [tilespmem:$0x1E920]  }
0x168: {  	v1 =	vadd.f32 v53, v1;
	v53 =	vld [tilespmem:$0x1E980]  }
0x169: {  	v2 =	vadd.f32 v54, v2;
	v54 =	vld [tilespmem:$0x7470]  }
0x16a: {  	v5 =	vadd.f32 v57, v5;
	v57 =	vld [tilespmem:$0x7480]  }
0x16b: {  	v6 =	vadd.f32 v58, v6;
	v58 =	vld [tilespmem:$0x1E9B0]  }
0x16c: {  	v0 =	vadd.f32 v61, v0;
	v61 =	vld [tilespmem:$0x1E9D0]  }
0x16d: {  	v3 =	vadd.f32 v55, v3;
	v55 =	vld [tilespmem:$0x1E990]  }
0x16e: {  	v4 =	vadd.f32 v56, v4;
	v56 =	vld [tilespmem:$0x1E9A0]  }
0x16f: {  	v7 =	vadd.f32 v59, v7;
	v59 =	vld [tilespmem:$0x1E9C0]  }
0x170: {  	[tilespmem:$0x1F070] =	vst v60;
	v60 =	vld [tilespmem:$0x7490]  }
0x171: {  	v1 =	vadd.f32 v62, v1;
	v62 =	vld [tilespmem:$0x1E9E0]  }
0x172: {  	[tilespmem:$0x1F080] =	vst v63;
	v63 =	vld [tilespmem:$0x74A0]  }
0x173: {  	v2 =	vadd.f32 v37, v2;
	v37 =	vld [tilespmem:$0x1E9F0]  }
0x174: {  	[tilespmem:$0x1F090] =	vst v39;
	v39 =	vld [tilespmem:$0x74B0]  }
0x175: {  	[tilespmem:$0x1F0A0] =	vst v42;
	v42 =	vld [tilespmem:$0x74C0]  }
0x176: {  	v6 =	vadd.f32 v43, v6;
	v43 =	vld [tilespmem:$0x1EA30]  }
0x177: {  	[tilespmem:$0x1F0B0] =	vst v45;
	v45 =	vld [tilespmem:$0x74D0]  }
0x178: {  	v0 =	vadd.f32 v46, v0;
	v46 =	vld [tilespmem:$0x1EA50]  }
0x179: {  	[tilespmem:$0x1F0C0] =	vst v48;
	v48 =	vld [tilespmem:$0x74E0]  }
0x17a: {  	[tilespmem:$0x1F0D0] =	vst v51;
	v51 =	vld [tilespmem:$0x74F0]  }
0x17b: {  	v3 =	vadd.f32 v38, v3;
	v38 =	vld [tilespmem:$0x1EA00]  }
0x17c: {  	v4 =	vadd.f32 v40, v4;
	v40 =	vld [tilespmem:$0x1EA10]  }
0x17d: {  	v5 =	vadd.f32 v41, v5;
	v41 =	vld [tilespmem:$0x1EA20]  }
0x17e: {  	v7 =	vadd.f32 v44, v7;
	v44 =	vld [tilespmem:$0x1EA40]  }
0x17f: {  	v1 =	vadd.f32 v47, v1;
	v47 =	vld [tilespmem:$0x1EA60]  }
0x180: {  	v2 =	vadd.f32 v49, v2;
	v49 =	vld [tilespmem:$0x1EA70]  }
0x181: {  	v3 =	vadd.f32 v50, v3;
	v50 =	vld [tilespmem:$0x1EA80]  }
0x182: {  	v4 =	vadd.f32 v52, v4;
	v52 =	vld [tilespmem:$0x1EA90]  }
0x183: {  	v5 =	vadd.f32 v53, v5;
	v53 =	vld [tilespmem:$0x1EAA0]  }
0x184: {  	[tilespmem:$0x1F0E0] =	vst v54;
	v54 =	vld [tilespmem:$0x7500]  }
0x185: {  	[tilespmem:$0x1F0F0] =	vst v57;
	v57 =	vld [tilespmem:$0x7510]  }
0x186: {  	v0 =	vadd.f32 v58, v0;
	v58 =	vld [tilespmem:$0x1EAD0]  }
0x187: {  	v6 =	vadd.f32 v55, v6;
	v55 =	vld [tilespmem:$0x1EAB0]  }
0x188: {  	v7 =	vadd.f32 v56, v7;
	v56 =	vld [tilespmem:$0x1EAC0]  }
0x189: {  	v2 =	vadd.f32 v61, v2;
	v61 =	vld [tilespmem:$0x1EAF0]  }
0x18a: {  	v1 =	vadd.f32 v59, v1;
	v59 =	vld [tilespmem:$0x1EAE0]  }
0x18b: {  	[tilespmem:$0x1F100] =	vst v60;
	v60 =	vld [tilespmem:$0x7520]  }
0x18c: {  	v3 =	vadd.f32 v62, v3;
	v62 =	vld [tilespmem:$0x1EB00]  }
0x18d: {  	[tilespmem:$0x1F110] =	vst v63;
	v63 =	vld [tilespmem:$0x7530]  }
0x18e: {  	v4 =	vadd.f32 v37, v4;
	v37 =	vld [tilespmem:$0x1EB10]  }
0x18f: {  	[tilespmem:$0x1F120] =	vst v39;
	v39 =	vld [tilespmem:$0x7540]  }
0x190: {  	[tilespmem:$0x1F130] =	vst v42;
	v42 =	vld [tilespmem:$0x7550]  }
0x191: {  	v0 =	vadd.f32 v43, v0;
	v43 =	vld [tilespmem:$0x1EB50]  }
0x192: {  	[tilespmem:$0x1F140] =	vst v45;
	v45 =	vld [tilespmem:$0x7560]  }
0x193: {  	[tilespmem:$0x1F150] =	vst v48;
	v48 =	vld [tilespmem:$0x7570]  }
0x194: {  	[tilespmem:$0x1F160] =	vst v51;
	v51 =	vld [tilespmem:$0x7580]  }
0x195: {  	v5 =	vadd.f32 v38, v5;
	v38 =	vld [tilespmem:$0x1EB20]  }
0x196: {  	v6 =	vadd.f32 v40, v6;
	v40 =	vld [tilespmem:$0x1EB30]  }
0x197: {  	v7 =	vadd.f32 v41, v7;
	v41 =	vld [tilespmem:$0x1EB40]  }
0x198: {  	v2 =	vadd.f32 v46, v2;
	v46 =	vld [tilespmem:$0x1EB70]  }
0x199: {  	v1 =	vadd.f32 v44, v1;
	v44 =	vld [tilespmem:$0x1EB60]  }
0x19a: {  	v3 =	vadd.f32 v47, v3;
	v47 =	vld [tilespmem:$0x1EB80]  }
0x19b: {  	v4 =	vadd.f32 v49, v4;
	v49 =	vld [tilespmem:$0x1EB90]  }
0x19c: {  	v5 =	vadd.f32 v50, v5;
	v50 =	vld [tilespmem:$0x1EBA0]  }
0x19d: {  	v6 =	vadd.f32 v52, v6;
	v52 =	vld [tilespmem:$0x1EBB0]  }
0x19e: {  	v7 =	vadd.f32 v53, v7;
	v53 =	vld [tilespmem:$0x1EBC0]  }
0x19f: {  	[tilespmem:$0x1F170] =	vst v54;
	v54 =	vld [tilespmem:$0x7590]  }
0x1a0: {  	[tilespmem:$0x1F180] =	vst v57;
	v57 =	vld [tilespmem:$0x75A0]  }
0x1a1: {  	v2 =	vadd.f32 v58, v2;
	v58 =	vld [tilespmem:$0x1EBF0]  }
0x1a2: {  	v0 =	vadd.f32 v55, v0;
	v55 =	vld [tilespmem:$0x1EBD0]  }
0x1a3: {  	v1 =	vadd.f32 v56, v1;
	v56 =	vld [tilespmem:$0x1EBE0]  }
0x1a4: {  	v4 =	vadd.f32 v61, v4;
	v61 =	vld [tilespmem:$0x1EC10]  }
0x1a5: {  	v3 =	vadd.f32 v59, v3;
	v59 =	vld [tilespmem:$0x1EC00]  }
0x1a6: {  	[tilespmem:$0x1F190] =	vst v60;
	v60 =	vld [tilespmem:$0x75B0]  }
0x1a7: {  	v5 =	vadd.f32 v62, v5;
	v62 =	vld [tilespmem:$0x1EC20]  }
0x1a8: {  	[tilespmem:$0x1F1A0] =	vst v63;
	v63 =	vld [tilespmem:$0x75C0]  }
0x1a9: {  	v6 =	vadd.f32 v37, v6;
	v37 =	vld [tilespmem:$0x1EC30]  }
0x1aa: {  	[tilespmem:$0x1F1B0] =	vst v39;
	v39 =	vld [tilespmem:$0x75D0]  }
0x1ab: {  	[tilespmem:$0x1F1C0] =	vst v42;
	v42 =	vld [tilespmem:$0x75E0]  }
0x1ac: {  	v2 =	vadd.f32 v43, v2;
	v43 =	vld [tilespmem:$0x1EC70]  }
0x1ad: {  	[tilespmem:$0x1F1D0] =	vst v45;
	v45 =	vld [tilespmem:$0x75F0]  }
0x1ae: {  	[tilespmem:$0x1F1E0] =	vst v48;
	v48 =	vld [tilespmem:$0x7600]  }
0x1af: {  	[tilespmem:$0x1F1F0] =	vst v51;
	v51 =	vld [tilespmem:$0x7610]  }
0x1b0: {  	v7 =	vadd.f32 v38, v7;
	v38 =	vld [tilespmem:$0x1EC40]  }
0x1b1: {  	v0 =	vadd.f32 v40, v0;
	v40 =	vld [tilespmem:$0x1EC50]  }
0x1b2: {  	v1 =	vadd.f32 v41, v1;
	v41 =	vld [tilespmem:$0x1EC60]  }
0x1b3: {  	v4 =	vadd.f32 v46, v4;
	v46 =	vld [tilespmem:$0x1EC90]  }
0x1b4: {  	v3 =	vadd.f32 v44, v3;
	v44 =	vld [tilespmem:$0x1EC80]  }
0x1b5: {  	v5 =	vadd.f32 v47, v5;
	v47 =	vld [tilespmem:$0x1ECA0]  }
0x1b6: {  	v6 =	vadd.f32 v49, v6;
	v49 =	vld [tilespmem:$0x1ECB0]  }
0x1b7: {  	v7 =	vadd.f32 v50, v7;
	v50 =	vld [tilespmem:$0x1ECC0]  }
0x1b8: {  	v0 =	vadd.f32 v52, v0;
	v52 =	vld [tilespmem:$0x1ECD0]  }
0x1b9: {  	v1 =	vadd.f32 v53, v1;
	v53 =	vld [tilespmem:$0x1ECE0]  }
0x1ba: {  	[tilespmem:$0x1F200] =	vst v54;
	v54 =	vld [tilespmem:$0x7620]  }
0x1bb: {  	[tilespmem:$0x1F210] =	vst v57;
	v57 =	vld [tilespmem:$0x7630]  }
0x1bc: {  	v4 =	vadd.f32 v58, v4;
	v58 =	vld [tilespmem:$0x1ED10]  }
0x1bd: {  	v2 =	vadd.f32 v55, v2;
	v55 =	vld [tilespmem:$0x1ECF0]  }
0x1be: {  	v3 =	vadd.f32 v56, v3;
	v56 =	vld [tilespmem:$0x1ED00]  }
0x1bf: {  	v6 =	vadd.f32 v61, v6;
	v61 =	vld [tilespmem:$0x1ED30]  }
0x1c0: {  	v5 =	vadd.f32 v59, v5;
	v59 =	vld [tilespmem:$0x1ED20]  }
0x1c1: {  	[tilespmem:$0x1F220] =	vst v60;
	v60 =	vld [tilespmem:$0x7640]  }
0x1c2: {  	v7 =	vadd.f32 v62, v7;
	v62 =	vld [tilespmem:$0x1ED40]  }
0x1c3: {  	[tilespmem:$0x1F230] =	vst v63;
	v63 =	vld [tilespmem:$0x7650]  }
0x1c4: {  	v0 =	vadd.f32 v37, v0;
	v37 =	vld [tilespmem:$0x1ED50]  }
0x1c5: {  	[tilespmem:$0x1F240] =	vst v39;
	v39 =	vld [tilespmem:$0x7660]  }
0x1c6: {  	[tilespmem:$0x1F250] =	vst v42;
	v42 =	vld [tilespmem:$0x7670]  }
0x1c7: {  	v4 =	vadd.f32 v43, v4;
	v43 =	vld [tilespmem:$0x1ED90]  }
0x1c8: {  	[tilespmem:$0x1F260] =	vst v45;
	v45 =	vld [tilespmem:$0x7680]  }
0x1c9: {  	[tilespmem:$0x1F270] =	vst v48;
	v48 =	vld [tilespmem:$0x7690]  }
0x1ca: {  	[tilespmem:$0x1F280] =	vst v51;
	v51 =	vld [tilespmem:$0x1EDF0]  }
0x1cb: {  	v1 =	vadd.f32 v38, v1;
	v38 =	vld [tilespmem:$0x1ED60]  }
0x1cc: {  	v2 =	vadd.f32 v40, v2;
	v40 =	vld [tilespmem:$0x1ED70]  }
0x1cd: {  	v3 =	vadd.f32 v41, v3;
	v41 =	vld [tilespmem:$0x1ED80]  }
0x1ce: {  	v6 =	vadd.f32 v46, v6;
	v46 =	vld [tilespmem:$0x1EDB0]  }
0x1cf: {  	v5 =	vadd.f32 v44, v5;
	v44 =	vld [tilespmem:$0x1EDA0]  }
0x1d0: {  	v7 =	vadd.f32 v47, v7;
	v47 =	vld [tilespmem:$0x1EDC0]  }
0x1d1: {  	v0 =	vadd.f32 v49, v0;
	v49 =	vld [tilespmem:$0x1EDD0]  }
0x1d2: {  	v1 =	vadd.f32 v50, v1;
	[tilespmem:$0x1F290] =	vst v54;
	v50 =	vld [tilespmem:$0x1EDE0]  }
0x1d3: {  	v2 =	vadd.f32 v52, v2;
	[tilespmem:$0x1F2A0] =	vst v57;
	v52 =	vld [tilespmem:$0x1EE00]  }
0x1d4: {  	v3 =	vadd.f32 v53, v3;
	v53 =	vld [tilespmem:$0x1EE10];
	[tilespmem:$0x1F2B0] =	vst v60  }
0x1d5: {  	v54 =	vld [tilespmem:$0x1EE20];
	[tilespmem:$0x1F2C0] =	vst v63  }
0x1d6: {  	v0 =	vadd.f32 v61, v0;
	v61 =	vld [tilespmem:$0x76A0];
	[tilespmem:$0x1F2D0] =	vst v39  }
0x1d7: {  	v4 =	vadd.f32 v55, v4;
	v55 =	vld [tilespmem:$0x1EE30];
	[tilespmem:$0x1F2E0] =	vst v42  }
0x1d8: {  	[tilespmem:$0x1F2F0] =	vst v45;
	v63 =	vld [tilespmem:$0x76B0]  }
0x1d9: {  	[tilespmem:$0x1F300] =	vst v48;
	v60 =	vld [tilespmem:$0x76C0]  }
0x1da: {  	v5 =	vadd.f32 v56, v5;
	v56 =	vld [tilespmem:$0x1EE40]  }
0x1db: {  	v7 =	vadd.f32 v59, v7;
	v59 =	vld [tilespmem:$0x76D0]  }
0x1dc: {  	v57 =	vld [tilespmem:$0x1EE50]  }
0x1dd: {  	v6 =	vadd.f32 v58, v6;
	v58 =	vld [tilespmem:$0x1EE60]  }
0x1de: {  	v1 =	vadd.f32 v62, v1;
	v62 =	vld [tilespmem:$0x1EE70]  }
0x1df: {  	v2 =	vadd.f32 v37, v2;
	v37 =	vld [tilespmem:$0x1EE80]  }
0x1e0: {  	v3 =	vadd.f32 v38, v3;
	v38 =	vld [tilespmem:$0x1EE90]  }
0x1e1: {  	v39 =	vld [tilespmem:$0x1EEA0]  }
0x1e2: {  	v4 =	vadd.f32 v40, v4;
	v40 =	vld [tilespmem:$0x1EEB0]  }
0x1e3: {  	v5 =	vadd.f32 v41, v5;
	v41 =	vld [tilespmem:$0x1EEC0]  }
0x1e4: {  	v42 =	vld [tilespmem:$0x1EED0]  }
0x1e5: {  	v6 =	vadd.f32 v43, v6;
	v43 =	vld [tilespmem:$0x1EEE0]  }
0x1e6: {  	v45 =	vld [tilespmem:$0x1EF00]  }
0x1e7: {  	v0 =	vadd.f32 v46, v0;
	v46 =	vld [tilespmem:$0x1EF10]  }
0x1e8: {  	v48 =	vld [tilespmem:$0x1EF30]  }
0x1e9: {  	v8 =	vld [tilespmem:$0x7A00]  }
0x1ea: {  	v7 =	vadd.f32 v44, v7;
	v44 =	vld [tilespmem:$0x1EEF0]  }
0x1eb: {  	v1 =	vadd.f32 v47, v1;
	v47 =	vld [tilespmem:$0x1EF20]  }
0x1ec: {  	v2 =	vadd.f32 v49, v2;
	v49 =	vld [tilespmem:$0x1EF40]  }
0x1ed: {  	v6 =	vadd.f32 v53, v6;
	v53 =	vld [tilespmem:$0x7730]  }
0x1ee: {  	v5 =	vadd.f32 v52, v5;
	v52 =	vld [tilespmem:$0x7740]  }
0x1ef: {  	v4 =	vadd.f32 v51, v4;
	v51 =	vld [tilespmem:$0x7750]  }
0x1f0: {  	v3 =	vadd.f32 v50, v3;
	v50 =	vld [tilespmem:$0x1EF50]  }
0x1f1: {  	v0 =	vadd.f32 v55, v0;
	v55 =	vld [tilespmem:$0x7710]  }
0x1f2: {  	v7 =	vadd.f32 v54, v7;
	v54 =	vld [tilespmem:$0x7720]  }
0x1f3: {  	v3 =	vadd.f32 v58, v3;
	v58 =	vld [tilespmem:$0x76E0]  }
0x1f4: {  	v2 =	vadd.f32 v57, v2;
	v57 =	vld [tilespmem:$0x76F0]  }
0x1f5: {  	v1 =	vadd.f32 v56, v1;
	v56 =	vld [tilespmem:$0x7700]  }
0x1f6: {  	v4 =	vadd.f32 v62, v4;
	v62 =	vld [tilespmem:$0x1EF60]  }
0x1f7: {  	v0 =	vadd.f32 v40, v0;
	v40 =	vld [tilespmem:$0x7800]  }
0x1f8: {  	v7 =	vadd.f32 v39, v7;
	v39 =	vld [tilespmem:$0x7810]  }
0x1f9: {  	v6 =	vadd.f32 v38, v6;
	v38 =	vld [tilespmem:$0x7820]  }
0x1fa: {  	v5 =	vadd.f32 v37, v5;
	v37 =	vld [tilespmem:$0x7830]  }
0x1fb: {  	v0 =	vadd.f32 v48, v0;
	v48 =	vld [tilespmem:$0x7780]  }
0x1fc: {  	v7 =	vadd.f32 v47, v7;
	v47 =	vld [tilespmem:$0x7790]  }
0x1fd: {  	v6 =	vadd.f32 v46, v6;
	v46 =	vld [tilespmem:$0x77A0]  }
0x1fe: {  	v5 =	vadd.f32 v45, v5;
	v45 =	vld [tilespmem:$0x77B0]  }
0x1ff: {  	v4 =	vadd.f32 v44, v4;
	v44 =	vld [tilespmem:$0x77C0]  }
0x200: {  	v3 =	vadd.f32 v43, v3;
	v43 =	vld [tilespmem:$0x77D0]  }
0x201: {  	v2 =	vadd.f32 v42, v2;
	v42 =	vld [tilespmem:$0x77E0]  }
0x202: {  	v1 =	vadd.f32 v41, v1;
	v41 =	vld [tilespmem:$0x77F0]  }
0x203: {  	v2 =	vadd.f32 v50, v2;
	v50 =	vld [tilespmem:$0x7760]  }
0x204: {  	v1 =	vadd.f32 v49, v1;
	v49 =	vld [tilespmem:$0x7770]  }
0x205: {  	v4 =	vadd.f32 v12, v4;
	v12 =	vld [tilespmem:$0x1F020]  }
0x206: {  	v5 =	vadd.f32 v13, v5;
	v13 =	vld [tilespmem:$0x1F030]  }
0x207: {  	v0 =	vadd.f32 v11, v0;
	v11 =	vld [tilespmem:$0x79D0]  }
0x208: {  	v7 =	vadd.f32 v10, v7;
	v10 =	vld [tilespmem:$0x79E0]  }
0x209: {  	v6 =	vadd.f32 v9, v6;
	v9 =	vld [tilespmem:$0x79F0]  }
0x20a: {  	v3 =	vadd.f32 v62, v3;
	v62 =	vld [tilespmem:$0x1F010]  }
0x20b: {  	v1 =	vadd.f32 v14, v1;
	v14 =	vld [tilespmem:$0x1F040]  }
0x20c: {  	v2 =	vadd.f32 v15, v2;
	v15 =	vld [tilespmem:$0x1F050]  }
0x20d: {  	v4 =	vadd.f32 v17, v4;
	v17 =	vld [tilespmem:$0x1F070]  }
0x20e: {  	v5 =	vadd.f32 v18, v5;
	v18 =	vld [tilespmem:$0x1F080]  }
0x20f: {  	v6 =	vadd.f32 v19, v6;
	v19 =	vld [tilespmem:$0x1F090]  }
0x210: {  	v7 =	vadd.f32 v20, v7;
	v20 =	vld [tilespmem:$0x1F0A0]  }
0x211: {  	v0 =	vadd.f32 v21, v0;
	v21 =	vld [tilespmem:$0x1F0B0]  }
0x212: {  	v3 =	vadd.f32 v16, v3;
	v16 =	vld [tilespmem:$0x1F060]  }
0x213: {  	v1 =	vadd.f32 v22, v1;
	v22 =	vld [tilespmem:$0x1EF70]  }
0x214: {  	v2 =	vadd.f32 v23, v2;
	v23 =	vld [tilespmem:$0x1EF80]  }
0x215: {  	v4 =	vadd.f32 v25, v4;
	v25 =	vld [tilespmem:$0x1EFA0]  }
0x216: {  	v5 =	vadd.f32 v26, v5;
	v26 =	vld [tilespmem:$0x1EFB0]  }
0x217: {  	v6 =	vadd.f32 v27, v6;
	v27 =	vld [tilespmem:$0x1EFC0]  }
0x218: {  	v7 =	vadd.f32 v28, v7;
	v28 =	vld [tilespmem:$0x1EFD0]  }
0x219: {  	v0 =	vadd.f32 v29, v0;
	v29 =	vld [tilespmem:$0x1EFE0]  }
0x21a: {  	v3 =	vadd.f32 v24, v3;
	v24 =	vld [tilespmem:$0x1EF90]  }
0x21b: {  	v7 =	vadd.f32 v36, v7;
	v36 =	vld [tilespmem:$0x7840]  }
0x21c: {  	v6 =	vadd.f32 v35, v6;
	v35 =	vld [tilespmem:$0x7850]  }
0x21d: {  	v5 =	vadd.f32 v34, v5;
	v34 =	vld [tilespmem:$0x7860]  }
0x21e: {  	v4 =	vadd.f32 v33, v4;
	v33 =	vld [tilespmem:$0x7870]  }
0x21f: {  	v1 =	vadd.f32 v30, v1;
	v30 =	vld [tilespmem:$0x1EFF0]  }
0x220: {  	v2 =	vadd.f32 v31, v2;
	v31 =	vld [tilespmem:$0x1F000]  }
0x221: {  	v3 =	vadd.f32 v32, v3;
	v32 =	vld [tilespmem:$0x7880]  }
0x222: {  	v7 =	vadd.f32 v29, v7;
	v29 =	vld [tilespmem:$0x78B0]  }
0x223: {  	v6 =	vadd.f32 v28, v6;
	v28 =	vld [tilespmem:$0x78C0]  }
0x224: {  	v5 =	vadd.f32 v27, v5;
	v27 =	vld [tilespmem:$0x78D0]  }
0x225: {  	v4 =	vadd.f32 v26, v4;
	v26 =	vld [tilespmem:$0x78E0]  }
0x226: {  	v0 =	vadd.f32 v22, v0;
	v22 =	vld [tilespmem:$0x1F0C0];
	v2 =	vadd.f32 v24, v2  }
0x227: {  	v3 =	vadd.f32 v25, v3;
	v25 =	vld [tilespmem:$0x78F0]  }
0x228: {  	v2 =	vadd.f32 v62, v2;
	v62 =	vld [tilespmem:$0x1F0F0]  }
0x229: {  	v1 =	vadd.f32 v23, v1;
	v23 =	vld [tilespmem:$0x1F0D0];
	v0 =	vadd.f32 v30, v0  }
0x22a: {  	v24 =	vld [tilespmem:$0x1F0E0]  }
0x22b: {  	v3 =	vadd.f32 v12, v3;
	v12 =	vld [tilespmem:$0x1F100];
	v0 =	vadd.f32 v17, v0  }
0x22c: {  	v1 =	vadd.f32 v31, v1;
	v31 =	vld [tilespmem:$0x7890]  }
0x22d: {  	v0 =	vadd.f32 v62, v0;
	v62 =	vld [tilespmem:$0x1F180]  }
0x22e: {  	v30 =	vld [tilespmem:$0x78A0];
	v1 =	vadd.f32 v18, v1  }
0x22f: {  	v4 =	vadd.f32 v13, v4;
	v13 =	vld [tilespmem:$0x1F110]  }
0x230: {  	v18 =	vld [tilespmem:$0x1F160];
	v1 =	vadd.f32 v12, v1  }
0x231: {  	v5 =	vadd.f32 v14, v5;
	v7 =	vadd.f32 v16, v7;
	v14 =	vld [tilespmem:$0x1F120]  }
0x232: {  	v6 =	vadd.f32 v15, v6;
	v1 =	vadd.f32 v62, v1;
	v62 =	vld [tilespmem:$0x1F1E0]  }
0x233: {  	v15 =	vld [tilespmem:$0x1F130];
	v2 =	vadd.f32 v19, v2;
	v7 =	vadd.f32 v24, v7  }
0x234: {  	v16 =	vld [tilespmem:$0x1F140]  }
0x235: {  	v2 =	vadd.f32 v13, v2;
	v13 =	vld [tilespmem:$0x1F1A0];
	v7 =	vadd.f32 v18, v7  }
0x236: {  	v3 =	vadd.f32 v20, v3;
	v4 =	vadd.f32 v21, v4;
	v21 =	vld [tilespmem:$0x7930]  }
0x237: {  	v7 =	vadd.f32 v62, v7;
	v62 =	vld [tilespmem:$0x1F220]  }
0x238: {  	v17 =	vld [tilespmem:$0x1F150];
	v5 =	vadd.f32 v22, v5;
	v3 =	vadd.f32 v14, v3  }
0x239: {  	v12 =	vld [tilespmem:$0x1F190]  }
0x23a: {  	v5 =	vadd.f32 v16, v5;
	v16 =	vld [tilespmem:$0x1F1D0];
	v3 =	vadd.f32 v13, v3  }
0x23b: {  	v20 =	vld [tilespmem:$0x7940];
	v6 =	vadd.f32 v23, v6  }
0x23c: {  	v3 =	vadd.f32 v62, v3;
	v62 =	vld [tilespmem:$0x1F250]  }
0x23d: {  	v19 =	vld [tilespmem:$0x1F170];
	v6 =	vadd.f32 v17, v6  }
0x23e: {  	v23 =	vld [tilespmem:$0x7910]  }
0x23f: {  	v2 =	vadd.f32 v12, v2;
	v6 =	vadd.f32 v16, v6;
	v12 =	vld [tilespmem:$0x1F1F0]  }
0x240: {  	v22 =	vld [tilespmem:$0x7920]  }
0x241: {  	v6 =	vadd.f32 v62, v6;
	v62 =	vld [tilespmem:$0x1F270]  }
0x242: {  	v24 =	vld [tilespmem:$0x7900];
	v0 =	vadd.f32 v19, v0  }
0x243: {  	v14 =	vld [tilespmem:$0x1F1B0]  }
0x244: {  	v13 =	vld [tilespmem:$0x1F200];
	v0 =	vadd.f32 v12, v0  }
0x245: {  	v4 =	vadd.f32 v15, v4;
	v15 =	vld [tilespmem:$0x1F1C0]  }
0x246: {  	v0 =	vadd.f32 v62, v0;
	v62 =	vld [tilespmem:$0x1F280]  }
0x247: {  	v18 =	vld [tilespmem:$0x7960]  }
0x248: {  	v17 =	vld [tilespmem:$0x7970]  }
0x249: {  	v4 =	vadd.f32 v14, v4;
	v14 =	vld [tilespmem:$0x1F210];
	v1 =	vadd.f32 v13, v1  }
0x24a: {  	v12 =	vld [tilespmem:$0x1F230]  }
0x24b: {  	v1 =	vadd.f32 v62, v1;
	v62 =	vld [tilespmem:$0x1F290]  }
0x24c: {  	v19 =	vld [tilespmem:$0x7950]  }
0x24d: {  	v16 =	vld [tilespmem:$0x7980]  }
0x24e: {  	v2 =	vadd.f32 v14, v2;
	v13 =	vld [tilespmem:$0x1F240]  }
0x24f: {  	v4 =	vadd.f32 v12, v4;
	v12 =	vld [tilespmem:$0x1F260]  }
0x250: {  	v2 =	vadd.f32 v62, v2;
	v62 =	vld [tilespmem:$0x1F2A0]  }
0x251: {  	v5 =	vadd.f32 v15, v5;
	v15 =	vld [tilespmem:$0x7990]  }
0x252: {  	v14 =	vld [tilespmem:$0x79A0]  }
0x253: {  	v5 =	vadd.f32 v13, v5;
	v13 =	vld [tilespmem:$0x79B0];
	v2 =	vadd.f32 v61, v2  }
0x254: {  	v7 =	vadd.f32 v12, v7;
	v12 =	vld [tilespmem:$0x79C0]  }
0x255: {  	v2 =	vadd.f32 v54, v2;
	v3 =	vadd.f32 v62, v3;
	v62 =	vld [tilespmem:$0x1F2B0]  }
0x256: {  	v61 =	vld [tilespmem:$0x7A20]  }
0x257: {  	v54 =	vld [tilespmem:$0x7B40];
	v2 =	vadd.f32 v46, v2  }
0x258: {  	v46 =	vld [tilespmem:$0x7AD0];
	v3 =	vadd.f32 v63, v3  }
0x259: {  	v63 =	vld [tilespmem:$0x7B80];
	v2 =	vadd.f32 v38, v2  }
0x25a: {  	v3 =	vadd.f32 v53, v3;
	v4 =	vadd.f32 v62, v4;
	v62 =	vld [tilespmem:$0x1F2C0]  }
0x25b: {  	v38 =	vld [tilespmem:$0x7BE0];
	v2 =	vadd.f32 v30, v2  }
0x25c: {  	v53 =	vld [tilespmem:$0x7A60];
	v3 =	vadd.f32 v45, v3;
	v4 =	vadd.f32 v60, v4  }
0x25d: {  	v30 =	vld [tilespmem:$0x7BA0];
	v2 =	vadd.f32 v22, v2  }
0x25e: {  	v45 =	vld [tilespmem:$0x7AA0];
	v3 =	vadd.f32 v37, v3;
	v4 =	vadd.f32 v52, v4  }
0x25f: {  	v2 =	vadd.f32 v14, v2;
	v5 =	vadd.f32 v62, v5;
	v62 =	vld [tilespmem:$0x1F2D0]  }
0x260: {  	v60 =	vld [tilespmem:$0x7B70];
	v3 =	vadd.f32 v29, v3  }
0x261: {  	v37 =	vld [tilespmem:$0x7AE0];
	v4 =	vadd.f32 v44, v4;
	v2 =	vadd.f32 v61, v2  }
0x262: {  	v5 =	vadd.f32 v59, v5;
	v59 =	vld [tilespmem:$0x7A30];
	v3 =	vadd.f32 v21, v3  }
0x263: {  	v52 =	vld [tilespmem:$0x7B30];
	v4 =	vadd.f32 v36, v4;
	v2 =	vadd.f32 v45, v2  }
0x264: {  	v5 =	vadd.f32 v51, v5;
	v6 =	vadd.f32 v62, v6;
	v62 =	vld [tilespmem:$0x1F2E0]  }
0x265: {  	v44 =	vld [tilespmem:$0x7C10];
	v3 =	vadd.f32 v13, v3;
	v4 =	vadd.f32 v28, v4  }
0x266: {  	v5 =	vadd.f32 v43, v5;
	v43 =	vld [tilespmem:$0x7AB0];
	v6 =	vadd.f32 v58, v6  }
0x267: {  	v36 =	vld [tilespmem:$0x7BD0];
	v4 =	vadd.f32 v20, v4;
	v3 =	vadd.f32 v59, v3  }
0x268: {  	v45 =	vld [tilespmem:$0x7C20];
	v5 =	vadd.f32 v35, v5;
	v6 =	vadd.f32 v50, v6  }
0x269: {  	v50 =	vld [tilespmem:$0x7B20];
	v4 =	vadd.f32 v12, v4;
	v7 =	vadd.f32 v62, v7  }
0x26a: {  	v62 =	vld [tilespmem:$0x1F2F0];
	v5 =	vadd.f32 v27, v5;
	v6 =	vadd.f32 v42, v6  }
0x26b: {  	v51 =	vld [tilespmem:$0x7A70];
	v3 =	vadd.f32 v43, v3;
	v7 =	vadd.f32 v57, v7  }
0x26c: {  	v28 =	vld [tilespmem:$0x7B90];
	v5 =	vadd.f32 v19, v5;
	v6 =	vadd.f32 v34, v6  }
0x26d: {  	v57 =	vld [tilespmem:$0x7A40];
	v3 =	vadd.f32 v52, v3;
	v7 =	vadd.f32 v49, v7  }
0x26e: {  	v58 =	vld [tilespmem:$0x7B60];
	v5 =	vadd.f32 v11, v5;
	v2 =	vadd.f32 v50, v2  }
0x26f: {  	v0 =	vadd.f32 v62, v0;
	v62 =	vld [tilespmem:$0x1F300];
	v6 =	vadd.f32 v26, v6  }
0x270: {  	v35 =	vld [tilespmem:$0x7AF0];
	v7 =	vadd.f32 v41, v7;
	v2 =	vadd.f32 v30, v2  }
0x271: {  	v41 =	vld [tilespmem:$0x7AC0];
	v0 =	vadd.f32 v56, v0;
	v6 =	vadd.f32 v18, v6  }
0x272: {  	v42 =	vld [tilespmem:$0x7C00];
	v4 =	vadd.f32 v57, v4;
	v7 =	vadd.f32 v33, v7  }
0x273: {  	v34 =	vld [tilespmem:$0x7BC0];
	v2 =	vadd.f32 v45, v2;
	v0 =	vadd.f32 v48, v0  }
0x274: {  	v52 =	vld [tilespmem:$0x7C90];
	v6 =	vadd.f32 v10, v6;
	v1 =	vadd.f32 v62, v1  }
0x275: {  	v49 =	vld [tilespmem:$0x7A80];
	v7 =	vadd.f32 v25, v7;
	v0 =	vadd.f32 v40, v0  }
0x276: {  	v50 =	vld [tilespmem:$0x7C70];
	v6 =	vadd.f32 v53, v6;
	v4 =	vadd.f32 v41, v4  }
0x277: {  	v56 =	vld [tilespmem:$0x7B50];
	v1 =	vadd.f32 v55, v1;
	v7 =	vadd.f32 v17, v7  }
0x278: {  	v53 =	vld [tilespmem:$0x7CA0];
	v0 =	vadd.f32 v32, v0;
	v6 =	vadd.f32 v37, v6  }
0x279: {  	v55 =	vld [tilespmem:$0x7A50];
	v4 =	vadd.f32 v54, v4;
	v1 =	vadd.f32 v47, v1  }
0x27a: {  	v57 =	vld [tilespmem:$0x7CE0];
	v7 =	vadd.f32 v9, v7;
	v0 =	vadd.f32 v24, v0  }
0x27b: {  	v33 =	vld [tilespmem:$0x7B00];
	v6 =	vadd.f32 v58, v6;
	v1 =	vadd.f32 v39, v1  }
0x27c: {  	v48 =	vld [tilespmem:$0x7B10];
	v4 =	vadd.f32 v34, v4;
	v7 =	vadd.f32 v51, v7  }
0x27d: {  	v32 =	vld [tilespmem:$0x7BB0];
	v2 =	vadd.f32 v53, v2;
	v1 =	vadd.f32 v31, v1  }
0x27e: {  	v62 =	vld [tilespmem:$0x7A10];
	v0 =	vadd.f32 v16, v0;
	v5 =	vadd.f32 v55, v5  }
0x27f: {  	v40 =	vld [tilespmem:$0x7BF0];
	v6 =	vadd.f32 v38, v6;
	v1 =	vadd.f32 v23, v1  }
0x280: {  	v47 =	vld [tilespmem:$0x7A90];
	v7 =	vadd.f32 v35, v7;
	v0 =	vadd.f32 v8, v0  }
0x281: {  	v5 =	vadd.f32 v46, v5;
	v46 =	vld [tilespmem:$0x7C30];
	v1 =	vadd.f32 v15, v1  }
0x282: {  	v54 =	vld [tilespmem:$0x7CB0];
	v3 =	vadd.f32 v32, v3;
	v7 =	vadd.f32 v60, v7  }
0x283: {  	v0 =	vadd.f32 v49, v0;
	v49 =	vld [tilespmem:$0x7C60];
	v1 =	vadd.f32 v62, v1  }
0x284: {  	v58 =	vld [tilespmem:$0x7CF0];
	v5 =	vadd.f32 v56, v5;
	v7 =	vadd.f32 v40, v7  }
0x285: {  	v51 =	vld [tilespmem:$0x7C80];
	v0 =	vadd.f32 v33, v0;
	v1 =	vadd.f32 v47, v1  }
0x286: {  	v5 =	vadd.f32 v36, v5;
	v3 =	vadd.f32 v46, v3;
	v47 =	vld [tilespmem:$0x7C40]  }
0x287: {  	v7 =	vadd.f32 v50, v7;
	v1 =	vadd.f32 v48, v1;
	v48 =	vld [tilespmem:$0x7C50]  }
0x288: {  	v55 =	vld [tilespmem:$0x7CC0];
	v0 =	vadd.f32 v63, v0;
	v6 =	vadd.f32 v49, v6  }
0x289: {  	v56 =	vld [tilespmem:$0x7CD0];
	v3 =	vadd.f32 v54, v3;
	v7 =	vadd.f32 v58, v7  }
0x28a: {  	v0 =	vadd.f32 v42, v0;
	v1 =	vadd.f32 v28, v1  }
0x28b: {  	v6 =	vadd.f32 v57, v6;
	v4 =	vadd.f32 v47, v4  }
0x28c: {  	v1 =	vadd.f32 v44, v1;
	v5 =	vadd.f32 v48, v5  }
0x28d: {  	v0 =	vadd.f32 v51, v0;
	v4 =	vadd.f32 v55, v4  }
0x28e: {  	v1 =	vadd.f32 v52, v1;
	v5 =	vadd.f32 v56, v5  }
0x28f: {  	v0 =	vadd.f32 v2, v0;
	v59 =	vadd.f32 v6, v4  }
0x290: {  	v1 =	vadd.f32 v3, v1;
	v60 =	vadd.f32 v7, v5  }
0x291: {  	v0 =	vadd.f32 v59, v0  }
0x292: {  	v1 =	vadd.f32 v60, v1  }
0x293: {  	v0 =	vmul.f32 $4.999999890e-03, v0  }
0x294: {  	v1 =	vmul.f32 $4.999999890e-03, v1  }
0x295: {  	p0 =	seq.s32 s25, $0x0;
	[tilespmem:s26+$0xFFFFFFE0] =	vst v0  }
0x296: {  	s28 =	simm.s32 @!p0 $0x80;
	s29 =	simm.s32 @!p0 $0x6400;
	[tilespmem:s26+$0xFFFFFFF0] =	vst v1  }
0x297: {  	[tilespmem:s29], [sflag:$0x1] =	stream.indirect.gather @!p0 [hbm4b:s3+s28], $0x20, s24, s28, $0xb8;
	[tilespmem:$0xA600] =	vst v63  }
0x298: {  	s28 =	sshra.s32 @!p0 s25, $0x2  }
0x299: {  	s30 =	simm.s32 @!p0 $0x7400;
	s29 =	simm.s32 @!p0 $0x48;
	s28 =	sadd.s32 @!p0 $0x6400, s28  }
0x29a: {  	[tilespmem:s30], [sflag:$0x3] =	stream.indirect.gather @!p0 [hbm4b:s3+s29], $0x20, s28, s29, $0xb8;
	[tilespmem:$0xA600] =	vst v63  }
0x29b: {  	_ =	swait.ge [sflag:s20], $0x1000  }
0x29c: {  	[sflag:s20] =	ssyncset.done $0x0  }
0x29d: {  	[sflag:s20] =	ssyncadd.s32 $0xFFFFF000  }
0x29e: {  	v61 =	vld [tilespmem:$0x80E0];
	_ =	sdelay $0x4  }
0x29f: {  	[tilespmem:$0x1F310] =	vst v61;
	v61 =	vld [tilespmem:$0x8100];
	_ =	sdelay $0x4  }
0x2a0: {  	[tilespmem:$0x1F320] =	vst v61;
	v61 =	vld [tilespmem:$0x8110];
	_ =	sdelay $0x4  }
0x2a1: {  	[tilespmem:$0x1F330] =	vst v61;
	v61 =	vld [tilespmem:$0x8120];
	_ =	sdelay $0x4  }
0x2a2: {  	[tilespmem:$0x1F340] =	vst v61;
	v61 =	vld [tilespmem:$0x8130];
	_ =	sdelay $0x4  }
0x2a3: {  	[tilespmem:$0x1F350] =	vst v61;
	v61 =	vld [tilespmem:$0x8140];
	_ =	sdelay $0x4  }
0x2a4: {  	[tilespmem:$0x1F360] =	vst v61;
	v61 =	vld [tilespmem:$0x8150];
	_ =	sdelay $0x4  }
0x2a5: {  	[tilespmem:$0x1F370] =	vst v61;
	v61 =	vld [tilespmem:$0x8160];
	_ =	sdelay $0x4  }
0x2a6: {  	[tilespmem:$0x1F380] =	vst v61;
	v61 =	vld [tilespmem:$0x8170];
	_ =	sdelay $0x4  }
0x2a7: {  	[tilespmem:$0x1F390] =	vst v61;
	v61 =	vld [tilespmem:$0x8180];
	_ =	sdelay $0x4  }
0x2a8: {  	[tilespmem:$0x1F3A0] =	vst v61;
	v61 =	vld [tilespmem:$0x8190];
	_ =	sdelay $0x4  }
0x2a9: {  	[tilespmem:$0x1F3B0] =	vst v61;
	v61 =	vld [tilespmem:$0x81A0];
	_ =	sdelay $0x4  }
0x2aa: {  	[tilespmem:$0x1F3C0] =	vst v61;
	v61 =	vld [tilespmem:$0x81B0];
	_ =	sdelay $0x4  }
0x2ab: {  	[tilespmem:$0x1F3D0] =	vst v61;
	v61 =	vld [tilespmem:$0x81C0];
	_ =	sdelay $0x4  }
0x2ac: {  	[tilespmem:$0x1F3E0] =	vst v61;
	v61 =	vld [tilespmem:$0x81D0];
	_ =	sdelay $0x4  }
0x2ad: {  	[tilespmem:$0x1F3F0] =	vst v61;
	v61 =	vld [tilespmem:$0x81E0];
	_ =	sdelay $0x4  }
0x2ae: {  	[tilespmem:$0x1F400] =	vst v61;
	v61 =	vld [tilespmem:$0x81F0];
	_ =	sdelay $0x4  }
0x2af: {  	[tilespmem:$0x1F410] =	vst v61;
	v61 =	vld [tilespmem:$0x8200];
	_ =	sdelay $0x4  }
0x2b0: {  	[tilespmem:$0x1F420] =	vst v61;
	v61 =	vld [tilespmem:$0x8210];
	_ =	sdelay $0x4  }
0x2b1: {  	[tilespmem:$0x1F430] =	vst v61;
	v61 =	vld [tilespmem:$0x8220];
	_ =	sdelay $0x4  }
0x2b2: {  	[tilespmem:$0x1F440] =	vst v61;
	v61 =	vld [tilespmem:$0x8230];
	_ =	sdelay $0x4  }
0x2b3: {  	[tilespmem:$0x1F450] =	vst v61;
	v61 =	vld [tilespmem:$0x8240];
	_ =	sdelay $0x4  }
0x2b4: {  	[tilespmem:$0x1F460] =	vst v61;
	v61 =	vld [tilespmem:$0x8250];
	_ =	sdelay $0x4  }
0x2b5: {  	[tilespmem:$0x1F470] =	vst v61;
	v61 =	vld [tilespmem:$0x8260];
	_ =	sdelay $0x4  }
0x2b6: {  	[tilespmem:$0x1F480] =	vst v61;
	v61 =	vld [tilespmem:$0x8270];
	_ =	sdelay $0x4  }
0x2b7: {  	[tilespmem:$0x1F490] =	vst v61;
	v61 =	vld [tilespmem:$0x8280];
	_ =	sdelay $0x4  }
0x2b8: {  	[tilespmem:$0x1F4A0] =	vst v61;
	v61 =	vld [tilespmem:$0x8290];
	_ =	sdelay $0x4  }
0x2b9: {  	[tilespmem:$0x1F4B0] =	vst v61;
	v61 =	vld [tilespmem:$0x82A0];
	_ =	sdelay $0x4  }
0x2ba: {  	[tilespmem:$0x1F4C0] =	vst v61;
	v61 =	vld [tilespmem:$0x82B0];
	_ =	sdelay $0x4  }
0x2bb: {  	[tilespmem:$0x1F4D0] =	vst v61;
	v61 =	vld [tilespmem:$0x82C0];
	_ =	sdelay $0x4  }
0x2bc: {  	[tilespmem:$0x1F4E0] =	vst v61;
	v61 =	vld [tilespmem:$0x82D0];
	_ =	sdelay $0x4  }
0x2bd: {  	[tilespmem:$0x1F4F0] =	vst v61;
	v61 =	vld [tilespmem:$0x82E0];
	_ =	sdelay $0x4  }
0x2be: {  	[tilespmem:$0x1F500] =	vst v61;
	v61 =	vld [tilespmem:$0x82F0];
	_ =	sdelay $0x4  }
0x2bf: {  	[tilespmem:$0x1F510] =	vst v61;
	v61 =	vld [tilespmem:$0x8300];
	_ =	sdelay $0x4  }
0x2c0: {  	[tilespmem:$0x1F520] =	vst v61;
	v61 =	vld [tilespmem:$0x8310];
	_ =	sdelay $0x4  }
0x2c1: {  	[tilespmem:$0x1F530] =	vst v61;
	v61 =	vld [tilespmem:$0x8320];
	_ =	sdelay $0x4  }
0x2c2: {  	[tilespmem:$0x1F540] =	vst v61;
	v61 =	vld [tilespmem:$0x8330];
	_ =	sdelay $0x4  }
0x2c3: {  	[tilespmem:$0x1F550] =	vst v61;
	v61 =	vld [tilespmem:$0x8340];
	_ =	sdelay $0x4  }
0x2c4: {  	[tilespmem:$0x1F560] =	vst v61;
	v61 =	vld [tilespmem:$0x8350];
	_ =	sdelay $0x4  }
0x2c5: {  	[tilespmem:$0x1F570] =	vst v61;
	v61 =	vld [tilespmem:$0x8360];
	_ =	sdelay $0x4  }
0x2c6: {  	[tilespmem:$0x1F580] =	vst v61;
	v61 =	vld [tilespmem:$0x8370];
	_ =	sdelay $0x4  }
0x2c7: {  	[tilespmem:$0x1F590] =	vst v61;
	v61 =	vld [tilespmem:$0x8380];
	_ =	sdelay $0x4  }
0x2c8: {  	[tilespmem:$0x1F5A0] =	vst v61;
	v61 =	vld [tilespmem:$0x8390];
	_ =	sdelay $0x4  }
0x2c9: {  	[tilespmem:$0x1F5B0] =	vst v61;
	v61 =	vld [tilespmem:$0x83A0];
	_ =	sdelay $0x4  }
0x2ca: {  	[tilespmem:$0x1F5C0] =	vst v61;
	v61 =	vld [tilespmem:$0x83B0];
	_ =	sdelay $0x4  }
0x2cb: {  	[tilespmem:$0x1F5D0] =	vst v61;
	v61 =	vld [tilespmem:$0x83C0];
	_ =	sdelay $0x4  }
0x2cc: {  	[tilespmem:$0x1F5E0] =	vst v61;
	v61 =	vld [tilespmem:$0x83D0];
	_ =	sdelay $0x4  }
0x2cd: {  	[tilespmem:$0x1F5F0] =	vst v61;
	v61 =	vld [tilespmem:$0x83E0];
	_ =	sdelay $0x4  }
0x2ce: {  	[tilespmem:$0x1F600] =	vst v61;
	v61 =	vld [tilespmem:$0x83F0];
	_ =	sdelay $0x4  }
0x2cf: {  	[tilespmem:$0x1F610] =	vst v61;
	v61 =	vld [tilespmem:$0x8400];
	_ =	sdelay $0x4  }
0x2d0: {  	[tilespmem:$0x1F620] =	vst v61;
	v61 =	vld [tilespmem:$0x8410];
	_ =	sdelay $0x4  }
0x2d1: {  	[tilespmem:$0x1F630] =	vst v61;
	v61 =	vld [tilespmem:$0x8420];
	_ =	sdelay $0x4  }
0x2d2: {  	[tilespmem:$0x1F640] =	vst v61;
	v61 =	vld [tilespmem:$0x8430];
	_ =	sdelay $0x4  }
0x2d3: {  	[tilespmem:$0x1F650] =	vst v61;
	v61 =	vld [tilespmem:$0x8440];
	_ =	sdelay $0x4  }
0x2d4: {  	[tilespmem:$0x1F660] =	vst v61;
	v61 =	vld [tilespmem:$0x8450];
	_ =	sdelay $0x4  }
0x2d5: {  	[tilespmem:$0x1F670] =	vst v61;
	v61 =	vld [tilespmem:$0x8460];
	_ =	sdelay $0x4  }
0x2d6: {  	[tilespmem:$0x1F680] =	vst v61;
	v61 =	vld [tilespmem:$0x8470];
	_ =	sdelay $0x4  }
0x2d7: {  	[tilespmem:$0x1F690] =	vst v61;
	v61 =	vld [tilespmem:$0x8480];
	_ =	sdelay $0x4  }
0x2d8: {  	[tilespmem:$0x1F6A0] =	vst v61;
	v61 =	vld [tilespmem:$0x8490];
	_ =	sdelay $0x4  }
0x2d9: {  	[tilespmem:$0x1F6B0] =	vst v61;
	v61 =	vld [tilespmem:$0x84A0];
	_ =	sdelay $0x4  }
0x2da: {  	[tilespmem:$0x1F6C0] =	vst v61;
	v61 =	vld [tilespmem:$0x84B0];
	_ =	sdelay $0x4  }
0x2db: {  	[tilespmem:$0x1F6D0] =	vst v61;
	v61 =	vld [tilespmem:$0x84C0];
	_ =	sdelay $0x4  }
0x2dc: {  	[tilespmem:$0x1F6E0] =	vst v61;
	v61 =	vld [tilespmem:$0x84D0];
	_ =	sdelay $0x4  }
0x2dd: {  	[tilespmem:$0x1F6F0] =	vst v61;
	v61 =	vld [tilespmem:$0x84E0];
	_ =	sdelay $0x4  }
0x2de: {  	[tilespmem:$0x1F700] =	vst v61;
	v61 =	vld [tilespmem:$0x84F0];
	_ =	sdelay $0x4  }
0x2df: {  	[tilespmem:$0x1F710] =	vst v61;
	v61 =	vld [tilespmem:$0x8500];
	_ =	sdelay $0x4  }
0x2e0: {  	[tilespmem:$0x1F720] =	vst v61;
	v61 =	vld [tilespmem:$0x8510];
	_ =	sdelay $0x4  }
0x2e1: {  	[tilespmem:$0x1F730] =	vst v61;
	v61 =	vld [tilespmem:$0x8520];
	_ =	sdelay $0x4  }
0x2e2: {  	[tilespmem:$0x1F740] =	vst v61;
	v61 =	vld [tilespmem:$0x8530];
	_ =	sdelay $0x4  }
0x2e3: {  	[tilespmem:$0x1F750] =	vst v61;
	v61 =	vld [tilespmem:$0x8540];
	_ =	sdelay $0x4  }
0x2e4: {  	[tilespmem:$0x1F760] =	vst v61;
	v61 =	vld [tilespmem:$0x8550];
	_ =	sdelay $0x4  }
0x2e5: {  	[tilespmem:$0x1F770] =	vst v61;
	v61 =	vld [tilespmem:$0x8560];
	_ =	sdelay $0x4  }
0x2e6: {  	[tilespmem:$0x1F780] =	vst v61;
	v61 =	vld [tilespmem:$0x8570];
	_ =	sdelay $0x4  }
0x2e7: {  	[tilespmem:$0x1F790] =	vst v61;
	v61 =	vld [tilespmem:$0x8580];
	_ =	sdelay $0x4  }
0x2e8: {  	[tilespmem:$0x1F7A0] =	vst v61;
	v61 =	vld [tilespmem:$0x8590];
	_ =	sdelay $0x4  }
0x2e9: {  	[tilespmem:$0x1F7B0] =	vst v61;
	v61 =	vld [tilespmem:$0x85A0];
	_ =	sdelay $0x4  }
0x2ea: {  	[tilespmem:$0x1F7C0] =	vst v61;
	v61 =	vld [tilespmem:$0x85B0];
	_ =	sdelay $0x4  }
0x2eb: {  	[tilespmem:$0x1F7D0] =	vst v61;
	v61 =	vld [tilespmem:$0x85C0];
	_ =	sdelay $0x4  }
0x2ec: {  	[tilespmem:$0x1F7E0] =	vst v61;
	v61 =	vld [tilespmem:$0x85D0];
	_ =	sdelay $0x4  }
0x2ed: {  	[tilespmem:$0x1F7F0] =	vst v61;
	v61 =	vld [tilespmem:$0x85E0];
	_ =	sdelay $0x4  }
0x2ee: {  	[tilespmem:$0x1F800] =	vst v61;
	v61 =	vld [tilespmem:$0x85F0];
	_ =	sdelay $0x4  }
0x2ef: {  	[tilespmem:$0x1F810] =	vst v61;
	v61 =	vld [tilespmem:$0x8600];
	_ =	sdelay $0x4  }
0x2f0: {  	[tilespmem:$0x1F820] =	vst v61;
	v61 =	vld [tilespmem:$0x8610];
	_ =	sdelay $0x4  }
0x2f1: {  	[tilespmem:$0x1F830] =	vst v61;
	v61 =	vld [tilespmem:$0x8620];
	_ =	sdelay $0x4  }
0x2f2: {  	[tilespmem:$0x1F840] =	vst v61;
	v61 =	vld [tilespmem:$0x8630];
	_ =	sdelay $0x4  }
0x2f3: {  	[tilespmem:$0x1F850] =	vst v61;
	v61 =	vld [tilespmem:$0x8640];
	_ =	sdelay $0x4  }
0x2f4: {  	[tilespmem:$0x1F860] =	vst v61;
	v61 =	vld [tilespmem:$0x8650];
	_ =	sdelay $0x4  }
0x2f5: {  	[tilespmem:$0x1F870] =	vst v61;
	v61 =	vld [tilespmem:$0x8660];
	_ =	sdelay $0x4  }
0x2f6: {  	[tilespmem:$0x1F880] =	vst v61;
	v61 =	vld [tilespmem:$0x8670];
	_ =	sdelay $0x4  }
0x2f7: {  	[tilespmem:$0x1F890] =	vst v61;
	v61 =	vld [tilespmem:$0x8680];
	_ =	sdelay $0x4  }
0x2f8: {  	[tilespmem:$0x1F8A0] =	vst v61;
	v61 =	vld [tilespmem:$0x8690];
	_ =	sdelay $0x4  }
0x2f9: {  	[tilespmem:$0x1F8B0] =	vst v61;
	v61 =	vld [tilespmem:$0x86A0];
	_ =	sdelay $0x4  }
0x2fa: {  	[tilespmem:$0x1F8C0] =	vst v61;
	v61 =	vld [tilespmem:$0x86B0];
	_ =	sdelay $0x4  }
0x2fb: {  	[tilespmem:$0x1F8D0] =	vst v61;
	v61 =	vld [tilespmem:$0x86C0];
	_ =	sdelay $0x4  }
0x2fc: {  	[tilespmem:$0x1F8E0] =	vst v61;
	v61 =	vld [tilespmem:$0x86D0];
	_ =	sdelay $0x4  }
0x2fd: {  	[tilespmem:$0x1F8F0] =	vst v61;
	v61 =	vld [tilespmem:$0x86E0];
	_ =	sdelay $0x4  }
0x2fe: {  	[tilespmem:$0x1F900] =	vst v61;
	v61 =	vld [tilespmem:$0x86F0];
	_ =	sdelay $0x4  }
0x2ff: {  	[tilespmem:$0x1F910] =	vst v61;
	v61 =	vld [tilespmem:$0x8700];
	_ =	sdelay $0x4  }
0x300: {  	[tilespmem:$0x1F920] =	vst v61;
	v61 =	vld [tilespmem:$0x8710];
	_ =	sdelay $0x4  }
0x301: {  	[tilespmem:$0x1F930] =	vst v61;
	v61 =	vld [tilespmem:$0x8720];
	_ =	sdelay $0x4  }
0x302: {  	[tilespmem:$0x1F940] =	vst v61;
	v61 =	vld [tilespmem:$0x8730];
	_ =	sdelay $0x4  }
0x303: {  	[tilespmem:$0x1F950] =	vst v61;
	v61 =	vld [tilespmem:$0x8740];
	_ =	sdelay $0x4  }
0x304: {  	[tilespmem:$0x1F960] =	vst v61;
	v61 =	vld [tilespmem:$0x8750];
	_ =	sdelay $0x4  }
0x305: {  	[tilespmem:$0x1F970] =	vst v61;
	v61 =	vld [tilespmem:$0x8760];
	_ =	sdelay $0x4  }
0x306: {  	[tilespmem:$0x1F980] =	vst v61;
	v61 =	vld [tilespmem:$0x8770];
	_ =	sdelay $0x4  }
0x307: {  	[tilespmem:$0x1F990] =	vst v61;
	v61 =	vld [tilespmem:$0x8780];
	_ =	sdelay $0x4  }
0x308: {  	[tilespmem:$0x1F9A0] =	vst v61;
	v61 =	vld [tilespmem:$0x8790];
	_ =	sdelay $0x4  }
0x309: {  	[tilespmem:$0x1F9B0] =	vst v61;
	v61 =	vld [tilespmem:$0x87A0];
	_ =	sdelay $0x4  }
0x30a: {  	[tilespmem:$0x1F9C0] =	vst v61;
	v61 =	vld [tilespmem:$0x87B0];
	_ =	sdelay $0x4  }
0x30b: {  	[tilespmem:$0x1F9D0] =	vst v61;
	v61 =	vld [tilespmem:$0x87C0];
	_ =	sdelay $0x4  }
0x30c: {  	[tilespmem:$0x1F9E0] =	vst v61;
	v61 =	vld [tilespmem:$0x87D0];
	_ =	sdelay $0x4  }
0x30d: {  	[tilespmem:$0x1F9F0] =	vst v61;
	v61 =	vld [tilespmem:$0x87E0];
	_ =	sdelay $0x4  }
0x30e: {  	[tilespmem:$0x1FA00] =	vst v61;
	v61 =	vld [tilespmem:$0x87F0];
	_ =	sdelay $0x2  }
0x30f: {  	v4 =	vld [tilespmem:$0x7D00]  }
0x310: {  	v5 =	vld [tilespmem:$0x7D10]  }
0x311: {  	[tilespmem:$0x1FA10] =	vst v61;
	v61 =	vld [tilespmem:$0x8800]  }
0x312: {  	v6 =	vld [tilespmem:$0x7D20]  }
0x313: {  	v7 =	vld [tilespmem:$0x7D30]  }
0x314: {  	v12 =	vld [tilespmem:$0x7D40]  }
0x315: {  	v13 =	vld [tilespmem:$0x7D50]  }
0x316: {  	[tilespmem:$0x1FA20] =	vst v61;
	v61 =	vld [tilespmem:$0x8810]  }
0x317: {  	v16 =	vld [tilespmem:$0x7D60]  }
0x318: {  	v17 =	vld [tilespmem:$0x7D70]  }
0x319: {  	v0 =	vld [tilespmem:$0x7D80]  }
0x31a: {  	v1 =	vld [tilespmem:$0x7D90]  }
0x31b: {  	[tilespmem:$0x1FA30] =	vst v61;
	v61 =	vld [tilespmem:$0x8820]  }
0x31c: {  	v2 =	vld [tilespmem:$0x7DA0]  }
0x31d: {  	v3 =	vld [tilespmem:$0x7DB0]  }
0x31e: {  	v8 =	vld [tilespmem:$0x7DC0]  }
0x31f: {  	v9 =	vld [tilespmem:$0x7DD0]  }
0x320: {  	[tilespmem:$0x1FA40] =	vst v61;
	v61 =	vld [tilespmem:$0x8830]  }
0x321: {  	v10 =	vld [tilespmem:$0x7DE0]  }
0x322: {  	v11 =	vld [tilespmem:$0x7DF0]  }
0x323: {  	v14 =	vld [tilespmem:$0x7E00]  }
0x324: {  	v15 =	vld [tilespmem:$0x7E10]  }
0x325: {  	[tilespmem:$0x1FA50] =	vst v61;
	v61 =	vld [tilespmem:$0x8840]  }
0x326: {  	v18 =	vld [tilespmem:$0x7E20]  }
0x327: {  	v19 =	vld [tilespmem:$0x7E30]  }
0x328: {  	v20 =	vld [tilespmem:$0x7E40]  }
0x329: {  	v21 =	vld [tilespmem:$0x7E50]  }
0x32a: {  	[tilespmem:$0x1FA60] =	vst v61;
	v61 =	vld [tilespmem:$0x8850]  }
0x32b: {  	v22 =	vld [tilespmem:$0x7E60]  }
0x32c: {  	v23 =	vld [tilespmem:$0x7E70]  }
0x32d: {  	v24 =	vld [tilespmem:$0x7E80]  }
0x32e: {  	v25 =	vld [tilespmem:$0x7E90]  }
0x32f: {  	[tilespmem:$0x1FA70] =	vst v61;
	v61 =	vld [tilespmem:$0x8860]  }
0x330: {  	v26 =	vld [tilespmem:$0x7EA0]  }
0x331: {  	v27 =	vld [tilespmem:$0x7EB0]  }
0x332: {  	v28 =	vld [tilespmem:$0x7EC0]  }
0x333: {  	v29 =	vld [tilespmem:$0x7ED0]  }
0x334: {  	[tilespmem:$0x1FA80] =	vst v61;
	v61 =	vld [tilespmem:$0x8870]  }
0x335: {  	v30 =	vld [tilespmem:$0x7EE0]  }
0x336: {  	v31 =	vld [tilespmem:$0x7EF0]  }
0x337: {  	v32 =	vld [tilespmem:$0x7F00]  }
0x338: {  	v33 =	vld [tilespmem:$0x7F10]  }
0x339: {  	[tilespmem:$0x1FA90] =	vst v61;
	v61 =	vld [tilespmem:$0x8880]  }
0x33a: {  	v34 =	vld [tilespmem:$0x7F20]  }
0x33b: {  	v35 =	vld [tilespmem:$0x7F30]  }
0x33c: {  	v36 =	vld [tilespmem:$0x7F40]  }
0x33d: {  	v37 =	vld [tilespmem:$0x7F50]  }
0x33e: {  	[tilespmem:$0x1FAA0] =	vst v61;
	v61 =	vld [tilespmem:$0x8890]  }
0x33f: {  	v38 =	vld [tilespmem:$0x7F60]  }
0x340: {  	v39 =	vld [tilespmem:$0x7F70]  }
0x341: {  	v40 =	vld [tilespmem:$0x7F80]  }
0x342: {  	v41 =	vld [tilespmem:$0x7F90]  }
0x343: {  	[tilespmem:$0x1FAB0] =	vst v61;
	v61 =	vld [tilespmem:$0x88A0]  }
0x344: {  	v42 =	vld [tilespmem:$0x7FA0]  }
0x345: {  	v43 =	vld [tilespmem:$0x7FB0]  }
0x346: {  	v44 =	vld [tilespmem:$0x7FC0]  }
0x347: {  	v45 =	vld [tilespmem:$0x7FD0]  }
0x348: {  	[tilespmem:$0x1FAC0] =	vst v61;
	v61 =	vld [tilespmem:$0x88B0]  }
0x349: {  	v46 =	vld [tilespmem:$0x7FE0]  }
0x34a: {  	v47 =	vld [tilespmem:$0x7FF0]  }
0x34b: {  	v48 =	vld [tilespmem:$0x8000]  }
0x34c: {  	v49 =	vld [tilespmem:$0x8010]  }
0x34d: {  	[tilespmem:$0x1FAD0] =	vst v61;
	v61 =	vld [tilespmem:$0x88C0]  }
0x34e: {  	v50 =	vld [tilespmem:$0x8020]  }
0x34f: {  	v51 =	vld [tilespmem:$0x8030]  }
0x350: {  	v52 =	vld [tilespmem:$0x8040]  }
0x351: {  	v53 =	vld [tilespmem:$0x8050]  }
0x352: {  	[tilespmem:$0x1FAE0] =	vst v61;
	v61 =	vld [tilespmem:$0x88D0]  }
0x353: {  	v54 =	vld [tilespmem:$0x8060]  }
0x354: {  	v55 =	vld [tilespmem:$0x8070]  }
0x355: {  	v62 =	vld [tilespmem:$0x8080]  }
0x356: {  	v56 =	vld [tilespmem:$0x8090]  }
0x357: {  	[tilespmem:$0x1FAF0] =	vst v61;
	v61 =	vld [tilespmem:$0x88E0]  }
0x358: {  	v58 =	vld [tilespmem:$0x80A0]  }
0x359: {  	v57 =	vld [tilespmem:$0x80B0]  }
0x35a: {  	v60 =	vld [tilespmem:$0x80C0]  }
0x35b: {  	v59 =	vld [tilespmem:$0x80D0]  }
0x35c: {  	v63 =	vld [tilespmem:$0x80F0];
	[tilespmem:$0x1FB00] =	vst v61  }
0x35d: {  	v61 =	vld [tilespmem:$0x88F0];
	_ =	sdelay $0x4  }
0x35e: {  	[tilespmem:$0x1FB10] =	vst v61;
	v61 =	vld [tilespmem:$0x8900];
	_ =	sdelay $0x4  }
0x35f: {  	[tilespmem:$0x1FB20] =	vst v61;
	v61 =	vld [tilespmem:$0x8910];
	_ =	sdelay $0x4  }
0x360: {  	[tilespmem:$0x1FB30] =	vst v61;
	v61 =	vld [tilespmem:$0x8920];
	_ =	sdelay $0x4  }
0x361: {  	[tilespmem:$0x1FB40] =	vst v61;
	v61 =	vld [tilespmem:$0x8930];
	_ =	sdelay $0x4  }
0x362: {  	[tilespmem:$0x1FB50] =	vst v61;
	v61 =	vld [tilespmem:$0x8940];
	_ =	sdelay $0x4  }
0x363: {  	[tilespmem:$0x1FB60] =	vst v61;
	v61 =	vld [tilespmem:$0x8950]  }
0x364: {  	v4 =	vadd.f32 $0.0e+00, v4  }
0x365: {  	v5 =	vadd.f32 $0.0e+00, v5;
	v6 =	vadd.f32 $0.0e+00, v6  }
0x366: {  	v7 =	vadd.f32 $0.0e+00, v7;
	v16 =	vadd.f32 $0.0e+00, v16  }
0x367: {  	v0 =	vadd.f32 v0, v4;
	v4 =	vadd.f32 $0.0e+00, v12;
	v12 =	vld [tilespmem:$0x8A40]  }
0x368: {  	v17 =	vadd.f32 $0.0e+00, v17;
	v1 =	vadd.f32 v1, v5;
	[tilespmem:$0x1FB70] =	vst v61;
	v61 =	vld [tilespmem:$0x8960]  }
0x369: {  	v2 =	vadd.f32 v2, v6;
	v6 =	vadd.f32 v10, v16;
	v10 =	vld [tilespmem:$0x8A70]  }
0x36a: {  	v3 =	vadd.f32 v3, v7;
	v7 =	vadd.f32 v11, v17;
	v11 =	vld [tilespmem:$0x8A80]  }
0x36b: {  	v0 =	vadd.f32 v14, v0;
	v14 =	vld [tilespmem:$0x8A90]  }
0x36c: {  	v1 =	vadd.f32 v15, v1;
	v15 =	vld [tilespmem:$0x8AA0]  }
0x36d: {  	[tilespmem:$0x1FB80] =	vst v61;
	v61 =	vld [tilespmem:$0x8970]  }
0x36e: {  	v16 =	vld [tilespmem:$0x8AB0]  }
0x36f: {  	v17 =	vld [tilespmem:$0x8AC0]  }
0x370: {  	v2 =	vadd.f32 v18, v2;
	v18 =	vld [tilespmem:$0x8AD0]  }
0x371: {  	v4 =	vadd.f32 v8, v4;
	v3 =	vadd.f32 v19, v3;
	v19 =	vld [tilespmem:$0x8AE0]  }
0x372: {  	[tilespmem:$0x1FB90] =	vst v61;
	v61 =	vld [tilespmem:$0x8980]  }
0x373: {  	v4 =	vadd.f32 v20, v4;
	v20 =	vld [tilespmem:$0x8AF0]  }
0x374: {  	v6 =	vadd.f32 v22, v6;
	v22 =	vld [tilespmem:$0x8B10]  }
0x375: {  	v7 =	vadd.f32 v23, v7;
	v23 =	vld [tilespmem:$0x8B20]  }
0x376: {  	v0 =	vadd.f32 v24, v0;
	v24 =	vld [tilespmem:$0x8B30]  }
0x377: {  	[tilespmem:$0x1FBA0] =	vst v61;
	v61 =	vld [tilespmem:$0x8990]  }
0x378: {  	v1 =	vadd.f32 v25, v1;
	v25 =	vld [tilespmem:$0x8B40]  }
0x379: {  	v2 =	vadd.f32 v26, v2;
	v26 =	vld [tilespmem:$0x8B50]  }
0x37a: {  	v3 =	vadd.f32 v27, v3;
	v27 =	vld [tilespmem:$0x8B60]  }
0x37b: {  	v4 =	vadd.f32 v28, v4;
	v28 =	vld [tilespmem:$0x8B70]  }
0x37c: {  	[tilespmem:$0x1FBB0] =	vst v61;
	v61 =	vld [tilespmem:$0x89A0]  }
0x37d: {  	v6 =	vadd.f32 v30, v6;
	v30 =	vld [tilespmem:$0x8B90]  }
0x37e: {  	v7 =	vadd.f32 v31, v7;
	v3 =	vadd.f32 v35, v3;
	v31 =	vld [tilespmem:$0x8BA0]  }
0x37f: {  	v0 =	vadd.f32 v32, v0;
	v32 =	vld [tilespmem:$0x8BB0]  }
0x380: {  	v1 =	vadd.f32 v33, v1;
	v3 =	vadd.f32 v43, v3;
	v33 =	vld [tilespmem:$0x8BC0]  }
0x381: {  	v2 =	vadd.f32 v34, v2;
	[tilespmem:$0x1FBC0] =	vst v61;
	v61 =	vld [tilespmem:$0x89B0]  }
0x382: {  	v4 =	vadd.f32 v36, v4;
	v3 =	vadd.f32 v51, v3;
	v34 =	vld [tilespmem:$0x8BD0]  }
0x383: {  	v7 =	vadd.f32 v39, v7;
	v2 =	vadd.f32 v42, v2;
	v35 =	vld [tilespmem:$0x8BE0]  }
0x384: {  	v4 =	vadd.f32 v44, v4;
	v3 =	vadd.f32 v57, v3;
	v57 =	vld [tilespmem:$0x1F310]  }
0x385: {  	v0 =	vadd.f32 v40, v0;
	v2 =	vadd.f32 v50, v2;
	v36 =	vld [tilespmem:$0x8BF0]  }
0x386: {  	v7 =	vadd.f32 v47, v7;
	v4 =	vadd.f32 v52, v4;
	[tilespmem:$0x1FBD0] =	vst v61;
	v61 =	vld [tilespmem:$0x89C0]  }
0x387: {  	v0 =	vadd.f32 v48, v0;
	v2 =	vadd.f32 v58, v2;
	v58 =	vld [tilespmem:$0x1F320]  }
0x388: {  	v7 =	vadd.f32 v55, v7;
	v4 =	vadd.f32 v60, v4;
	v60 =	vld [tilespmem:$0x8C00]  }
0x389: {  	v0 =	vadd.f32 v62, v0;
	v62 =	vld [tilespmem:$0x1F350]  }
0x38a: {  	v7 =	vadd.f32 v63, v7;
	v63 =	vld [tilespmem:$0x8C10]  }
0x38b: {  	[tilespmem:$0x1FBE0] =	vst v61;
	v61 =	vld [tilespmem:$0x89D0]  }
0x38c: {  	v6 =	vadd.f32 v38, v6;
	v38 =	vld [tilespmem:$0x1F370]  }
0x38d: {  	v39 =	vld [tilespmem:$0x8C20]  }
0x38e: {  	v40 =	vld [tilespmem:$0x1F380]  }
0x38f: {  	v1 =	vadd.f32 v41, v1;
	v41 =	vld [tilespmem:$0x1F390]  }
0x390: {  	[tilespmem:$0x1FBF0] =	vst v61;
	v61 =	vld [tilespmem:$0x89E0]  }
0x391: {  	v42 =	vld [tilespmem:$0x8C30]  }
0x392: {  	v43 =	vld [tilespmem:$0x1F3A0]  }
0x393: {  	v44 =	vld [tilespmem:$0x1F3B0]  }
0x394: {  	v6 =	vadd.f32 v46, v6;
	v46 =	vld [tilespmem:$0x1F3C0]  }
0x395: {  	[tilespmem:$0x1FC00] =	vst v61;
	v61 =	vld [tilespmem:$0x89F0]  }
0x396: {  	v47 =	vld [tilespmem:$0x1F3D0]  }
0x397: {  	v48 =	vld [tilespmem:$0x8C50]  }
0x398: {  	v1 =	vadd.f32 v49, v1;
	v49 =	vld [tilespmem:$0x1F3E0]  }
0x399: {  	v50 =	vld [tilespmem:$0x1F3F0]  }
0x39a: {  	[tilespmem:$0x1FC10] =	vst v61;
	v61 =	vld [tilespmem:$0x8A00]  }
0x39b: {  	v51 =	vld [tilespmem:$0x8C60]  }
0x39c: {  	v52 =	vld [tilespmem:$0x1F400]  }
0x39d: {  	v6 =	vadd.f32 v54, v6;
	v54 =	vld [tilespmem:$0x8C70]  }
0x39e: {  	v55 =	vld [tilespmem:$0x1F420]  }
0x39f: {  	[tilespmem:$0x1FC20] =	vst v61;
	v61 =	vld [tilespmem:$0x8A10]  }
0x3a0: {  	v1 =	vadd.f32 v56, v1;
	v56 =	vld [tilespmem:$0x1F430]  }
0x3a1: {  	v6 =	vadd.f32 v57, v6;
	v57 =	vld [tilespmem:$0x8C80]  }
0x3a2: {  	v0 =	vadd.f32 v58, v0;
	v58 =	vld [tilespmem:$0x1F440]  }
0x3a3: {  	[tilespmem:$0x1FC60] =	vst v60;
	v60 =	vld [tilespmem:$0x8C90]  }
0x3a4: {  	[tilespmem:$0x1FC30] =	vst v61;
	v61 =	vld [tilespmem:$0x8A20]  }
0x3a5: {  	v3 =	vadd.f32 v62, v3;
	v62 =	vld [tilespmem:$0x1F470]  }
0x3a6: {  	[tilespmem:$0x1FC70] =	vst v63;
	v63 =	vld [tilespmem:$0x8CA0]  }
0x3a7: {  	[tilespmem:$0x1FC80] =	vst v39;
	v39 =	vld [tilespmem:$0x8CB0]  }
0x3a8: {  	v7 =	vadd.f32 v41, v7;
	v41 =	vld [tilespmem:$0x1F4B0]  }
0x3a9: {  	[tilespmem:$0x1FC40] =	vst v61;
	v61 =	vld [tilespmem:$0x8A30]  }
0x3aa: {  	[tilespmem:$0x1FC90] =	vst v42;
	v42 =	vld [tilespmem:$0x8CC0]  }
0x3ab: {  	[tilespmem:$0x1FCB0] =	vst v48;
	v48 =	vld [tilespmem:$0x8CE0]  }
0x3ac: {  	[tilespmem:$0x1FCC0] =	vst v51;
	v51 =	vld [tilespmem:$0x8CF0]  }
0x3ad: {  	v6 =	vadd.f32 v40, v6;
	v40 =	vld [tilespmem:$0x1F4A0]  }
0x3ae: {  	v0 =	vadd.f32 v43, v0;
	v43 =	vld [tilespmem:$0x1F4C0];
	[tilespmem:$0x1FC50] =	vst v61;
	v61 =	vadd.f32 $0.0e+00, v13  }
0x3af: {  	v3 =	vadd.f32 v47, v3;
	v47 =	vld [tilespmem:$0x1F4F0]  }
0x3b0: {  	v6 =	vadd.f32 v52, v6;
	v52 =	vld [tilespmem:$0x1F520];
	v5 =	vadd.f32 v9, v61  }
0x3b1: {  	v13 =	vld [tilespmem:$0x8A50]  }
0x3b2: {  	v61 =	vld [tilespmem:$0x1F340];
	v5 =	vadd.f32 v21, v5  }
0x3b3: {  	v9 =	vld [tilespmem:$0x8A60]  }
0x3b4: {  	v21 =	vld [tilespmem:$0x8B00];
	v5 =	vadd.f32 v29, v5  }
0x3b5: {  	v29 =	vld [tilespmem:$0x8B80]  }
0x3b6: {  	v5 =	vadd.f32 v37, v5;
	v37 =	vld [tilespmem:$0x1F360]  }
0x3b7: {  	v2 =	vadd.f32 v61, v2;
	v61 =	vld [tilespmem:$0x1F460]  }
0x3b8: {  	v5 =	vadd.f32 v45, v5;
	v45 =	vld [tilespmem:$0x8C40]  }
0x3b9: {  	[tilespmem:$0x1FCD0] =	vst v54;
	v2 =	vadd.f32 v46, v2;
	v46 =	vld [tilespmem:$0x1F4E0]  }
0x3ba: {  	[tilespmem:$0x1FCE0] =	vst v57;
	v5 =	vadd.f32 v53, v5;
	v53 =	vld [tilespmem:$0x1F410]  }
0x3bb: {  	[tilespmem:$0x1FCF0] =	vst v60;
	v4 =	vadd.f32 v37, v4;
	v37 =	vld [tilespmem:$0x1F480]  }
0x3bc: {  	[tilespmem:$0x1FD00] =	vst v63;
	v5 =	vadd.f32 v59, v5;
	v59 =	vld [tilespmem:$0x1F330]  }
0x3bd: {  	[tilespmem:$0x1FCA0] =	vst v45;
	v45 =	vld [tilespmem:$0x8CD0]  }
0x3be: {  	[tilespmem:$0x1FD10] =	vst v39;
	v4 =	vadd.f32 v49, v4;
	v49 =	vld [tilespmem:$0x1F500]  }
0x3bf: {  	[tilespmem:$0x1FD20] =	vst v42;
	v5 =	vadd.f32 v38, v5;
	v38 =	vld [tilespmem:$0x1F490]  }
0x3c0: {  	[tilespmem:$0x1FD40] =	vst v48;
	v7 =	vadd.f32 v53, v7;
	v53 =	vld [tilespmem:$0x1F530]  }
0x3c1: {  	[tilespmem:$0x1FD50] =	vst v51;
	v5 =	vadd.f32 v50, v5;
	v50 =	vld [tilespmem:$0x1F510];
	v1 =	vadd.f32 v59, v1  }
0x3c2: {  	v59 =	vld [tilespmem:$0x1F450];
	[tilespmem:$0x1FD30] =	vst v45  }
0x3c3: {  	v1 =	vadd.f32 v44, v1;
	v44 =	vld [tilespmem:$0x1F4D0];
	_ =	swait.ge [sflag:s21], $0x900  }
0x3c4: {  	v54 =	vld [tilespmem:$0x1F540]  }
0x3c5: {  	v0 =	vadd.f32 v55, v0;
	v55 =	vld [tilespmem:$0x1F550]  }
0x3c6: {  	v57 =	vld [tilespmem:$0x1F570]  }
0x3c7: {  	v2 =	vadd.f32 v58, v2;
	v58 =	vld [tilespmem:$0x1F580]  }
0x3c8: {  	v4 =	vadd.f32 v61, v4;
	v61 =	vld [tilespmem:$0x1F5A0]  }
0x3c9: {  	v5 =	vadd.f32 v62, v5;
	v62 =	vld [tilespmem:$0x1F5B0]  }
0x3ca: {  	v6 =	vadd.f32 v37, v6;
	v37 =	vld [tilespmem:$0x1F5C0]  }
0x3cb: {  	v7 =	vadd.f32 v38, v7;
	v38 =	vld [tilespmem:$0x1F5D0]  }
0x3cc: {  	v0 =	vadd.f32 v40, v0;
	v40 =	vld [tilespmem:$0x1F5E0]  }
0x3cd: {  	v2 =	vadd.f32 v43, v2;
	v43 =	vld [tilespmem:$0x1F600]  }
0x3ce: {  	v4 =	vadd.f32 v46, v4;
	v46 =	vld [tilespmem:$0x1F620]  }
0x3cf: {  	v5 =	vadd.f32 v47, v5;
	v47 =	vld [tilespmem:$0x1F630]  }
0x3d0: {  	v6 =	vadd.f32 v49, v6;
	v49 =	vld [tilespmem:$0x1F640]  }
0x3d1: {  	v0 =	vadd.f32 v52, v0;
	v52 =	vld [tilespmem:$0x1F660]  }
0x3d2: {  	v1 =	vadd.f32 v56, v1;
	v56 =	vld [tilespmem:$0x1F560]  }
0x3d3: {  	[sflag:s21] =	ssyncset.done $0x0;
	v7 =	vadd.f32 v50, v7;
	v50 =	vld [tilespmem:$0x1F650]  }
0x3d4: {  	[sflag:s21] =	ssyncadd.s32 $0xFFFFF700;
	v3 =	vadd.f32 v59, v3;
	v59 =	vld [tilespmem:$0x1F590]  }
0x3d5: {  	v60 =	vld [tilespmem:$0x8D00]  }
0x3d6: {  	v63 =	vld [tilespmem:$0x8D10]  }
0x3d7: {  	v39 =	vld [tilespmem:$0x8D20]  }
0x3d8: {  	v42 =	vld [tilespmem:$0x8D30]  }
0x3d9: {  	v45 =	vld [tilespmem:$0x8D40]  }
0x3da: {  	v48 =	vld [tilespmem:$0x8D50]  }
0x3db: {  	v51 =	vld [tilespmem:$0x8D60]  }
0x3dc: {  	v8 =	vld [tilespmem:$0x9300]  }
0x3dd: {  	v1 =	vadd.f32 v41, v1;
	v41 =	vld [tilespmem:$0x1F5F0]  }
0x3de: {  	v3 =	vadd.f32 v44, v3;
	v44 =	vld [tilespmem:$0x1F610]  }
0x3df: {  	v1 =	vadd.f32 v53, v1;
	v53 =	vld [tilespmem:$0x1F670]  }
0x3e0: {  	v2 =	vadd.f32 v54, v2;
	v54 =	vld [tilespmem:$0x8D70]  }
0x3e1: {  	v5 =	vadd.f32 v57, v5;
	v57 =	vld [tilespmem:$0x8D80]  }
0x3e2: {  	v6 =	vadd.f32 v58, v6;
	v58 =	vld [tilespmem:$0x1F6A0]  }
0x3e3: {  	v0 =	vadd.f32 v61, v0;
	v61 =	vld [tilespmem:$0x1F6C0]  }
0x3e4: {  	v3 =	vadd.f32 v55, v3;
	v55 =	vld [tilespmem:$0x1F680]  }
0x3e5: {  	v4 =	vadd.f32 v56, v4;
	v56 =	vld [tilespmem:$0x1F690]  }
0x3e6: {  	v7 =	vadd.f32 v59, v7;
	v59 =	vld [tilespmem:$0x1F6B0]  }
0x3e7: {  	[tilespmem:$0x1FD60] =	vst v60;
	v60 =	vld [tilespmem:$0x8D90]  }
0x3e8: {  	v1 =	vadd.f32 v62, v1;
	v62 =	vld [tilespmem:$0x1F6D0]  }
0x3e9: {  	[tilespmem:$0x1FD70] =	vst v63;
	v63 =	vld [tilespmem:$0x8DA0]  }
0x3ea: {  	v2 =	vadd.f32 v37, v2;
	v37 =	vld [tilespmem:$0x1F6E0]  }
0x3eb: {  	[tilespmem:$0x1FD80] =	vst v39;
	v39 =	vld [tilespmem:$0x8DB0]  }
0x3ec: {  	[tilespmem:$0x1FD90] =	vst v42;
	v42 =	vld [tilespmem:$0x8DC0]  }
0x3ed: {  	v6 =	vadd.f32 v43, v6;
	v43 =	vld [tilespmem:$0x1F720]  }
0x3ee: {  	[tilespmem:$0x1FDA0] =	vst v45;
	v45 =	vld [tilespmem:$0x8DD0]  }
0x3ef: {  	v0 =	vadd.f32 v46, v0;
	v46 =	vld [tilespmem:$0x1F740]  }
0x3f0: {  	[tilespmem:$0x1FDB0] =	vst v48;
	v48 =	vld [tilespmem:$0x8DE0]  }
0x3f1: {  	[tilespmem:$0x1FDC0] =	vst v51;
	v51 =	vld [tilespmem:$0x8DF0]  }
0x3f2: {  	v3 =	vadd.f32 v38, v3;
	v38 =	vld [tilespmem:$0x1F6F0]  }
0x3f3: {  	v4 =	vadd.f32 v40, v4;
	v40 =	vld [tilespmem:$0x1F700]  }
0x3f4: {  	v5 =	vadd.f32 v41, v5;
	v41 =	vld [tilespmem:$0x1F710]  }
0x3f5: {  	v7 =	vadd.f32 v44, v7;
	v44 =	vld [tilespmem:$0x1F730]  }
0x3f6: {  	v1 =	vadd.f32 v47, v1;
	v47 =	vld [tilespmem:$0x1F750]  }
0x3f7: {  	v2 =	vadd.f32 v49, v2;
	v49 =	vld [tilespmem:$0x1F760]  }
0x3f8: {  	v3 =	vadd.f32 v50, v3;
	v50 =	vld [tilespmem:$0x1F770]  }
0x3f9: {  	v4 =	vadd.f32 v52, v4;
	v52 =	vld [tilespmem:$0x1F780]  }
0x3fa: {  	v5 =	vadd.f32 v53, v5;
	v53 =	vld [tilespmem:$0x1F790]  }
0x3fb: {  	[tilespmem:$0x1FDD0] =	vst v54;
	v54 =	vld [tilespmem:$0x8E00]  }
0x3fc: {  	[tilespmem:$0x1FDE0] =	vst v57;
	v57 =	vld [tilespmem:$0x8E10]  }
0x3fd: {  	v0 =	vadd.f32 v58, v0;
	v58 =	vld [tilespmem:$0x1F7C0]  }
0x3fe: {  	v6 =	vadd.f32 v55, v6;
	v55 =	vld [tilespmem:$0x1F7A0]  }
0x3ff: {  	v7 =	vadd.f32 v56, v7;
	v56 =	vld [tilespmem:$0x1F7B0]  }
0x400: {  	v2 =	vadd.f32 v61, v2;
	v61 =	vld [tilespmem:$0x1F7E0]  }
0x401: {  	v1 =	vadd.f32 v59, v1;
	v59 =	vld [tilespmem:$0x1F7D0]  }
0x402: {  	[tilespmem:$0x1FDF0] =	vst v60;
	v60 =	vld [tilespmem:$0x8E20]  }
0x403: {  	v3 =	vadd.f32 v62, v3;
	v62 =	vld [tilespmem:$0x1F7F0]  }
0x404: {  	[tilespmem:$0x1FE00] =	vst v63;
	v63 =	vld [tilespmem:$0x8E30]  }
0x405: {  	v4 =	vadd.f32 v37, v4;
	v37 =	vld [tilespmem:$0x1F800]  }
0x406: {  	[tilespmem:$0x1FE10] =	vst v39;
	v39 =	vld [tilespmem:$0x8E40]  }
0x407: {  	[tilespmem:$0x1FE20] =	vst v42;
	v42 =	vld [tilespmem:$0x8E50]  }
0x408: {  	v0 =	vadd.f32 v43, v0;
	v43 =	vld [tilespmem:$0x1F840]  }
0x409: {  	[tilespmem:$0x1FE30] =	vst v45;
	v45 =	vld [tilespmem:$0x8E60]  }
0x40a: {  	[tilespmem:$0x1FE40] =	vst v48;
	v48 =	vld [tilespmem:$0x8E70]  }
0x40b: {  	[tilespmem:$0x1FE50] =	vst v51;
	v51 =	vld [tilespmem:$0x8E80]  }
0x40c: {  	v5 =	vadd.f32 v38, v5;
	v38 =	vld [tilespmem:$0x1F810]  }
0x40d: {  	v6 =	vadd.f32 v40, v6;
	v40 =	vld [tilespmem:$0x1F820]  }
0x40e: {  	v7 =	vadd.f32 v41, v7;
	v41 =	vld [tilespmem:$0x1F830]  }
0x40f: {  	v2 =	vadd.f32 v46, v2;
	v46 =	vld [tilespmem:$0x1F860]  }
0x410: {  	v1 =	vadd.f32 v44, v1;
	v44 =	vld [tilespmem:$0x1F850]  }
0x411: {  	v3 =	vadd.f32 v47, v3;
	v47 =	vld [tilespmem:$0x1F870]  }
0x412: {  	v4 =	vadd.f32 v49, v4;
	v49 =	vld [tilespmem:$0x1F880]  }
0x413: {  	v5 =	vadd.f32 v50, v5;
	v50 =	vld [tilespmem:$0x1F890]  }
0x414: {  	v6 =	vadd.f32 v52, v6;
	v52 =	vld [tilespmem:$0x1F8A0]  }
0x415: {  	v7 =	vadd.f32 v53, v7;
	v53 =	vld [tilespmem:$0x1F8B0]  }
0x416: {  	[tilespmem:$0x1FE60] =	vst v54;
	v54 =	vld [tilespmem:$0x8E90]  }
0x417: {  	[tilespmem:$0x1FE70] =	vst v57;
	v57 =	vld [tilespmem:$0x8EA0]  }
0x418: {  	v2 =	vadd.f32 v58, v2;
	v58 =	vld [tilespmem:$0x1F8E0]  }
0x419: {  	v0 =	vadd.f32 v55, v0;
	v55 =	vld [tilespmem:$0x1F8C0]  }
0x41a: {  	v1 =	vadd.f32 v56, v1;
	v56 =	vld [tilespmem:$0x1F8D0]  }
0x41b: {  	v4 =	vadd.f32 v61, v4;
	v61 =	vld [tilespmem:$0x1F900]  }
0x41c: {  	v3 =	vadd.f32 v59, v3;
	v59 =	vld [tilespmem:$0x1F8F0]  }
0x41d: {  	[tilespmem:$0x1FE80] =	vst v60;
	v60 =	vld [tilespmem:$0x8EB0]  }
0x41e: {  	v5 =	vadd.f32 v62, v5;
	v62 =	vld [tilespmem:$0x1F910]  }
0x41f: {  	[tilespmem:$0x1FE90] =	vst v63;
	v63 =	vld [tilespmem:$0x8EC0]  }
0x420: {  	v6 =	vadd.f32 v37, v6;
	v37 =	vld [tilespmem:$0x1F920]  }
0x421: {  	[tilespmem:$0x1FEA0] =	vst v39;
	v39 =	vld [tilespmem:$0x8ED0]  }
0x422: {  	[tilespmem:$0x1FEB0] =	vst v42;
	v42 =	vld [tilespmem:$0x8EE0]  }
0x423: {  	v2 =	vadd.f32 v43, v2;
	v43 =	vld [tilespmem:$0x1F960]  }
0x424: {  	[tilespmem:$0x1FEC0] =	vst v45;
	v45 =	vld [tilespmem:$0x8EF0]  }
0x425: {  	[tilespmem:$0x1FED0] =	vst v48;
	v48 =	vld [tilespmem:$0x8F00]  }
0x426: {  	[tilespmem:$0x1FEE0] =	vst v51;
	v51 =	vld [tilespmem:$0x8F10]  }
0x427: {  	v7 =	vadd.f32 v38, v7;
	v38 =	vld [tilespmem:$0x1F930]  }
0x428: {  	v0 =	vadd.f32 v40, v0;
	v40 =	vld [tilespmem:$0x1F940]  }
0x429: {  	v1 =	vadd.f32 v41, v1;
	v41 =	vld [tilespmem:$0x1F950]  }
0x42a: {  	v4 =	vadd.f32 v46, v4;
	v46 =	vld [tilespmem:$0x1F980]  }
0x42b: {  	v3 =	vadd.f32 v44, v3;
	v44 =	vld [tilespmem:$0x1F970]  }
0x42c: {  	v5 =	vadd.f32 v47, v5;
	v47 =	vld [tilespmem:$0x1F990]  }
0x42d: {  	v6 =	vadd.f32 v49, v6;
	v49 =	vld [tilespmem:$0x1F9A0]  }
0x42e: {  	v7 =	vadd.f32 v50, v7;
	v50 =	vld [tilespmem:$0x1F9B0]  }
0x42f: {  	v0 =	vadd.f32 v52, v0;
	v52 =	vld [tilespmem:$0x1F9C0]  }
0x430: {  	v1 =	vadd.f32 v53, v1;
	v53 =	vld [tilespmem:$0x1F9D0]  }
0x431: {  	[tilespmem:$0x1FEF0] =	vst v54;
	v54 =	vld [tilespmem:$0x8F20]  }
0x432: {  	[tilespmem:$0x1FF00] =	vst v57;
	v57 =	vld [tilespmem:$0x8F30]  }
0x433: {  	v4 =	vadd.f32 v58, v4;
	v58 =	vld [tilespmem:$0x1FA00]  }
0x434: {  	v2 =	vadd.f32 v55, v2;
	v55 =	vld [tilespmem:$0x1F9E0]  }
0x435: {  	v3 =	vadd.f32 v56, v3;
	v56 =	vld [tilespmem:$0x1F9F0]  }
0x436: {  	v6 =	vadd.f32 v61, v6;
	v61 =	vld [tilespmem:$0x1FA20]  }
0x437: {  	v5 =	vadd.f32 v59, v5;
	v59 =	vld [tilespmem:$0x1FA10]  }
0x438: {  	[tilespmem:$0x1FF10] =	vst v60;
	v60 =	vld [tilespmem:$0x8F40]  }
0x439: {  	v7 =	vadd.f32 v62, v7;
	v62 =	vld [tilespmem:$0x1FA30]  }
0x43a: {  	[tilespmem:$0x1FF20] =	vst v63;
	v63 =	vld [tilespmem:$0x8F50]  }
0x43b: {  	v0 =	vadd.f32 v37, v0;
	v37 =	vld [tilespmem:$0x1FA40]  }
0x43c: {  	[tilespmem:$0x1FF30] =	vst v39;
	v39 =	vld [tilespmem:$0x8F60]  }
0x43d: {  	[tilespmem:$0x1FF40] =	vst v42;
	v42 =	vld [tilespmem:$0x8F70]  }
0x43e: {  	v4 =	vadd.f32 v43, v4;
	v43 =	vld [tilespmem:$0x1FA80]  }
0x43f: {  	[tilespmem:$0x1FF50] =	vst v45;
	v45 =	vld [tilespmem:$0x8F80]  }
0x440: {  	[tilespmem:$0x1FF60] =	vst v48;
	v48 =	vld [tilespmem:$0x8F90]  }
0x441: {  	[tilespmem:$0x1FF70] =	vst v51;
	v51 =	vld [tilespmem:$0x1FAE0]  }
0x442: {  	v1 =	vadd.f32 v38, v1;
	v38 =	vld [tilespmem:$0x1FA50]  }
0x443: {  	v2 =	vadd.f32 v40, v2;
	v40 =	vld [tilespmem:$0x1FA60]  }
0x444: {  	v3 =	vadd.f32 v41, v3;
	v41 =	vld [tilespmem:$0x1FA70]  }
0x445: {  	v6 =	vadd.f32 v46, v6;
	v46 =	vld [tilespmem:$0x1FAA0]  }
0x446: {  	v5 =	vadd.f32 v44, v5;
	v44 =	vld [tilespmem:$0x1FA90]  }
0x447: {  	v7 =	vadd.f32 v47, v7;
	v47 =	vld [tilespmem:$0x1FAB0]  }
0x448: {  	v0 =	vadd.f32 v49, v0;
	v49 =	vld [tilespmem:$0x1FAC0]  }
0x449: {  	v1 =	vadd.f32 v50, v1;
	v50 =	vld [tilespmem:$0x1FAD0]  }
0x44a: {  	v2 =	vadd.f32 v52, v2;
	v52 =	vld [tilespmem:$0x1FAF0]  }
0x44b: {  	v3 =	vadd.f32 v53, v3;
	v53 =	vld [tilespmem:$0x1FB00]  }
0x44c: {  	[tilespmem:$0x1FF80] =	vst v54;
	v54 =	vld [tilespmem:$0x1FB10]  }
0x44d: {  	[tilespmem:$0x1FF90] =	vst v57;
	v57 =	vld [tilespmem:$0x1FB40]  }
0x44e: {  	v6 =	vadd.f32 v58, v6;
	v58 =	vld [tilespmem:$0x1FB50]  }
0x44f: {  	v0 =	vadd.f32 v61, v0;
	v61 =	vld [tilespmem:$0x8FA0]  }
0x450: {  	v4 =	vadd.f32 v55, v4;
	v55 =	vld [tilespmem:$0x1FB20]  }
0x451: {  	v5 =	vadd.f32 v56, v5;
	v56 =	vld [tilespmem:$0x1FB30]  }
0x452: {  	[tilespmem:$0x1FFB0] =	vst v63;
	v63 =	vld [tilespmem:$0x8FB0]  }
0x453: {  	[tilespmem:$0x1FFA0] =	vst v60;
	v60 =	vld [tilespmem:$0x8FC0]  }
0x454: {  	v7 =	vadd.f32 v59, v7;
	v59 =	vld [tilespmem:$0x8FD0]  }
0x455: {  	v1 =	vadd.f32 v62, v1;
	v62 =	vld [tilespmem:$0x1FB60]  }
0x456: {  	v2 =	vadd.f32 v37, v2;
	v37 =	vld [tilespmem:$0x1FB70]  }
0x457: {  	[tilespmem:$0x1FFC0] =	vst v39;
	v39 =	vld [tilespmem:$0x1FB90]  }
0x458: {  	[tilespmem:$0x1FFD0] =	vst v42;
	v42 =	vld [tilespmem:$0x1FBC0]  }
0x459: {  	v6 =	vadd.f32 v43, v6;
	v43 =	vld [tilespmem:$0x1FBD0]  }
0x45a: {  	[tilespmem:$0x1FFE0] =	vst v45;
	v45 =	vld [tilespmem:$0x1FBF0]  }
0x45b: {  	[tilespmem:$0x1FFF0] =	vst v48;
	v48 =	vld [tilespmem:$0x1FC20]  }
0x45c: {  	v3 =	vadd.f32 v38, v3;
	v38 =	vld [tilespmem:$0x1FB80]  }
0x45d: {  	v4 =	vadd.f32 v40, v4;
	v40 =	vld [tilespmem:$0x1FBA0]  }
0x45e: {  	v5 =	vadd.f32 v41, v5;
	v41 =	vld [tilespmem:$0x1FBB0]  }
0x45f: {  	v0 =	vadd.f32 v46, v0;
	v46 =	vld [tilespmem:$0x1FC00]  }
0x460: {  	v7 =	vadd.f32 v44, v7;
	v44 =	vld [tilespmem:$0x1FBE0]  }
0x461: {  	v1 =	vadd.f32 v47, v1;
	v47 =	vld [tilespmem:$0x1FC10]  }
0x462: {  	v2 =	vadd.f32 v49, v2;
	v49 =	vld [tilespmem:$0x1FC30]  }
0x463: {  	v6 =	vadd.f32 v53, v6;
	v53 =	vld [tilespmem:$0x9030]  }
0x464: {  	v5 =	vadd.f32 v52, v5;
	v52 =	vld [tilespmem:$0x9040]  }
0x465: {  	v4 =	vadd.f32 v51, v4;
	v51 =	vld [tilespmem:$0x9050]  }
0x466: {  	v3 =	vadd.f32 v50, v3;
	v50 =	vld [tilespmem:$0x1FC40]  }
0x467: {  	v2 =	vadd.f32 v57, v2;
	v57 =	vld [tilespmem:$0x8FF0]  }
0x468: {  	v1 =	vadd.f32 v56, v1;
	v56 =	vld [tilespmem:$0x9000]  }
0x469: {  	v0 =	vadd.f32 v55, v0;
	v55 =	vld [tilespmem:$0x9010]  }
0x46a: {  	v7 =	vadd.f32 v54, v7;
	v54 =	vld [tilespmem:$0x9020]  }
0x46b: {  	v3 =	vadd.f32 v58, v3;
	v58 =	vld [tilespmem:$0x8FE0]  }
0x46c: {  	v4 =	vadd.f32 v62, v4;
	v62 =	vld [tilespmem:$0x1FC50]  }
0x46d: {  	v5 =	vadd.f32 v37, v5;
	v37 =	vld [tilespmem:$0x9130]  }
0x46e: {  	v2 =	vadd.f32 v42, v2;
	v42 =	vld [tilespmem:$0x90E0]  }
0x46f: {  	v1 =	vadd.f32 v41, v1;
	v41 =	vld [tilespmem:$0x90F0]  }
0x470: {  	v0 =	vadd.f32 v40, v0;
	v40 =	vld [tilespmem:$0x9100]  }
0x471: {  	v7 =	vadd.f32 v39, v7;
	v39 =	vld [tilespmem:$0x9110]  }
0x472: {  	v6 =	vadd.f32 v38, v6;
	v38 =	vld [tilespmem:$0x9120]  }
0x473: {  	v5 =	vadd.f32 v45, v5;
	v45 =	vld [tilespmem:$0x90B0]  }
0x474: {  	v4 =	vadd.f32 v44, v4;
	v44 =	vld [tilespmem:$0x90C0]  }
0x475: {  	v3 =	vadd.f32 v43, v3;
	v43 =	vld [tilespmem:$0x90D0]  }
0x476: {  	v2 =	vadd.f32 v50, v2;
	v50 =	vld [tilespmem:$0x9060]  }
0x477: {  	v1 =	vadd.f32 v49, v1;
	v49 =	vld [tilespmem:$0x9070]  }
0x478: {  	v0 =	vadd.f32 v48, v0;
	v48 =	vld [tilespmem:$0x9080]  }
0x479: {  	v7 =	vadd.f32 v47, v7;
	v47 =	vld [tilespmem:$0x9090]  }
0x47a: {  	v6 =	vadd.f32 v46, v6;
	v46 =	vld [tilespmem:$0x90A0]  }
0x47b: {  	v4 =	vadd.f32 v12, v4;
	v12 =	vld [tilespmem:$0x1FD10]  }
0x47c: {  	v5 =	vadd.f32 v13, v5;
	v13 =	vld [tilespmem:$0x1FD20]  }
0x47d: {  	v3 =	vadd.f32 v62, v3;
	v62 =	vld [tilespmem:$0x1FD00]  }
0x47e: {  	v1 =	vadd.f32 v14, v1;
	v14 =	vld [tilespmem:$0x1FD30]  }
0x47f: {  	v2 =	vadd.f32 v15, v2;
	v15 =	vld [tilespmem:$0x1FD40]  }
0x480: {  	v0 =	vadd.f32 v11, v0;
	v11 =	vld [tilespmem:$0x92D0]  }
0x481: {  	v7 =	vadd.f32 v10, v7;
	v10 =	vld [tilespmem:$0x92E0]  }
0x482: {  	v6 =	vadd.f32 v9, v6;
	v9 =	vld [tilespmem:$0x92F0]  }
0x483: {  	v4 =	vadd.f32 v17, v4;
	v17 =	vld [tilespmem:$0x1FD60]  }
0x484: {  	v5 =	vadd.f32 v18, v5;
	v18 =	vld [tilespmem:$0x1FD70]  }
0x485: {  	v1 =	vadd.f32 v22, v1;
	v22 =	vld [tilespmem:$0x1FC60]  }
0x486: {  	v2 =	vadd.f32 v23, v2;
	v23 =	vld [tilespmem:$0x1FC70]  }
0x487: {  	v3 =	vadd.f32 v16, v3;
	v16 =	vld [tilespmem:$0x1FD50]  }
0x488: {  	v6 =	vadd.f32 v19, v6;
	v19 =	vld [tilespmem:$0x1FD80]  }
0x489: {  	v7 =	vadd.f32 v20, v7;
	v20 =	vld [tilespmem:$0x1FD90]  }
0x48a: {  	v0 =	vadd.f32 v21, v0;
	v21 =	vld [tilespmem:$0x1FDA0]  }
0x48b: {  	v4 =	vadd.f32 v25, v4;
	v25 =	vld [tilespmem:$0x1FC90]  }
0x48c: {  	v5 =	vadd.f32 v26, v5;
	v26 =	vld [tilespmem:$0x1FCA0]  }
0x48d: {  	v3 =	vadd.f32 v24, v3;
	v24 =	vld [tilespmem:$0x1FC80]  }
0x48e: {  	v6 =	vadd.f32 v27, v6;
	v27 =	vld [tilespmem:$0x1FCB0]  }
0x48f: {  	v7 =	vadd.f32 v28, v7;
	v28 =	vld [tilespmem:$0x1FCC0]  }
0x490: {  	v0 =	vadd.f32 v29, v0;
	v29 =	vld [tilespmem:$0x1FCD0]  }
0x491: {  	v1 =	vadd.f32 v30, v1;
	v30 =	vld [tilespmem:$0x1FCE0]  }
0x492: {  	v2 =	vadd.f32 v31, v2;
	v31 =	vld [tilespmem:$0x1FCF0]  }
0x493: {  	v5 =	vadd.f32 v34, v5;
	v34 =	vld [tilespmem:$0x9160]  }
0x494: {  	v4 =	vadd.f32 v33, v4;
	v33 =	vld [tilespmem:$0x9170]  }
0x495: {  	v7 =	vadd.f32 v36, v7;
	v36 =	vld [tilespmem:$0x9140]  }
0x496: {  	v6 =	vadd.f32 v35, v6;
	v35 =	vld [tilespmem:$0x9150]  }
0x497: {  	v3 =	vadd.f32 v32, v3;
	v32 =	vld [tilespmem:$0x9180]  }
0x498: {  	v0 =	vadd.f32 v22, v0;
	v22 =	vld [tilespmem:$0x1FDB0]  }
0x499: {  	v1 =	vadd.f32 v23, v1;
	v23 =	vld [tilespmem:$0x1FDC0]  }
0x49a: {  	v4 =	vadd.f32 v26, v4;
	v26 =	vld [tilespmem:$0x91E0]  }
0x49b: {  	v3 =	vadd.f32 v25, v3;
	v25 =	vld [tilespmem:$0x91F0];
	v2 =	vadd.f32 v24, v2  }
0x49c: {  	v1 =	vadd.f32 v31, v1;
	v31 =	vld [tilespmem:$0x9190]  }
0x49d: {  	v2 =	vadd.f32 v62, v2;
	v62 =	vld [tilespmem:$0x1FDE0]  }
0x49e: {  	v0 =	vadd.f32 v30, v0;
	v30 =	vld [tilespmem:$0x91A0]  }
0x49f: {  	v7 =	vadd.f32 v29, v7;
	v29 =	vld [tilespmem:$0x91B0]  }
0x4a0: {  	v3 =	vadd.f32 v12, v3;
	v12 =	vld [tilespmem:$0x1FDF0];
	v0 =	vadd.f32 v17, v0  }
0x4a1: {  	v6 =	vadd.f32 v28, v6;
	v28 =	vld [tilespmem:$0x91C0]  }
0x4a2: {  	v0 =	vadd.f32 v62, v0;
	v62 =	vld [tilespmem:$0x1FE70]  }
0x4a3: {  	v24 =	vld [tilespmem:$0x1FDD0];
	v1 =	vadd.f32 v18, v1  }
0x4a4: {  	v4 =	vadd.f32 v13, v4;
	v13 =	vld [tilespmem:$0x1FE00]  }
0x4a5: {  	v5 =	vadd.f32 v27, v5;
	v18 =	vld [tilespmem:$0x1FE50];
	v1 =	vadd.f32 v12, v1  }
0x4a6: {  	v27 =	vld [tilespmem:$0x91D0];
	v7 =	vadd.f32 v16, v7  }
0x4a7: {  	v5 =	vadd.f32 v14, v5;
	v1 =	vadd.f32 v62, v1;
	v62 =	vld [tilespmem:$0x1FED0]  }
0x4a8: {  	v14 =	vld [tilespmem:$0x1FE10];
	v2 =	vadd.f32 v19, v2;
	v7 =	vadd.f32 v24, v7  }
0x4a9: {  	v16 =	vld [tilespmem:$0x1FE30]  }
0x4aa: {  	v2 =	vadd.f32 v13, v2;
	v13 =	vld [tilespmem:$0x1FE90];
	v7 =	vadd.f32 v18, v7  }
0x4ab: {  	v6 =	vadd.f32 v15, v6;
	v15 =	vld [tilespmem:$0x1FE20];
	v3 =	vadd.f32 v20, v3  }
0x4ac: {  	v7 =	vadd.f32 v62, v7;
	v62 =	vld [tilespmem:$0x1FF10]  }
0x4ad: {  	v17 =	vld [tilespmem:$0x1FE40];
	v5 =	vadd.f32 v22, v5;
	v3 =	vadd.f32 v14, v3  }
0x4ae: {  	v12 =	vld [tilespmem:$0x1FE80]  }
0x4af: {  	v5 =	vadd.f32 v16, v5;
	v16 =	vld [tilespmem:$0x1FEC0];
	v3 =	vadd.f32 v13, v3  }
0x4b0: {  	v4 =	vadd.f32 v21, v4;
	v21 =	vld [tilespmem:$0x9230];
	v6 =	vadd.f32 v23, v6  }
0x4b1: {  	v3 =	vadd.f32 v62, v3;
	v62 =	vld [tilespmem:$0x1FF40]  }
0x4b2: {  	v19 =	vld [tilespmem:$0x1FE60];
	v6 =	vadd.f32 v17, v6  }
0x4b3: {  	v20 =	vld [tilespmem:$0x9240]  }
0x4b4: {  	v2 =	vadd.f32 v12, v2;
	v12 =	vld [tilespmem:$0x1FEE0];
	v6 =	vadd.f32 v16, v6  }
0x4b5: {  	v23 =	vld [tilespmem:$0x9210]  }
0x4b6: {  	v6 =	vadd.f32 v62, v6;
	v62 =	vld [tilespmem:$0x1FF60]  }
0x4b7: {  	v22 =	vld [tilespmem:$0x9220];
	v0 =	vadd.f32 v19, v0  }
0x4b8: {  	v14 =	vld [tilespmem:$0x1FEA0]  }
0x4b9: {  	v13 =	vld [tilespmem:$0x1FEF0];
	v0 =	vadd.f32 v12, v0  }
0x4ba: {  	v24 =	vld [tilespmem:$0x9200]  }
0x4bb: {  	v0 =	vadd.f32 v62, v0;
	v62 =	vld [tilespmem:$0x1FF70]  }
0x4bc: {  	v4 =	vadd.f32 v15, v4;
	v18 =	vld [tilespmem:$0x9260]  }
0x4bd: {  	v15 =	vld [tilespmem:$0x1FEB0]  }
0x4be: {  	v4 =	vadd.f32 v14, v4;
	v14 =	vld [tilespmem:$0x1FF00];
	v1 =	vadd.f32 v13, v1  }
0x4bf: {  	v17 =	vld [tilespmem:$0x9270]  }
0x4c0: {  	v1 =	vadd.f32 v62, v1;
	v62 =	vld [tilespmem:$0x1FF80]  }
0x4c1: {  	v12 =	vld [tilespmem:$0x1FF20]  }
0x4c2: {  	v19 =	vld [tilespmem:$0x9250]  }
0x4c3: {  	v16 =	vld [tilespmem:$0x9280];
	v2 =	vadd.f32 v14, v2  }
0x4c4: {  	v13 =	vld [tilespmem:$0x1FF30]  }
0x4c5: {  	v2 =	vadd.f32 v62, v2;
	v62 =	vld [tilespmem:$0x1FF90]  }
0x4c6: {  	v4 =	vadd.f32 v12, v4;
	v12 =	vld [tilespmem:$0x1FF50]  }
0x4c7: {  	v5 =	vadd.f32 v15, v5;
	v15 =	vld [tilespmem:$0x9290]  }
0x4c8: {  	v14 =	vld [tilespmem:$0x92A0]  }
0x4c9: {  	v5 =	vadd.f32 v13, v5;
	v13 =	vld [tilespmem:$0x92B0];
	v2 =	vadd.f32 v61, v2  }
0x4ca: {  	v3 =	vadd.f32 v62, v3;
	v62 =	vld [tilespmem:$0x1FFA0]  }
0x4cb: {  	v7 =	vadd.f32 v12, v7;
	v12 =	vld [tilespmem:$0x92C0];
	v2 =	vadd.f32 v54, v2  }
0x4cc: {  	v61 =	vld [tilespmem:$0x9320]  }
0x4cd: {  	v54 =	vld [tilespmem:$0x9420];
	v2 =	vadd.f32 v46, v2  }
0x4ce: {  	v46 =	vld [tilespmem:$0x9500];
	v3 =	vadd.f32 v63, v3  }
0x4cf: {  	v2 =	vadd.f32 v38, v2;
	v4 =	vadd.f32 v62, v4;
	v62 =	vld [tilespmem:$0x1FFB0]  }
0x4d0: {  	v63 =	vld [tilespmem:$0x9460];
	v3 =	vadd.f32 v53, v3  }
0x4d1: {  	v38 =	vld [tilespmem:$0x94C0];
	v2 =	vadd.f32 v30, v2  }
0x4d2: {  	v53 =	vld [tilespmem:$0x9360];
	v3 =	vadd.f32 v45, v3  }
0x4d3: {  	v30 =	vld [tilespmem:$0x9480];
	v4 =	vadd.f32 v60, v4;
	v2 =	vadd.f32 v22, v2  }
0x4d4: {  	v3 =	vadd.f32 v37, v3;
	v5 =	vadd.f32 v62, v5;
	v62 =	vld [tilespmem:$0x1FFC0]  }
0x4d5: {  	v45 =	vld [tilespmem:$0x93A0];
	v4 =	vadd.f32 v52, v4  }
0x4d6: {  	v60 =	vld [tilespmem:$0x9450];
	v2 =	vadd.f32 v14, v2;
	v3 =	vadd.f32 v29, v3  }
0x4d7: {  	v37 =	vld [tilespmem:$0x93E0];
	v4 =	vadd.f32 v44, v4;
	v5 =	vadd.f32 v59, v5  }
0x4d8: {  	v52 =	vld [tilespmem:$0x9410];
	v2 =	vadd.f32 v61, v2;
	v3 =	vadd.f32 v21, v3  }
0x4d9: {  	v5 =	vadd.f32 v51, v5;
	v6 =	vadd.f32 v62, v6;
	v62 =	vld [tilespmem:$0x1FFD0]  }
0x4da: {  	v59 =	vld [tilespmem:$0x9330];
	v4 =	vadd.f32 v36, v4;
	v2 =	vadd.f32 v45, v2  }
0x4db: {  	v44 =	vld [tilespmem:$0x94F0];
	v3 =	vadd.f32 v13, v3;
	v5 =	vadd.f32 v43, v5  }
0x4dc: {  	v61 =	vld [tilespmem:$0x95F0];
	v4 =	vadd.f32 v28, v4;
	v6 =	vadd.f32 v58, v6  }
0x4dd: {  	v36 =	vld [tilespmem:$0x94B0];
	v2 =	vadd.f32 v54, v2;
	v5 =	vadd.f32 v35, v5  }
0x4de: {  	v6 =	vadd.f32 v50, v6;
	v7 =	vadd.f32 v62, v7;
	v62 =	vld [tilespmem:$0x1FFE0]  }
0x4df: {  	v51 =	vld [tilespmem:$0x9370];
	v4 =	vadd.f32 v20, v4;
	v3 =	vadd.f32 v59, v3  }
0x4e0: {  	v28 =	vld [tilespmem:$0x9470];
	v5 =	vadd.f32 v27, v5;
	v6 =	vadd.f32 v42, v6  }
0x4e1: {  	v4 =	vadd.f32 v12, v4;
	v7 =	vadd.f32 v57, v7;
	v57 =	vld [tilespmem:$0x9340]  }
0x4e2: {  	v5 =	vadd.f32 v19, v5;
	v6 =	vadd.f32 v34, v6;
	v34 =	vld [tilespmem:$0x94A0]  }
0x4e3: {  	v54 =	vld [tilespmem:$0x9580];
	v7 =	vadd.f32 v49, v7;
	v0 =	vadd.f32 v62, v0  }
0x4e4: {  	v5 =	vadd.f32 v11, v5;
	v62 =	vld [tilespmem:$0x1FFF0];
	v6 =	vadd.f32 v26, v6  }
0x4e5: {  	v58 =	vld [tilespmem:$0x9440];
	v7 =	vadd.f32 v41, v7;
	v0 =	vadd.f32 v56, v0  }
0x4e6: {  	v41 =	vld [tilespmem:$0x93C0];
	v6 =	vadd.f32 v18, v6;
	v4 =	vadd.f32 v57, v4  }
0x4e7: {  	v59 =	vld [tilespmem:$0x95D0];
	v7 =	vadd.f32 v33, v7;
	v2 =	vadd.f32 v34, v2  }
0x4e8: {  	v50 =	vld [tilespmem:$0x93F0];
	v0 =	vadd.f32 v48, v0;
	v6 =	vadd.f32 v10, v6  }
0x4e9: {  	v42 =	vld [tilespmem:$0x94E0];
	v1 =	vadd.f32 v62, v1;
	v7 =	vadd.f32 v25, v7  }
0x4ea: {  	v48 =	vld [tilespmem:$0x93B0];
	v0 =	vadd.f32 v40, v0;
	v6 =	vadd.f32 v53, v6  }
0x4eb: {  	v49 =	vld [tilespmem:$0x9380];
	v4 =	vadd.f32 v41, v4;
	v1 =	vadd.f32 v55, v1  }
0x4ec: {  	v56 =	vld [tilespmem:$0x9430];
	v7 =	vadd.f32 v17, v7;
	v0 =	vadd.f32 v32, v0  }
0x4ed: {  	v57 =	vld [tilespmem:$0x95B0];
	v6 =	vadd.f32 v37, v6;
	v4 =	vadd.f32 v58, v4  }
0x4ee: {  	v55 =	vld [tilespmem:$0x9350];
	v1 =	vadd.f32 v47, v1;
	v7 =	vadd.f32 v9, v7  }
0x4ef: {  	v33 =	vld [tilespmem:$0x9400];
	v3 =	vadd.f32 v48, v3;
	v0 =	vadd.f32 v24, v0  }
0x4f0: {  	v62 =	vld [tilespmem:$0x9310];
	v6 =	vadd.f32 v63, v6;
	v4 =	vadd.f32 v38, v4  }
0x4f1: {  	v48 =	vld [tilespmem:$0x9520];
	v1 =	vadd.f32 v39, v1;
	v7 =	vadd.f32 v51, v7  }
0x4f2: {  	v40 =	vld [tilespmem:$0x94D0];
	v3 =	vadd.f32 v56, v3;
	v0 =	vadd.f32 v16, v0  }
0x4f3: {  	v39 =	vld [tilespmem:$0x93D0];
	v5 =	vadd.f32 v55, v5;
	v1 =	vadd.f32 v31, v1  }
0x4f4: {  	v56 =	vld [tilespmem:$0x95A0];
	v6 =	vadd.f32 v42, v6;
	v7 =	vadd.f32 v50, v7  }
0x4f5: {  	v53 =	vld [tilespmem:$0x9570];
	v3 =	vadd.f32 v36, v3;
	v1 =	vadd.f32 v23, v1  }
0x4f6: {  	v47 =	vld [tilespmem:$0x9390];
	v0 =	vadd.f32 v8, v0;
	v2 =	vadd.f32 v48, v2  }
0x4f7: {  	v50 =	vld [tilespmem:$0x9540];
	v7 =	vadd.f32 v28, v7;
	v1 =	vadd.f32 v15, v1  }
0x4f8: {  	v32 =	vld [tilespmem:$0x9490];
	v0 =	vadd.f32 v49, v0;
	v5 =	vadd.f32 v39, v5  }
0x4f9: {  	v58 =	vld [tilespmem:$0x95C0];
	v2 =	vadd.f32 v56, v2;
	v1 =	vadd.f32 v62, v1  }
0x4fa: {  	v49 =	vld [tilespmem:$0x9530];
	v7 =	vadd.f32 v44, v7;
	v0 =	vadd.f32 v33, v0  }
0x4fb: {  	v51 =	vld [tilespmem:$0x9550];
	v5 =	vadd.f32 v60, v5;
	v1 =	vadd.f32 v47, v1  }
0x4fc: {  	v4 =	vadd.f32 v50, v4;
	v7 =	vadd.f32 v53, v7;
	v47 =	vld [tilespmem:$0x9510]  }
0x4fd: {  	v0 =	vadd.f32 v30, v0;
	v1 =	vadd.f32 v52, v1;
	v52 =	vld [tilespmem:$0x9560]  }
0x4fe: {  	v55 =	vld [tilespmem:$0x9590];
	v5 =	vadd.f32 v40, v5;
	v4 =	vadd.f32 v58, v4  }
0x4ff: {  	v60 =	vld [tilespmem:$0x95E0];
	v3 =	vadd.f32 v49, v3;
	v1 =	vadd.f32 v32, v1  }
0x500: {  	v7 =	vadd.f32 v61, v7;
	v0 =	vadd.f32 v46, v0  }
0x501: {  	v5 =	vadd.f32 v51, v5;
	v1 =	vadd.f32 v47, v1  }
0x502: {  	v3 =	vadd.f32 v57, v3;
	v6 =	vadd.f32 v52, v6  }
0x503: {  	v5 =	vadd.f32 v59, v5;
	v1 =	vadd.f32 v55, v1  }
0x504: {  	v0 =	vadd.f32 v54, v0;
	v6 =	vadd.f32 v60, v6  }
0x505: {  	v63 =	vadd.f32 v7, v5;
	v1 =	vadd.f32 v3, v1  }
0x506: {  	v0 =	vadd.f32 v2, v0;
	v62 =	vadd.f32 v6, v4  }
0x507: {  	v1 =	vadd.f32 v63, v1  }
.Ltmp2:
0x508: {  	v0 =	vadd.f32 v62, v0;
	(pc) =	sbr.rel @p0 .LBB2_4-.Ltmp2, $4  }
0x509: {  	v1 =	vmul.f32 $4.999999890e-03, v1  }
0x50a: {  	v0 =	vmul.f32 $4.999999890e-03, v0  }
0x50b: {  	[tilespmem:s26+$0x10] =	vst v1  }
0x50c: {  	[tilespmem:s26+$0x0] =	vst v0  }
.Ltmp3:
0x50d: {  	(pc) =	sbr.rel .LBB2_2-.Ltmp3, $4  }
0x50e: {  	s28 =	sadd.s32 $0x80, s24;
	s31 =	sshra.s32 s25, $0x2;
	s24 =	sadd.s32 $0x100, s24  }
0x50f: {  	[tilespmem:s15], [sflag:$0x2] =	stream.indirect.gather [hbm4b:s3+s8], $0x20, s28, s8, $0xb8;
	[tilespmem:$0xA600] =	vst v63  }
0x510: {  	s25 =	sadd.s32 $0x240, s25;
	s26 =	sadd.s32 $0x40, s26;
	s28 =	sadd.s32 $0x6448, s31  }
0x511: {  	[tilespmem:s17], [sflag:$0x4] =	stream.indirect.gather [hbm4b:s3+s11], $0x20, s28, s11, $0xb8;
	[tilespmem:$0xA600] =	vst v63  }
.LBB2_5:
0x512: {  	_ =	sfence.sel $0x180000  }
0x513: {  	[bflag:$0x0] =	sbarrier.arrive $0xFFFF  }
0x514: {  	p0 =	sne.s32 s0, $0x0;
	_ =	strace $0x90000047  }
0x515: {  	s0 =	sadd.s32 @!p0 $0x100000, s1;
	[bflag:$0x2] =	sbarrier.arrive $0xFFFF  }
0x516: {  	[sflag:s0] =	ssyncadd.tile.s32 @!p0 $0x1;
	_ =	shalt  }
.Lfunc_end2:
_tile_overlayer_lowered:
.L_overlay_start_2:
0x517: {  	(tag) =	ssettag $0x2  }
0x518: {  	s0 =	rddreg [dreg:$0x0];
	s2 =	stileid.u32  }
0x519: {  	s1 =	rddreg [dreg:$0x1];
	p0 =	sne.s32 s2, $0x0  }
0x51a: {  	s3 =	rddreg [dreg:$0x2];
	[bflag:$0x3] =	sbarrier.arrive $0xFFFF;
	s2 =	simm.s32 @!p0 $0x1C05  }
0x51b: {  	[timem:s3], [sflag:s2] =	dma.local @!p0 [hbm:s0], s1  }
0x51c: {  	s0 =	simm.s32 @!p0 $0x5  }
0x51d: {  	_ =	swait.ge @!p0 [sflag:s0], s1  }
0x51e: {  	s1 =	ssub.s32 @!p0 $0x0, s1;
	[sflag:s0] =	ssyncset.done @!p0 $0x0  }
0x51f: {  	[sflag:s0] =	ssyncadd.s32 @!p0 s1  }
0x520: {  	[bflag:$0x3] =	sbarrier.arrive $0xFFFF  }
0x521: {  	_ =	shalt  }

</sc_bundles>
